<compile_context>
chip_gen: v7x
topology: tpu7x:2x2x1
jax: 0.10.2.dev20260603
libtpu: 0.0.44.dev20260713+nightly
codegen_flags: <defaults>
</compile_context>

<pallas_src>
import functools

import jax
import jax.numpy as jnp
from jax import lax
from jax.experimental import pallas as pl
from jax.experimental.pallas import tpu as pltpu
from jax.experimental.pallas import tpu_sc as plsc

B = 4096
L = 200
D = 64
LP = 208
CH = LP // 16
NPAD = LP - L
NC = 2
NS = 16
NW = NC * NS
RPW = B // NW
NV = D // 16
NBUF = 4


def _sc_call(inputs2, emb_table, wtab):
    mesh = plsc.VectorSubcoreMesh(core_axis_name="c", subcore_axis_name="s")

    @functools.partial(
        pl.kernel,
        out_type=jax.ShapeDtypeStruct((B, D), jnp.float32),
        mesh=mesh,
        scratch_types=[
            pltpu.VMEM((RPW * LP,), jnp.int32),
            pltpu.VMEM((NBUF, LP, D), jnp.float32),
            pltpu.VMEM((RPW * LP,), jnp.float32),
            pltpu.VMEM((RPW, D), jnp.float32),
            [pltpu.SemaphoreType.DMA] * NBUF,
            pltpu.SemaphoreType.DMA,
        ],
        compiler_params=pltpu.CompilerParams(use_tc_tiling_on_sc=False),
    )
    def k(inputs_hbm, emb_hbm, w_hbm, out_hbm,
          idx_v, rows_v, w_all, res_v, sems, wsem):
        wid = lax.axis_index("s") * NC + lax.axis_index("c")
        base = wid * RPW * LP
        pltpu.sync_copy(inputs_hbm.at[pl.ds(base, RPW * LP)], idx_v)
        wcp = pltpu.async_copy(w_hbm.at[idx_v], w_all, wsem)

        def issue(row, s):
            pltpu.async_copy(
                emb_hbm.at[idx_v.at[pl.ds(row * LP, LP)]],
                rows_v.at[s], sems[s])

        def drain(s):
            pltpu.make_async_copy(
                emb_hbm.at[pl.ds(0, LP)], rows_v.at[s], sems[s]).wait()

        def accum(acc, w16, l0, s, nlanes=16):
            acc = list(acc)
            for i in range(nlanes):
                wi = w16[i]
                for kv in range(NV):
                    acc[kv] = acc[kv] + wi * rows_v[
                        s, l0 + i, pl.ds(kv * 16, 16)]
            return tuple(acc)

        def compute(row, s):
            acc = tuple(jnp.zeros((16,), jnp.float32) for _ in range(NV))

            def c_body(c, acc):
                l0 = c * 16
                w16 = w_all[pl.ds(row * LP + l0, 16)]
                ix16 = idx_v[pl.ds(row * LP + l0, 16)]
                w16 = jnp.where(ix16 == 0, 0.0, w16)
                return accum(acc, w16, l0, s)

            acc = lax.fori_loop(0, CH - 1, c_body, acc)
            l0 = (CH - 1) * 16
            w16 = w_all[pl.ds(row * LP + l0, 16)]
            ix16 = idx_v[pl.ds(row * LP + l0, 16)]
            w16 = jnp.where(ix16 == 0, 0.0, w16)
            acc = accum(acc, w16, l0, s, nlanes=16 - NPAD)
            for kv in range(NV):
                res_v[row, pl.ds(kv * 16, 16)] = acc[kv]

        for s in range(NBUF - 1):
            issue(s, s)
        wcp.wait()

        def g_body(g, carry):
            for s in range(NBUF):
                row = g * NBUF + s

                @pl.when(row + NBUF - 1 < RPW)
                def _():
                    issue(row + NBUF - 1, (s + NBUF - 1) % NBUF)

                drain(s)
                compute(row, s)
            return carry

        lax.fori_loop(0, RPW // NBUF, g_body, 0)
        pltpu.sync_copy(res_v, out_hbm.at[pl.ds(wid * RPW, RPW)])

    return k(inputs2, emb_table, wtab)


def kernel(inputs, emb_table, weight_table):
    wtab = weight_table[:, 0]
    pad = (jnp.arange(B, dtype=jnp.int32)[:, None] * NPAD
           + jnp.arange(NPAD, dtype=jnp.int32)[None, :] + 1)
    inputs2 = jnp.concatenate([inputs, pad], axis=1).reshape(-1)
    return _sc_call(inputs2, emb_table, wtab)

# --- scband reference (transcript-rebuilt; emitter-appended) ---
"""Pipeline reference for scband-sum-embeddings-8349416423805 (READ-ONLY COPY).

The authoritative reference and input builder live on the scoring server;
editing this copy changes nothing except your own understanding.
"""

import jax, jax.numpy as jnp
import numpy as np

VOCAB = 1000000
D_MODEL = 64
BATCH = 4096
SEQ_LEN = 200


def setup_inputs(seed: int = 0) -> dict:
    key = jax.random.key(seed)
    k1, k2, k3 = jax.random.split(key, 3)
    inputs = jax.random.randint(k1, (BATCH, SEQ_LEN), 0, VOCAB, dtype=jnp.int32)
    # Constant-initialized embedding table (passed into __init__ as `embeddings`)
    emb_table = jax.random.normal(k2, (VOCAB, D_MODEL), dtype=jnp.float32)
    # Weight embedding table, RandomNormal(mean=1, stddev=0.01), output_dim=1
    weight_table = 1.0 + 0.01 * jax.random.normal(k3, (VOCAB, 1), dtype=jnp.float32)
    return {"inputs": inputs, "emb_table": emb_table, "weight_table": weight_table}


def reference(inputs, emb_table, weight_table):
    # Embedding lookups (gather)
    input_embs = jnp.take(emb_table, inputs, axis=0)        # (B, L, D)
    input_weights = jnp.take(weight_table, inputs, axis=0)  # (B, L, 1)
    out = input_embs * input_weights                        # (B, L, D)
    # mask_zero=True: mask where index != 0
    mask = (inputs != 0).astype(jnp.float32)[..., None]     # (B, L, 1)
    out = out * mask
    return jnp.sum(out, axis=1)                             # (B, D)

if __name__ == "__main__":
    import jax
    _d = setup_inputs()
    print(jax.jit(kernel)(*tuple(_d.values())))

</pallas_src>

<mosaic_0001>
#map = affine_map<(d0, d1) -> (0)>
#map1 = affine_map<(d0, d1) -> (0, 0)>
module attributes {stable_mosaic.version = 14 : i64} {
  func.func @k(%arg0: i32, %arg1: i32, %arg2: memref<851968xi32, #tpu.memory_space<hbm>>, %arg3: memref<1000000x64xf32, #tpu.memory_space<hbm>>, %arg4: memref<1000000xf32, #tpu.memory_space<hbm>>, %arg5: memref<4096x64xf32, #tpu.memory_space<hbm>>, %arg6: memref<26624xi32, #tpu.memory_space<vmem>>, %arg7: memref<4x208x64xf32, #tpu.memory_space<vmem>>, %arg8: memref<26624xf32, #tpu.memory_space<vmem>>, %arg9: memref<128x64xf32, #tpu.memory_space<vmem>>, %arg10: memref<!tpu.dma_semaphore, #tpu.memory_space<semaphore_mem>>, %arg11: memref<!tpu.dma_semaphore, #tpu.memory_space<semaphore_mem>>, %arg12: memref<!tpu.dma_semaphore, #tpu.memory_space<semaphore_mem>>, %arg13: memref<!tpu.dma_semaphore, #tpu.memory_space<semaphore_mem>>, %arg14: memref<!tpu.dma_semaphore, #tpu.memory_space<semaphore_mem>>) attributes {dimension_semantics = [#tpu.dimension_semantics<core_parallel>, #tpu.dimension_semantics<subcore_parallel>], iteration_bounds = array<i64: 2, 16>, scalar_prefetch = 0 : i64, scratch_operands = 9 : i64, tpu.core_type = #tpu.core_type<sc_vector_subcore>, window_params = [{transform_indices = #map}, {transform_indices = #map1}, {transform_indices = #map}, {transform_indices = #map1}]} {
    %mul3A = arith.constant 2 : i32
    %mul3A_0 = arith.muli %arg1, %mul3A : i32
    %add3A = arith.addi %mul3A_0, %arg0 : i32
    %mul3A_1 = arith.constant 128 : i32
    %mul3A_2 = arith.muli %add3A, %mul3A_1 : i32
    %mul3A_3 = arith.constant 208 : i32
    %mul3A_4 = arith.muli %mul3A_2, %mul3A_3 : i32
    "tpu.region"() ({
      %run_scoped3A = tpu.sem_alloc : memref<!tpu.dma_semaphore, #tpu.memory_space<semaphore_mem>>
      %dma_start3A_44 = tpu.memref_slice %arg2[%mul3A_4] : memref<851968xi32, #tpu.memory_space<hbm>> -> memref<26624xi32, #tpu.memory_space<hbm>>
      %dma_start3A_45 = tpu.memref_slice %arg2[%mul3A_4] : memref<851968xi32, #tpu.memory_space<hbm>> -> memref<26624xi32, #tpu.memory_space<hbm>>
      tpu.enqueue_dma source(%dma_start3A_45 : memref<26624xi32, #tpu.memory_space<hbm>>) target(%arg6 : memref<26624xi32, #tpu.memory_space<vmem>>) target_semaphore(%run_scoped3A : memref<!tpu.dma_semaphore, #tpu.memory_space<semaphore_mem>>)
      %dma_wait3A_46 = tpu.memref_slice %arg2[%mul3A_4] : memref<851968xi32, #tpu.memory_space<hbm>> -> memref<26624xi32, #tpu.memory_space<hbm>>
      %dma_wait3A_47 = tpu.memref_slice %arg2[%mul3A_4] : memref<851968xi32, #tpu.memory_space<hbm>> -> memref<26624xi32, #tpu.memory_space<hbm>>
      tpu.wait_dma2 semaphore(%run_scoped3A : memref<!tpu.dma_semaphore, #tpu.memory_space<semaphore_mem>>) src(%dma_wait3A_47 : memref<26624xi32, #tpu.memory_space<hbm>>) dst(%arg6 : memref<26624xi32, #tpu.memory_space<vmem>>)
      tpu.yield
    }) : () -> ()
    %dma_start3A = arith.constant 0 : i32
    %dma_start3A_5 = tpu.memref_slice %arg4[%dma_start3A] : memref<1000000xf32, #tpu.memory_space<hbm>> -> memref<1000000xf32, #tpu.memory_space<hbm>>
    tpu.enqueue_indirect_dma source(%dma_start3A_5 : memref<1000000xf32, #tpu.memory_space<hbm>>) target(%arg8 : memref<26624xf32, #tpu.memory_space<vmem>>) offsets(%arg6 : memref<26624xi32, #tpu.memory_space<vmem>>) semaphore(%arg14 : memref<!tpu.dma_semaphore, #tpu.memory_space<semaphore_mem>>)
    %dma_start3A_6 = arith.constant 0 : i32
    %dma_start3A_7 = arith.constant 0 : i32
    %dma_start3A_8 = arith.constant 0 : i32
    %dma_start3A_9 = tpu.memref_slice %arg7[%dma_start3A_6, %dma_start3A_7, %dma_start3A_8] : memref<4x208x64xf32, #tpu.memory_space<vmem>> -> memref<1x208x64xf32, #tpu.memory_space<vmem>>
    %dma_start3A_10 = tpu.memref_squeeze %dma_start3A_9 : memref<1x208x64xf32, #tpu.memory_space<vmem>> -> memref<208x64xf32, #tpu.memory_space<vmem>>
    %dma_start3A_11 = arith.constant 0 : i32
    %dma_start3A_12 = tpu.memref_slice %arg6[%dma_start3A_11] : memref<26624xi32, #tpu.memory_space<vmem>> -> memref<208xi32, #tpu.memory_space<vmem>>
    %dma_start3A_13 = arith.constant 0 : i32
    %dma_start3A_14 = arith.constant 0 : i32
    %dma_start3A_15 = tpu.memref_slice %arg3[%dma_start3A_13, %dma_start3A_14] : memref<1000000x64xf32, #tpu.memory_space<hbm>> -> memref<1000000x64xf32, #tpu.memory_space<hbm>>
    tpu.enqueue_indirect_dma source(%dma_start3A_15 : memref<1000000x64xf32, #tpu.memory_space<hbm>>) target(%dma_start3A_10 : memref<208x64xf32, #tpu.memory_space<vmem>>) offsets(%dma_start3A_12 : memref<208xi32, #tpu.memory_space<vmem>>) semaphore(%arg10 : memref<!tpu.dma_semaphore, #tpu.memory_space<semaphore_mem>>)
    %dma_start3A_16 = arith.constant 1 : i32
    %dma_start3A_17 = arith.constant 0 : i32
    %dma_start3A_18 = arith.constant 0 : i32
    %dma_start3A_19 = tpu.memref_slice %arg7[%dma_start3A_16, %dma_start3A_17, %dma_start3A_18] : memref<4x208x64xf32, #tpu.memory_space<vmem>> -> memref<1x208x64xf32, #tpu.memory_space<vmem>>
    %dma_start3A_20 = tpu.memref_squeeze %dma_start3A_19 : memref<1x208x64xf32, #tpu.memory_space<vmem>> -> memref<208x64xf32, #tpu.memory_space<vmem>>
    %dma_start3A_21 = arith.constant 208 : i32
    %dma_start3A_22 = tpu.memref_slice %arg6[%dma_start3A_21] : memref<26624xi32, #tpu.memory_space<vmem>> -> memref<208xi32, #tpu.memory_space<vmem>>
    %dma_start3A_23 = arith.constant 0 : i32
    %dma_start3A_24 = arith.constant 0 : i32
    %dma_start3A_25 = tpu.memref_slice %arg3[%dma_start3A_23, %dma_start3A_24] : memref<1000000x64xf32, #tpu.memory_space<hbm>> -> memref<1000000x64xf32, #tpu.memory_space<hbm>>
    tpu.enqueue_indirect_dma source(%dma_start3A_25 : memref<1000000x64xf32, #tpu.memory_space<hbm>>) target(%dma_start3A_20 : memref<208x64xf32, #tpu.memory_space<vmem>>) offsets(%dma_start3A_22 : memref<208xi32, #tpu.memory_space<vmem>>) semaphore(%arg11 : memref<!tpu.dma_semaphore, #tpu.memory_space<semaphore_mem>>)
    %dma_start3A_26 = arith.constant 2 : i32
    %dma_start3A_27 = arith.constant 0 : i32
    %dma_start3A_28 = arith.constant 0 : i32
    %dma_start3A_29 = tpu.memref_slice %arg7[%dma_start3A_26, %dma_start3A_27, %dma_start3A_28] : memref<4x208x64xf32, #tpu.memory_space<vmem>> -> memref<1x208x64xf32, #tpu.memory_space<vmem>>
    %dma_start3A_30 = tpu.memref_squeeze %dma_start3A_29 : memref<1x208x64xf32, #tpu.memory_space<vmem>> -> memref<208x64xf32, #tpu.memory_space<vmem>>
    %dma_start3A_31 = arith.constant 416 : i32
    %dma_start3A_32 = tpu.memref_slice %arg6[%dma_start3A_31] : memref<26624xi32, #tpu.memory_space<vmem>> -> memref<208xi32, #tpu.memory_space<vmem>>
    %dma_start3A_33 = arith.constant 0 : i32
    %dma_start3A_34 = arith.constant 0 : i32
    %dma_start3A_35 = tpu.memref_slice %arg3[%dma_start3A_33, %dma_start3A_34] : memref<1000000x64xf32, #tpu.memory_space<hbm>> -> memref<1000000x64xf32, #tpu.memory_space<hbm>>
    tpu.enqueue_indirect_dma source(%dma_start3A_35 : memref<1000000x64xf32, #tpu.memory_space<hbm>>) target(%dma_start3A_30 : memref<208x64xf32, #tpu.memory_space<vmem>>) offsets(%dma_start3A_32 : memref<208xi32, #tpu.memory_space<vmem>>) semaphore(%arg12 : memref<!tpu.dma_semaphore, #tpu.memory_space<semaphore_mem>>)
    %dma_wait3A = arith.constant 0 : i32
    %dma_wait3A_36 = tpu.memref_slice %arg4[%dma_wait3A] : memref<1000000xf32, #tpu.memory_space<hbm>> -> memref<1000000xf32, #tpu.memory_space<hbm>>
    tpu.wait_indirect_dma semaphore(%arg14 : memref<!tpu.dma_semaphore, #tpu.memory_space<semaphore_mem>>) src(%dma_wait3A_36 : memref<1000000xf32, #tpu.memory_space<hbm>>) dst(%arg8 : memref<26624xf32, #tpu.memory_space<vmem>>)
    %scan3A = arith.constant 0 : i32
    %scan3A_37 = arith.constant 0 : i32
    %scan3A_38 = arith.constant 32 : i32
    %scan3A_39 = arith.addi %scan3A_37, %scan3A_38 : i32
    %scan3A_40 = arith.constant 1 : i32
    scf.for %scan3A_44 = %scan3A_37 to %scan3A_39 step %scan3A_40  : i32 {
      %mul3A_45 = arith.constant 4 : i32
      %mul3A_46 = arith.muli %scan3A_44, %mul3A_45 : i32
      %add3A_47 = arith.constant 0 : i32
      %add3A_48 = arith.addi %mul3A_46, %add3A_47 : i32
      %add3A_49 = arith.constant 4 : i32
      %add3A_50 = arith.addi %add3A_48, %add3A_49 : i32
      %sub3A = arith.constant 1 : i32
      %sub3A_51 = arith.subi %add3A_50, %sub3A : i32
      %lt3A = arith.constant 128 : i32
      %lt3A_52 = arith.cmpi slt, %sub3A_51, %lt3A : i32
      %convert_element_type3A = arith.extui %lt3A_52 : i1 to i32
      %cond3A = arith.constant 0 : i32
      %cond3A_53 = arith.cmpi ne, %convert_element_type3A, %cond3A : i32
      scf.if %cond3A_53 {
        %add3A_1705 = arith.constant 4 : i32
        %add3A_1706 = arith.addi %add3A_48, %add3A_1705 : i32
        %sub3A_1707 = arith.constant 1 : i32
        %sub3A_1708 = arith.subi %add3A_1706, %sub3A_1707 : i32
        %mul3A_1709 = arith.constant 208 : i32
        %mul3A_1710 = arith.muli %sub3A_1708, %mul3A_1709 : i32
        %dma_start3A_1711 = arith.constant 3 : i32
        %dma_start3A_1712 = arith.constant 0 : i32
        %dma_start3A_1713 = arith.constant 0 : i32
        %dma_start3A_1714 = tpu.memref_slice %arg7[%dma_start3A_1711, %dma_start3A_1712, %dma_start3A_1713] : memref<4x208x64xf32, #tpu.memory_space<vmem>> -> memref<1x208x64xf32, #tpu.memory_space<vmem>>
        %dma_start3A_1715 = tpu.memref_squeeze %dma_start3A_1714 : memref<1x208x64xf32, #tpu.memory_space<vmem>> -> memref<208x64xf32, #tpu.memory_space<vmem>>
        %dma_start3A_1716 = tpu.memref_slice %arg6[%mul3A_1710] : memref<26624xi32, #tpu.memory_space<vmem>> -> memref<208xi32, #tpu.memory_space<vmem>>
        %dma_start3A_1717 = arith.constant 0 : i32
        %dma_start3A_1718 = arith.constant 0 : i32
        %dma_start3A_1719 = tpu.memref_slice %arg3[%dma_start3A_1717, %dma_start3A_1718] : memref<1000000x64xf32, #tpu.memory_space<hbm>> -> memref<1000000x64xf32, #tpu.memory_space<hbm>>
        tpu.enqueue_indirect_dma source(%dma_start3A_1719 : memref<1000000x64xf32, #tpu.memory_space<hbm>>) target(%dma_start3A_1715 : memref<208x64xf32, #tpu.memory_space<vmem>>) offsets(%dma_start3A_1716 : memref<208xi32, #tpu.memory_space<vmem>>) semaphore(%arg13 : memref<!tpu.dma_semaphore, #tpu.memory_space<semaphore_mem>>)
      } else {
      }
      %dma_wait3A_54 = arith.constant 0 : i32
      %dma_wait3A_55 = arith.constant 0 : i32
      %dma_wait3A_56 = arith.constant 0 : i32
      %dma_wait3A_57 = tpu.memref_slice %arg7[%dma_wait3A_54, %dma_wait3A_55, %dma_wait3A_56] : memref<4x208x64xf32, #tpu.memory_space<vmem>> -> memref<1x208x64xf32, #tpu.memory_space<vmem>>
      %dma_wait3A_58 = tpu.memref_squeeze %dma_wait3A_57 : memref<1x208x64xf32, #tpu.memory_space<vmem>> -> memref<208x64xf32, #tpu.memory_space<vmem>>
      %dma_wait3A_59 = arith.constant 0 : i32
      %dma_wait3A_60 = arith.constant 0 : i32
      %dma_wait3A_61 = tpu.memref_slice %arg3[%dma_wait3A_59, %dma_wait3A_60] : memref<1000000x64xf32, #tpu.memory_space<hbm>> -> memref<208x64xf32, #tpu.memory_space<hbm>>
      %dma_wait3A_62 = arith.constant 0 : i32
      %dma_wait3A_63 = arith.constant 0 : i32
      %dma_wait3A_64 = tpu.memref_slice %arg7[%dma_wait3A_54, %dma_wait3A_62, %dma_wait3A_63] : memref<4x208x64xf32, #tpu.memory_space<vmem>> -> memref<1x208x64xf32, #tpu.memory_space<vmem>>
      %dma_wait3A_65 = tpu.memref_squeeze %dma_wait3A_64 : memref<1x208x64xf32, #tpu.memory_space<vmem>> -> memref<208x64xf32, #tpu.memory_space<vmem>>
      %dma_wait3A_66 = arith.constant 0 : i32
      %dma_wait3A_67 = arith.constant 0 : i32
      %dma_wait3A_68 = tpu.memref_slice %arg3[%dma_wait3A_66, %dma_wait3A_67] : memref<1000000x64xf32, #tpu.memory_space<hbm>> -> memref<208x64xf32, #tpu.memory_space<hbm>>
      tpu.wait_dma2 semaphore(%arg10 : memref<!tpu.dma_semaphore, #tpu.memory_space<semaphore_mem>>) src(%dma_wait3A_68 : memref<208x64xf32, #tpu.memory_space<hbm>>) dst(%dma_wait3A_65 : memref<208x64xf32, #tpu.memory_space<vmem>>)
      %broadcast_in_dim3A = arith.constant 0.000000e+00 : f32
      %broadcast_in_dim3A_69 = vector.broadcast %broadcast_in_dim3A : f32 to vector<16xf32>
      %broadcast_in_dim3A_70 = arith.constant 0.000000e+00 : f32
      %broadcast_in_dim3A_71 = vector.broadcast %broadcast_in_dim3A_70 : f32 to vector<16xf32>
      %broadcast_in_dim3A_72 = arith.constant 0.000000e+00 : f32
      %broadcast_in_dim3A_73 = vector.broadcast %broadcast_in_dim3A_72 : f32 to vector<16xf32>
      %broadcast_in_dim3A_74 = arith.constant 0.000000e+00 : f32
      %broadcast_in_dim3A_75 = vector.broadcast %broadcast_in_dim3A_74 : f32 to vector<16xf32>
      %scan3A_76 = arith.constant 0 : i32
      %scan3A_77 = arith.constant 12 : i32
      %scan3A_78 = arith.addi %scan3A_76, %scan3A_77 : i32
      %scan3A_79 = arith.constant 1 : i32
      %scan3A_80:4 = scf.for %scan3A_1705 = %scan3A_76 to %scan3A_78 step %scan3A_79 iter_args(%scan3A_1706 = %broadcast_in_dim3A_69, %scan3A_1707 = %broadcast_in_dim3A_71, %scan3A_1708 = %broadcast_in_dim3A_73, %scan3A_1709 = %broadcast_in_dim3A_75) -> (vector<16xf32>, vector<16xf32>, vector<16xf32>, vector<16xf32>)  : i32 {
        %mul3A_1710 = arith.constant 16 : i32
        %mul3A_1711 = arith.muli %scan3A_1705, %mul3A_1710 : i32
        %mul3A_1712 = arith.constant 208 : i32
        %mul3A_1713 = arith.muli %add3A_48, %mul3A_1712 : i32
        %add3A_1714 = arith.addi %mul3A_1713, %mul3A_1711 : i32
        %get3A_1715 = arith.index_cast %add3A_1714 : i32 to index
        %get3A_1716 = tpu.vector_load %arg8[%get3A_1715] {strides = array<i32>} : memref<26624xf32, #tpu.memory_space<vmem>>, vector<16xf32>,
        %get3A_1717 = vector.shape_cast %get3A_1716 : vector<16xf32> to vector<16xf32>
        %mul3A_1718 = arith.constant 208 : i32
        %mul3A_1719 = arith.muli %add3A_48, %mul3A_1718 : i32
        %add3A_1720 = arith.addi %mul3A_1719, %mul3A_1711 : i32
        %get3A_1721 = arith.index_cast %add3A_1720 : i32 to index
        %get3A_1722 = tpu.vector_load %arg6[%get3A_1721] {strides = array<i32>} : memref<26624xi32, #tpu.memory_space<vmem>>, vector<16xi32>,
        %get3A_1723 = vector.shape_cast %get3A_1722 : vector<16xi32> to vector<16xi32>
        %eq3A_1724 = arith.constant 0 : i32
        %eq3A_1725 = vector.broadcast %eq3A_1724 : i32 to vector<16xi32>
        %eq3A_1726 = arith.cmpi eq, %get3A_1723, %eq3A_1725 : vector<16xi32>
        %jit3A_1727 = arith.constant 0.000000e+00 : f32
        %broadcast_in_dim3A_1728 = vector.broadcast %jit3A_1727 : f32 to vector<16xf32>
        %select_n3A_1729 = arith.select %eq3A_1726, %broadcast_in_dim3A_1728, %get3A_1717 : vector<16xi1>, vector<16xf32>
        %slice3A_1730 = vector.extract_strided_slice %select_n3A_1729 {offsets = [0], sizes = [1], strides = [1]} : vector<16xf32> to vector<1xf32>
        %squeeze3A_1731 = vector.extract %slice3A_1730[0] : f32 from vector<1xf32>
        %add3A_1732 = arith.constant 0 : i32
        %add3A_1733 = arith.addi %mul3A_1711, %add3A_1732 : i32
        %get3A_1734 = arith.constant 0 : i32
        %get3A_1735 = arith.index_cast %get3A_1734 : i32 to index
        %get3A_1736 = arith.index_cast %add3A_1733 : i32 to index
        %get3A_1737 = arith.constant 0 : index
        %get3A_1738 = tpu.vector_load %arg7[%get3A_1735, %get3A_1736, %get3A_1737] {strides = array<i32>} : memref<4x208x64xf32, #tpu.memory_space<vmem>>, vector<1x1x16xf32>,
        %get3A_1739 = vector.shape_cast %get3A_1738 : vector<1x1x16xf32> to vector<16xf32>
        %mul3A_1740 = vector.broadcast %squeeze3A_1731 : f32 to vector<16xf32>
        %mul3A_1741 = arith.mulf %mul3A_1740, %get3A_1739 : vector<16xf32>
        %add3A_1742 = arith.addf %scan3A_1706, %mul3A_1741 : vector<16xf32>
        %add3A_1743 = arith.constant 0 : i32
        %add3A_1744 = arith.addi %mul3A_1711, %add3A_1743 : i32
        %get3A_1745 = arith.constant 0 : i32
        %get3A_1746 = arith.index_cast %get3A_1745 : i32 to index
        %get3A_1747 = arith.index_cast %add3A_1744 : i32 to index
        %get3A_1748 = arith.constant 16 : index
        %get3A_1749 = tpu.vector_load %arg7[%get3A_1746, %get3A_1747, %get3A_1748] {strides = array<i32>} : memref<4x208x64xf32, #tpu.memory_space<vmem>>, vector<1x1x16xf32>,
        %get3A_1750 = vector.shape_cast %get3A_1749 : vector<1x1x16xf32> to vector<16xf32>
        %mul3A_1751 = vector.broadcast %squeeze3A_1731 : f32 to vector<16xf32>
        %mul3A_1752 = arith.mulf %mul3A_1751, %get3A_1750 : vector<16xf32>
        %add3A_1753 = arith.addf %scan3A_1707, %mul3A_1752 : vector<16xf32>
        %add3A_1754 = arith.constant 0 : i32
        %add3A_1755 = arith.addi %mul3A_1711, %add3A_1754 : i32
        %get3A_1756 = arith.constant 0 : i32
        %get3A_1757 = arith.index_cast %get3A_1756 : i32 to index
        %get3A_1758 = arith.index_cast %add3A_1755 : i32 to index
        %get3A_1759 = arith.constant 32 : index
        %get3A_1760 = tpu.vector_load %arg7[%get3A_1757, %get3A_1758, %get3A_1759] {strides = array<i32>} : memref<4x208x64xf32, #tpu.memory_space<vmem>>, vector<1x1x16xf32>,
        %get3A_1761 = vector.shape_cast %get3A_1760 : vector<1x1x16xf32> to vector<16xf32>
        %mul3A_1762 = vector.broadcast %squeeze3A_1731 : f32 to vector<16xf32>
        %mul3A_1763 = arith.mulf %mul3A_1762, %get3A_1761 : vector<16xf32>
        %add3A_1764 = arith.addf %scan3A_1708, %mul3A_1763 : vector<16xf32>
        %add3A_1765 = arith.constant 0 : i32
        %add3A_1766 = arith.addi %mul3A_1711, %add3A_1765 : i32
        %get3A_1767 = arith.constant 0 : i32
        %get3A_1768 = arith.index_cast %get3A_1767 : i32 to index
        %get3A_1769 = arith.index_cast %add3A_1766 : i32 to index
        %get3A_1770 = arith.constant 48 : index
        %get3A_1771 = tpu.vector_load %arg7[%get3A_1768, %get3A_1769, %get3A_1770] {strides = array<i32>} : memref<4x208x64xf32, #tpu.memory_space<vmem>>, vector<1x1x16xf32>,
        %get3A_1772 = vector.shape_cast %get3A_1771 : vector<1x1x16xf32> to vector<16xf32>
        %mul3A_1773 = vector.broadcast %squeeze3A_1731 : f32 to vector<16xf32>
        %mul3A_1774 = arith.mulf %mul3A_1773, %get3A_1772 : vector<16xf32>
        %add3A_1775 = arith.addf %scan3A_1709, %mul3A_1774 : vector<16xf32>
        %slice3A_1776 = vector.extract_strided_slice %select_n3A_1729 {offsets = [1], sizes = [1], strides = [1]} : vector<16xf32> to vector<1xf32>
        %squeeze3A_1777 = vector.extract %slice3A_1776[0] : f32 from vector<1xf32>
        %add3A_1778 = arith.constant 1 : i32
        %add3A_1779 = arith.addi %mul3A_1711, %add3A_1778 : i32
        %get3A_1780 = arith.constant 0 : i32
        %get3A_1781 = arith.index_cast %get3A_1780 : i32 to index
        %get3A_1782 = arith.index_cast %add3A_1779 : i32 to index
        %get3A_1783 = arith.constant 0 : index
        %get3A_1784 = tpu.vector_load %arg7[%get3A_1781, %get3A_1782, %get3A_1783] {strides = array<i32>} : memref<4x208x64xf32, #tpu.memory_space<vmem>>, vector<1x1x16xf32>,
        %get3A_1785 = vector.shape_cast %get3A_1784 : vector<1x1x16xf32> to vector<16xf32>
        %mul3A_1786 = vector.broadcast %squeeze3A_1777 : f32 to vector<16xf32>
        %mul3A_1787 = arith.mulf %mul3A_1786, %get3A_1785 : vector<16xf32>
        %add3A_1788 = arith.addf %add3A_1742, %mul3A_1787 : vector<16xf32>
        %add3A_1789 = arith.constant 1 : i32
        %add3A_1790 = arith.addi %mul3A_1711, %add3A_1789 : i32
        %get3A_1791 = arith.constant 0 : i32
        %get3A_1792 = arith.index_cast %get3A_1791 : i32 to index
        %get3A_1793 = arith.index_cast %add3A_1790 : i32 to index
        %get3A_1794 = arith.constant 16 : index
        %get3A_1795 = tpu.vector_load %arg7[%get3A_1792, %get3A_1793, %get3A_1794] {strides = array<i32>} : memref<4x208x64xf32, #tpu.memory_space<vmem>>, vector<1x1x16xf32>,
        %get3A_1796 = vector.shape_cast %get3A_1795 : vector<1x1x16xf32> to vector<16xf32>
        %mul3A_1797 = vector.broadcast %squeeze3A_1777 : f32 to vector<16xf32>
        %mul3A_1798 = arith.mulf %mul3A_1797, %get3A_1796 : vector<16xf32>
        %add3A_1799 = arith.addf %add3A_1753, %mul3A_1798 : vector<16xf32>
        %add3A_1800 = arith.constant 1 : i32
        %add3A_1801 = arith.addi %mul3A_1711, %add3A_1800 : i32
        %get3A_1802 = arith.constant 0 : i32
        %get3A_1803 = arith.index_cast %get3A_1802 : i32 to index
        %get3A_1804 = arith.index_cast %add3A_1801 : i32 to index
        %get3A_1805 = arith.constant 32 : index
        %get3A_1806 = tpu.vector_load %arg7[%get3A_1803, %get3A_1804, %get3A_1805] {strides = array<i32>} : memref<4x208x64xf32, #tpu.memory_space<vmem>>, vector<1x1x16xf32>,
        %get3A_1807 = vector.shape_cast %get3A_1806 : vector<1x1x16xf32> to vector<16xf32>
        %mul3A_1808 = vector.broadcast %squeeze3A_1777 : f32 to vector<16xf32>
        %mul3A_1809 = arith.mulf %mul3A_1808, %get3A_1807 : vector<16xf32>
        %add3A_1810 = arith.addf %add3A_1764, %mul3A_1809 : vector<16xf32>
        %add3A_1811 = arith.constant 1 : i32
        %add3A_1812 = arith.addi %mul3A_1711, %add3A_1811 : i32
        %get3A_1813 = arith.constant 0 : i32
        %get3A_1814 = arith.index_cast %get3A_1813 : i32 to index
        %get3A_1815 = arith.index_cast %add3A_1812 : i32 to index
        %get3A_1816 = arith.constant 48 : index
        %get3A_1817 = tpu.vector_load %arg7[%get3A_1814, %get3A_1815, %get3A_1816] {strides = array<i32>} : memref<4x208x64xf32, #tpu.memory_space<vmem>>, vector<1x1x16xf32>,
        %get3A_1818 = vector.shape_cast %get3A_1817 : vector<1x1x16xf32> to vector<16xf32>
        %mul3A_1819 = vector.broadcast %squeeze3A_1777 : f32 to vector<16xf32>
        %mul3A_1820 = arith.mulf %mul3A_1819, %get3A_1818 : vector<16xf32>
        %add3A_1821 = arith.addf %add3A_1775, %mul3A_1820 : vector<16xf32>
        %slice3A_1822 = vector.extract_strided_slice %select_n3A_1729 {offsets = [2], sizes = [1], strides = [1]} : vector<16xf32> to vector<1xf32>
        %squeeze3A_1823 = vector.extract %slice3A_1822[0] : f32 from vector<1xf32>
        %add3A_1824 = arith.constant 2 : i32
        %add3A_1825 = arith.addi %mul3A_1711, %add3A_1824 : i32
        %get3A_1826 = arith.constant 0 : i32
        %get3A_1827 = arith.index_cast %get3A_1826 : i32 to index
        %get3A_1828 = arith.index_cast %add3A_1825 : i32 to index
        %get3A_1829 = arith.constant 0 : index
        %get3A_1830 = tpu.vector_load %arg7[%get3A_1827, %get3A_1828, %get3A_1829] {strides = array<i32>} : memref<4x208x64xf32, #tpu.memory_space<vmem>>, vector<1x1x16xf32>,
        %get3A_1831 = vector.shape_cast %get3A_1830 : vector<1x1x16xf32> to vector<16xf32>
        %mul3A_1832 = vector.broadcast %squeeze3A_1823 : f32 to vector<16xf32>
        %mul3A_1833 = arith.mulf %mul3A_1832, %get3A_1831 : vector<16xf32>
        %add3A_1834 = arith.addf %add3A_1788, %mul3A_1833 : vector<16xf32>
        %add3A_1835 = arith.constant 2 : i32
        %add3A_1836 = arith.addi %mul3A_1711, %add3A_1835 : i32
        %get3A_1837 = arith.constant 0 : i32
        %get3A_1838 = arith.index_cast %get3A_1837 : i32 to index
        %get3A_1839 = arith.index_cast %add3A_1836 : i32 to index
        %get3A_1840 = arith.constant 16 : index
        %get3A_1841 = tpu.vector_load %arg7[%get3A_1838, %get3A_1839, %get3A_1840] {strides = array<i32>} : memref<4x208x64xf32, #tpu.memory_space<vmem>>, vector<1x1x16xf32>,
        %get3A_1842 = vector.shape_cast %get3A_1841 : vector<1x1x16xf32> to vector<16xf32>
        %mul3A_1843 = vector.broadcast %squeeze3A_1823 : f32 to vector<16xf32>
        %mul3A_1844 = arith.mulf %mul3A_1843, %get3A_1842 : vector<16xf32>
        %add3A_1845 = arith.addf %add3A_1799, %mul3A_1844 : vector<16xf32>
        %add3A_1846 = arith.constant 2 : i32
        %add3A_1847 = arith.addi %mul3A_1711, %add3A_1846 : i32
        %get3A_1848 = arith.constant 0 : i32
        %get3A_1849 = arith.index_cast %get3A_1848 : i32 to index
        %get3A_1850 = arith.index_cast %add3A_1847 : i32 to index
        %get3A_1851 = arith.constant 32 : index
        %get3A_1852 = tpu.vector_load %arg7[%get3A_1849, %get3A_1850, %get3A_1851] {strides = array<i32>} : memref<4x208x64xf32, #tpu.memory_space<vmem>>, vector<1x1x16xf32>,
        %get3A_1853 = vector.shape_cast %get3A_1852 : vector<1x1x16xf32> to vector<16xf32>
        %mul3A_1854 = vector.broadcast %squeeze3A_1823 : f32 to vector<16xf32>
        %mul3A_1855 = arith.mulf %mul3A_1854, %get3A_1853 : vector<16xf32>
        %add3A_1856 = arith.addf %add3A_1810, %mul3A_1855 : vector<16xf32>
        %add3A_1857 = arith.constant 2 : i32
        %add3A_1858 = arith.addi %mul3A_1711, %add3A_1857 : i32
        %get3A_1859 = arith.constant 0 : i32
        %get3A_1860 = arith.index_cast %get3A_1859 : i32 to index
        %get3A_1861 = arith.index_cast %add3A_1858 : i32 to index
        %get3A_1862 = arith.constant 48 : index
        %get3A_1863 = tpu.vector_load %arg7[%get3A_1860, %get3A_1861, %get3A_1862] {strides = array<i32>} : memref<4x208x64xf32, #tpu.memory_space<vmem>>, vector<1x1x16xf32>,
        %get3A_1864 = vector.shape_cast %get3A_1863 : vector<1x1x16xf32> to vector<16xf32>
        %mul3A_1865 = vector.broadcast %squeeze3A_1823 : f32 to vector<16xf32>
        %mul3A_1866 = arith.mulf %mul3A_1865, %get3A_1864 : vector<16xf32>
        %add3A_1867 = arith.addf %add3A_1821, %mul3A_1866 : vector<16xf32>
        %slice3A_1868 = vector.extract_strided_slice %select_n3A_1729 {offsets = [3], sizes = [1], strides = [1]} : vector<16xf32> to vector<1xf32>
        %squeeze3A_1869 = vector.extract %slice3A_1868[0] : f32 from vector<1xf32>
        %add3A_1870 = arith.constant 3 : i32
        %add3A_1871 = arith.addi %mul3A_1711, %add3A_1870 : i32
        %get3A_1872 = arith.constant 0 : i32
        %get3A_1873 = arith.index_cast %get3A_1872 : i32 to index
        %get3A_1874 = arith.index_cast %add3A_1871 : i32 to index
        %get3A_1875 = arith.constant 0 : index
        %get3A_1876 = tpu.vector_load %arg7[%get3A_1873, %get3A_1874, %get3A_1875] {strides = array<i32>} : memref<4x208x64xf32, #tpu.memory_space<vmem>>, vector<1x1x16xf32>,
        %get3A_1877 = vector.shape_cast %get3A_1876 : vector<1x1x16xf32> to vector<16xf32>
        %mul3A_1878 = vector.broadcast %squeeze3A_1869 : f32 to vector<16xf32>
        %mul3A_1879 = arith.mulf %mul3A_1878, %get3A_1877 : vector<16xf32>
        %add3A_1880 = arith.addf %add3A_1834, %mul3A_1879 : vector<16xf32>
        %add3A_1881 = arith.constant 3 : i32
        %add3A_1882 = arith.addi %mul3A_1711, %add3A_1881 : i32
        %get3A_1883 = arith.constant 0 : i32
        %get3A_1884 = arith.index_cast %get3A_1883 : i32 to index
        %get3A_1885 = arith.index_cast %add3A_1882 : i32 to index
        %get3A_1886 = arith.constant 16 : index
        %get3A_1887 = tpu.vector_load %arg7[%get3A_1884, %get3A_1885, %get3A_1886] {strides = array<i32>} : memref<4x208x64xf32, #tpu.memory_space<vmem>>, vector<1x1x16xf32>,
        %get3A_1888 = vector.shape_cast %get3A_1887 : vector<1x1x16xf32> to vector<16xf32>
        %mul3A_1889 = vector.broadcast %squeeze3A_1869 : f32 to vector<16xf32>
        %mul3A_1890 = arith.mulf %mul3A_1889, %get3A_1888 : vector<16xf32>
        %add3A_1891 = arith.addf %add3A_1845, %mul3A_1890 : vector<16xf32>
        %add3A_1892 = arith.constant 3 : i32
        %add3A_1893 = arith.addi %mul3A_1711, %add3A_1892 : i32
        %get3A_1894 = arith.constant 0 : i32
        %get3A_1895 = arith.index_cast %get3A_1894 : i32 to index
        %get3A_1896 = arith.index_cast %add3A_1893 : i32 to index
        %get3A_1897 = arith.constant 32 : index
        %get3A_1898 = tpu.vector_load %arg7[%get3A_1895, %get3A_1896, %get3A_1897] {strides = array<i32>} : memref<4x208x64xf32, #tpu.memory_space<vmem>>, vector<1x1x16xf32>,
        %get3A_1899 = vector.shape_cast %get3A_1898 : vector<1x1x16xf32> to vector<16xf32>
        %mul3A_1900 = vector.broadcast %squeeze3A_1869 : f32 to vector<16xf32>
        %mul3A_1901 = arith.mulf %mul3A_1900, %get3A_1899 : vector<16xf32>
        %add3A_1902 = arith.addf %add3A_1856, %mul3A_1901 : vector<16xf32>
        %add3A_1903 = arith.constant 3 : i32
        %add3A_1904 = arith.addi %mul3A_1711, %add3A_1903 : i32
        %get3A_1905 = arith.constant 0 : i32
        %get3A_1906 = arith.index_cast %get3A_1905 : i32 to index
        %get3A_1907 = arith.index_cast %add3A_1904 : i32 to index
        %get3A_1908 = arith.constant 48 : index
        %get3A_1909 = tpu.vector_load %arg7[%get3A_1906, %get3A_1907, %get3A_1908] {strides = array<i32>} : memref<4x208x64xf32, #tpu.memory_space<vmem>>, vector<1x1x16xf32>,
        %get3A_1910 = vector.shape_cast %get3A_1909 : vector<1x1x16xf32> to vector<16xf32>
        %mul3A_1911 = vector.broadcast %squeeze3A_1869 : f32 to vector<16xf32>
        %mul3A_1912 = arith.mulf %mul3A_1911, %get3A_1910 : vector<16xf32>
        %add3A_1913 = arith.addf %add3A_1867, %mul3A_1912 : vector<16xf32>
        %slice3A_1914 = vector.extract_strided_slice %select_n3A_1729 {offsets = [4], sizes = [1], strides = [1]} : vector<16xf32> to vector<1xf32>
        %squeeze3A_1915 = vector.extract %slice3A_1914[0] : f32 from vector<1xf32>
        %add3A_1916 = arith.constant 4 : i32
        %add3A_1917 = arith.addi %mul3A_1711, %add3A_1916 : i32
        %get3A_1918 = arith.constant 0 : i32
        %get3A_1919 = arith.index_cast %get3A_1918 : i32 to index
        %get3A_1920 = arith.index_cast %add3A_1917 : i32 to index
        %get3A_1921 = arith.constant 0 : index
        %get3A_1922 = tpu.vector_load %arg7[%get3A_1919, %get3A_1920, %get3A_1921] {strides = array<i32>} : memref<4x208x64xf32, #tpu.memory_space<vmem>>, vector<1x1x16xf32>,
        %get3A_1923 = vector.shape_cast %get3A_1922 : vector<1x1x16xf32> to vector<16xf32>
        %mul3A_1924 = vector.broadcast %squeeze3A_1915 : f32 to vector<16xf32>
        %mul3A_1925 = arith.mulf %mul3A_1924, %get3A_1923 : vector<16xf32>
        %add3A_1926 = arith.addf %add3A_1880, %mul3A_1925 : vector<16xf32>
        %add3A_1927 = arith.constant 4 : i32
        %add3A_1928 = arith.addi %mul3A_1711, %add3A_1927 : i32
        %get3A_1929 = arith.constant 0 : i32
        %get3A_1930 = arith.index_cast %get3A_1929 : i32 to index
        %get3A_1931 = arith.index_cast %add3A_1928 : i32 to index
        %get3A_1932 = arith.constant 16 : index
        %get3A_1933 = tpu.vector_load %arg7[%get3A_1930, %get3A_1931, %get3A_1932] {strides = array<i32>} : memref<4x208x64xf32, #tpu.memory_space<vmem>>, vector<1x1x16xf32>,
        %get3A_1934 = vector.shape_cast %get3A_1933 : vector<1x1x16xf32> to vector<16xf32>
        %mul3A_1935 = vector.broadcast %squeeze3A_1915 : f32 to vector<16xf32>
        %mul3A_1936 = arith.mulf %mul3A_1935, %get3A_1934 : vector<16xf32>
        %add3A_1937 = arith.addf %add3A_1891, %mul3A_1936 : vector<16xf32>
        %add3A_1938 = arith.constant 4 : i32
        %add3A_1939 = arith.addi %mul3A_1711, %add3A_1938 : i32
        %get3A_1940 = arith.constant 0 : i32
        %get3A_1941 = arith.index_cast %get3A_1940 : i32 to index
        %get3A_1942 = arith.index_cast %add3A_1939 : i32 to index
        %get3A_1943 = arith.constant 32 : index
        %get3A_1944 = tpu.vector_load %arg7[%get3A_1941, %get3A_1942, %get3A_1943] {strides = array<i32>} : memref<4x208x64xf32, #tpu.memory_space<vmem>>, vector<1x1x16xf32>,
        %get3A_1945 = vector.shape_cast %get3A_1944 : vector<1x1x16xf32> to vector<16xf32>
        %mul3A_1946 = vector.broadcast %squeeze3A_1915 : f32 to vector<16xf32>
        %mul3A_1947 = arith.mulf %mul3A_1946, %get3A_1945 : vector<16xf32>
        %add3A_1948 = arith.addf %add3A_1902, %mul3A_1947 : vector<16xf32>
        %add3A_1949 = arith.constant 4 : i32
        %add3A_1950 = arith.addi %mul3A_1711, %add3A_1949 : i32
        %get3A_1951 = arith.constant 0 : i32
        %get3A_1952 = arith.index_cast %get3A_1951 : i32 to index
        %get3A_1953 = arith.index_cast %add3A_1950 : i32 to index
        %get3A_1954 = arith.constant 48 : index
        %get3A_1955 = tpu.vector_load %arg7[%get3A_1952, %get3A_1953, %get3A_1954] {strides = array<i32>} : memref<4x208x64xf32, #tpu.memory_space<vmem>>, vector<1x1x16xf32>,
        %get3A_1956 = vector.shape_cast %get3A_1955 : vector<1x1x16xf32> to vector<16xf32>
        %mul3A_1957 = vector.broadcast %squeeze3A_1915 : f32 to vector<16xf32>
        %mul3A_1958 = arith.mulf %mul3A_1957, %get3A_1956 : vector<16xf32>
        %add3A_1959 = arith.addf %add3A_1913, %mul3A_1958 : vector<16xf32>
        %slice3A_1960 = vector.extract_strided_slice %select_n3A_1729 {offsets = [5], sizes = [1], strides = [1]} : vector<16xf32> to vector<1xf32>
        %squeeze3A_1961 = vector.extract %slice3A_1960[0] : f32 from vector<1xf32>
        %add3A_1962 = arith.constant 5 : i32
        %add3A_1963 = arith.addi %mul3A_1711, %add3A_1962 : i32
        %get3A_1964 = arith.constant 0 : i32
        %get3A_1965 = arith.index_cast %get3A_1964 : i32 to index
        %get3A_1966 = arith.index_cast %add3A_1963 : i32 to index
        %get3A_1967 = arith.constant 0 : index
        %get3A_1968 = tpu.vector_load %arg7[%get3A_1965, %get3A_1966, %get3A_1967] {strides = array<i32>} : memref<4x208x64xf32, #tpu.memory_space<vmem>>, vector<1x1x16xf32>,
        %get3A_1969 = vector.shape_cast %get3A_1968 : vector<1x1x16xf32> to vector<16xf32>
        %mul3A_1970 = vector.broadcast %squeeze3A_1961 : f32 to vector<16xf32>
        %mul3A_1971 = arith.mulf %mul3A_1970, %get3A_1969 : vector<16xf32>
        %add3A_1972 = arith.addf %add3A_1926, %mul3A_1971 : vector<16xf32>
        %add3A_1973 = arith.constant 5 : i32
        %add3A_1974 = arith.addi %mul3A_1711, %add3A_1973 : i32
        %get3A_1975 = arith.constant 0 : i32
        %get3A_1976 = arith.index_cast %get3A_1975 : i32 to index
        %get3A_1977 = arith.index_cast %add3A_1974 : i32 to index
        %get3A_1978 = arith.constant 16 : index
        %get3A_1979 = tpu.vector_load %arg7[%get3A_1976, %get3A_1977, %get3A_1978] {strides = array<i32>} : memref<4x208x64xf32, #tpu.memory_space<vmem>>, vector<1x1x16xf32>,
        %get3A_1980 = vector.shape_cast %get3A_1979 : vector<1x1x16xf32> to vector<16xf32>
        %mul3A_1981 = vector.broadcast %squeeze3A_1961 : f32 to vector<16xf32>
        %mul3A_1982 = arith.mulf %mul3A_1981, %get3A_1980 : vector<16xf32>
        %add3A_1983 = arith.addf %add3A_1937, %mul3A_1982 : vector<16xf32>
        %add3A_1984 = arith.constant 5 : i32
        %add3A_1985 = arith.addi %mul3A_1711, %add3A_1984 : i32
        %get3A_1986 = arith.constant 0 : i32
        %get3A_1987 = arith.index_cast %get3A_1986 : i32 to index
        %get3A_1988 = arith.index_cast %add3A_1985 : i32 to index
        %get3A_1989 = arith.constant 32 : index
        %get3A_1990 = tpu.vector_load %arg7[%get3A_1987, %get3A_1988, %get3A_1989] {strides = array<i32>} : memref<4x208x64xf32, #tpu.memory_space<vmem>>, vector<1x1x16xf32>,
        %get3A_1991 = vector.shape_cast %get3A_1990 : vector<1x1x16xf32> to vector<16xf32>
        %mul3A_1992 = vector.broadcast %squeeze3A_1961 : f32 to vector<16xf32>
        %mul3A_1993 = arith.mulf %mul3A_1992, %get3A_1991 : vector<16xf32>
        %add3A_1994 = arith.addf %add3A_1948, %mul3A_1993 : vector<16xf32>
        %add3A_1995 = arith.constant 5 : i32
        %add3A_1996 = arith.addi %mul3A_1711, %add3A_1995 : i32
        %get3A_1997 = arith.constant 0 : i32
        %get3A_1998 = arith.index_cast %get3A_1997 : i32 to index
        %get3A_1999 = arith.index_cast %add3A_1996 : i32 to index
        %get3A_2000 = arith.constant 48 : index
        %get3A_2001 = tpu.vector_load %arg7[%get3A_1998, %get3A_1999, %get3A_2000] {strides = array<i32>} : memref<4x208x64xf32, #tpu.memory_space<vmem>>, vector<1x1x16xf32>,
        %get3A_2002 = vector.shape_cast %get3A_2001 : vector<1x1x16xf32> to vector<16xf32>
        %mul3A_2003 = vector.broadcast %squeeze3A_1961 : f32 to vector<16xf32>
        %mul3A_2004 = arith.mulf %mul3A_2003, %get3A_2002 : vector<16xf32>
        %add3A_2005 = arith.addf %add3A_1959, %mul3A_2004 : vector<16xf32>
        %slice3A_2006 = vector.extract_strided_slice %select_n3A_1729 {offsets = [6], sizes = [1], strides = [1]} : vector<16xf32> to vector<1xf32>
        %squeeze3A_2007 = vector.extract %slice3A_2006[0] : f32 from vector<1xf32>
        %add3A_2008 = arith.constant 6 : i32
        %add3A_2009 = arith.addi %mul3A_1711, %add3A_2008 : i32
        %get3A_2010 = arith.constant 0 : i32
        %get3A_2011 = arith.index_cast %get3A_2010 : i32 to index
        %get3A_2012 = arith.index_cast %add3A_2009 : i32 to index
        %get3A_2013 = arith.constant 0 : index
        %get3A_2014 = tpu.vector_load %arg7[%get3A_2011, %get3A_2012, %get3A_2013] {strides = array<i32>} : memref<4x208x64xf32, #tpu.memory_space<vmem>>, vector<1x1x16xf32>,
        %get3A_2015 = vector.shape_cast %get3A_2014 : vector<1x1x16xf32> to vector<16xf32>
        %mul3A_2016 = vector.broadcast %squeeze3A_2007 : f32 to vector<16xf32>
        %mul3A_2017 = arith.mulf %mul3A_2016, %get3A_2015 : vector<16xf32>
        %add3A_2018 = arith.addf %add3A_1972, %mul3A_2017 : vector<16xf32>
        %add3A_2019 = arith.constant 6 : i32
        %add3A_2020 = arith.addi %mul3A_1711, %add3A_2019 : i32
        %get3A_2021 = arith.constant 0 : i32
        %get3A_2022 = arith.index_cast %get3A_2021 : i32 to index
        %get3A_2023 = arith.index_cast %add3A_2020 : i32 to index
        %get3A_2024 = arith.constant 16 : index
        %get3A_2025 = tpu.vector_load %arg7[%get3A_2022, %get3A_2023, %get3A_2024] {strides = array<i32>} : memref<4x208x64xf32, #tpu.memory_space<vmem>>, vector<1x1x16xf32>,
        %get3A_2026 = vector.shape_cast %get3A_2025 : vector<1x1x16xf32> to vector<16xf32>
        %mul3A_2027 = vector.broadcast %squeeze3A_2007 : f32 to vector<16xf32>
        %mul3A_2028 = arith.mulf %mul3A_2027, %get3A_2026 : vector<16xf32>
        %add3A_2029 = arith.addf %add3A_1983, %mul3A_2028 : vector<16xf32>
        %add3A_2030 = arith.constant 6 : i32
        %add3A_2031 = arith.addi %mul3A_1711, %add3A_2030 : i32
        %get3A_2032 = arith.constant 0 : i32
        %get3A_2033 = arith.index_cast %get3A_2032 : i32 to index
        %get3A_2034 = arith.index_cast %add3A_2031 : i32 to index
        %get3A_2035 = arith.constant 32 : index
        %get3A_2036 = tpu.vector_load %arg7[%get3A_2033, %get3A_2034, %get3A_2035] {strides = array<i32>} : memref<4x208x64xf32, #tpu.memory_space<vmem>>, vector<1x1x16xf32>,
        %get3A_2037 = vector.shape_cast %get3A_2036 : vector<1x1x16xf32> to vector<16xf32>
        %mul3A_2038 = vector.broadcast %squeeze3A_2007 : f32 to vector<16xf32>
        %mul3A_2039 = arith.mulf %mul3A_2038, %get3A_2037 : vector<16xf32>
        %add3A_2040 = arith.addf %add3A_1994, %mul3A_2039 : vector<16xf32>
        %add3A_2041 = arith.constant 6 : i32
        %add3A_2042 = arith.addi %mul3A_1711, %add3A_2041 : i32
        %get3A_2043 = arith.constant 0 : i32
        %get3A_2044 = arith.index_cast %get3A_2043 : i32 to index
        %get3A_2045 = arith.index_cast %add3A_2042 : i32 to index
        %get3A_2046 = arith.constant 48 : index
        %get3A_2047 = tpu.vector_load %arg7[%get3A_2044, %get3A_2045, %get3A_2046] {strides = array<i32>} : memref<4x208x64xf32, #tpu.memory_space<vmem>>, vector<1x1x16xf32>,
        %get3A_2048 = vector.shape_cast %get3A_2047 : vector<1x1x16xf32> to vector<16xf32>
        %mul3A_2049 = vector.broadcast %squeeze3A_2007 : f32 to vector<16xf32>
        %mul3A_2050 = arith.mulf %mul3A_2049, %get3A_2048 : vector<16xf32>
        %add3A_2051 = arith.addf %add3A_2005, %mul3A_2050 : vector<16xf32>
        %slice3A_2052 = vector.extract_strided_slice %select_n3A_1729 {offsets = [7], sizes = [1], strides = [1]} : vector<16xf32> to vector<1xf32>
        %squeeze3A_2053 = vector.extract %slice3A_2052[0] : f32 from vector<1xf32>
        %add3A_2054 = arith.constant 7 : i32
        %add3A_2055 = arith.addi %mul3A_1711, %add3A_2054 : i32
        %get3A_2056 = arith.constant 0 : i32
        %get3A_2057 = arith.index_cast %get3A_2056 : i32 to index
        %get3A_2058 = arith.index_cast %add3A_2055 : i32 to index
        %get3A_2059 = arith.constant 0 : index
        %get3A_2060 = tpu.vector_load %arg7[%get3A_2057, %get3A_2058, %get3A_2059] {strides = array<i32>} : memref<4x208x64xf32, #tpu.memory_space<vmem>>, vector<1x1x16xf32>,
        %get3A_2061 = vector.shape_cast %get3A_2060 : vector<1x1x16xf32> to vector<16xf32>
        %mul3A_2062 = vector.broadcast %squeeze3A_2053 : f32 to vector<16xf32>
        %mul3A_2063 = arith.mulf %mul3A_2062, %get3A_2061 : vector<16xf32>
        %add3A_2064 = arith.addf %add3A_2018, %mul3A_2063 : vector<16xf32>
        %add3A_2065 = arith.constant 7 : i32
        %add3A_2066 = arith.addi %mul3A_1711, %add3A_2065 : i32
        %get3A_2067 = arith.constant 0 : i32
        %get3A_2068 = arith.index_cast %get3A_2067 : i32 to index
        %get3A_2069 = arith.index_cast %add3A_2066 : i32 to index
        %get3A_2070 = arith.constant 16 : index
        %get3A_2071 = tpu.vector_load %arg7[%get3A_2068, %get3A_2069, %get3A_2070] {strides = array<i32>} : memref<4x208x64xf32, #tpu.memory_space<vmem>>, vector<1x1x16xf32>,
        %get3A_2072 = vector.shape_cast %get3A_2071 : vector<1x1x16xf32> to vector<16xf32>
        %mul3A_2073 = vector.broadcast %squeeze3A_2053 : f32 to vector<16xf32>
        %mul3A_2074 = arith.mulf %mul3A_2073, %get3A_2072 : vector<16xf32>
        %add3A_2075 = arith.addf %add3A_2029, %mul3A_2074 : vector<16xf32>
        %add3A_2076 = arith.constant 7 : i32
        %add3A_2077 = arith.addi %mul3A_1711, %add3A_2076 : i32
        %get3A_2078 = arith.constant 0 : i32
        %get3A_2079 = arith.index_cast %get3A_2078 : i32 to index
        %get3A_2080 = arith.index_cast %add3A_2077 : i32 to index
        %get3A_2081 = arith.constant 32 : index
        %get3A_2082 = tpu.vector_load %arg7[%get3A_2079, %get3A_2080, %get3A_2081] {strides = array<i32>} : memref<4x208x64xf32, #tpu.memory_space<vmem>>, vector<1x1x16xf32>,
        %get3A_2083 = vector.shape_cast %get3A_2082 : vector<1x1x16xf32> to vector<16xf32>
        %mul3A_2084 = vector.broadcast %squeeze3A_2053 : f32 to vector<16xf32>
        %mul3A_2085 = arith.mulf %mul3A_2084, %get3A_2083 : vector<16xf32>
        %add3A_2086 = arith.addf %add3A_2040, %mul3A_2085 : vector<16xf32>
        %add3A_2087 = arith.constant 7 : i32
        %add3A_2088 = arith.addi %mul3A_1711, %add3A_2087 : i32
        %get3A_2089 = arith.constant 0 : i32
        %get3A_2090 = arith.index_cast %get3A_2089 : i32 to index
        %get3A_2091 = arith.index_cast %add3A_2088 : i32 to index
        %get3A_2092 = arith.constant 48 : index
        %get3A_2093 = tpu.vector_load %arg7[%get3A_2090, %get3A_2091, %get3A_2092] {strides = array<i32>} : memref<4x208x64xf32, #tpu.memory_space<vmem>>, vector<1x1x16xf32>,
        %get3A_2094 = vector.shape_cast %get3A_2093 : vector<1x1x16xf32> to vector<16xf32>
        %mul3A_2095 = vector.broadcast %squeeze3A_2053 : f32 to vector<16xf32>
        %mul3A_2096 = arith.mulf %mul3A_2095, %get3A_2094 : vector<16xf32>
        %add3A_2097 = arith.addf %add3A_2051, %mul3A_2096 : vector<16xf32>
        %slice3A_2098 = vector.extract_strided_slice %select_n3A_1729 {offsets = [8], sizes = [1], strides = [1]} : vector<16xf32> to vector<1xf32>
        %squeeze3A_2099 = vector.extract %slice3A_2098[0] : f32 from vector<1xf32>
        %add3A_2100 = arith.constant 8 : i32
        %add3A_2101 = arith.addi %mul3A_1711, %add3A_2100 : i32
        %get3A_2102 = arith.constant 0 : i32
        %get3A_2103 = arith.index_cast %get3A_2102 : i32 to index
        %get3A_2104 = arith.index_cast %add3A_2101 : i32 to index
        %get3A_2105 = arith.constant 0 : index
        %get3A_2106 = tpu.vector_load %arg7[%get3A_2103, %get3A_2104, %get3A_2105] {strides = array<i32>} : memref<4x208x64xf32, #tpu.memory_space<vmem>>, vector<1x1x16xf32>,
        %get3A_2107 = vector.shape_cast %get3A_2106 : vector<1x1x16xf32> to vector<16xf32>
        %mul3A_2108 = vector.broadcast %squeeze3A_2099 : f32 to vector<16xf32>
        %mul3A_2109 = arith.mulf %mul3A_2108, %get3A_2107 : vector<16xf32>
        %add3A_2110 = arith.addf %add3A_2064, %mul3A_2109 : vector<16xf32>
        %add3A_2111 = arith.constant 8 : i32
        %add3A_2112 = arith.addi %mul3A_1711, %add3A_2111 : i32
        %get3A_2113 = arith.constant 0 : i32
        %get3A_2114 = arith.index_cast %get3A_2113 : i32 to index
        %get3A_2115 = arith.index_cast %add3A_2112 : i32 to index
        %get3A_2116 = arith.constant 16 : index
        %get3A_2117 = tpu.vector_load %arg7[%get3A_2114, %get3A_2115, %get3A_2116] {strides = array<i32>} : memref<4x208x64xf32, #tpu.memory_space<vmem>>, vector<1x1x16xf32>,
        %get3A_2118 = vector.shape_cast %get3A_2117 : vector<1x1x16xf32> to vector<16xf32>
        %mul3A_2119 = vector.broadcast %squeeze3A_2099 : f32 to vector<16xf32>
        %mul3A_2120 = arith.mulf %mul3A_2119, %get3A_2118 : vector<16xf32>
        %add3A_2121 = arith.addf %add3A_2075, %mul3A_2120 : vector<16xf32>
        %add3A_2122 = arith.constant 8 : i32
        %add3A_2123 = arith.addi %mul3A_1711, %add3A_2122 : i32
        %get3A_2124 = arith.constant 0 : i32
        %get3A_2125 = arith.index_cast %get3A_2124 : i32 to index
        %get3A_2126 = arith.index_cast %add3A_2123 : i32 to index
        %get3A_2127 = arith.constant 32 : index
        %get3A_2128 = tpu.vector_load %arg7[%get3A_2125, %get3A_2126, %get3A_2127] {strides = array<i32>} : memref<4x208x64xf32, #tpu.memory_space<vmem>>, vector<1x1x16xf32>,
        %get3A_2129 = vector.shape_cast %get3A_2128 : vector<1x1x16xf32> to vector<16xf32>
        %mul3A_2130 = vector.broadcast %squeeze3A_2099 : f32 to vector<16xf32>
        %mul3A_2131 = arith.mulf %mul3A_2130, %get3A_2129 : vector<16xf32>
        %add3A_2132 = arith.addf %add3A_2086, %mul3A_2131 : vector<16xf32>
        %add3A_2133 = arith.constant 8 : i32
        %add3A_2134 = arith.addi %mul3A_1711, %add3A_2133 : i32
        %get3A_2135 = arith.constant 0 : i32
        %get3A_2136 = arith.index_cast %get3A_2135 : i32 to index
        %get3A_2137 = arith.index_cast %add3A_2134 : i32 to index
        %get3A_2138 = arith.constant 48 : index
        %get3A_2139 = tpu.vector_load %arg7[%get3A_2136, %get3A_2137, %get3A_2138] {strides = array<i32>} : memref<4x208x64xf32, #tpu.memory_space<vmem>>, vector<1x1x16xf32>,
        %get3A_2140 = vector.shape_cast %get3A_2139 : vector<1x1x16xf32> to vector<16xf32>
        %mul3A_2141 = vector.broadcast %squeeze3A_2099 : f32 to vector<16xf32>
        %mul3A_2142 = arith.mulf %mul3A_2141, %get3A_2140 : vector<16xf32>
        %add3A_2143 = arith.addf %add3A_2097, %mul3A_2142 : vector<16xf32>
        %slice3A_2144 = vector.extract_strided_slice %select_n3A_1729 {offsets = [9], sizes = [1], strides = [1]} : vector<16xf32> to vector<1xf32>
        %squeeze3A_2145 = vector.extract %slice3A_2144[0] : f32 from vector<1xf32>
        %add3A_2146 = arith.constant 9 : i32
        %add3A_2147 = arith.addi %mul3A_1711, %add3A_2146 : i32
        %get3A_2148 = arith.constant 0 : i32
        %get3A_2149 = arith.index_cast %get3A_2148 : i32 to index
        %get3A_2150 = arith.index_cast %add3A_2147 : i32 to index
        %get3A_2151 = arith.constant 0 : index
        %get3A_2152 = tpu.vector_load %arg7[%get3A_2149, %get3A_2150, %get3A_2151] {strides = array<i32>} : memref<4x208x64xf32, #tpu.memory_space<vmem>>, vector<1x1x16xf32>,
        %get3A_2153 = vector.shape_cast %get3A_2152 : vector<1x1x16xf32> to vector<16xf32>
        %mul3A_2154 = vector.broadcast %squeeze3A_2145 : f32 to vector<16xf32>
        %mul3A_2155 = arith.mulf %mul3A_2154, %get3A_2153 : vector<16xf32>
        %add3A_2156 = arith.addf %add3A_2110, %mul3A_2155 : vector<16xf32>
        %add3A_2157 = arith.constant 9 : i32
        %add3A_2158 = arith.addi %mul3A_1711, %add3A_2157 : i32
        %get3A_2159 = arith.constant 0 : i32
        %get3A_2160 = arith.index_cast %get3A_2159 : i32 to index
        %get3A_2161 = arith.index_cast %add3A_2158 : i32 to index
        %get3A_2162 = arith.constant 16 : index
        %get3A_2163 = tpu.vector_load %arg7[%get3A_2160, %get3A_2161, %get3A_2162] {strides = array<i32>} : memref<4x208x64xf32, #tpu.memory_space<vmem>>, vector<1x1x16xf32>,
        %get3A_2164 = vector.shape_cast %get3A_2163 : vector<1x1x16xf32> to vector<16xf32>
        %mul3A_2165 = vector.broadcast %squeeze3A_2145 : f32 to vector<16xf32>
        %mul3A_2166 = arith.mulf %mul3A_2165, %get3A_2164 : vector<16xf32>
        %add3A_2167 = arith.addf %add3A_2121, %mul3A_2166 : vector<16xf32>
        %add3A_2168 = arith.constant 9 : i32
        %add3A_2169 = arith.addi %mul3A_1711, %add3A_2168 : i32
        %get3A_2170 = arith.constant 0 : i32
        %get3A_2171 = arith.index_cast %get3A_2170 : i32 to index
        %get3A_2172 = arith.index_cast %add3A_2169 : i32 to index
        %get3A_2173 = arith.constant 32 : index
        %get3A_2174 = tpu.vector_load %arg7[%get3A_2171, %get3A_2172, %get3A_2173] {strides = array<i32>} : memref<4x208x64xf32, #tpu.memory_space<vmem>>, vector<1x1x16xf32>,
        %get3A_2175 = vector.shape_cast %get3A_2174 : vector<1x1x16xf32> to vector<16xf32>
        %mul3A_2176 = vector.broadcast %squeeze3A_2145 : f32 to vector<16xf32>
        %mul3A_2177 = arith.mulf %mul3A_2176, %get3A_2175 : vector<16xf32>
        %add3A_2178 = arith.addf %add3A_2132, %mul3A_2177 : vector<16xf32>
        %add3A_2179 = arith.constant 9 : i32
        %add3A_2180 = arith.addi %mul3A_1711, %add3A_2179 : i32
        %get3A_2181 = arith.constant 0 : i32
        %get3A_2182 = arith.index_cast %get3A_2181 : i32 to index
        %get3A_2183 = arith.index_cast %add3A_2180 : i32 to index
        %get3A_2184 = arith.constant 48 : index
        %get3A_2185 = tpu.vector_load %arg7[%get3A_2182, %get3A_2183, %get3A_2184] {strides = array<i32>} : memref<4x208x64xf32, #tpu.memory_space<vmem>>, vector<1x1x16xf32>,
        %get3A_2186 = vector.shape_cast %get3A_2185 : vector<1x1x16xf32> to vector<16xf32>
        %mul3A_2187 = vector.broadcast %squeeze3A_2145 : f32 to vector<16xf32>
        %mul3A_2188 = arith.mulf %mul3A_2187, %get3A_2186 : vector<16xf32>
        %add3A_2189 = arith.addf %add3A_2143, %mul3A_2188 : vector<16xf32>
        %slice3A_2190 = vector.extract_strided_slice %select_n3A_1729 {offsets = [10], sizes = [1], strides = [1]} : vector<16xf32> to vector<1xf32>
        %squeeze3A_2191 = vector.extract %slice3A_2190[0] : f32 from vector<1xf32>
        %add3A_2192 = arith.constant 10 : i32
        %add3A_2193 = arith.addi %mul3A_1711, %add3A_2192 : i32
        %get3A_2194 = arith.constant 0 : i32
        %get3A_2195 = arith.index_cast %get3A_2194 : i32 to index
        %get3A_2196 = arith.index_cast %add3A_2193 : i32 to index
        %get3A_2197 = arith.constant 0 : index
        %get3A_2198 = tpu.vector_load %arg7[%get3A_2195, %get3A_2196, %get3A_2197] {strides = array<i32>} : memref<4x208x64xf32, #tpu.memory_space<vmem>>, vector<1x1x16xf32>,
        %get3A_2199 = vector.shape_cast %get3A_2198 : vector<1x1x16xf32> to vector<16xf32>
        %mul3A_2200 = vector.broadcast %squeeze3A_2191 : f32 to vector<16xf32>
        %mul3A_2201 = arith.mulf %mul3A_2200, %get3A_2199 : vector<16xf32>
        %add3A_2202 = arith.addf %add3A_2156, %mul3A_2201 : vector<16xf32>
        %add3A_2203 = arith.constant 10 : i32
        %add3A_2204 = arith.addi %mul3A_1711, %add3A_2203 : i32
        %get3A_2205 = arith.constant 0 : i32
        %get3A_2206 = arith.index_cast %get3A_2205 : i32 to index
        %get3A_2207 = arith.index_cast %add3A_2204 : i32 to index
        %get3A_2208 = arith.constant 16 : index
        %get3A_2209 = tpu.vector_load %arg7[%get3A_2206, %get3A_2207, %get3A_2208] {strides = array<i32>} : memref<4x208x64xf32, #tpu.memory_space<vmem>>, vector<1x1x16xf32>,
        %get3A_2210 = vector.shape_cast %get3A_2209 : vector<1x1x16xf32> to vector<16xf32>
        %mul3A_2211 = vector.broadcast %squeeze3A_2191 : f32 to vector<16xf32>
        %mul3A_2212 = arith.mulf %mul3A_2211, %get3A_2210 : vector<16xf32>
        %add3A_2213 = arith.addf %add3A_2167, %mul3A_2212 : vector<16xf32>
        %add3A_2214 = arith.constant 10 : i32
        %add3A_2215 = arith.addi %mul3A_1711, %add3A_2214 : i32
        %get3A_2216 = arith.constant 0 : i32
        %get3A_2217 = arith.index_cast %get3A_2216 : i32 to index
        %get3A_2218 = arith.index_cast %add3A_2215 : i32 to index
        %get3A_2219 = arith.constant 32 : index
        %get3A_2220 = tpu.vector_load %arg7[%get3A_2217, %get3A_2218, %get3A_2219] {strides = array<i32>} : memref<4x208x64xf32, #tpu.memory_space<vmem>>, vector<1x1x16xf32>,
        %get3A_2221 = vector.shape_cast %get3A_2220 : vector<1x1x16xf32> to vector<16xf32>
        %mul3A_2222 = vector.broadcast %squeeze3A_2191 : f32 to vector<16xf32>
        %mul3A_2223 = arith.mulf %mul3A_2222, %get3A_2221 : vector<16xf32>
        %add3A_2224 = arith.addf %add3A_2178, %mul3A_2223 : vector<16xf32>
        %add3A_2225 = arith.constant 10 : i32
        %add3A_2226 = arith.addi %mul3A_1711, %add3A_2225 : i32
        %get3A_2227 = arith.constant 0 : i32
        %get3A_2228 = arith.index_cast %get3A_2227 : i32 to index
        %get3A_2229 = arith.index_cast %add3A_2226 : i32 to index
        %get3A_2230 = arith.constant 48 : index
        %get3A_2231 = tpu.vector_load %arg7[%get3A_2228, %get3A_2229, %get3A_2230] {strides = array<i32>} : memref<4x208x64xf32, #tpu.memory_space<vmem>>, vector<1x1x16xf32>,
        %get3A_2232 = vector.shape_cast %get3A_2231 : vector<1x1x16xf32> to vector<16xf32>
        %mul3A_2233 = vector.broadcast %squeeze3A_2191 : f32 to vector<16xf32>
        %mul3A_2234 = arith.mulf %mul3A_2233, %get3A_2232 : vector<16xf32>
        %add3A_2235 = arith.addf %add3A_2189, %mul3A_2234 : vector<16xf32>
        %slice3A_2236 = vector.extract_strided_slice %select_n3A_1729 {offsets = [11], sizes = [1], strides = [1]} : vector<16xf32> to vector<1xf32>
        %squeeze3A_2237 = vector.extract %slice3A_2236[0] : f32 from vector<1xf32>
        %add3A_2238 = arith.constant 11 : i32
        %add3A_2239 = arith.addi %mul3A_1711, %add3A_2238 : i32
        %get3A_2240 = arith.constant 0 : i32
        %get3A_2241 = arith.index_cast %get3A_2240 : i32 to index
        %get3A_2242 = arith.index_cast %add3A_2239 : i32 to index
        %get3A_2243 = arith.constant 0 : index
        %get3A_2244 = tpu.vector_load %arg7[%get3A_2241, %get3A_2242, %get3A_2243] {strides = array<i32>} : memref<4x208x64xf32, #tpu.memory_space<vmem>>, vector<1x1x16xf32>,
        %get3A_2245 = vector.shape_cast %get3A_2244 : vector<1x1x16xf32> to vector<16xf32>
        %mul3A_2246 = vector.broadcast %squeeze3A_2237 : f32 to vector<16xf32>
        %mul3A_2247 = arith.mulf %mul3A_2246, %get3A_2245 : vector<16xf32>
        %add3A_2248 = arith.addf %add3A_2202, %mul3A_2247 : vector<16xf32>
        %add3A_2249 = arith.constant 11 : i32
        %add3A_2250 = arith.addi %mul3A_1711, %add3A_2249 : i32
        %get3A_2251 = arith.constant 0 : i32
        %get3A_2252 = arith.index_cast %get3A_2251 : i32 to index
        %get3A_2253 = arith.index_cast %add3A_2250 : i32 to index
        %get3A_2254 = arith.constant 16 : index
        %get3A_2255 = tpu.vector_load %arg7[%get3A_2252, %get3A_2253, %get3A_2254] {strides = array<i32>} : memref<4x208x64xf32, #tpu.memory_space<vmem>>, vector<1x1x16xf32>,
        %get3A_2256 = vector.shape_cast %get3A_2255 : vector<1x1x16xf32> to vector<16xf32>
        %mul3A_2257 = vector.broadcast %squeeze3A_2237 : f32 to vector<16xf32>
        %mul3A_2258 = arith.mulf %mul3A_2257, %get3A_2256 : vector<16xf32>
        %add3A_2259 = arith.addf %add3A_2213, %mul3A_2258 : vector<16xf32>
        %add3A_2260 = arith.constant 11 : i32
        %add3A_2261 = arith.addi %mul3A_1711, %add3A_2260 : i32
        %get3A_2262 = arith.constant 0 : i32
        %get3A_2263 = arith.index_cast %get3A_2262 : i32 to index
        %get3A_2264 = arith.index_cast %add3A_2261 : i32 to index
        %get3A_2265 = arith.constant 32 : index
        %get3A_2266 = tpu.vector_load %arg7[%get3A_2263, %get3A_2264, %get3A_2265] {strides = array<i32>} : memref<4x208x64xf32, #tpu.memory_space<vmem>>, vector<1x1x16xf32>,
        %get3A_2267 = vector.shape_cast %get3A_2266 : vector<1x1x16xf32> to vector<16xf32>
        %mul3A_2268 = vector.broadcast %squeeze3A_2237 : f32 to vector<16xf32>
        %mul3A_2269 = arith.mulf %mul3A_2268, %get3A_2267 : vector<16xf32>
        %add3A_2270 = arith.addf %add3A_2224, %mul3A_2269 : vector<16xf32>
        %add3A_2271 = arith.constant 11 : i32
        %add3A_2272 = arith.addi %mul3A_1711, %add3A_2271 : i32
        %get3A_2273 = arith.constant 0 : i32
        %get3A_2274 = arith.index_cast %get3A_2273 : i32 to index
        %get3A_2275 = arith.index_cast %add3A_2272 : i32 to index
        %get3A_2276 = arith.constant 48 : index
        %get3A_2277 = tpu.vector_load %arg7[%get3A_2274, %get3A_2275, %get3A_2276] {strides = array<i32>} : memref<4x208x64xf32, #tpu.memory_space<vmem>>, vector<1x1x16xf32>,
        %get3A_2278 = vector.shape_cast %get3A_2277 : vector<1x1x16xf32> to vector<16xf32>
        %mul3A_2279 = vector.broadcast %squeeze3A_2237 : f32 to vector<16xf32>
        %mul3A_2280 = arith.mulf %mul3A_2279, %get3A_2278 : vector<16xf32>
        %add3A_2281 = arith.addf %add3A_2235, %mul3A_2280 : vector<16xf32>
        %slice3A_2282 = vector.extract_strided_slice %select_n3A_1729 {offsets = [12], sizes = [1], strides = [1]} : vector<16xf32> to vector<1xf32>
        %squeeze3A_2283 = vector.extract %slice3A_2282[0] : f32 from vector<1xf32>
        %add3A_2284 = arith.constant 12 : i32
        %add3A_2285 = arith.addi %mul3A_1711, %add3A_2284 : i32
        %get3A_2286 = arith.constant 0 : i32
        %get3A_2287 = arith.index_cast %get3A_2286 : i32 to index
        %get3A_2288 = arith.index_cast %add3A_2285 : i32 to index
        %get3A_2289 = arith.constant 0 : index
        %get3A_2290 = tpu.vector_load %arg7[%get3A_2287, %get3A_2288, %get3A_2289] {strides = array<i32>} : memref<4x208x64xf32, #tpu.memory_space<vmem>>, vector<1x1x16xf32>,
        %get3A_2291 = vector.shape_cast %get3A_2290 : vector<1x1x16xf32> to vector<16xf32>
        %mul3A_2292 = vector.broadcast %squeeze3A_2283 : f32 to vector<16xf32>
        %mul3A_2293 = arith.mulf %mul3A_2292, %get3A_2291 : vector<16xf32>
        %add3A_2294 = arith.addf %add3A_2248, %mul3A_2293 : vector<16xf32>
        %add3A_2295 = arith.constant 12 : i32
        %add3A_2296 = arith.addi %mul3A_1711, %add3A_2295 : i32
        %get3A_2297 = arith.constant 0 : i32
        %get3A_2298 = arith.index_cast %get3A_2297 : i32 to index
        %get3A_2299 = arith.index_cast %add3A_2296 : i32 to index
        %get3A_2300 = arith.constant 16 : index
        %get3A_2301 = tpu.vector_load %arg7[%get3A_2298, %get3A_2299, %get3A_2300] {strides = array<i32>} : memref<4x208x64xf32, #tpu.memory_space<vmem>>, vector<1x1x16xf32>,
        %get3A_2302 = vector.shape_cast %get3A_2301 : vector<1x1x16xf32> to vector<16xf32>
        %mul3A_2303 = vector.broadcast %squeeze3A_2283 : f32 to vector<16xf32>
        %mul3A_2304 = arith.mulf %mul3A_2303, %get3A_2302 : vector<16xf32>
        %add3A_2305 = arith.addf %add3A_2259, %mul3A_2304 : vector<16xf32>
        %add3A_2306 = arith.constant 12 : i32
        %add3A_2307 = arith.addi %mul3A_1711, %add3A_2306 : i32
        %get3A_2308 = arith.constant 0 : i32
        %get3A_2309 = arith.index_cast %get3A_2308 : i32 to index
        %get3A_2310 = arith.index_cast %add3A_2307 : i32 to index
        %get3A_2311 = arith.constant 32 : index
        %get3A_2312 = tpu.vector_load %arg7[%get3A_2309, %get3A_2310, %get3A_2311] {strides = array<i32>} : memref<4x208x64xf32, #tpu.memory_space<vmem>>, vector<1x1x16xf32>,
        %get3A_2313 = vector.shape_cast %get3A_2312 : vector<1x1x16xf32> to vector<16xf32>
        %mul3A_2314 = vector.broadcast %squeeze3A_2283 : f32 to vector<16xf32>
        %mul3A_2315 = arith.mulf %mul3A_2314, %get3A_2313 : vector<16xf32>
        %add3A_2316 = arith.addf %add3A_2270, %mul3A_2315 : vector<16xf32>
        %add3A_2317 = arith.constant 12 : i32
        %add3A_2318 = arith.addi %mul3A_1711, %add3A_2317 : i32
        %get3A_2319 = arith.constant 0 : i32
        %get3A_2320 = arith.index_cast %get3A_2319 : i32 to index
        %get3A_2321 = arith.index_cast %add3A_2318 : i32 to index
        %get3A_2322 = arith.constant 48 : index
        %get3A_2323 = tpu.vector_load %arg7[%get3A_2320, %get3A_2321, %get3A_2322] {strides = array<i32>} : memref<4x208x64xf32, #tpu.memory_space<vmem>>, vector<1x1x16xf32>,
        %get3A_2324 = vector.shape_cast %get3A_2323 : vector<1x1x16xf32> to vector<16xf32>
        %mul3A_2325 = vector.broadcast %squeeze3A_2283 : f32 to vector<16xf32>
        %mul3A_2326 = arith.mulf %mul3A_2325, %get3A_2324 : vector<16xf32>
        %add3A_2327 = arith.addf %add3A_2281, %mul3A_2326 : vector<16xf32>
        %slice3A_2328 = vector.extract_strided_slice %select_n3A_1729 {offsets = [13], sizes = [1], strides = [1]} : vector<16xf32> to vector<1xf32>
        %squeeze3A_2329 = vector.extract %slice3A_2328[0] : f32 from vector<1xf32>
        %add3A_2330 = arith.constant 13 : i32
        %add3A_2331 = arith.addi %mul3A_1711, %add3A_2330 : i32
        %get3A_2332 = arith.constant 0 : i32
        %get3A_2333 = arith.index_cast %get3A_2332 : i32 to index
        %get3A_2334 = arith.index_cast %add3A_2331 : i32 to index
        %get3A_2335 = arith.constant 0 : index
        %get3A_2336 = tpu.vector_load %arg7[%get3A_2333, %get3A_2334, %get3A_2335] {strides = array<i32>} : memref<4x208x64xf32, #tpu.memory_space<vmem>>, vector<1x1x16xf32>,
        %get3A_2337 = vector.shape_cast %get3A_2336 : vector<1x1x16xf32> to vector<16xf32>
        %mul3A_2338 = vector.broadcast %squeeze3A_2329 : f32 to vector<16xf32>
        %mul3A_2339 = arith.mulf %mul3A_2338, %get3A_2337 : vector<16xf32>
        %add3A_2340 = arith.addf %add3A_2294, %mul3A_2339 : vector<16xf32>
        %add3A_2341 = arith.constant 13 : i32
        %add3A_2342 = arith.addi %mul3A_1711, %add3A_2341 : i32
        %get3A_2343 = arith.constant 0 : i32
        %get3A_2344 = arith.index_cast %get3A_2343 : i32 to index
        %get3A_2345 = arith.index_cast %add3A_2342 : i32 to index
        %get3A_2346 = arith.constant 16 : index
        %get3A_2347 = tpu.vector_load %arg7[%get3A_2344, %get3A_2345, %get3A_2346] {strides = array<i32>} : memref<4x208x64xf32, #tpu.memory_space<vmem>>, vector<1x1x16xf32>,
        %get3A_2348 = vector.shape_cast %get3A_2347 : vector<1x1x16xf32> to vector<16xf32>
        %mul3A_2349 = vector.broadcast %squeeze3A_2329 : f32 to vector<16xf32>
        %mul3A_2350 = arith.mulf %mul3A_2349, %get3A_2348 : vector<16xf32>
        %add3A_2351 = arith.addf %add3A_2305, %mul3A_2350 : vector<16xf32>
        %add3A_2352 = arith.constant 13 : i32
        %add3A_2353 = arith.addi %mul3A_1711, %add3A_2352 : i32
        %get3A_2354 = arith.constant 0 : i32
        %get3A_2355 = arith.index_cast %get3A_2354 : i32 to index
        %get3A_2356 = arith.index_cast %add3A_2353 : i32 to index
        %get3A_2357 = arith.constant 32 : index
        %get3A_2358 = tpu.vector_load %arg7[%get3A_2355, %get3A_2356, %get3A_2357] {strides = array<i32>} : memref<4x208x64xf32, #tpu.memory_space<vmem>>, vector<1x1x16xf32>,
        %get3A_2359 = vector.shape_cast %get3A_2358 : vector<1x1x16xf32> to vector<16xf32>
        %mul3A_2360 = vector.broadcast %squeeze3A_2329 : f32 to vector<16xf32>
        %mul3A_2361 = arith.mulf %mul3A_2360, %get3A_2359 : vector<16xf32>
        %add3A_2362 = arith.addf %add3A_2316, %mul3A_2361 : vector<16xf32>
        %add3A_2363 = arith.constant 13 : i32
        %add3A_2364 = arith.addi %mul3A_1711, %add3A_2363 : i32
        %get3A_2365 = arith.constant 0 : i32
        %get3A_2366 = arith.index_cast %get3A_2365 : i32 to index
        %get3A_2367 = arith.index_cast %add3A_2364 : i32 to index
        %get3A_2368 = arith.constant 48 : index
        %get3A_2369 = tpu.vector_load %arg7[%get3A_2366, %get3A_2367, %get3A_2368] {strides = array<i32>} : memref<4x208x64xf32, #tpu.memory_space<vmem>>, vector<1x1x16xf32>,
        %get3A_2370 = vector.shape_cast %get3A_2369 : vector<1x1x16xf32> to vector<16xf32>
        %mul3A_2371 = vector.broadcast %squeeze3A_2329 : f32 to vector<16xf32>
        %mul3A_2372 = arith.mulf %mul3A_2371, %get3A_2370 : vector<16xf32>
        %add3A_2373 = arith.addf %add3A_2327, %mul3A_2372 : vector<16xf32>
        %slice3A_2374 = vector.extract_strided_slice %select_n3A_1729 {offsets = [14], sizes = [1], strides = [1]} : vector<16xf32> to vector<1xf32>
        %squeeze3A_2375 = vector.extract %slice3A_2374[0] : f32 from vector<1xf32>
        %add3A_2376 = arith.constant 14 : i32
        %add3A_2377 = arith.addi %mul3A_1711, %add3A_2376 : i32
        %get3A_2378 = arith.constant 0 : i32
        %get3A_2379 = arith.index_cast %get3A_2378 : i32 to index
        %get3A_2380 = arith.index_cast %add3A_2377 : i32 to index
        %get3A_2381 = arith.constant 0 : index
        %get3A_2382 = tpu.vector_load %arg7[%get3A_2379, %get3A_2380, %get3A_2381] {strides = array<i32>} : memref<4x208x64xf32, #tpu.memory_space<vmem>>, vector<1x1x16xf32>,
        %get3A_2383 = vector.shape_cast %get3A_2382 : vector<1x1x16xf32> to vector<16xf32>
        %mul3A_2384 = vector.broadcast %squeeze3A_2375 : f32 to vector<16xf32>
        %mul3A_2385 = arith.mulf %mul3A_2384, %get3A_2383 : vector<16xf32>
        %add3A_2386 = arith.addf %add3A_2340, %mul3A_2385 : vector<16xf32>
        %add3A_2387 = arith.constant 14 : i32
        %add3A_2388 = arith.addi %mul3A_1711, %add3A_2387 : i32
        %get3A_2389 = arith.constant 0 : i32
        %get3A_2390 = arith.index_cast %get3A_2389 : i32 to index
        %get3A_2391 = arith.index_cast %add3A_2388 : i32 to index
        %get3A_2392 = arith.constant 16 : index
        %get3A_2393 = tpu.vector_load %arg7[%get3A_2390, %get3A_2391, %get3A_2392] {strides = array<i32>} : memref<4x208x64xf32, #tpu.memory_space<vmem>>, vector<1x1x16xf32>,
        %get3A_2394 = vector.shape_cast %get3A_2393 : vector<1x1x16xf32> to vector<16xf32>
        %mul3A_2395 = vector.broadcast %squeeze3A_2375 : f32 to vector<16xf32>
        %mul3A_2396 = arith.mulf %mul3A_2395, %get3A_2394 : vector<16xf32>
        %add3A_2397 = arith.addf %add3A_2351, %mul3A_2396 : vector<16xf32>
        %add3A_2398 = arith.constant 14 : i32
        %add3A_2399 = arith.addi %mul3A_1711, %add3A_2398 : i32
        %get3A_2400 = arith.constant 0 : i32
        %get3A_2401 = arith.index_cast %get3A_2400 : i32 to index
        %get3A_2402 = arith.index_cast %add3A_2399 : i32 to index
        %get3A_2403 = arith.constant 32 : index
        %get3A_2404 = tpu.vector_load %arg7[%get3A_2401, %get3A_2402, %get3A_2403] {strides = array<i32>} : memref<4x208x64xf32, #tpu.memory_space<vmem>>, vector<1x1x16xf32>,
        %get3A_2405 = vector.shape_cast %get3A_2404 : vector<1x1x16xf32> to vector<16xf32>
        %mul3A_2406 = vector.broadcast %squeeze3A_2375 : f32 to vector<16xf32>
        %mul3A_2407 = arith.mulf %mul3A_2406, %get3A_2405 : vector<16xf32>
        %add3A_2408 = arith.addf %add3A_2362, %mul3A_2407 : vector<16xf32>
        %add3A_2409 = arith.constant 14 : i32
        %add3A_2410 = arith.addi %mul3A_1711, %add3A_2409 : i32
        %get3A_2411 = arith.constant 0 : i32
        %get3A_2412 = arith.index_cast %get3A_2411 : i32 to index
        %get3A_2413 = arith.index_cast %add3A_2410 : i32 to index
        %get3A_2414 = arith.constant 48 : index
        %get3A_2415 = tpu.vector_load %arg7[%get3A_2412, %get3A_2413, %get3A_2414] {strides = array<i32>} : memref<4x208x64xf32, #tpu.memory_space<vmem>>, vector<1x1x16xf32>,
        %get3A_2416 = vector.shape_cast %get3A_2415 : vector<1x1x16xf32> to vector<16xf32>
        %mul3A_2417 = vector.broadcast %squeeze3A_2375 : f32 to vector<16xf32>
        %mul3A_2418 = arith.mulf %mul3A_2417, %get3A_2416 : vector<16xf32>
        %add3A_2419 = arith.addf %add3A_2373, %mul3A_2418 : vector<16xf32>
        %slice3A_2420 = vector.extract_strided_slice %select_n3A_1729 {offsets = [15], sizes = [1], strides = [1]} : vector<16xf32> to vector<1xf32>
        %squeeze3A_2421 = vector.extract %slice3A_2420[0] : f32 from vector<1xf32>
        %add3A_2422 = arith.constant 15 : i32
        %add3A_2423 = arith.addi %mul3A_1711, %add3A_2422 : i32
        %get3A_2424 = arith.constant 0 : i32
        %get3A_2425 = arith.index_cast %get3A_2424 : i32 to index
        %get3A_2426 = arith.index_cast %add3A_2423 : i32 to index
        %get3A_2427 = arith.constant 0 : index
        %get3A_2428 = tpu.vector_load %arg7[%get3A_2425, %get3A_2426, %get3A_2427] {strides = array<i32>} : memref<4x208x64xf32, #tpu.memory_space<vmem>>, vector<1x1x16xf32>,
        %get3A_2429 = vector.shape_cast %get3A_2428 : vector<1x1x16xf32> to vector<16xf32>
        %mul3A_2430 = vector.broadcast %squeeze3A_2421 : f32 to vector<16xf32>
        %mul3A_2431 = arith.mulf %mul3A_2430, %get3A_2429 : vector<16xf32>
        %add3A_2432 = arith.addf %add3A_2386, %mul3A_2431 : vector<16xf32>
        %add3A_2433 = arith.constant 15 : i32
        %add3A_2434 = arith.addi %mul3A_1711, %add3A_2433 : i32
        %get3A_2435 = arith.constant 0 : i32
        %get3A_2436 = arith.index_cast %get3A_2435 : i32 to index
        %get3A_2437 = arith.index_cast %add3A_2434 : i32 to index
        %get3A_2438 = arith.constant 16 : index
        %get3A_2439 = tpu.vector_load %arg7[%get3A_2436, %get3A_2437, %get3A_2438] {strides = array<i32>} : memref<4x208x64xf32, #tpu.memory_space<vmem>>, vector<1x1x16xf32>,
        %get3A_2440 = vector.shape_cast %get3A_2439 : vector<1x1x16xf32> to vector<16xf32>
        %mul3A_2441 = vector.broadcast %squeeze3A_2421 : f32 to vector<16xf32>
        %mul3A_2442 = arith.mulf %mul3A_2441, %get3A_2440 : vector<16xf32>
        %add3A_2443 = arith.addf %add3A_2397, %mul3A_2442 : vector<16xf32>
        %add3A_2444 = arith.constant 15 : i32
        %add3A_2445 = arith.addi %mul3A_1711, %add3A_2444 : i32
        %get3A_2446 = arith.constant 0 : i32
        %get3A_2447 = arith.index_cast %get3A_2446 : i32 to index
        %get3A_2448 = arith.index_cast %add3A_2445 : i32 to index
        %get3A_2449 = arith.constant 32 : index
        %get3A_2450 = tpu.vector_load %arg7[%get3A_2447, %get3A_2448, %get3A_2449] {strides = array<i32>} : memref<4x208x64xf32, #tpu.memory_space<vmem>>, vector<1x1x16xf32>,
        %get3A_2451 = vector.shape_cast %get3A_2450 : vector<1x1x16xf32> to vector<16xf32>
        %mul3A_2452 = vector.broadcast %squeeze3A_2421 : f32 to vector<16xf32>
        %mul3A_2453 = arith.mulf %mul3A_2452, %get3A_2451 : vector<16xf32>
        %add3A_2454 = arith.addf %add3A_2408, %mul3A_2453 : vector<16xf32>
        %add3A_2455 = arith.constant 15 : i32
        %add3A_2456 = arith.addi %mul3A_1711, %add3A_2455 : i32
        %get3A_2457 = arith.constant 0 : i32
        %get3A_2458 = arith.index_cast %get3A_2457 : i32 to index
        %get3A_2459 = arith.index_cast %add3A_2456 : i32 to index
        %get3A_2460 = arith.constant 48 : index
        %get3A_2461 = tpu.vector_load %arg7[%get3A_2458, %get3A_2459, %get3A_2460] {strides = array<i32>} : memref<4x208x64xf32, #tpu.memory_space<vmem>>, vector<1x1x16xf32>,
        %get3A_2462 = vector.shape_cast %get3A_2461 : vector<1x1x16xf32> to vector<16xf32>
        %mul3A_2463 = vector.broadcast %squeeze3A_2421 : f32 to vector<16xf32>
        %mul3A_2464 = arith.mulf %mul3A_2463, %get3A_2462 : vector<16xf32>
        %add3A_2465 = arith.addf %add3A_2419, %mul3A_2464 : vector<16xf32>
        scf.yield %add3A_2432, %add3A_2443, %add3A_2454, %add3A_2465 : vector<16xf32>, vector<16xf32>, vector<16xf32>, vector<16xf32>
      }
      %scan3A_81 = arith.constant 12 : i32
      %mul3A_82 = arith.constant 208 : i32
      %mul3A_83 = arith.muli %add3A_48, %mul3A_82 : i32
      %add3A_84 = arith.constant 192 : i32
      %add3A_85 = arith.addi %mul3A_83, %add3A_84 : i32
      %get3A = arith.index_cast %add3A_85 : i32 to index
      %get3A_86 = tpu.vector_load %arg8[%get3A] {strides = array<i32>} : memref<26624xf32, #tpu.memory_space<vmem>>, vector<16xf32>,
      %get3A_87 = vector.shape_cast %get3A_86 : vector<16xf32> to vector<16xf32>
      %mul3A_88 = arith.constant 208 : i32
      %mul3A_89 = arith.muli %add3A_48, %mul3A_88 : i32
      %add3A_90 = arith.constant 192 : i32
      %add3A_91 = arith.addi %mul3A_89, %add3A_90 : i32
      %get3A_92 = arith.index_cast %add3A_91 : i32 to index
      %get3A_93 = tpu.vector_load %arg6[%get3A_92] {strides = array<i32>} : memref<26624xi32, #tpu.memory_space<vmem>>, vector<16xi32>,
      %get3A_94 = vector.shape_cast %get3A_93 : vector<16xi32> to vector<16xi32>
      %eq3A = arith.constant 0 : i32
      %eq3A_95 = vector.broadcast %eq3A : i32 to vector<16xi32>
      %eq3A_96 = arith.cmpi eq, %get3A_94, %eq3A_95 : vector<16xi32>
      %jit3A = arith.constant 0.000000e+00 : f32
      %broadcast_in_dim3A_97 = vector.broadcast %jit3A : f32 to vector<16xf32>
      %select_n3A = arith.select %eq3A_96, %broadcast_in_dim3A_97, %get3A_87 : vector<16xi1>, vector<16xf32>
      %slice3A = vector.extract_strided_slice %select_n3A {offsets = [0], sizes = [1], strides = [1]} : vector<16xf32> to vector<1xf32>
      %squeeze3A = vector.extract %slice3A[0] : f32 from vector<1xf32>
      %get3A_98 = arith.constant 0 : i32
      %get3A_99 = arith.constant 192 : i32
      %get3A_100 = arith.index_cast %get3A_98 : i32 to index
      %get3A_101 = arith.index_cast %get3A_99 : i32 to index
      %get3A_102 = arith.constant 0 : index
      %get3A_103 = tpu.vector_load %arg7[%get3A_100, %get3A_101, %get3A_102] {strides = array<i32>} : memref<4x208x64xf32, #tpu.memory_space<vmem>>, vector<1x1x16xf32>,
      %get3A_104 = vector.shape_cast %get3A_103 : vector<1x1x16xf32> to vector<16xf32>
      %mul3A_105 = vector.broadcast %squeeze3A : f32 to vector<16xf32>
      %mul3A_106 = arith.mulf %mul3A_105, %get3A_104 : vector<16xf32>
      %add3A_107 = arith.addf %scan3A_80#0, %mul3A_106 : vector<16xf32>
      %get3A_108 = arith.constant 0 : i32
      %get3A_109 = arith.constant 192 : i32
      %get3A_110 = arith.index_cast %get3A_108 : i32 to index
      %get3A_111 = arith.index_cast %get3A_109 : i32 to index
      %get3A_112 = arith.constant 16 : index
      %get3A_113 = tpu.vector_load %arg7[%get3A_110, %get3A_111, %get3A_112] {strides = array<i32>} : memref<4x208x64xf32, #tpu.memory_space<vmem>>, vector<1x1x16xf32>,
      %get3A_114 = vector.shape_cast %get3A_113 : vector<1x1x16xf32> to vector<16xf32>
      %mul3A_115 = vector.broadcast %squeeze3A : f32 to vector<16xf32>
      %mul3A_116 = arith.mulf %mul3A_115, %get3A_114 : vector<16xf32>
      %add3A_117 = arith.addf %scan3A_80#1, %mul3A_116 : vector<16xf32>
      %get3A_118 = arith.constant 0 : i32
      %get3A_119 = arith.constant 192 : i32
      %get3A_120 = arith.index_cast %get3A_118 : i32 to index
      %get3A_121 = arith.index_cast %get3A_119 : i32 to index
      %get3A_122 = arith.constant 32 : index
      %get3A_123 = tpu.vector_load %arg7[%get3A_120, %get3A_121, %get3A_122] {strides = array<i32>} : memref<4x208x64xf32, #tpu.memory_space<vmem>>, vector<1x1x16xf32>,
      %get3A_124 = vector.shape_cast %get3A_123 : vector<1x1x16xf32> to vector<16xf32>
      %mul3A_125 = vector.broadcast %squeeze3A : f32 to vector<16xf32>
      %mul3A_126 = arith.mulf %mul3A_125, %get3A_124 : vector<16xf32>
      %add3A_127 = arith.addf %scan3A_80#2, %mul3A_126 : vector<16xf32>
      %get3A_128 = arith.constant 0 : i32
      %get3A_129 = arith.constant 192 : i32
      %get3A_130 = arith.index_cast %get3A_128 : i32 to index
      %get3A_131 = arith.index_cast %get3A_129 : i32 to index
      %get3A_132 = arith.constant 48 : index
      %get3A_133 = tpu.vector_load %arg7[%get3A_130, %get3A_131, %get3A_132] {strides = array<i32>} : memref<4x208x64xf32, #tpu.memory_space<vmem>>, vector<1x1x16xf32>,
      %get3A_134 = vector.shape_cast %get3A_133 : vector<1x1x16xf32> to vector<16xf32>
      %mul3A_135 = vector.broadcast %squeeze3A : f32 to vector<16xf32>
      %mul3A_136 = arith.mulf %mul3A_135, %get3A_134 : vector<16xf32>
      %add3A_137 = arith.addf %scan3A_80#3, %mul3A_136 : vector<16xf32>
      %slice3A_138 = vector.extract_strided_slice %select_n3A {offsets = [1], sizes = [1], strides = [1]} : vector<16xf32> to vector<1xf32>
      %squeeze3A_139 = vector.extract %slice3A_138[0] : f32 from vector<1xf32>
      %get3A_140 = arith.constant 0 : i32
      %get3A_141 = arith.constant 193 : i32
      %get3A_142 = arith.index_cast %get3A_140 : i32 to index
      %get3A_143 = arith.index_cast %get3A_141 : i32 to index
      %get3A_144 = arith.constant 0 : index
      %get3A_145 = tpu.vector_load %arg7[%get3A_142, %get3A_143, %get3A_144] {strides = array<i32>} : memref<4x208x64xf32, #tpu.memory_space<vmem>>, vector<1x1x16xf32>,
      %get3A_146 = vector.shape_cast %get3A_145 : vector<1x1x16xf32> to vector<16xf32>
      %mul3A_147 = vector.broadcast %squeeze3A_139 : f32 to vector<16xf32>
      %mul3A_148 = arith.mulf %mul3A_147, %get3A_146 : vector<16xf32>
      %add3A_149 = arith.addf %add3A_107, %mul3A_148 : vector<16xf32>
      %get3A_150 = arith.constant 0 : i32
      %get3A_151 = arith.constant 193 : i32
      %get3A_152 = arith.index_cast %get3A_150 : i32 to index
      %get3A_153 = arith.index_cast %get3A_151 : i32 to index
      %get3A_154 = arith.constant 16 : index
      %get3A_155 = tpu.vector_load %arg7[%get3A_152, %get3A_153, %get3A_154] {strides = array<i32>} : memref<4x208x64xf32, #tpu.memory_space<vmem>>, vector<1x1x16xf32>,
      %get3A_156 = vector.shape_cast %get3A_155 : vector<1x1x16xf32> to vector<16xf32>
      %mul3A_157 = vector.broadcast %squeeze3A_139 : f32 to vector<16xf32>
      %mul3A_158 = arith.mulf %mul3A_157, %get3A_156 : vector<16xf32>
      %add3A_159 = arith.addf %add3A_117, %mul3A_158 : vector<16xf32>
      %get3A_160 = arith.constant 0 : i32
      %get3A_161 = arith.constant 193 : i32
      %get3A_162 = arith.index_cast %get3A_160 : i32 to index
      %get3A_163 = arith.index_cast %get3A_161 : i32 to index
      %get3A_164 = arith.constant 32 : index
      %get3A_165 = tpu.vector_load %arg7[%get3A_162, %get3A_163, %get3A_164] {strides = array<i32>} : memref<4x208x64xf32, #tpu.memory_space<vmem>>, vector<1x1x16xf32>,
      %get3A_166 = vector.shape_cast %get3A_165 : vector<1x1x16xf32> to vector<16xf32>
      %mul3A_167 = vector.broadcast %squeeze3A_139 : f32 to vector<16xf32>
      %mul3A_168 = arith.mulf %mul3A_167, %get3A_166 : vector<16xf32>
      %add3A_169 = arith.addf %add3A_127, %mul3A_168 : vector<16xf32>
      %get3A_170 = arith.constant 0 : i32
      %get3A_171 = arith.constant 193 : i32
      %get3A_172 = arith.index_cast %get3A_170 : i32 to index
      %get3A_173 = arith.index_cast %get3A_171 : i32 to index
      %get3A_174 = arith.constant 48 : index
      %get3A_175 = tpu.vector_load %arg7[%get3A_172, %get3A_173, %get3A_174] {strides = array<i32>} : memref<4x208x64xf32, #tpu.memory_space<vmem>>, vector<1x1x16xf32>,
      %get3A_176 = vector.shape_cast %get3A_175 : vector<1x1x16xf32> to vector<16xf32>
      %mul3A_177 = vector.broadcast %squeeze3A_139 : f32 to vector<16xf32>
      %mul3A_178 = arith.mulf %mul3A_177, %get3A_176 : vector<16xf32>
      %add3A_179 = arith.addf %add3A_137, %mul3A_178 : vector<16xf32>
      %slice3A_180 = vector.extract_strided_slice %select_n3A {offsets = [2], sizes = [1], strides = [1]} : vector<16xf32> to vector<1xf32>
      %squeeze3A_181 = vector.extract %slice3A_180[0] : f32 from vector<1xf32>
      %get3A_182 = arith.constant 0 : i32
      %get3A_183 = arith.constant 194 : i32
      %get3A_184 = arith.index_cast %get3A_182 : i32 to index
      %get3A_185 = arith.index_cast %get3A_183 : i32 to index
      %get3A_186 = arith.constant 0 : index
      %get3A_187 = tpu.vector_load %arg7[%get3A_184, %get3A_185, %get3A_186] {strides = array<i32>} : memref<4x208x64xf32, #tpu.memory_space<vmem>>, vector<1x1x16xf32>,
      %get3A_188 = vector.shape_cast %get3A_187 : vector<1x1x16xf32> to vector<16xf32>
      %mul3A_189 = vector.broadcast %squeeze3A_181 : f32 to vector<16xf32>
      %mul3A_190 = arith.mulf %mul3A_189, %get3A_188 : vector<16xf32>
      %add3A_191 = arith.addf %add3A_149, %mul3A_190 : vector<16xf32>
      %get3A_192 = arith.constant 0 : i32
      %get3A_193 = arith.constant 194 : i32
      %get3A_194 = arith.index_cast %get3A_192 : i32 to index
      %get3A_195 = arith.index_cast %get3A_193 : i32 to index
      %get3A_196 = arith.constant 16 : index
      %get3A_197 = tpu.vector_load %arg7[%get3A_194, %get3A_195, %get3A_196] {strides = array<i32>} : memref<4x208x64xf32, #tpu.memory_space<vmem>>, vector<1x1x16xf32>,
      %get3A_198 = vector.shape_cast %get3A_197 : vector<1x1x16xf32> to vector<16xf32>
      %mul3A_199 = vector.broadcast %squeeze3A_181 : f32 to vector<16xf32>
      %mul3A_200 = arith.mulf %mul3A_199, %get3A_198 : vector<16xf32>
      %add3A_201 = arith.addf %add3A_159, %mul3A_200 : vector<16xf32>
      %get3A_202 = arith.constant 0 : i32
      %get3A_203 = arith.constant 194 : i32
      %get3A_204 = arith.index_cast %get3A_202 : i32 to index
      %get3A_205 = arith.index_cast %get3A_203 : i32 to index
      %get3A_206 = arith.constant 32 : index
      %get3A_207 = tpu.vector_load %arg7[%get3A_204, %get3A_205, %get3A_206] {strides = array<i32>} : memref<4x208x64xf32, #tpu.memory_space<vmem>>, vector<1x1x16xf32>,
      %get3A_208 = vector.shape_cast %get3A_207 : vector<1x1x16xf32> to vector<16xf32>
      %mul3A_209 = vector.broadcast %squeeze3A_181 : f32 to vector<16xf32>
      %mul3A_210 = arith.mulf %mul3A_209, %get3A_208 : vector<16xf32>
      %add3A_211 = arith.addf %add3A_169, %mul3A_210 : vector<16xf32>
      %get3A_212 = arith.constant 0 : i32
      %get3A_213 = arith.constant 194 : i32
      %get3A_214 = arith.index_cast %get3A_212 : i32 to index
      %get3A_215 = arith.index_cast %get3A_213 : i32 to index
      %get3A_216 = arith.constant 48 : index
      %get3A_217 = tpu.vector_load %arg7[%get3A_214, %get3A_215, %get3A_216] {strides = array<i32>} : memref<4x208x64xf32, #tpu.memory_space<vmem>>, vector<1x1x16xf32>,
      %get3A_218 = vector.shape_cast %get3A_217 : vector<1x1x16xf32> to vector<16xf32>
      %mul3A_219 = vector.broadcast %squeeze3A_181 : f32 to vector<16xf32>
      %mul3A_220 = arith.mulf %mul3A_219, %get3A_218 : vector<16xf32>
      %add3A_221 = arith.addf %add3A_179, %mul3A_220 : vector<16xf32>
      %slice3A_222 = vector.extract_strided_slice %select_n3A {offsets = [3], sizes = [1], strides = [1]} : vector<16xf32> to vector<1xf32>
      %squeeze3A_223 = vector.extract %slice3A_222[0] : f32 from vector<1xf32>
      %get3A_224 = arith.constant 0 : i32
      %get3A_225 = arith.constant 195 : i32
      %get3A_226 = arith.index_cast %get3A_224 : i32 to index
      %get3A_227 = arith.index_cast %get3A_225 : i32 to index
      %get3A_228 = arith.constant 0 : index
      %get3A_229 = tpu.vector_load %arg7[%get3A_226, %get3A_227, %get3A_228] {strides = array<i32>} : memref<4x208x64xf32, #tpu.memory_space<vmem>>, vector<1x1x16xf32>,
      %get3A_230 = vector.shape_cast %get3A_229 : vector<1x1x16xf32> to vector<16xf32>
      %mul3A_231 = vector.broadcast %squeeze3A_223 : f32 to vector<16xf32>
      %mul3A_232 = arith.mulf %mul3A_231, %get3A_230 : vector<16xf32>
      %add3A_233 = arith.addf %add3A_191, %mul3A_232 : vector<16xf32>
      %get3A_234 = arith.constant 0 : i32
      %get3A_235 = arith.constant 195 : i32
      %get3A_236 = arith.index_cast %get3A_234 : i32 to index
      %get3A_237 = arith.index_cast %get3A_235 : i32 to index
      %get3A_238 = arith.constant 16 : index
      %get3A_239 = tpu.vector_load %arg7[%get3A_236, %get3A_237, %get3A_238] {strides = array<i32>} : memref<4x208x64xf32, #tpu.memory_space<vmem>>, vector<1x1x16xf32>,
      %get3A_240 = vector.shape_cast %get3A_239 : vector<1x1x16xf32> to vector<16xf32>
      %mul3A_241 = vector.broadcast %squeeze3A_223 : f32 to vector<16xf32>
      %mul3A_242 = arith.mulf %mul3A_241, %get3A_240 : vector<16xf32>
      %add3A_243 = arith.addf %add3A_201, %mul3A_242 : vector<16xf32>
      %get3A_244 = arith.constant 0 : i32
      %get3A_245 = arith.constant 195 : i32
      %get3A_246 = arith.index_cast %get3A_244 : i32 to index
      %get3A_247 = arith.index_cast %get3A_245 : i32 to index
      %get3A_248 = arith.constant 32 : index
      %get3A_249 = tpu.vector_load %arg7[%get3A_246, %get3A_247, %get3A_248] {strides = array<i32>} : memref<4x208x64xf32, #tpu.memory_space<vmem>>, vector<1x1x16xf32>,
      %get3A_250 = vector.shape_cast %get3A_249 : vector<1x1x16xf32> to vector<16xf32>
      %mul3A_251 = vector.broadcast %squeeze3A_223 : f32 to vector<16xf32>
      %mul3A_252 = arith.mulf %mul3A_251, %get3A_250 : vector<16xf32>
      %add3A_253 = arith.addf %add3A_211, %mul3A_252 : vector<16xf32>
      %get3A_254 = arith.constant 0 : i32
      %get3A_255 = arith.constant 195 : i32
      %get3A_256 = arith.index_cast %get3A_254 : i32 to index
      %get3A_257 = arith.index_cast %get3A_255 : i32 to index
      %get3A_258 = arith.constant 48 : index
      %get3A_259 = tpu.vector_load %arg7[%get3A_256, %get3A_257, %get3A_258] {strides = array<i32>} : memref<4x208x64xf32, #tpu.memory_space<vmem>>, vector<1x1x16xf32>,
      %get3A_260 = vector.shape_cast %get3A_259 : vector<1x1x16xf32> to vector<16xf32>
      %mul3A_261 = vector.broadcast %squeeze3A_223 : f32 to vector<16xf32>
      %mul3A_262 = arith.mulf %mul3A_261, %get3A_260 : vector<16xf32>
      %add3A_263 = arith.addf %add3A_221, %mul3A_262 : vector<16xf32>
      %slice3A_264 = vector.extract_strided_slice %select_n3A {offsets = [4], sizes = [1], strides = [1]} : vector<16xf32> to vector<1xf32>
      %squeeze3A_265 = vector.extract %slice3A_264[0] : f32 from vector<1xf32>
      %get3A_266 = arith.constant 0 : i32
      %get3A_267 = arith.constant 196 : i32
      %get3A_268 = arith.index_cast %get3A_266 : i32 to index
      %get3A_269 = arith.index_cast %get3A_267 : i32 to index
      %get3A_270 = arith.constant 0 : index
      %get3A_271 = tpu.vector_load %arg7[%get3A_268, %get3A_269, %get3A_270] {strides = array<i32>} : memref<4x208x64xf32, #tpu.memory_space<vmem>>, vector<1x1x16xf32>,
      %get3A_272 = vector.shape_cast %get3A_271 : vector<1x1x16xf32> to vector<16xf32>
      %mul3A_273 = vector.broadcast %squeeze3A_265 : f32 to vector<16xf32>
      %mul3A_274 = arith.mulf %mul3A_273, %get3A_272 : vector<16xf32>
      %add3A_275 = arith.addf %add3A_233, %mul3A_274 : vector<16xf32>
      %get3A_276 = arith.constant 0 : i32
      %get3A_277 = arith.constant 196 : i32
      %get3A_278 = arith.index_cast %get3A_276 : i32 to index
      %get3A_279 = arith.index_cast %get3A_277 : i32 to index
      %get3A_280 = arith.constant 16 : index
      %get3A_281 = tpu.vector_load %arg7[%get3A_278, %get3A_279, %get3A_280] {strides = array<i32>} : memref<4x208x64xf32, #tpu.memory_space<vmem>>, vector<1x1x16xf32>,
      %get3A_282 = vector.shape_cast %get3A_281 : vector<1x1x16xf32> to vector<16xf32>
      %mul3A_283 = vector.broadcast %squeeze3A_265 : f32 to vector<16xf32>
      %mul3A_284 = arith.mulf %mul3A_283, %get3A_282 : vector<16xf32>
      %add3A_285 = arith.addf %add3A_243, %mul3A_284 : vector<16xf32>
      %get3A_286 = arith.constant 0 : i32
      %get3A_287 = arith.constant 196 : i32
      %get3A_288 = arith.index_cast %get3A_286 : i32 to index
      %get3A_289 = arith.index_cast %get3A_287 : i32 to index
      %get3A_290 = arith.constant 32 : index
      %get3A_291 = tpu.vector_load %arg7[%get3A_288, %get3A_289, %get3A_290] {strides = array<i32>} : memref<4x208x64xf32, #tpu.memory_space<vmem>>, vector<1x1x16xf32>,
      %get3A_292 = vector.shape_cast %get3A_291 : vector<1x1x16xf32> to vector<16xf32>
      %mul3A_293 = vector.broadcast %squeeze3A_265 : f32 to vector<16xf32>
      %mul3A_294 = arith.mulf %mul3A_293, %get3A_292 : vector<16xf32>
      %add3A_295 = arith.addf %add3A_253, %mul3A_294 : vector<16xf32>
      %get3A_296 = arith.constant 0 : i32
      %get3A_297 = arith.constant 196 : i32
      %get3A_298 = arith.index_cast %get3A_296 : i32 to index
      %get3A_299 = arith.index_cast %get3A_297 : i32 to index
      %get3A_300 = arith.constant 48 : index
      %get3A_301 = tpu.vector_load %arg7[%get3A_298, %get3A_299, %get3A_300] {strides = array<i32>} : memref<4x208x64xf32, #tpu.memory_space<vmem>>, vector<1x1x16xf32>,
      %get3A_302 = vector.shape_cast %get3A_301 : vector<1x1x16xf32> to vector<16xf32>
      %mul3A_303 = vector.broadcast %squeeze3A_265 : f32 to vector<16xf32>
      %mul3A_304 = arith.mulf %mul3A_303, %get3A_302 : vector<16xf32>
      %add3A_305 = arith.addf %add3A_263, %mul3A_304 : vector<16xf32>
      %slice3A_306 = vector.extract_strided_slice %select_n3A {offsets = [5], sizes = [1], strides = [1]} : vector<16xf32> to vector<1xf32>
      %squeeze3A_307 = vector.extract %slice3A_306[0] : f32 from vector<1xf32>
      %get3A_308 = arith.constant 0 : i32
      %get3A_309 = arith.constant 197 : i32
      %get3A_310 = arith.index_cast %get3A_308 : i32 to index
      %get3A_311 = arith.index_cast %get3A_309 : i32 to index
      %get3A_312 = arith.constant 0 : index
      %get3A_313 = tpu.vector_load %arg7[%get3A_310, %get3A_311, %get3A_312] {strides = array<i32>} : memref<4x208x64xf32, #tpu.memory_space<vmem>>, vector<1x1x16xf32>,
      %get3A_314 = vector.shape_cast %get3A_313 : vector<1x1x16xf32> to vector<16xf32>
      %mul3A_315 = vector.broadcast %squeeze3A_307 : f32 to vector<16xf32>
      %mul3A_316 = arith.mulf %mul3A_315, %get3A_314 : vector<16xf32>
      %add3A_317 = arith.addf %add3A_275, %mul3A_316 : vector<16xf32>
      %get3A_318 = arith.constant 0 : i32
      %get3A_319 = arith.constant 197 : i32
      %get3A_320 = arith.index_cast %get3A_318 : i32 to index
      %get3A_321 = arith.index_cast %get3A_319 : i32 to index
      %get3A_322 = arith.constant 16 : index
      %get3A_323 = tpu.vector_load %arg7[%get3A_320, %get3A_321, %get3A_322] {strides = array<i32>} : memref<4x208x64xf32, #tpu.memory_space<vmem>>, vector<1x1x16xf32>,
      %get3A_324 = vector.shape_cast %get3A_323 : vector<1x1x16xf32> to vector<16xf32>
      %mul3A_325 = vector.broadcast %squeeze3A_307 : f32 to vector<16xf32>
      %mul3A_326 = arith.mulf %mul3A_325, %get3A_324 : vector<16xf32>
      %add3A_327 = arith.addf %add3A_285, %mul3A_326 : vector<16xf32>
      %get3A_328 = arith.constant 0 : i32
      %get3A_329 = arith.constant 197 : i32
      %get3A_330 = arith.index_cast %get3A_328 : i32 to index
      %get3A_331 = arith.index_cast %get3A_329 : i32 to index
      %get3A_332 = arith.constant 32 : index
      %get3A_333 = tpu.vector_load %arg7[%get3A_330, %get3A_331, %get3A_332] {strides = array<i32>} : memref<4x208x64xf32, #tpu.memory_space<vmem>>, vector<1x1x16xf32>,
      %get3A_334 = vector.shape_cast %get3A_333 : vector<1x1x16xf32> to vector<16xf32>
      %mul3A_335 = vector.broadcast %squeeze3A_307 : f32 to vector<16xf32>
      %mul3A_336 = arith.mulf %mul3A_335, %get3A_334 : vector<16xf32>
      %add3A_337 = arith.addf %add3A_295, %mul3A_336 : vector<16xf32>
      %get3A_338 = arith.constant 0 : i32
      %get3A_339 = arith.constant 197 : i32
      %get3A_340 = arith.index_cast %get3A_338 : i32 to index
      %get3A_341 = arith.index_cast %get3A_339 : i32 to index
      %get3A_342 = arith.constant 48 : index
      %get3A_343 = tpu.vector_load %arg7[%get3A_340, %get3A_341, %get3A_342] {strides = array<i32>} : memref<4x208x64xf32, #tpu.memory_space<vmem>>, vector<1x1x16xf32>,
      %get3A_344 = vector.shape_cast %get3A_343 : vector<1x1x16xf32> to vector<16xf32>
      %mul3A_345 = vector.broadcast %squeeze3A_307 : f32 to vector<16xf32>
      %mul3A_346 = arith.mulf %mul3A_345, %get3A_344 : vector<16xf32>
      %add3A_347 = arith.addf %add3A_305, %mul3A_346 : vector<16xf32>
      %slice3A_348 = vector.extract_strided_slice %select_n3A {offsets = [6], sizes = [1], strides = [1]} : vector<16xf32> to vector<1xf32>
      %squeeze3A_349 = vector.extract %slice3A_348[0] : f32 from vector<1xf32>
      %get3A_350 = arith.constant 0 : i32
      %get3A_351 = arith.constant 198 : i32
      %get3A_352 = arith.index_cast %get3A_350 : i32 to index
      %get3A_353 = arith.index_cast %get3A_351 : i32 to index
      %get3A_354 = arith.constant 0 : index
      %get3A_355 = tpu.vector_load %arg7[%get3A_352, %get3A_353, %get3A_354] {strides = array<i32>} : memref<4x208x64xf32, #tpu.memory_space<vmem>>, vector<1x1x16xf32>,
      %get3A_356 = vector.shape_cast %get3A_355 : vector<1x1x16xf32> to vector<16xf32>
      %mul3A_357 = vector.broadcast %squeeze3A_349 : f32 to vector<16xf32>
      %mul3A_358 = arith.mulf %mul3A_357, %get3A_356 : vector<16xf32>
      %add3A_359 = arith.addf %add3A_317, %mul3A_358 : vector<16xf32>
      %get3A_360 = arith.constant 0 : i32
      %get3A_361 = arith.constant 198 : i32
      %get3A_362 = arith.index_cast %get3A_360 : i32 to index
      %get3A_363 = arith.index_cast %get3A_361 : i32 to index
      %get3A_364 = arith.constant 16 : index
      %get3A_365 = tpu.vector_load %arg7[%get3A_362, %get3A_363, %get3A_364] {strides = array<i32>} : memref<4x208x64xf32, #tpu.memory_space<vmem>>, vector<1x1x16xf32>,
      %get3A_366 = vector.shape_cast %get3A_365 : vector<1x1x16xf32> to vector<16xf32>
      %mul3A_367 = vector.broadcast %squeeze3A_349 : f32 to vector<16xf32>
      %mul3A_368 = arith.mulf %mul3A_367, %get3A_366 : vector<16xf32>
      %add3A_369 = arith.addf %add3A_327, %mul3A_368 : vector<16xf32>
      %get3A_370 = arith.constant 0 : i32
      %get3A_371 = arith.constant 198 : i32
      %get3A_372 = arith.index_cast %get3A_370 : i32 to index
      %get3A_373 = arith.index_cast %get3A_371 : i32 to index
      %get3A_374 = arith.constant 32 : index
      %get3A_375 = tpu.vector_load %arg7[%get3A_372, %get3A_373, %get3A_374] {strides = array<i32>} : memref<4x208x64xf32, #tpu.memory_space<vmem>>, vector<1x1x16xf32>,
      %get3A_376 = vector.shape_cast %get3A_375 : vector<1x1x16xf32> to vector<16xf32>
      %mul3A_377 = vector.broadcast %squeeze3A_349 : f32 to vector<16xf32>
      %mul3A_378 = arith.mulf %mul3A_377, %get3A_376 : vector<16xf32>
      %add3A_379 = arith.addf %add3A_337, %mul3A_378 : vector<16xf32>
      %get3A_380 = arith.constant 0 : i32
      %get3A_381 = arith.constant 198 : i32
      %get3A_382 = arith.index_cast %get3A_380 : i32 to index
      %get3A_383 = arith.index_cast %get3A_381 : i32 to index
      %get3A_384 = arith.constant 48 : index
      %get3A_385 = tpu.vector_load %arg7[%get3A_382, %get3A_383, %get3A_384] {strides = array<i32>} : memref<4x208x64xf32, #tpu.memory_space<vmem>>, vector<1x1x16xf32>,
      %get3A_386 = vector.shape_cast %get3A_385 : vector<1x1x16xf32> to vector<16xf32>
      %mul3A_387 = vector.broadcast %squeeze3A_349 : f32 to vector<16xf32>
      %mul3A_388 = arith.mulf %mul3A_387, %get3A_386 : vector<16xf32>
      %add3A_389 = arith.addf %add3A_347, %mul3A_388 : vector<16xf32>
      %slice3A_390 = vector.extract_strided_slice %select_n3A {offsets = [7], sizes = [1], strides = [1]} : vector<16xf32> to vector<1xf32>
      %squeeze3A_391 = vector.extract %slice3A_390[0] : f32 from vector<1xf32>
      %get3A_392 = arith.constant 0 : i32
      %get3A_393 = arith.constant 199 : i32
      %get3A_394 = arith.index_cast %get3A_392 : i32 to index
      %get3A_395 = arith.index_cast %get3A_393 : i32 to index
      %get3A_396 = arith.constant 0 : index
      %get3A_397 = tpu.vector_load %arg7[%get3A_394, %get3A_395, %get3A_396] {strides = array<i32>} : memref<4x208x64xf32, #tpu.memory_space<vmem>>, vector<1x1x16xf32>,
      %get3A_398 = vector.shape_cast %get3A_397 : vector<1x1x16xf32> to vector<16xf32>
      %mul3A_399 = vector.broadcast %squeeze3A_391 : f32 to vector<16xf32>
      %mul3A_400 = arith.mulf %mul3A_399, %get3A_398 : vector<16xf32>
      %add3A_401 = arith.addf %add3A_359, %mul3A_400 : vector<16xf32>
      %get3A_402 = arith.constant 0 : i32
      %get3A_403 = arith.constant 199 : i32
      %get3A_404 = arith.index_cast %get3A_402 : i32 to index
      %get3A_405 = arith.index_cast %get3A_403 : i32 to index
      %get3A_406 = arith.constant 16 : index
      %get3A_407 = tpu.vector_load %arg7[%get3A_404, %get3A_405, %get3A_406] {strides = array<i32>} : memref<4x208x64xf32, #tpu.memory_space<vmem>>, vector<1x1x16xf32>,
      %get3A_408 = vector.shape_cast %get3A_407 : vector<1x1x16xf32> to vector<16xf32>
      %mul3A_409 = vector.broadcast %squeeze3A_391 : f32 to vector<16xf32>
      %mul3A_410 = arith.mulf %mul3A_409, %get3A_408 : vector<16xf32>
      %add3A_411 = arith.addf %add3A_369, %mul3A_410 : vector<16xf32>
      %get3A_412 = arith.constant 0 : i32
      %get3A_413 = arith.constant 199 : i32
      %get3A_414 = arith.index_cast %get3A_412 : i32 to index
      %get3A_415 = arith.index_cast %get3A_413 : i32 to index
      %get3A_416 = arith.constant 32 : index
      %get3A_417 = tpu.vector_load %arg7[%get3A_414, %get3A_415, %get3A_416] {strides = array<i32>} : memref<4x208x64xf32, #tpu.memory_space<vmem>>, vector<1x1x16xf32>,
      %get3A_418 = vector.shape_cast %get3A_417 : vector<1x1x16xf32> to vector<16xf32>
      %mul3A_419 = vector.broadcast %squeeze3A_391 : f32 to vector<16xf32>
      %mul3A_420 = arith.mulf %mul3A_419, %get3A_418 : vector<16xf32>
      %add3A_421 = arith.addf %add3A_379, %mul3A_420 : vector<16xf32>
      %get3A_422 = arith.constant 0 : i32
      %get3A_423 = arith.constant 199 : i32
      %get3A_424 = arith.index_cast %get3A_422 : i32 to index
      %get3A_425 = arith.index_cast %get3A_423 : i32 to index
      %get3A_426 = arith.constant 48 : index
      %get3A_427 = tpu.vector_load %arg7[%get3A_424, %get3A_425, %get3A_426] {strides = array<i32>} : memref<4x208x64xf32, #tpu.memory_space<vmem>>, vector<1x1x16xf32>,
      %get3A_428 = vector.shape_cast %get3A_427 : vector<1x1x16xf32> to vector<16xf32>
      %mul3A_429 = vector.broadcast %squeeze3A_391 : f32 to vector<16xf32>
      %mul3A_430 = arith.mulf %mul3A_429, %get3A_428 : vector<16xf32>
      %add3A_431 = arith.addf %add3A_389, %mul3A_430 : vector<16xf32>
      %swap3A = arith.index_cast %add3A_48 : i32 to index
      %swap3A_432 = arith.constant 0 : index
      %swap3A_433 = tpu.vector_load %arg9[%swap3A, %swap3A_432] {strides = array<i32>} : memref<128x64xf32, #tpu.memory_space<vmem>>, vector<1x16xf32>,
      %swap3A_434 = vector.shape_cast %swap3A_433 : vector<1x16xf32> to vector<16xf32>
      %swap3A_435 = vector.shape_cast %add3A_401 : vector<16xf32> to vector<1x16xf32>
      tpu.vector_store %arg9[%swap3A, %swap3A_432], %swap3A_435 {strides = array<i32>} : memref<128x64xf32, #tpu.memory_space<vmem>>, vector<1x16xf32>,
      %swap3A_436 = arith.index_cast %add3A_48 : i32 to index
      %swap3A_437 = arith.constant 16 : index
      %swap3A_438 = tpu.vector_load %arg9[%swap3A_436, %swap3A_437] {strides = array<i32>} : memref<128x64xf32, #tpu.memory_space<vmem>>, vector<1x16xf32>,
      %swap3A_439 = vector.shape_cast %swap3A_438 : vector<1x16xf32> to vector<16xf32>
      %swap3A_440 = vector.shape_cast %add3A_411 : vector<16xf32> to vector<1x16xf32>
      tpu.vector_store %arg9[%swap3A_436, %swap3A_437], %swap3A_440 {strides = array<i32>} : memref<128x64xf32, #tpu.memory_space<vmem>>, vector<1x16xf32>,
      %swap3A_441 = arith.index_cast %add3A_48 : i32 to index
      %swap3A_442 = arith.constant 32 : index
      %swap3A_443 = tpu.vector_load %arg9[%swap3A_441, %swap3A_442] {strides = array<i32>} : memref<128x64xf32, #tpu.memory_space<vmem>>, vector<1x16xf32>,
      %swap3A_444 = vector.shape_cast %swap3A_443 : vector<1x16xf32> to vector<16xf32>
      %swap3A_445 = vector.shape_cast %add3A_421 : vector<16xf32> to vector<1x16xf32>
      tpu.vector_store %arg9[%swap3A_441, %swap3A_442], %swap3A_445 {strides = array<i32>} : memref<128x64xf32, #tpu.memory_space<vmem>>, vector<1x16xf32>,
      %swap3A_446 = arith.index_cast %add3A_48 : i32 to index
      %swap3A_447 = arith.constant 48 : index
      %swap3A_448 = tpu.vector_load %arg9[%swap3A_446, %swap3A_447] {strides = array<i32>} : memref<128x64xf32, #tpu.memory_space<vmem>>, vector<1x16xf32>,
      %swap3A_449 = vector.shape_cast %swap3A_448 : vector<1x16xf32> to vector<16xf32>
      %swap3A_450 = vector.shape_cast %add3A_431 : vector<16xf32> to vector<1x16xf32>
      tpu.vector_store %arg9[%swap3A_446, %swap3A_447], %swap3A_450 {strides = array<i32>} : memref<128x64xf32, #tpu.memory_space<vmem>>, vector<1x16xf32>,
      %mul3A_451 = arith.constant 4 : i32
      %mul3A_452 = arith.muli %scan3A_44, %mul3A_451 : i32
      %add3A_453 = arith.constant 1 : i32
      %add3A_454 = arith.addi %mul3A_452, %add3A_453 : i32
      %add3A_455 = arith.constant 4 : i32
      %add3A_456 = arith.addi %add3A_454, %add3A_455 : i32
      %sub3A_457 = arith.constant 1 : i32
      %sub3A_458 = arith.subi %add3A_456, %sub3A_457 : i32
      %lt3A_459 = arith.constant 128 : i32
      %lt3A_460 = arith.cmpi slt, %sub3A_458, %lt3A_459 : i32
      %convert_element_type3A_461 = arith.extui %lt3A_460 : i1 to i32
      %cond3A_462 = arith.constant 0 : i32
      %cond3A_463 = arith.cmpi ne, %convert_element_type3A_461, %cond3A_462 : i32
      scf.if %cond3A_463 {
        %add3A_1705 = arith.constant 4 : i32
        %add3A_1706 = arith.addi %add3A_454, %add3A_1705 : i32
        %sub3A_1707 = arith.constant 1 : i32
        %sub3A_1708 = arith.subi %add3A_1706, %sub3A_1707 : i32
        %mul3A_1709 = arith.constant 208 : i32
        %mul3A_1710 = arith.muli %sub3A_1708, %mul3A_1709 : i32
        %dma_start3A_1711 = arith.constant 0 : i32
        %dma_start3A_1712 = arith.constant 0 : i32
        %dma_start3A_1713 = arith.constant 0 : i32
        %dma_start3A_1714 = tpu.memref_slice %arg7[%dma_start3A_1711, %dma_start3A_1712, %dma_start3A_1713] : memref<4x208x64xf32, #tpu.memory_space<vmem>> -> memref<1x208x64xf32, #tpu.memory_space<vmem>>
        %dma_start3A_1715 = tpu.memref_squeeze %dma_start3A_1714 : memref<1x208x64xf32, #tpu.memory_space<vmem>> -> memref<208x64xf32, #tpu.memory_space<vmem>>
        %dma_start3A_1716 = tpu.memref_slice %arg6[%mul3A_1710] : memref<26624xi32, #tpu.memory_space<vmem>> -> memref<208xi32, #tpu.memory_space<vmem>>
        %dma_start3A_1717 = arith.constant 0 : i32
        %dma_start3A_1718 = arith.constant 0 : i32
        %dma_start3A_1719 = tpu.memref_slice %arg3[%dma_start3A_1717, %dma_start3A_1718] : memref<1000000x64xf32, #tpu.memory_space<hbm>> -> memref<1000000x64xf32, #tpu.memory_space<hbm>>
        tpu.enqueue_indirect_dma source(%dma_start3A_1719 : memref<1000000x64xf32, #tpu.memory_space<hbm>>) target(%dma_start3A_1715 : memref<208x64xf32, #tpu.memory_space<vmem>>) offsets(%dma_start3A_1716 : memref<208xi32, #tpu.memory_space<vmem>>) semaphore(%arg10 : memref<!tpu.dma_semaphore, #tpu.memory_space<semaphore_mem>>)
      } else {
      }
      %dma_wait3A_464 = arith.constant 1 : i32
      %dma_wait3A_465 = arith.constant 0 : i32
      %dma_wait3A_466 = arith.constant 0 : i32
      %dma_wait3A_467 = tpu.memref_slice %arg7[%dma_wait3A_464, %dma_wait3A_465, %dma_wait3A_466] : memref<4x208x64xf32, #tpu.memory_space<vmem>> -> memref<1x208x64xf32, #tpu.memory_space<vmem>>
      %dma_wait3A_468 = tpu.memref_squeeze %dma_wait3A_467 : memref<1x208x64xf32, #tpu.memory_space<vmem>> -> memref<208x64xf32, #tpu.memory_space<vmem>>
      %dma_wait3A_469 = arith.constant 0 : i32
      %dma_wait3A_470 = arith.constant 0 : i32
      %dma_wait3A_471 = tpu.memref_slice %arg3[%dma_wait3A_469, %dma_wait3A_470] : memref<1000000x64xf32, #tpu.memory_space<hbm>> -> memref<208x64xf32, #tpu.memory_space<hbm>>
      %dma_wait3A_472 = arith.constant 0 : i32
      %dma_wait3A_473 = arith.constant 0 : i32
      %dma_wait3A_474 = tpu.memref_slice %arg7[%dma_wait3A_464, %dma_wait3A_472, %dma_wait3A_473] : memref<4x208x64xf32, #tpu.memory_space<vmem>> -> memref<1x208x64xf32, #tpu.memory_space<vmem>>
      %dma_wait3A_475 = tpu.memref_squeeze %dma_wait3A_474 : memref<1x208x64xf32, #tpu.memory_space<vmem>> -> memref<208x64xf32, #tpu.memory_space<vmem>>
      %dma_wait3A_476 = arith.constant 0 : i32
      %dma_wait3A_477 = arith.constant 0 : i32
      %dma_wait3A_478 = tpu.memref_slice %arg3[%dma_wait3A_476, %dma_wait3A_477] : memref<1000000x64xf32, #tpu.memory_space<hbm>> -> memref<208x64xf32, #tpu.memory_space<hbm>>
      tpu.wait_dma2 semaphore(%arg11 : memref<!tpu.dma_semaphore, #tpu.memory_space<semaphore_mem>>) src(%dma_wait3A_478 : memref<208x64xf32, #tpu.memory_space<hbm>>) dst(%dma_wait3A_475 : memref<208x64xf32, #tpu.memory_space<vmem>>)
      %broadcast_in_dim3A_479 = arith.constant 0.000000e+00 : f32
      %broadcast_in_dim3A_480 = vector.broadcast %broadcast_in_dim3A_479 : f32 to vector<16xf32>
      %broadcast_in_dim3A_481 = arith.constant 0.000000e+00 : f32
      %broadcast_in_dim3A_482 = vector.broadcast %broadcast_in_dim3A_481 : f32 to vector<16xf32>
      %broadcast_in_dim3A_483 = arith.constant 0.000000e+00 : f32
      %broadcast_in_dim3A_484 = vector.broadcast %broadcast_in_dim3A_483 : f32 to vector<16xf32>
      %broadcast_in_dim3A_485 = arith.constant 0.000000e+00 : f32
      %broadcast_in_dim3A_486 = vector.broadcast %broadcast_in_dim3A_485 : f32 to vector<16xf32>
      %scan3A_487 = arith.constant 0 : i32
      %scan3A_488 = arith.constant 12 : i32
      %scan3A_489 = arith.addi %scan3A_487, %scan3A_488 : i32
      %scan3A_490 = arith.constant 1 : i32
      %scan3A_491:4 = scf.for %scan3A_1705 = %scan3A_487 to %scan3A_489 step %scan3A_490 iter_args(%scan3A_1706 = %broadcast_in_dim3A_480, %scan3A_1707 = %broadcast_in_dim3A_482, %scan3A_1708 = %broadcast_in_dim3A_484, %scan3A_1709 = %broadcast_in_dim3A_486) -> (vector<16xf32>, vector<16xf32>, vector<16xf32>, vector<16xf32>)  : i32 {
        %mul3A_1710 = arith.constant 16 : i32
        %mul3A_1711 = arith.muli %scan3A_1705, %mul3A_1710 : i32
        %mul3A_1712 = arith.constant 208 : i32
        %mul3A_1713 = arith.muli %add3A_454, %mul3A_1712 : i32
        %add3A_1714 = arith.addi %mul3A_1713, %mul3A_1711 : i32
        %get3A_1715 = arith.index_cast %add3A_1714 : i32 to index
        %get3A_1716 = tpu.vector_load %arg8[%get3A_1715] {strides = array<i32>} : memref<26624xf32, #tpu.memory_space<vmem>>, vector<16xf32>,
        %get3A_1717 = vector.shape_cast %get3A_1716 : vector<16xf32> to vector<16xf32>
        %mul3A_1718 = arith.constant 208 : i32
        %mul3A_1719 = arith.muli %add3A_454, %mul3A_1718 : i32
        %add3A_1720 = arith.addi %mul3A_1719, %mul3A_1711 : i32
        %get3A_1721 = arith.index_cast %add3A_1720 : i32 to index
        %get3A_1722 = tpu.vector_load %arg6[%get3A_1721] {strides = array<i32>} : memref<26624xi32, #tpu.memory_space<vmem>>, vector<16xi32>,
        %get3A_1723 = vector.shape_cast %get3A_1722 : vector<16xi32> to vector<16xi32>
        %eq3A_1724 = arith.constant 0 : i32
        %eq3A_1725 = vector.broadcast %eq3A_1724 : i32 to vector<16xi32>
        %eq3A_1726 = arith.cmpi eq, %get3A_1723, %eq3A_1725 : vector<16xi32>
        %jit3A_1727 = arith.constant 0.000000e+00 : f32
        %broadcast_in_dim3A_1728 = vector.broadcast %jit3A_1727 : f32 to vector<16xf32>
        %select_n3A_1729 = arith.select %eq3A_1726, %broadcast_in_dim3A_1728, %get3A_1717 : vector<16xi1>, vector<16xf32>
        %slice3A_1730 = vector.extract_strided_slice %select_n3A_1729 {offsets = [0], sizes = [1], strides = [1]} : vector<16xf32> to vector<1xf32>
        %squeeze3A_1731 = vector.extract %slice3A_1730[0] : f32 from vector<1xf32>
        %add3A_1732 = arith.constant 0 : i32
        %add3A_1733 = arith.addi %mul3A_1711, %add3A_1732 : i32
        %get3A_1734 = arith.constant 1 : i32
        %get3A_1735 = arith.index_cast %get3A_1734 : i32 to index
        %get3A_1736 = arith.index_cast %add3A_1733 : i32 to index
        %get3A_1737 = arith.constant 0 : index
        %get3A_1738 = tpu.vector_load %arg7[%get3A_1735, %get3A_1736, %get3A_1737] {strides = array<i32>} : memref<4x208x64xf32, #tpu.memory_space<vmem>>, vector<1x1x16xf32>,
        %get3A_1739 = vector.shape_cast %get3A_1738 : vector<1x1x16xf32> to vector<16xf32>
        %mul3A_1740 = vector.broadcast %squeeze3A_1731 : f32 to vector<16xf32>
        %mul3A_1741 = arith.mulf %mul3A_1740, %get3A_1739 : vector<16xf32>
        %add3A_1742 = arith.addf %scan3A_1706, %mul3A_1741 : vector<16xf32>
        %add3A_1743 = arith.constant 0 : i32
        %add3A_1744 = arith.addi %mul3A_1711, %add3A_1743 : i32
        %get3A_1745 = arith.constant 1 : i32
        %get3A_1746 = arith.index_cast %get3A_1745 : i32 to index
        %get3A_1747 = arith.index_cast %add3A_1744 : i32 to index
        %get3A_1748 = arith.constant 16 : index
        %get3A_1749 = tpu.vector_load %arg7[%get3A_1746, %get3A_1747, %get3A_1748] {strides = array<i32>} : memref<4x208x64xf32, #tpu.memory_space<vmem>>, vector<1x1x16xf32>,
        %get3A_1750 = vector.shape_cast %get3A_1749 : vector<1x1x16xf32> to vector<16xf32>
        %mul3A_1751 = vector.broadcast %squeeze3A_1731 : f32 to vector<16xf32>
        %mul3A_1752 = arith.mulf %mul3A_1751, %get3A_1750 : vector<16xf32>
        %add3A_1753 = arith.addf %scan3A_1707, %mul3A_1752 : vector<16xf32>
        %add3A_1754 = arith.constant 0 : i32
        %add3A_1755 = arith.addi %mul3A_1711, %add3A_1754 : i32
        %get3A_1756 = arith.constant 1 : i32
        %get3A_1757 = arith.index_cast %get3A_1756 : i32 to index
        %get3A_1758 = arith.index_cast %add3A_1755 : i32 to index
        %get3A_1759 = arith.constant 32 : index
        %get3A_1760 = tpu.vector_load %arg7[%get3A_1757, %get3A_1758, %get3A_1759] {strides = array<i32>} : memref<4x208x64xf32, #tpu.memory_space<vmem>>, vector<1x1x16xf32>,
        %get3A_1761 = vector.shape_cast %get3A_1760 : vector<1x1x16xf32> to vector<16xf32>
        %mul3A_1762 = vector.broadcast %squeeze3A_1731 : f32 to vector<16xf32>
        %mul3A_1763 = arith.mulf %mul3A_1762, %get3A_1761 : vector<16xf32>
        %add3A_1764 = arith.addf %scan3A_1708, %mul3A_1763 : vector<16xf32>
        %add3A_1765 = arith.constant 0 : i32
        %add3A_1766 = arith.addi %mul3A_1711, %add3A_1765 : i32
        %get3A_1767 = arith.constant 1 : i32
        %get3A_1768 = arith.index_cast %get3A_1767 : i32 to index
        %get3A_1769 = arith.index_cast %add3A_1766 : i32 to index
        %get3A_1770 = arith.constant 48 : index
        %get3A_1771 = tpu.vector_load %arg7[%get3A_1768, %get3A_1769, %get3A_1770] {strides = array<i32>} : memref<4x208x64xf32, #tpu.memory_space<vmem>>, vector<1x1x16xf32>,
        %get3A_1772 = vector.shape_cast %get3A_1771 : vector<1x1x16xf32> to vector<16xf32>
        %mul3A_1773 = vector.broadcast %squeeze3A_1731 : f32 to vector<16xf32>
        %mul3A_1774 = arith.mulf %mul3A_1773, %get3A_1772 : vector<16xf32>
        %add3A_1775 = arith.addf %scan3A_1709, %mul3A_1774 : vector<16xf32>
        %slice3A_1776 = vector.extract_strided_slice %select_n3A_1729 {offsets = [1], sizes = [1], strides = [1]} : vector<16xf32> to vector<1xf32>
        %squeeze3A_1777 = vector.extract %slice3A_1776[0] : f32 from vector<1xf32>
        %add3A_1778 = arith.constant 1 : i32
        %add3A_1779 = arith.addi %mul3A_1711, %add3A_1778 : i32
        %get3A_1780 = arith.constant 1 : i32
        %get3A_1781 = arith.index_cast %get3A_1780 : i32 to index
        %get3A_1782 = arith.index_cast %add3A_1779 : i32 to index
        %get3A_1783 = arith.constant 0 : index
        %get3A_1784 = tpu.vector_load %arg7[%get3A_1781, %get3A_1782, %get3A_1783] {strides = array<i32>} : memref<4x208x64xf32, #tpu.memory_space<vmem>>, vector<1x1x16xf32>,
        %get3A_1785 = vector.shape_cast %get3A_1784 : vector<1x1x16xf32> to vector<16xf32>
        %mul3A_1786 = vector.broadcast %squeeze3A_1777 : f32 to vector<16xf32>
        %mul3A_1787 = arith.mulf %mul3A_1786, %get3A_1785 : vector<16xf32>
        %add3A_1788 = arith.addf %add3A_1742, %mul3A_1787 : vector<16xf32>
        %add3A_1789 = arith.constant 1 : i32
        %add3A_1790 = arith.addi %mul3A_1711, %add3A_1789 : i32
        %get3A_1791 = arith.constant 1 : i32
        %get3A_1792 = arith.index_cast %get3A_1791 : i32 to index
        %get3A_1793 = arith.index_cast %add3A_1790 : i32 to index
        %get3A_1794 = arith.constant 16 : index
        %get3A_1795 = tpu.vector_load %arg7[%get3A_1792, %get3A_1793, %get3A_1794] {strides = array<i32>} : memref<4x208x64xf32, #tpu.memory_space<vmem>>, vector<1x1x16xf32>,
        %get3A_1796 = vector.shape_cast %get3A_1795 : vector<1x1x16xf32> to vector<16xf32>
        %mul3A_1797 = vector.broadcast %squeeze3A_1777 : f32 to vector<16xf32>
        %mul3A_1798 = arith.mulf %mul3A_1797, %get3A_1796 : vector<16xf32>
        %add3A_1799 = arith.addf %add3A_1753, %mul3A_1798 : vector<16xf32>
        %add3A_1800 = arith.constant 1 : i32
        %add3A_1801 = arith.addi %mul3A_1711, %add3A_1800 : i32
        %get3A_1802 = arith.constant 1 : i32
        %get3A_1803 = arith.index_cast %get3A_1802 : i32 to index
        %get3A_1804 = arith.index_cast %add3A_1801 : i32 to index
        %get3A_1805 = arith.constant 32 : index
        %get3A_1806 = tpu.vector_load %arg7[%get3A_1803, %get3A_1804, %get3A_1805] {strides = array<i32>} : memref<4x208x64xf32, #tpu.memory_space<vmem>>, vector<1x1x16xf32>,
        %get3A_1807 = vector.shape_cast %get3A_1806 : vector<1x1x16xf32> to vector<16xf32>
        %mul3A_1808 = vector.broadcast %squeeze3A_1777 : f32 to vector<16xf32>
        %mul3A_1809 = arith.mulf %mul3A_1808, %get3A_1807 : vector<16xf32>
        %add3A_1810 = arith.addf %add3A_1764, %mul3A_1809 : vector<16xf32>
        %add3A_1811 = arith.constant 1 : i32
        %add3A_1812 = arith.addi %mul3A_1711, %add3A_1811 : i32
        %get3A_1813 = arith.constant 1 : i32
        %get3A_1814 = arith.index_cast %get3A_1813 : i32 to index
        %get3A_1815 = arith.index_cast %add3A_1812 : i32 to index
        %get3A_1816 = arith.constant 48 : index
        %get3A_1817 = tpu.vector_load %arg7[%get3A_1814, %get3A_1815, %get3A_1816] {strides = array<i32>} : memref<4x208x64xf32, #tpu.memory_space<vmem>>, vector<1x1x16xf32>,
        %get3A_1818 = vector.shape_cast %get3A_1817 : vector<1x1x16xf32> to vector<16xf32>
        %mul3A_1819 = vector.broadcast %squeeze3A_1777 : f32 to vector<16xf32>
        %mul3A_1820 = arith.mulf %mul3A_1819, %get3A_1818 : vector<16xf32>
        %add3A_1821 = arith.addf %add3A_1775, %mul3A_1820 : vector<16xf32>
        %slice3A_1822 = vector.extract_strided_slice %select_n3A_1729 {offsets = [2], sizes = [1], strides = [1]} : vector<16xf32> to vector<1xf32>
        %squeeze3A_1823 = vector.extract %slice3A_1822[0] : f32 from vector<1xf32>
        %add3A_1824 = arith.constant 2 : i32
        %add3A_1825 = arith.addi %mul3A_1711, %add3A_1824 : i32
        %get3A_1826 = arith.constant 1 : i32
        %get3A_1827 = arith.index_cast %get3A_1826 : i32 to index
        %get3A_1828 = arith.index_cast %add3A_1825 : i32 to index
        %get3A_1829 = arith.constant 0 : index
        %get3A_1830 = tpu.vector_load %arg7[%get3A_1827, %get3A_1828, %get3A_1829] {strides = array<i32>} : memref<4x208x64xf32, #tpu.memory_space<vmem>>, vector<1x1x16xf32>,
        %get3A_1831 = vector.shape_cast %get3A_1830 : vector<1x1x16xf32> to vector<16xf32>
        %mul3A_1832 = vector.broadcast %squeeze3A_1823 : f32 to vector<16xf32>
        %mul3A_1833 = arith.mulf %mul3A_1832, %get3A_1831 : vector<16xf32>
        %add3A_1834 = arith.addf %add3A_1788, %mul3A_1833 : vector<16xf32>
        %add3A_1835 = arith.constant 2 : i32
        %add3A_1836 = arith.addi %mul3A_1711, %add3A_1835 : i32
        %get3A_1837 = arith.constant 1 : i32
        %get3A_1838 = arith.index_cast %get3A_1837 : i32 to index
        %get3A_1839 = arith.index_cast %add3A_1836 : i32 to index
        %get3A_1840 = arith.constant 16 : index
        %get3A_1841 = tpu.vector_load %arg7[%get3A_1838, %get3A_1839, %get3A_1840] {strides = array<i32>} : memref<4x208x64xf32, #tpu.memory_space<vmem>>, vector<1x1x16xf32>,
        %get3A_1842 = vector.shape_cast %get3A_1841 : vector<1x1x16xf32> to vector<16xf32>
        %mul3A_1843 = vector.broadcast %squeeze3A_1823 : f32 to vector<16xf32>
        %mul3A_1844 = arith.mulf %mul3A_1843, %get3A_1842 : vector<16xf32>
        %add3A_1845 = arith.addf %add3A_1799, %mul3A_1844 : vector<16xf32>
        %add3A_1846 = arith.constant 2 : i32
        %add3A_1847 = arith.addi %mul3A_1711, %add3A_1846 : i32
        %get3A_1848 = arith.constant 1 : i32
        %get3A_1849 = arith.index_cast %get3A_1848 : i32 to index
        %get3A_1850 = arith.index_cast %add3A_1847 : i32 to index
        %get3A_1851 = arith.constant 32 : index
        %get3A_1852 = tpu.vector_load %arg7[%get3A_1849, %get3A_1850, %get3A_1851] {strides = array<i32>} : memref<4x208x64xf32, #tpu.memory_space<vmem>>, vector<1x1x16xf32>,
        %get3A_1853 = vector.shape_cast %get3A_1852 : vector<1x1x16xf32> to vector<16xf32>
        %mul3A_1854 = vector.broadcast %squeeze3A_1823 : f32 to vector<16xf32>
        %mul3A_1855 = arith.mulf %mul3A_1854, %get3A_1853 : vector<16xf32>
        %add3A_1856 = arith.addf %add3A_1810, %mul3A_1855 : vector<16xf32>
        %add3A_1857 = arith.constant 2 : i32
        %add3A_1858 = arith.addi %mul3A_1711, %add3A_1857 : i32
        %get3A_1859 = arith.constant 1 : i32
        %get3A_1860 = arith.index_cast %get3A_1859 : i32 to index
        %get3A_1861 = arith.index_cast %add3A_1858 : i32 to index
        %get3A_1862 = arith.constant 48 : index
        %get3A_1863 = tpu.vector_load %arg7[%get3A_1860, %get3A_1861, %get3A_1862] {strides = array<i32>} : memref<4x208x64xf32, #tpu.memory_space<vmem>>, vector<1x1x16xf32>,
        %get3A_1864 = vector.shape_cast %get3A_1863 : vector<1x1x16xf32> to vector<16xf32>
        %mul3A_1865 = vector.broadcast %squeeze3A_1823 : f32 to vector<16xf32>
        %mul3A_1866 = arith.mulf %mul3A_1865, %get3A_1864 : vector<16xf32>
        %add3A_1867 = arith.addf %add3A_1821, %mul3A_1866 : vector<16xf32>
        %slice3A_1868 = vector.extract_strided_slice %select_n3A_1729 {offsets = [3], sizes = [1], strides = [1]} : vector<16xf32> to vector<1xf32>
        %squeeze3A_1869 = vector.extract %slice3A_1868[0] : f32 from vector<1xf32>
        %add3A_1870 = arith.constant 3 : i32
        %add3A_1871 = arith.addi %mul3A_1711, %add3A_1870 : i32
        %get3A_1872 = arith.constant 1 : i32
        %get3A_1873 = arith.index_cast %get3A_1872 : i32 to index
        %get3A_1874 = arith.index_cast %add3A_1871 : i32 to index
        %get3A_1875 = arith.constant 0 : index
        %get3A_1876 = tpu.vector_load %arg7[%get3A_1873, %get3A_1874, %get3A_1875] {strides = array<i32>} : memref<4x208x64xf32, #tpu.memory_space<vmem>>, vector<1x1x16xf32>,
        %get3A_1877 = vector.shape_cast %get3A_1876 : vector<1x1x16xf32> to vector<16xf32>
        %mul3A_1878 = vector.broadcast %squeeze3A_1869 : f32 to vector<16xf32>
        %mul3A_1879 = arith.mulf %mul3A_1878, %get3A_1877 : vector<16xf32>
        %add3A_1880 = arith.addf %add3A_1834, %mul3A_1879 : vector<16xf32>
        %add3A_1881 = arith.constant 3 : i32
        %add3A_1882 = arith.addi %mul3A_1711, %add3A_1881 : i32
        %get3A_1883 = arith.constant 1 : i32
        %get3A_1884 = arith.index_cast %get3A_1883 : i32 to index
        %get3A_1885 = arith.index_cast %add3A_1882 : i32 to index
        %get3A_1886 = arith.constant 16 : index
        %get3A_1887 = tpu.vector_load %arg7[%get3A_1884, %get3A_1885, %get3A_1886] {strides = array<i32>} : memref<4x208x64xf32, #tpu.memory_space<vmem>>, vector<1x1x16xf32>,
        %get3A_1888 = vector.shape_cast %get3A_1887 : vector<1x1x16xf32> to vector<16xf32>
        %mul3A_1889 = vector.broadcast %squeeze3A_1869 : f32 to vector<16xf32>
        %mul3A_1890 = arith.mulf %mul3A_1889, %get3A_1888 : vector<16xf32>
        %add3A_1891 = arith.addf %add3A_1845, %mul3A_1890 : vector<16xf32>
        %add3A_1892 = arith.constant 3 : i32
        %add3A_1893 = arith.addi %mul3A_1711, %add3A_1892 : i32
        %get3A_1894 = arith.constant 1 : i32
        %get3A_1895 = arith.index_cast %get3A_1894 : i32 to index
        %get3A_1896 = arith.index_cast %add3A_1893 : i32 to index
        %get3A_1897 = arith.constant 32 : index
        %get3A_1898 = tpu.vector_load %arg7[%get3A_1895, %get3A_1896, %get3A_1897] {strides = array<i32>} : memref<4x208x64xf32, #tpu.memory_space<vmem>>, vector<1x1x16xf32>,
        %get3A_1899 = vector.shape_cast %get3A_1898 : vector<1x1x16xf32> to vector<16xf32>
        %mul3A_1900 = vector.broadcast %squeeze3A_1869 : f32 to vector<16xf32>
        %mul3A_1901 = arith.mulf %mul3A_1900, %get3A_1899 : vector<16xf32>
        %add3A_1902 = arith.addf %add3A_1856, %mul3A_1901 : vector<16xf32>
        %add3A_1903 = arith.constant 3 : i32
        %add3A_1904 = arith.addi %mul3A_1711, %add3A_1903 : i32
        %get3A_1905 = arith.constant 1 : i32
        %get3A_1906 = arith.index_cast %get3A_1905 : i32 to index
        %get3A_1907 = arith.index_cast %add3A_1904 : i32 to index
        %get3A_1908 = arith.constant 48 : index
        %get3A_1909 = tpu.vector_load %arg7[%get3A_1906, %get3A_1907, %get3A_1908] {strides = array<i32>} : memref<4x208x64xf32, #tpu.memory_space<vmem>>, vector<1x1x16xf32>,
        %get3A_1910 = vector.shape_cast %get3A_1909 : vector<1x1x16xf32> to vector<16xf32>
        %mul3A_1911 = vector.broadcast %squeeze3A_1869 : f32 to vector<16xf32>
        %mul3A_1912 = arith.mulf %mul3A_1911, %get3A_1910 : vector<16xf32>
        %add3A_1913 = arith.addf %add3A_1867, %mul3A_1912 : vector<16xf32>
        %slice3A_1914 = vector.extract_strided_slice %select_n3A_1729 {offsets = [4], sizes = [1], strides = [1]} : vector<16xf32> to vector<1xf32>
        %squeeze3A_1915 = vector.extract %slice3A_1914[0] : f32 from vector<1xf32>
        %add3A_1916 = arith.constant 4 : i32
        %add3A_1917 = arith.addi %mul3A_1711, %add3A_1916 : i32
        %get3A_1918 = arith.constant 1 : i32
        %get3A_1919 = arith.index_cast %get3A_1918 : i32 to index
        %get3A_1920 = arith.index_cast %add3A_1917 : i32 to index
        %get3A_1921 = arith.constant 0 : index
        %get3A_1922 = tpu.vector_load %arg7[%get3A_1919, %get3A_1920, %get3A_1921] {strides = array<i32>} : memref<4x208x64xf32, #tpu.memory_space<vmem>>, vector<1x1x16xf32>,
        %get3A_1923 = vector.shape_cast %get3A_1922 : vector<1x1x16xf32> to vector<16xf32>
        %mul3A_1924 = vector.broadcast %squeeze3A_1915 : f32 to vector<16xf32>
        %mul3A_1925 = arith.mulf %mul3A_1924, %get3A_1923 : vector<16xf32>
        %add3A_1926 = arith.addf %add3A_1880, %mul3A_1925 : vector<16xf32>
        %add3A_1927 = arith.constant 4 : i32
        %add3A_1928 = arith.addi %mul3A_1711, %add3A_1927 : i32
        %get3A_1929 = arith.constant 1 : i32
        %get3A_1930 = arith.index_cast %get3A_1929 : i32 to index
        %get3A_1931 = arith.index_cast %add3A_1928 : i32 to index
        %get3A_1932 = arith.constant 16 : index
        %get3A_1933 = tpu.vector_load %arg7[%get3A_1930, %get3A_1931, %get3A_1932] {strides = array<i32>} : memref<4x208x64xf32, #tpu.memory_space<vmem>>, vector<1x1x16xf32>,
        %get3A_1934 = vector.shape_cast %get3A_1933 : vector<1x1x16xf32> to vector<16xf32>
        %mul3A_1935 = vector.broadcast %squeeze3A_1915 : f32 to vector<16xf32>
        %mul3A_1936 = arith.mulf %mul3A_1935, %get3A_1934 : vector<16xf32>
        %add3A_1937 = arith.addf %add3A_1891, %mul3A_1936 : vector<16xf32>
        %add3A_1938 = arith.constant 4 : i32
        %add3A_1939 = arith.addi %mul3A_1711, %add3A_1938 : i32
        %get3A_1940 = arith.constant 1 : i32
        %get3A_1941 = arith.index_cast %get3A_1940 : i32 to index
        %get3A_1942 = arith.index_cast %add3A_1939 : i32 to index
        %get3A_1943 = arith.constant 32 : index
        %get3A_1944 = tpu.vector_load %arg7[%get3A_1941, %get3A_1942, %get3A_1943] {strides = array<i32>} : memref<4x208x64xf32, #tpu.memory_space<vmem>>, vector<1x1x16xf32>,
        %get3A_1945 = vector.shape_cast %get3A_1944 : vector<1x1x16xf32> to vector<16xf32>
        %mul3A_1946 = vector.broadcast %squeeze3A_1915 : f32 to vector<16xf32>
        %mul3A_1947 = arith.mulf %mul3A_1946, %get3A_1945 : vector<16xf32>
        %add3A_1948 = arith.addf %add3A_1902, %mul3A_1947 : vector<16xf32>
        %add3A_1949 = arith.constant 4 : i32
        %add3A_1950 = arith.addi %mul3A_1711, %add3A_1949 : i32
        %get3A_1951 = arith.constant 1 : i32
        %get3A_1952 = arith.index_cast %get3A_1951 : i32 to index
        %get3A_1953 = arith.index_cast %add3A_1950 : i32 to index
        %get3A_1954 = arith.constant 48 : index
        %get3A_1955 = tpu.vector_load %arg7[%get3A_1952, %get3A_1953, %get3A_1954] {strides = array<i32>} : memref<4x208x64xf32, #tpu.memory_space<vmem>>, vector<1x1x16xf32>,
        %get3A_1956 = vector.shape_cast %get3A_1955 : vector<1x1x16xf32> to vector<16xf32>
        %mul3A_1957 = vector.broadcast %squeeze3A_1915 : f32 to vector<16xf32>
        %mul3A_1958 = arith.mulf %mul3A_1957, %get3A_1956 : vector<16xf32>
        %add3A_1959 = arith.addf %add3A_1913, %mul3A_1958 : vector<16xf32>
        %slice3A_1960 = vector.extract_strided_slice %select_n3A_1729 {offsets = [5], sizes = [1], strides = [1]} : vector<16xf32> to vector<1xf32>
        %squeeze3A_1961 = vector.extract %slice3A_1960[0] : f32 from vector<1xf32>
        %add3A_1962 = arith.constant 5 : i32
        %add3A_1963 = arith.addi %mul3A_1711, %add3A_1962 : i32
        %get3A_1964 = arith.constant 1 : i32
        %get3A_1965 = arith.index_cast %get3A_1964 : i32 to index
        %get3A_1966 = arith.index_cast %add3A_1963 : i32 to index
        %get3A_1967 = arith.constant 0 : index
        %get3A_1968 = tpu.vector_load %arg7[%get3A_1965, %get3A_1966, %get3A_1967] {strides = array<i32>} : memref<4x208x64xf32, #tpu.memory_space<vmem>>, vector<1x1x16xf32>,
        %get3A_1969 = vector.shape_cast %get3A_1968 : vector<1x1x16xf32> to vector<16xf32>
        %mul3A_1970 = vector.broadcast %squeeze3A_1961 : f32 to vector<16xf32>
        %mul3A_1971 = arith.mulf %mul3A_1970, %get3A_1969 : vector<16xf32>
        %add3A_1972 = arith.addf %add3A_1926, %mul3A_1971 : vector<16xf32>
        %add3A_1973 = arith.constant 5 : i32
        %add3A_1974 = arith.addi %mul3A_1711, %add3A_1973 : i32
        %get3A_1975 = arith.constant 1 : i32
        %get3A_1976 = arith.index_cast %get3A_1975 : i32 to index
        %get3A_1977 = arith.index_cast %add3A_1974 : i32 to index
        %get3A_1978 = arith.constant 16 : index
        %get3A_1979 = tpu.vector_load %arg7[%get3A_1976, %get3A_1977, %get3A_1978] {strides = array<i32>} : memref<4x208x64xf32, #tpu.memory_space<vmem>>, vector<1x1x16xf32>,
        %get3A_1980 = vector.shape_cast %get3A_1979 : vector<1x1x16xf32> to vector<16xf32>
        %mul3A_1981 = vector.broadcast %squeeze3A_1961 : f32 to vector<16xf32>
        %mul3A_1982 = arith.mulf %mul3A_1981, %get3A_1980 : vector<16xf32>
        %add3A_1983 = arith.addf %add3A_1937, %mul3A_1982 : vector<16xf32>
        %add3A_1984 = arith.constant 5 : i32
        %add3A_1985 = arith.addi %mul3A_1711, %add3A_1984 : i32
        %get3A_1986 = arith.constant 1 : i32
        %get3A_1987 = arith.index_cast %get3A_1986 : i32 to index
        %get3A_1988 = arith.index_cast %add3A_1985 : i32 to index
        %get3A_1989 = arith.constant 32 : index
        %get3A_1990 = tpu.vector_load %arg7[%get3A_1987, %get3A_1988, %get3A_1989] {strides = array<i32>} : memref<4x208x64xf32, #tpu.memory_space<vmem>>, vector<1x1x16xf32>,
        %get3A_1991 = vector.shape_cast %get3A_1990 : vector<1x1x16xf32> to vector<16xf32>
        %mul3A_1992 = vector.broadcast %squeeze3A_1961 : f32 to vector<16xf32>
        %mul3A_1993 = arith.mulf %mul3A_1992, %get3A_1991 : vector<16xf32>
        %add3A_1994 = arith.addf %add3A_1948, %mul3A_1993 : vector<16xf32>
        %add3A_1995 = arith.constant 5 : i32
        %add3A_1996 = arith.addi %mul3A_1711, %add3A_1995 : i32
        %get3A_1997 = arith.constant 1 : i32
        %get3A_1998 = arith.index_cast %get3A_1997 : i32 to index
        %get3A_1999 = arith.index_cast %add3A_1996 : i32 to index
        %get3A_2000 = arith.constant 48 : index
        %get3A_2001 = tpu.vector_load %arg7[%get3A_1998, %get3A_1999, %get3A_2000] {strides = array<i32>} : memref<4x208x64xf32, #tpu.memory_space<vmem>>, vector<1x1x16xf32>,
        %get3A_2002 = vector.shape_cast %get3A_2001 : vector<1x1x16xf32> to vector<16xf32>
        %mul3A_2003 = vector.broadcast %squeeze3A_1961 : f32 to vector<16xf32>
        %mul3A_2004 = arith.mulf %mul3A_2003, %get3A_2002 : vector<16xf32>
        %add3A_2005 = arith.addf %add3A_1959, %mul3A_2004 : vector<16xf32>
        %slice3A_2006 = vector.extract_strided_slice %select_n3A_1729 {offsets = [6], sizes = [1], strides = [1]} : vector<16xf32> to vector<1xf32>
        %squeeze3A_2007 = vector.extract %slice3A_2006[0] : f32 from vector<1xf32>
        %add3A_2008 = arith.constant 6 : i32
        %add3A_2009 = arith.addi %mul3A_1711, %add3A_2008 : i32
        %get3A_2010 = arith.constant 1 : i32
        %get3A_2011 = arith.index_cast %get3A_2010 : i32 to index
        %get3A_2012 = arith.index_cast %add3A_2009 : i32 to index
        %get3A_2013 = arith.constant 0 : index
        %get3A_2014 = tpu.vector_load %arg7[%get3A_2011, %get3A_2012, %get3A_2013] {strides = array<i32>} : memref<4x208x64xf32, #tpu.memory_space<vmem>>, vector<1x1x16xf32>,
        %get3A_2015 = vector.shape_cast %get3A_2014 : vector<1x1x16xf32> to vector<16xf32>
        %mul3A_2016 = vector.broadcast %squeeze3A_2007 : f32 to vector<16xf32>
        %mul3A_2017 = arith.mulf %mul3A_2016, %get3A_2015 : vector<16xf32>
        %add3A_2018 = arith.addf %add3A_1972, %mul3A_2017 : vector<16xf32>
        %add3A_2019 = arith.constant 6 : i32
        %add3A_2020 = arith.addi %mul3A_1711, %add3A_2019 : i32
        %get3A_2021 = arith.constant 1 : i32
        %get3A_2022 = arith.index_cast %get3A_2021 : i32 to index
        %get3A_2023 = arith.index_cast %add3A_2020 : i32 to index
        %get3A_2024 = arith.constant 16 : index
        %get3A_2025 = tpu.vector_load %arg7[%get3A_2022, %get3A_2023, %get3A_2024] {strides = array<i32>} : memref<4x208x64xf32, #tpu.memory_space<vmem>>, vector<1x1x16xf32>,
        %get3A_2026 = vector.shape_cast %get3A_2025 : vector<1x1x16xf32> to vector<16xf32>
        %mul3A_2027 = vector.broadcast %squeeze3A_2007 : f32 to vector<16xf32>
        %mul3A_2028 = arith.mulf %mul3A_2027, %get3A_2026 : vector<16xf32>
        %add3A_2029 = arith.addf %add3A_1983, %mul3A_2028 : vector<16xf32>
        %add3A_2030 = arith.constant 6 : i32
        %add3A_2031 = arith.addi %mul3A_1711, %add3A_2030 : i32
        %get3A_2032 = arith.constant 1 : i32
        %get3A_2033 = arith.index_cast %get3A_2032 : i32 to index
        %get3A_2034 = arith.index_cast %add3A_2031 : i32 to index
        %get3A_2035 = arith.constant 32 : index
        %get3A_2036 = tpu.vector_load %arg7[%get3A_2033, %get3A_2034, %get3A_2035] {strides = array<i32>} : memref<4x208x64xf32, #tpu.memory_space<vmem>>, vector<1x1x16xf32>,
        %get3A_2037 = vector.shape_cast %get3A_2036 : vector<1x1x16xf32> to vector<16xf32>
        %mul3A_2038 = vector.broadcast %squeeze3A_2007 : f32 to vector<16xf32>
        %mul3A_2039 = arith.mulf %mul3A_2038, %get3A_2037 : vector<16xf32>
        %add3A_2040 = arith.addf %add3A_1994, %mul3A_2039 : vector<16xf32>
        %add3A_2041 = arith.constant 6 : i32
        %add3A_2042 = arith.addi %mul3A_1711, %add3A_2041 : i32
        %get3A_2043 = arith.constant 1 : i32
        %get3A_2044 = arith.index_cast %get3A_2043 : i32 to index
        %get3A_2045 = arith.index_cast %add3A_2042 : i32 to index
        %get3A_2046 = arith.constant 48 : index
        %get3A_2047 = tpu.vector_load %arg7[%get3A_2044, %get3A_2045, %get3A_2046] {strides = array<i32>} : memref<4x208x64xf32, #tpu.memory_space<vmem>>, vector<1x1x16xf32>,
        %get3A_2048 = vector.shape_cast %get3A_2047 : vector<1x1x16xf32> to vector<16xf32>
        %mul3A_2049 = vector.broadcast %squeeze3A_2007 : f32 to vector<16xf32>
        %mul3A_2050 = arith.mulf %mul3A_2049, %get3A_2048 : vector<16xf32>
        %add3A_2051 = arith.addf %add3A_2005, %mul3A_2050 : vector<16xf32>
        %slice3A_2052 = vector.extract_strided_slice %select_n3A_1729 {offsets = [7], sizes = [1], strides = [1]} : vector<16xf32> to vector<1xf32>
        %squeeze3A_2053 = vector.extract %slice3A_2052[0] : f32 from vector<1xf32>
        %add3A_2054 = arith.constant 7 : i32
        %add3A_2055 = arith.addi %mul3A_1711, %add3A_2054 : i32
        %get3A_2056 = arith.constant 1 : i32
        %get3A_2057 = arith.index_cast %get3A_2056 : i32 to index
        %get3A_2058 = arith.index_cast %add3A_2055 : i32 to index
        %get3A_2059 = arith.constant 0 : index
        %get3A_2060 = tpu.vector_load %arg7[%get3A_2057, %get3A_2058, %get3A_2059] {strides = array<i32>} : memref<4x208x64xf32, #tpu.memory_space<vmem>>, vector<1x1x16xf32>,
        %get3A_2061 = vector.shape_cast %get3A_2060 : vector<1x1x16xf32> to vector<16xf32>
        %mul3A_2062 = vector.broadcast %squeeze3A_2053 : f32 to vector<16xf32>
        %mul3A_2063 = arith.mulf %mul3A_2062, %get3A_2061 : vector<16xf32>
        %add3A_2064 = arith.addf %add3A_2018, %mul3A_2063 : vector<16xf32>
        %add3A_2065 = arith.constant 7 : i32
        %add3A_2066 = arith.addi %mul3A_1711, %add3A_2065 : i32
        %get3A_2067 = arith.constant 1 : i32
        %get3A_2068 = arith.index_cast %get3A_2067 : i32 to index
        %get3A_2069 = arith.index_cast %add3A_2066 : i32 to index
        %get3A_2070 = arith.constant 16 : index
        %get3A_2071 = tpu.vector_load %arg7[%get3A_2068, %get3A_2069, %get3A_2070] {strides = array<i32>} : memref<4x208x64xf32, #tpu.memory_space<vmem>>, vector<1x1x16xf32>,
        %get3A_2072 = vector.shape_cast %get3A_2071 : vector<1x1x16xf32> to vector<16xf32>
        %mul3A_2073 = vector.broadcast %squeeze3A_2053 : f32 to vector<16xf32>
        %mul3A_2074 = arith.mulf %mul3A_2073, %get3A_2072 : vector<16xf32>
        %add3A_2075 = arith.addf %add3A_2029, %mul3A_2074 : vector<16xf32>
        %add3A_2076 = arith.constant 7 : i32
        %add3A_2077 = arith.addi %mul3A_1711, %add3A_2076 : i32
        %get3A_2078 = arith.constant 1 : i32
        %get3A_2079 = arith.index_cast %get3A_2078 : i32 to index
        %get3A_2080 = arith.index_cast %add3A_2077 : i32 to index
        %get3A_2081 = arith.constant 32 : index
        %get3A_2082 = tpu.vector_load %arg7[%get3A_2079, %get3A_2080, %get3A_2081] {strides = array<i32>} : memref<4x208x64xf32, #tpu.memory_space<vmem>>, vector<1x1x16xf32>,
        %get3A_2083 = vector.shape_cast %get3A_2082 : vector<1x1x16xf32> to vector<16xf32>
        %mul3A_2084 = vector.broadcast %squeeze3A_2053 : f32 to vector<16xf32>
        %mul3A_2085 = arith.mulf %mul3A_2084, %get3A_2083 : vector<16xf32>
        %add3A_2086 = arith.addf %add3A_2040, %mul3A_2085 : vector<16xf32>
        %add3A_2087 = arith.constant 7 : i32
        %add3A_2088 = arith.addi %mul3A_1711, %add3A_2087 : i32
        %get3A_2089 = arith.constant 1 : i32
        %get3A_2090 = arith.index_cast %get3A_2089 : i32 to index
        %get3A_2091 = arith.index_cast %add3A_2088 : i32 to index
        %get3A_2092 = arith.constant 48 : index
        %get3A_2093 = tpu.vector_load %arg7[%get3A_2090, %get3A_2091, %get3A_2092] {strides = array<i32>} : memref<4x208x64xf32, #tpu.memory_space<vmem>>, vector<1x1x16xf32>,
        %get3A_2094 = vector.shape_cast %get3A_2093 : vector<1x1x16xf32> to vector<16xf32>
        %mul3A_2095 = vector.broadcast %squeeze3A_2053 : f32 to vector<16xf32>
        %mul3A_2096 = arith.mulf %mul3A_2095, %get3A_2094 : vector<16xf32>
        %add3A_2097 = arith.addf %add3A_2051, %mul3A_2096 : vector<16xf32>
        %slice3A_2098 = vector.extract_strided_slice %select_n3A_1729 {offsets = [8], sizes = [1], strides = [1]} : vector<16xf32> to vector<1xf32>
        %squeeze3A_2099 = vector.extract %slice3A_2098[0] : f32 from vector<1xf32>
        %add3A_2100 = arith.constant 8 : i32
        %add3A_2101 = arith.addi %mul3A_1711, %add3A_2100 : i32
        %get3A_2102 = arith.constant 1 : i32
        %get3A_2103 = arith.index_cast %get3A_2102 : i32 to index
        %get3A_2104 = arith.index_cast %add3A_2101 : i32 to index
        %get3A_2105 = arith.constant 0 : index
        %get3A_2106 = tpu.vector_load %arg7[%get3A_2103, %get3A_2104, %get3A_2105] {strides = array<i32>} : memref<4x208x64xf32, #tpu.memory_space<vmem>>, vector<1x1x16xf32>,
        %get3A_2107 = vector.shape_cast %get3A_2106 : vector<1x1x16xf32> to vector<16xf32>
        %mul3A_2108 = vector.broadcast %squeeze3A_2099 : f32 to vector<16xf32>
        %mul3A_2109 = arith.mulf %mul3A_2108, %get3A_2107 : vector<16xf32>
        %add3A_2110 = arith.addf %add3A_2064, %mul3A_2109 : vector<16xf32>
        %add3A_2111 = arith.constant 8 : i32
        %add3A_2112 = arith.addi %mul3A_1711, %add3A_2111 : i32
        %get3A_2113 = arith.constant 1 : i32
        %get3A_2114 = arith.index_cast %get3A_2113 : i32 to index
        %get3A_2115 = arith.index_cast %add3A_2112 : i32 to index
        %get3A_2116 = arith.constant 16 : index
        %get3A_2117 = tpu.vector_load %arg7[%get3A_2114, %get3A_2115, %get3A_2116] {strides = array<i32>} : memref<4x208x64xf32, #tpu.memory_space<vmem>>, vector<1x1x16xf32>,
        %get3A_2118 = vector.shape_cast %get3A_2117 : vector<1x1x16xf32> to vector<16xf32>
        %mul3A_2119 = vector.broadcast %squeeze3A_2099 : f32 to vector<16xf32>
        %mul3A_2120 = arith.mulf %mul3A_2119, %get3A_2118 : vector<16xf32>
        %add3A_2121 = arith.addf %add3A_2075, %mul3A_2120 : vector<16xf32>
        %add3A_2122 = arith.constant 8 : i32
        %add3A_2123 = arith.addi %mul3A_1711, %add3A_2122 : i32
        %get3A_2124 = arith.constant 1 : i32
        %get3A_2125 = arith.index_cast %get3A_2124 : i32 to index
        %get3A_2126 = arith.index_cast %add3A_2123 : i32 to index
        %get3A_2127 = arith.constant 32 : index
        %get3A_2128 = tpu.vector_load %arg7[%get3A_2125, %get3A_2126, %get3A_2127] {strides = array<i32>} : memref<4x208x64xf32, #tpu.memory_space<vmem>>, vector<1x1x16xf32>,
        %get3A_2129 = vector.shape_cast %get3A_2128 : vector<1x1x16xf32> to vector<16xf32>
        %mul3A_2130 = vector.broadcast %squeeze3A_2099 : f32 to vector<16xf32>
        %mul3A_2131 = arith.mulf %mul3A_2130, %get3A_2129 : vector<16xf32>
        %add3A_2132 = arith.addf %add3A_2086, %mul3A_2131 : vector<16xf32>
        %add3A_2133 = arith.constant 8 : i32
        %add3A_2134 = arith.addi %mul3A_1711, %add3A_2133 : i32
        %get3A_2135 = arith.constant 1 : i32
        %get3A_2136 = arith.index_cast %get3A_2135 : i32 to index
        %get3A_2137 = arith.index_cast %add3A_2134 : i32 to index
        %get3A_2138 = arith.constant 48 : index
        %get3A_2139 = tpu.vector_load %arg7[%get3A_2136, %get3A_2137, %get3A_2138] {strides = array<i32>} : memref<4x208x64xf32, #tpu.memory_space<vmem>>, vector<1x1x16xf32>,
        %get3A_2140 = vector.shape_cast %get3A_2139 : vector<1x1x16xf32> to vector<16xf32>
        %mul3A_2141 = vector.broadcast %squeeze3A_2099 : f32 to vector<16xf32>
        %mul3A_2142 = arith.mulf %mul3A_2141, %get3A_2140 : vector<16xf32>
        %add3A_2143 = arith.addf %add3A_2097, %mul3A_2142 : vector<16xf32>
        %slice3A_2144 = vector.extract_strided_slice %select_n3A_1729 {offsets = [9], sizes = [1], strides = [1]} : vector<16xf32> to vector<1xf32>
        %squeeze3A_2145 = vector.extract %slice3A_2144[0] : f32 from vector<1xf32>
        %add3A_2146 = arith.constant 9 : i32
        %add3A_2147 = arith.addi %mul3A_1711, %add3A_2146 : i32
        %get3A_2148 = arith.constant 1 : i32
        %get3A_2149 = arith.index_cast %get3A_2148 : i32 to index
        %get3A_2150 = arith.index_cast %add3A_2147 : i32 to index
        %get3A_2151 = arith.constant 0 : index
        %get3A_2152 = tpu.vector_load %arg7[%get3A_2149, %get3A_2150, %get3A_2151] {strides = array<i32>} : memref<4x208x64xf32, #tpu.memory_space<vmem>>, vector<1x1x16xf32>,
        %get3A_2153 = vector.shape_cast %get3A_2152 : vector<1x1x16xf32> to vector<16xf32>
        %mul3A_2154 = vector.broadcast %squeeze3A_2145 : f32 to vector<16xf32>
        %mul3A_2155 = arith.mulf %mul3A_2154, %get3A_2153 : vector<16xf32>
        %add3A_2156 = arith.addf %add3A_2110, %mul3A_2155 : vector<16xf32>
        %add3A_2157 = arith.constant 9 : i32
        %add3A_2158 = arith.addi %mul3A_1711, %add3A_2157 : i32
        %get3A_2159 = arith.constant 1 : i32
        %get3A_2160 = arith.index_cast %get3A_2159 : i32 to index
        %get3A_2161 = arith.index_cast %add3A_2158 : i32 to index
        %get3A_2162 = arith.constant 16 : index
        %get3A_2163 = tpu.vector_load %arg7[%get3A_2160, %get3A_2161, %get3A_2162] {strides = array<i32>} : memref<4x208x64xf32, #tpu.memory_space<vmem>>, vector<1x1x16xf32>,
        %get3A_2164 = vector.shape_cast %get3A_2163 : vector<1x1x16xf32> to vector<16xf32>
        %mul3A_2165 = vector.broadcast %squeeze3A_2145 : f32 to vector<16xf32>
        %mul3A_2166 = arith.mulf %mul3A_2165, %get3A_2164 : vector<16xf32>
        %add3A_2167 = arith.addf %add3A_2121, %mul3A_2166 : vector<16xf32>
        %add3A_2168 = arith.constant 9 : i32
        %add3A_2169 = arith.addi %mul3A_1711, %add3A_2168 : i32
        %get3A_2170 = arith.constant 1 : i32
        %get3A_2171 = arith.index_cast %get3A_2170 : i32 to index
        %get3A_2172 = arith.index_cast %add3A_2169 : i32 to index
        %get3A_2173 = arith.constant 32 : index
        %get3A_2174 = tpu.vector_load %arg7[%get3A_2171, %get3A_2172, %get3A_2173] {strides = array<i32>} : memref<4x208x64xf32, #tpu.memory_space<vmem>>, vector<1x1x16xf32>,
        %get3A_2175 = vector.shape_cast %get3A_2174 : vector<1x1x16xf32> to vector<16xf32>
        %mul3A_2176 = vector.broadcast %squeeze3A_2145 : f32 to vector<16xf32>
        %mul3A_2177 = arith.mulf %mul3A_2176, %get3A_2175 : vector<16xf32>
        %add3A_2178 = arith.addf %add3A_2132, %mul3A_2177 : vector<16xf32>
        %add3A_2179 = arith.constant 9 : i32
        %add3A_2180 = arith.addi %mul3A_1711, %add3A_2179 : i32
        %get3A_2181 = arith.constant 1 : i32
        %get3A_2182 = arith.index_cast %get3A_2181 : i32 to index
        %get3A_2183 = arith.index_cast %add3A_2180 : i32 to index
        %get3A_2184 = arith.constant 48 : index
        %get3A_2185 = tpu.vector_load %arg7[%get3A_2182, %get3A_2183, %get3A_2184] {strides = array<i32>} : memref<4x208x64xf32, #tpu.memory_space<vmem>>, vector<1x1x16xf32>,
        %get3A_2186 = vector.shape_cast %get3A_2185 : vector<1x1x16xf32> to vector<16xf32>
        %mul3A_2187 = vector.broadcast %squeeze3A_2145 : f32 to vector<16xf32>
        %mul3A_2188 = arith.mulf %mul3A_2187, %get3A_2186 : vector<16xf32>
        %add3A_2189 = arith.addf %add3A_2143, %mul3A_2188 : vector<16xf32>
        %slice3A_2190 = vector.extract_strided_slice %select_n3A_1729 {offsets = [10], sizes = [1], strides = [1]} : vector<16xf32> to vector<1xf32>
        %squeeze3A_2191 = vector.extract %slice3A_2190[0] : f32 from vector<1xf32>
        %add3A_2192 = arith.constant 10 : i32
        %add3A_2193 = arith.addi %mul3A_1711, %add3A_2192 : i32
        %get3A_2194 = arith.constant 1 : i32
        %get3A_2195 = arith.index_cast %get3A_2194 : i32 to index
        %get3A_2196 = arith.index_cast %add3A_2193 : i32 to index
        %get3A_2197 = arith.constant 0 : index
        %get3A_2198 = tpu.vector_load %arg7[%get3A_2195, %get3A_2196, %get3A_2197] {strides = array<i32>} : memref<4x208x64xf32, #tpu.memory_space<vmem>>, vector<1x1x16xf32>,
        %get3A_2199 = vector.shape_cast %get3A_2198 : vector<1x1x16xf32> to vector<16xf32>
        %mul3A_2200 = vector.broadcast %squeeze3A_2191 : f32 to vector<16xf32>
        %mul3A_2201 = arith.mulf %mul3A_2200, %get3A_2199 : vector<16xf32>
        %add3A_2202 = arith.addf %add3A_2156, %mul3A_2201 : vector<16xf32>
        %add3A_2203 = arith.constant 10 : i32
        %add3A_2204 = arith.addi %mul3A_1711, %add3A_2203 : i32
        %get3A_2205 = arith.constant 1 : i32
        %get3A_2206 = arith.index_cast %get3A_2205 : i32 to index
        %get3A_2207 = arith.index_cast %add3A_2204 : i32 to index
        %get3A_2208 = arith.constant 16 : index
        %get3A_2209 = tpu.vector_load %arg7[%get3A_2206, %get3A_2207, %get3A_2208] {strides = array<i32>} : memref<4x208x64xf32, #tpu.memory_space<vmem>>, vector<1x1x16xf32>,
        %get3A_2210 = vector.shape_cast %get3A_2209 : vector<1x1x16xf32> to vector<16xf32>
        %mul3A_2211 = vector.broadcast %squeeze3A_2191 : f32 to vector<16xf32>
        %mul3A_2212 = arith.mulf %mul3A_2211, %get3A_2210 : vector<16xf32>
        %add3A_2213 = arith.addf %add3A_2167, %mul3A_2212 : vector<16xf32>
        %add3A_2214 = arith.constant 10 : i32
        %add3A_2215 = arith.addi %mul3A_1711, %add3A_2214 : i32
        %get3A_2216 = arith.constant 1 : i32
        %get3A_2217 = arith.index_cast %get3A_2216 : i32 to index
        %get3A_2218 = arith.index_cast %add3A_2215 : i32 to index
        %get3A_2219 = arith.constant 32 : index
        %get3A_2220 = tpu.vector_load %arg7[%get3A_2217, %get3A_2218, %get3A_2219] {strides = array<i32>} : memref<4x208x64xf32, #tpu.memory_space<vmem>>, vector<1x1x16xf32>,
        %get3A_2221 = vector.shape_cast %get3A_2220 : vector<1x1x16xf32> to vector<16xf32>
        %mul3A_2222 = vector.broadcast %squeeze3A_2191 : f32 to vector<16xf32>
        %mul3A_2223 = arith.mulf %mul3A_2222, %get3A_2221 : vector<16xf32>
        %add3A_2224 = arith.addf %add3A_2178, %mul3A_2223 : vector<16xf32>
        %add3A_2225 = arith.constant 10 : i32
        %add3A_2226 = arith.addi %mul3A_1711, %add3A_2225 : i32
        %get3A_2227 = arith.constant 1 : i32
        %get3A_2228 = arith.index_cast %get3A_2227 : i32 to index
        %get3A_2229 = arith.index_cast %add3A_2226 : i32 to index
        %get3A_2230 = arith.constant 48 : index
        %get3A_2231 = tpu.vector_load %arg7[%get3A_2228, %get3A_2229, %get3A_2230] {strides = array<i32>} : memref<4x208x64xf32, #tpu.memory_space<vmem>>, vector<1x1x16xf32>,
        %get3A_2232 = vector.shape_cast %get3A_2231 : vector<1x1x16xf32> to vector<16xf32>
        %mul3A_2233 = vector.broadcast %squeeze3A_2191 : f32 to vector<16xf32>
        %mul3A_2234 = arith.mulf %mul3A_2233, %get3A_2232 : vector<16xf32>
        %add3A_2235 = arith.addf %add3A_2189, %mul3A_2234 : vector<16xf32>
        %slice3A_2236 = vector.extract_strided_slice %select_n3A_1729 {offsets = [11], sizes = [1], strides = [1]} : vector<16xf32> to vector<1xf32>
        %squeeze3A_2237 = vector.extract %slice3A_2236[0] : f32 from vector<1xf32>
        %add3A_2238 = arith.constant 11 : i32
        %add3A_2239 = arith.addi %mul3A_1711, %add3A_2238 : i32
        %get3A_2240 = arith.constant 1 : i32
        %get3A_2241 = arith.index_cast %get3A_2240 : i32 to index
        %get3A_2242 = arith.index_cast %add3A_2239 : i32 to index
        %get3A_2243 = arith.constant 0 : index
        %get3A_2244 = tpu.vector_load %arg7[%get3A_2241, %get3A_2242, %get3A_2243] {strides = array<i32>} : memref<4x208x64xf32, #tpu.memory_space<vmem>>, vector<1x1x16xf32>,
        %get3A_2245 = vector.shape_cast %get3A_2244 : vector<1x1x16xf32> to vector<16xf32>
        %mul3A_2246 = vector.broadcast %squeeze3A_2237 : f32 to vector<16xf32>
        %mul3A_2247 = arith.mulf %mul3A_2246, %get3A_2245 : vector<16xf32>
        %add3A_2248 = arith.addf %add3A_2202, %mul3A_2247 : vector<16xf32>
        %add3A_2249 = arith.constant 11 : i32
        %add3A_2250 = arith.addi %mul3A_1711, %add3A_2249 : i32
        %get3A_2251 = arith.constant 1 : i32
        %get3A_2252 = arith.index_cast %get3A_2251 : i32 to index
        %get3A_2253 = arith.index_cast %add3A_2250 : i32 to index
        %get3A_2254 = arith.constant 16 : index
        %get3A_2255 = tpu.vector_load %arg7[%get3A_2252, %get3A_2253, %get3A_2254] {strides = array<i32>} : memref<4x208x64xf32, #tpu.memory_space<vmem>>, vector<1x1x16xf32>,
        %get3A_2256 = vector.shape_cast %get3A_2255 : vector<1x1x16xf32> to vector<16xf32>
        %mul3A_2257 = vector.broadcast %squeeze3A_2237 : f32 to vector<16xf32>
        %mul3A_2258 = arith.mulf %mul3A_2257, %get3A_2256 : vector<16xf32>
        %add3A_2259 = arith.addf %add3A_2213, %mul3A_2258 : vector<16xf32>
        %add3A_2260 = arith.constant 11 : i32
        %add3A_2261 = arith.addi %mul3A_1711, %add3A_2260 : i32
        %get3A_2262 = arith.constant 1 : i32
        %get3A_2263 = arith.index_cast %get3A_2262 : i32 to index
        %get3A_2264 = arith.index_cast %add3A_2261 : i32 to index
        %get3A_2265 = arith.constant 32 : index
        %get3A_2266 = tpu.vector_load %arg7[%get3A_2263, %get3A_2264, %get3A_2265] {strides = array<i32>} : memref<4x208x64xf32, #tpu.memory_space<vmem>>, vector<1x1x16xf32>,
        %get3A_2267 = vector.shape_cast %get3A_2266 : vector<1x1x16xf32> to vector<16xf32>
        %mul3A_2268 = vector.broadcast %squeeze3A_2237 : f32 to vector<16xf32>
        %mul3A_2269 = arith.mulf %mul3A_2268, %get3A_2267 : vector<16xf32>
        %add3A_2270 = arith.addf %add3A_2224, %mul3A_2269 : vector<16xf32>
        %add3A_2271 = arith.constant 11 : i32
        %add3A_2272 = arith.addi %mul3A_1711, %add3A_2271 : i32
        %get3A_2273 = arith.constant 1 : i32
        %get3A_2274 = arith.index_cast %get3A_2273 : i32 to index
        %get3A_2275 = arith.index_cast %add3A_2272 : i32 to index
        %get3A_2276 = arith.constant 48 : index
        %get3A_2277 = tpu.vector_load %arg7[%get3A_2274, %get3A_2275, %get3A_2276] {strides = array<i32>} : memref<4x208x64xf32, #tpu.memory_space<vmem>>, vector<1x1x16xf32>,
        %get3A_2278 = vector.shape_cast %get3A_2277 : vector<1x1x16xf32> to vector<16xf32>
        %mul3A_2279 = vector.broadcast %squeeze3A_2237 : f32 to vector<16xf32>
        %mul3A_2280 = arith.mulf %mul3A_2279, %get3A_2278 : vector<16xf32>
        %add3A_2281 = arith.addf %add3A_2235, %mul3A_2280 : vector<16xf32>
        %slice3A_2282 = vector.extract_strided_slice %select_n3A_1729 {offsets = [12], sizes = [1], strides = [1]} : vector<16xf32> to vector<1xf32>
        %squeeze3A_2283 = vector.extract %slice3A_2282[0] : f32 from vector<1xf32>
        %add3A_2284 = arith.constant 12 : i32
        %add3A_2285 = arith.addi %mul3A_1711, %add3A_2284 : i32
        %get3A_2286 = arith.constant 1 : i32
        %get3A_2287 = arith.index_cast %get3A_2286 : i32 to index
        %get3A_2288 = arith.index_cast %add3A_2285 : i32 to index
        %get3A_2289 = arith.constant 0 : index
        %get3A_2290 = tpu.vector_load %arg7[%get3A_2287, %get3A_2288, %get3A_2289] {strides = array<i32>} : memref<4x208x64xf32, #tpu.memory_space<vmem>>, vector<1x1x16xf32>,
        %get3A_2291 = vector.shape_cast %get3A_2290 : vector<1x1x16xf32> to vector<16xf32>
        %mul3A_2292 = vector.broadcast %squeeze3A_2283 : f32 to vector<16xf32>
        %mul3A_2293 = arith.mulf %mul3A_2292, %get3A_2291 : vector<16xf32>
        %add3A_2294 = arith.addf %add3A_2248, %mul3A_2293 : vector<16xf32>
        %add3A_2295 = arith.constant 12 : i32
        %add3A_2296 = arith.addi %mul3A_1711, %add3A_2295 : i32
        %get3A_2297 = arith.constant 1 : i32
        %get3A_2298 = arith.index_cast %get3A_2297 : i32 to index
        %get3A_2299 = arith.index_cast %add3A_2296 : i32 to index
        %get3A_2300 = arith.constant 16 : index
        %get3A_2301 = tpu.vector_load %arg7[%get3A_2298, %get3A_2299, %get3A_2300] {strides = array<i32>} : memref<4x208x64xf32, #tpu.memory_space<vmem>>, vector<1x1x16xf32>,
        %get3A_2302 = vector.shape_cast %get3A_2301 : vector<1x1x16xf32> to vector<16xf32>
        %mul3A_2303 = vector.broadcast %squeeze3A_2283 : f32 to vector<16xf32>
        %mul3A_2304 = arith.mulf %mul3A_2303, %get3A_2302 : vector<16xf32>
        %add3A_2305 = arith.addf %add3A_2259, %mul3A_2304 : vector<16xf32>
        %add3A_2306 = arith.constant 12 : i32
        %add3A_2307 = arith.addi %mul3A_1711, %add3A_2306 : i32
        %get3A_2308 = arith.constant 1 : i32
        %get3A_2309 = arith.index_cast %get3A_2308 : i32 to index
        %get3A_2310 = arith.index_cast %add3A_2307 : i32 to index
        %get3A_2311 = arith.constant 32 : index
        %get3A_2312 = tpu.vector_load %arg7[%get3A_2309, %get3A_2310, %get3A_2311] {strides = array<i32>} : memref<4x208x64xf32, #tpu.memory_space<vmem>>, vector<1x1x16xf32>,
        %get3A_2313 = vector.shape_cast %get3A_2312 : vector<1x1x16xf32> to vector<16xf32>
        %mul3A_2314 = vector.broadcast %squeeze3A_2283 : f32 to vector<16xf32>
        %mul3A_2315 = arith.mulf %mul3A_2314, %get3A_2313 : vector<16xf32>
        %add3A_2316 = arith.addf %add3A_2270, %mul3A_2315 : vector<16xf32>
        %add3A_2317 = arith.constant 12 : i32
        %add3A_2318 = arith.addi %mul3A_1711, %add3A_2317 : i32
        %get3A_2319 = arith.constant 1 : i32
        %get3A_2320 = arith.index_cast %get3A_2319 : i32 to index
        %get3A_2321 = arith.index_cast %add3A_2318 : i32 to index
        %get3A_2322 = arith.constant 48 : index
        %get3A_2323 = tpu.vector_load %arg7[%get3A_2320, %get3A_2321, %get3A_2322] {strides = array<i32>} : memref<4x208x64xf32, #tpu.memory_space<vmem>>, vector<1x1x16xf32>,
        %get3A_2324 = vector.shape_cast %get3A_2323 : vector<1x1x16xf32> to vector<16xf32>
        %mul3A_2325 = vector.broadcast %squeeze3A_2283 : f32 to vector<16xf32>
        %mul3A_2326 = arith.mulf %mul3A_2325, %get3A_2324 : vector<16xf32>
        %add3A_2327 = arith.addf %add3A_2281, %mul3A_2326 : vector<16xf32>
        %slice3A_2328 = vector.extract_strided_slice %select_n3A_1729 {offsets = [13], sizes = [1], strides = [1]} : vector<16xf32> to vector<1xf32>
        %squeeze3A_2329 = vector.extract %slice3A_2328[0] : f32 from vector<1xf32>
        %add3A_2330 = arith.constant 13 : i32
        %add3A_2331 = arith.addi %mul3A_1711, %add3A_2330 : i32
        %get3A_2332 = arith.constant 1 : i32
        %get3A_2333 = arith.index_cast %get3A_2332 : i32 to index
        %get3A_2334 = arith.index_cast %add3A_2331 : i32 to index
        %get3A_2335 = arith.constant 0 : index
        %get3A_2336 = tpu.vector_load %arg7[%get3A_2333, %get3A_2334, %get3A_2335] {strides = array<i32>} : memref<4x208x64xf32, #tpu.memory_space<vmem>>, vector<1x1x16xf32>,
        %get3A_2337 = vector.shape_cast %get3A_2336 : vector<1x1x16xf32> to vector<16xf32>
        %mul3A_2338 = vector.broadcast %squeeze3A_2329 : f32 to vector<16xf32>
        %mul3A_2339 = arith.mulf %mul3A_2338, %get3A_2337 : vector<16xf32>
        %add3A_2340 = arith.addf %add3A_2294, %mul3A_2339 : vector<16xf32>
        %add3A_2341 = arith.constant 13 : i32
        %add3A_2342 = arith.addi %mul3A_1711, %add3A_2341 : i32
        %get3A_2343 = arith.constant 1 : i32
        %get3A_2344 = arith.index_cast %get3A_2343 : i32 to index
        %get3A_2345 = arith.index_cast %add3A_2342 : i32 to index
        %get3A_2346 = arith.constant 16 : index
        %get3A_2347 = tpu.vector_load %arg7[%get3A_2344, %get3A_2345, %get3A_2346] {strides = array<i32>} : memref<4x208x64xf32, #tpu.memory_space<vmem>>, vector<1x1x16xf32>,
        %get3A_2348 = vector.shape_cast %get3A_2347 : vector<1x1x16xf32> to vector<16xf32>
        %mul3A_2349 = vector.broadcast %squeeze3A_2329 : f32 to vector<16xf32>
        %mul3A_2350 = arith.mulf %mul3A_2349, %get3A_2348 : vector<16xf32>
        %add3A_2351 = arith.addf %add3A_2305, %mul3A_2350 : vector<16xf32>
        %add3A_2352 = arith.constant 13 : i32
        %add3A_2353 = arith.addi %mul3A_1711, %add3A_2352 : i32
        %get3A_2354 = arith.constant 1 : i32
        %get3A_2355 = arith.index_cast %get3A_2354 : i32 to index
        %get3A_2356 = arith.index_cast %add3A_2353 : i32 to index
        %get3A_2357 = arith.constant 32 : index
        %get3A_2358 = tpu.vector_load %arg7[%get3A_2355, %get3A_2356, %get3A_2357] {strides = array<i32>} : memref<4x208x64xf32, #tpu.memory_space<vmem>>, vector<1x1x16xf32>,
        %get3A_2359 = vector.shape_cast %get3A_2358 : vector<1x1x16xf32> to vector<16xf32>
        %mul3A_2360 = vector.broadcast %squeeze3A_2329 : f32 to vector<16xf32>
        %mul3A_2361 = arith.mulf %mul3A_2360, %get3A_2359 : vector<16xf32>
        %add3A_2362 = arith.addf %add3A_2316, %mul3A_2361 : vector<16xf32>
        %add3A_2363 = arith.constant 13 : i32
        %add3A_2364 = arith.addi %mul3A_1711, %add3A_2363 : i32
        %get3A_2365 = arith.constant 1 : i32
        %get3A_2366 = arith.index_cast %get3A_2365 : i32 to index
        %get3A_2367 = arith.index_cast %add3A_2364 : i32 to index
        %get3A_2368 = arith.constant 48 : index
        %get3A_2369 = tpu.vector_load %arg7[%get3A_2366, %get3A_2367, %get3A_2368] {strides = array<i32>} : memref<4x208x64xf32, #tpu.memory_space<vmem>>, vector<1x1x16xf32>,
        %get3A_2370 = vector.shape_cast %get3A_2369 : vector<1x1x16xf32> to vector<16xf32>
        %mul3A_2371 = vector.broadcast %squeeze3A_2329 : f32 to vector<16xf32>
        %mul3A_2372 = arith.mulf %mul3A_2371, %get3A_2370 : vector<16xf32>
        %add3A_2373 = arith.addf %add3A_2327, %mul3A_2372 : vector<16xf32>
        %slice3A_2374 = vector.extract_strided_slice %select_n3A_1729 {offsets = [14], sizes = [1], strides = [1]} : vector<16xf32> to vector<1xf32>
        %squeeze3A_2375 = vector.extract %slice3A_2374[0] : f32 from vector<1xf32>
        %add3A_2376 = arith.constant 14 : i32
        %add3A_2377 = arith.addi %mul3A_1711, %add3A_2376 : i32
        %get3A_2378 = arith.constant 1 : i32
        %get3A_2379 = arith.index_cast %get3A_2378 : i32 to index
        %get3A_2380 = arith.index_cast %add3A_2377 : i32 to index
        %get3A_2381 = arith.constant 0 : index
        %get3A_2382 = tpu.vector_load %arg7[%get3A_2379, %get3A_2380, %get3A_2381] {strides = array<i32>} : memref<4x208x64xf32, #tpu.memory_space<vmem>>, vector<1x1x16xf32>,
        %get3A_2383 = vector.shape_cast %get3A_2382 : vector<1x1x16xf32> to vector<16xf32>
        %mul3A_2384 = vector.broadcast %squeeze3A_2375 : f32 to vector<16xf32>
        %mul3A_2385 = arith.mulf %mul3A_2384, %get3A_2383 : vector<16xf32>
        %add3A_2386 = arith.addf %add3A_2340, %mul3A_2385 : vector<16xf32>
        %add3A_2387 = arith.constant 14 : i32
        %add3A_2388 = arith.addi %mul3A_1711, %add3A_2387 : i32
        %get3A_2389 = arith.constant 1 : i32
        %get3A_2390 = arith.index_cast %get3A_2389 : i32 to index
        %get3A_2391 = arith.index_cast %add3A_2388 : i32 to index
        %get3A_2392 = arith.constant 16 : index
        %get3A_2393 = tpu.vector_load %arg7[%get3A_2390, %get3A_2391, %get3A_2392] {strides = array<i32>} : memref<4x208x64xf32, #tpu.memory_space<vmem>>, vector<1x1x16xf32>,
        %get3A_2394 = vector.shape_cast %get3A_2393 : vector<1x1x16xf32> to vector<16xf32>
        %mul3A_2395 = vector.broadcast %squeeze3A_2375 : f32 to vector<16xf32>
        %mul3A_2396 = arith.mulf %mul3A_2395, %get3A_2394 : vector<16xf32>
        %add3A_2397 = arith.addf %add3A_2351, %mul3A_2396 : vector<16xf32>
        %add3A_2398 = arith.constant 14 : i32
        %add3A_2399 = arith.addi %mul3A_1711, %add3A_2398 : i32
        %get3A_2400 = arith.constant 1 : i32
        %get3A_2401 = arith.index_cast %get3A_2400 : i32 to index
        %get3A_2402 = arith.index_cast %add3A_2399 : i32 to index
        %get3A_2403 = arith.constant 32 : index
        %get3A_2404 = tpu.vector_load %arg7[%get3A_2401, %get3A_2402, %get3A_2403] {strides = array<i32>} : memref<4x208x64xf32, #tpu.memory_space<vmem>>, vector<1x1x16xf32>,
        %get3A_2405 = vector.shape_cast %get3A_2404 : vector<1x1x16xf32> to vector<16xf32>
        %mul3A_2406 = vector.broadcast %squeeze3A_2375 : f32 to vector<16xf32>
        %mul3A_2407 = arith.mulf %mul3A_2406, %get3A_2405 : vector<16xf32>
        %add3A_2408 = arith.addf %add3A_2362, %mul3A_2407 : vector<16xf32>
        %add3A_2409 = arith.constant 14 : i32
        %add3A_2410 = arith.addi %mul3A_1711, %add3A_2409 : i32
        %get3A_2411 = arith.constant 1 : i32
        %get3A_2412 = arith.index_cast %get3A_2411 : i32 to index
        %get3A_2413 = arith.index_cast %add3A_2410 : i32 to index
        %get3A_2414 = arith.constant 48 : index
        %get3A_2415 = tpu.vector_load %arg7[%get3A_2412, %get3A_2413, %get3A_2414] {strides = array<i32>} : memref<4x208x64xf32, #tpu.memory_space<vmem>>, vector<1x1x16xf32>,
        %get3A_2416 = vector.shape_cast %get3A_2415 : vector<1x1x16xf32> to vector<16xf32>
        %mul3A_2417 = vector.broadcast %squeeze3A_2375 : f32 to vector<16xf32>
        %mul3A_2418 = arith.mulf %mul3A_2417, %get3A_2416 : vector<16xf32>
        %add3A_2419 = arith.addf %add3A_2373, %mul3A_2418 : vector<16xf32>
        %slice3A_2420 = vector.extract_strided_slice %select_n3A_1729 {offsets = [15], sizes = [1], strides = [1]} : vector<16xf32> to vector<1xf32>
        %squeeze3A_2421 = vector.extract %slice3A_2420[0] : f32 from vector<1xf32>
        %add3A_2422 = arith.constant 15 : i32
        %add3A_2423 = arith.addi %mul3A_1711, %add3A_2422 : i32
        %get3A_2424 = arith.constant 1 : i32
        %get3A_2425 = arith.index_cast %get3A_2424 : i32 to index
        %get3A_2426 = arith.index_cast %add3A_2423 : i32 to index
        %get3A_2427 = arith.constant 0 : index
        %get3A_2428 = tpu.vector_load %arg7[%get3A_2425, %get3A_2426, %get3A_2427] {strides = array<i32>} : memref<4x208x64xf32, #tpu.memory_space<vmem>>, vector<1x1x16xf32>,
        %get3A_2429 = vector.shape_cast %get3A_2428 : vector<1x1x16xf32> to vector<16xf32>
        %mul3A_2430 = vector.broadcast %squeeze3A_2421 : f32 to vector<16xf32>
        %mul3A_2431 = arith.mulf %mul3A_2430, %get3A_2429 : vector<16xf32>
        %add3A_2432 = arith.addf %add3A_2386, %mul3A_2431 : vector<16xf32>
        %add3A_2433 = arith.constant 15 : i32
        %add3A_2434 = arith.addi %mul3A_1711, %add3A_2433 : i32
        %get3A_2435 = arith.constant 1 : i32
        %get3A_2436 = arith.index_cast %get3A_2435 : i32 to index
        %get3A_2437 = arith.index_cast %add3A_2434 : i32 to index
        %get3A_2438 = arith.constant 16 : index
        %get3A_2439 = tpu.vector_load %arg7[%get3A_2436, %get3A_2437, %get3A_2438] {strides = array<i32>} : memref<4x208x64xf32, #tpu.memory_space<vmem>>, vector<1x1x16xf32>,
        %get3A_2440 = vector.shape_cast %get3A_2439 : vector<1x1x16xf32> to vector<16xf32>
        %mul3A_2441 = vector.broadcast %squeeze3A_2421 : f32 to vector<16xf32>
        %mul3A_2442 = arith.mulf %mul3A_2441, %get3A_2440 : vector<16xf32>
        %add3A_2443 = arith.addf %add3A_2397, %mul3A_2442 : vector<16xf32>
        %add3A_2444 = arith.constant 15 : i32
        %add3A_2445 = arith.addi %mul3A_1711, %add3A_2444 : i32
        %get3A_2446 = arith.constant 1 : i32
        %get3A_2447 = arith.index_cast %get3A_2446 : i32 to index
        %get3A_2448 = arith.index_cast %add3A_2445 : i32 to index
        %get3A_2449 = arith.constant 32 : index
        %get3A_2450 = tpu.vector_load %arg7[%get3A_2447, %get3A_2448, %get3A_2449] {strides = array<i32>} : memref<4x208x64xf32, #tpu.memory_space<vmem>>, vector<1x1x16xf32>,
        %get3A_2451 = vector.shape_cast %get3A_2450 : vector<1x1x16xf32> to vector<16xf32>
        %mul3A_2452 = vector.broadcast %squeeze3A_2421 : f32 to vector<16xf32>
        %mul3A_2453 = arith.mulf %mul3A_2452, %get3A_2451 : vector<16xf32>
        %add3A_2454 = arith.addf %add3A_2408, %mul3A_2453 : vector<16xf32>
        %add3A_2455 = arith.constant 15 : i32
        %add3A_2456 = arith.addi %mul3A_1711, %add3A_2455 : i32
        %get3A_2457 = arith.constant 1 : i32
        %get3A_2458 = arith.index_cast %get3A_2457 : i32 to index
        %get3A_2459 = arith.index_cast %add3A_2456 : i32 to index
        %get3A_2460 = arith.constant 48 : index
        %get3A_2461 = tpu.vector_load %arg7[%get3A_2458, %get3A_2459, %get3A_2460] {strides = array<i32>} : memref<4x208x64xf32, #tpu.memory_space<vmem>>, vector<1x1x16xf32>,
        %get3A_2462 = vector.shape_cast %get3A_2461 : vector<1x1x16xf32> to vector<16xf32>
        %mul3A_2463 = vector.broadcast %squeeze3A_2421 : f32 to vector<16xf32>
        %mul3A_2464 = arith.mulf %mul3A_2463, %get3A_2462 : vector<16xf32>
        %add3A_2465 = arith.addf %add3A_2419, %mul3A_2464 : vector<16xf32>
        scf.yield %add3A_2432, %add3A_2443, %add3A_2454, %add3A_2465 : vector<16xf32>, vector<16xf32>, vector<16xf32>, vector<16xf32>
      }
      %scan3A_492 = arith.constant 12 : i32
      %mul3A_493 = arith.constant 208 : i32
      %mul3A_494 = arith.muli %add3A_454, %mul3A_493 : i32
      %add3A_495 = arith.constant 192 : i32
      %add3A_496 = arith.addi %mul3A_494, %add3A_495 : i32
      %get3A_497 = arith.index_cast %add3A_496 : i32 to index
      %get3A_498 = tpu.vector_load %arg8[%get3A_497] {strides = array<i32>} : memref<26624xf32, #tpu.memory_space<vmem>>, vector<16xf32>,
      %get3A_499 = vector.shape_cast %get3A_498 : vector<16xf32> to vector<16xf32>
      %mul3A_500 = arith.constant 208 : i32
      %mul3A_501 = arith.muli %add3A_454, %mul3A_500 : i32
      %add3A_502 = arith.constant 192 : i32
      %add3A_503 = arith.addi %mul3A_501, %add3A_502 : i32
      %get3A_504 = arith.index_cast %add3A_503 : i32 to index
      %get3A_505 = tpu.vector_load %arg6[%get3A_504] {strides = array<i32>} : memref<26624xi32, #tpu.memory_space<vmem>>, vector<16xi32>,
      %get3A_506 = vector.shape_cast %get3A_505 : vector<16xi32> to vector<16xi32>
      %eq3A_507 = arith.constant 0 : i32
      %eq3A_508 = vector.broadcast %eq3A_507 : i32 to vector<16xi32>
      %eq3A_509 = arith.cmpi eq, %get3A_506, %eq3A_508 : vector<16xi32>
      %jit3A_510 = arith.constant 0.000000e+00 : f32
      %broadcast_in_dim3A_511 = vector.broadcast %jit3A_510 : f32 to vector<16xf32>
      %select_n3A_512 = arith.select %eq3A_509, %broadcast_in_dim3A_511, %get3A_499 : vector<16xi1>, vector<16xf32>
      %slice3A_513 = vector.extract_strided_slice %select_n3A_512 {offsets = [0], sizes = [1], strides = [1]} : vector<16xf32> to vector<1xf32>
      %squeeze3A_514 = vector.extract %slice3A_513[0] : f32 from vector<1xf32>
      %get3A_515 = arith.constant 1 : i32
      %get3A_516 = arith.constant 192 : i32
      %get3A_517 = arith.index_cast %get3A_515 : i32 to index
      %get3A_518 = arith.index_cast %get3A_516 : i32 to index
      %get3A_519 = arith.constant 0 : index
      %get3A_520 = tpu.vector_load %arg7[%get3A_517, %get3A_518, %get3A_519] {strides = array<i32>} : memref<4x208x64xf32, #tpu.memory_space<vmem>>, vector<1x1x16xf32>,
      %get3A_521 = vector.shape_cast %get3A_520 : vector<1x1x16xf32> to vector<16xf32>
      %mul3A_522 = vector.broadcast %squeeze3A_514 : f32 to vector<16xf32>
      %mul3A_523 = arith.mulf %mul3A_522, %get3A_521 : vector<16xf32>
      %add3A_524 = arith.addf %scan3A_491#0, %mul3A_523 : vector<16xf32>
      %get3A_525 = arith.constant 1 : i32
      %get3A_526 = arith.constant 192 : i32
      %get3A_527 = arith.index_cast %get3A_525 : i32 to index
      %get3A_528 = arith.index_cast %get3A_526 : i32 to index
      %get3A_529 = arith.constant 16 : index
      %get3A_530 = tpu.vector_load %arg7[%get3A_527, %get3A_528, %get3A_529] {strides = array<i32>} : memref<4x208x64xf32, #tpu.memory_space<vmem>>, vector<1x1x16xf32>,
      %get3A_531 = vector.shape_cast %get3A_530 : vector<1x1x16xf32> to vector<16xf32>
      %mul3A_532 = vector.broadcast %squeeze3A_514 : f32 to vector<16xf32>
      %mul3A_533 = arith.mulf %mul3A_532, %get3A_531 : vector<16xf32>
      %add3A_534 = arith.addf %scan3A_491#1, %mul3A_533 : vector<16xf32>
      %get3A_535 = arith.constant 1 : i32
      %get3A_536 = arith.constant 192 : i32
      %get3A_537 = arith.index_cast %get3A_535 : i32 to index
      %get3A_538 = arith.index_cast %get3A_536 : i32 to index
      %get3A_539 = arith.constant 32 : index
      %get3A_540 = tpu.vector_load %arg7[%get3A_537, %get3A_538, %get3A_539] {strides = array<i32>} : memref<4x208x64xf32, #tpu.memory_space<vmem>>, vector<1x1x16xf32>,
      %get3A_541 = vector.shape_cast %get3A_540 : vector<1x1x16xf32> to vector<16xf32>
      %mul3A_542 = vector.broadcast %squeeze3A_514 : f32 to vector<16xf32>
      %mul3A_543 = arith.mulf %mul3A_542, %get3A_541 : vector<16xf32>
      %add3A_544 = arith.addf %scan3A_491#2, %mul3A_543 : vector<16xf32>
      %get3A_545 = arith.constant 1 : i32
      %get3A_546 = arith.constant 192 : i32
      %get3A_547 = arith.index_cast %get3A_545 : i32 to index
      %get3A_548 = arith.index_cast %get3A_546 : i32 to index
      %get3A_549 = arith.constant 48 : index
      %get3A_550 = tpu.vector_load %arg7[%get3A_547, %get3A_548, %get3A_549] {strides = array<i32>} : memref<4x208x64xf32, #tpu.memory_space<vmem>>, vector<1x1x16xf32>,
      %get3A_551 = vector.shape_cast %get3A_550 : vector<1x1x16xf32> to vector<16xf32>
      %mul3A_552 = vector.broadcast %squeeze3A_514 : f32 to vector<16xf32>
      %mul3A_553 = arith.mulf %mul3A_552, %get3A_551 : vector<16xf32>
      %add3A_554 = arith.addf %scan3A_491#3, %mul3A_553 : vector<16xf32>
      %slice3A_555 = vector.extract_strided_slice %select_n3A_512 {offsets = [1], sizes = [1], strides = [1]} : vector<16xf32> to vector<1xf32>
      %squeeze3A_556 = vector.extract %slice3A_555[0] : f32 from vector<1xf32>
      %get3A_557 = arith.constant 1 : i32
      %get3A_558 = arith.constant 193 : i32
      %get3A_559 = arith.index_cast %get3A_557 : i32 to index
      %get3A_560 = arith.index_cast %get3A_558 : i32 to index
      %get3A_561 = arith.constant 0 : index
      %get3A_562 = tpu.vector_load %arg7[%get3A_559, %get3A_560, %get3A_561] {strides = array<i32>} : memref<4x208x64xf32, #tpu.memory_space<vmem>>, vector<1x1x16xf32>,
      %get3A_563 = vector.shape_cast %get3A_562 : vector<1x1x16xf32> to vector<16xf32>
      %mul3A_564 = vector.broadcast %squeeze3A_556 : f32 to vector<16xf32>
      %mul3A_565 = arith.mulf %mul3A_564, %get3A_563 : vector<16xf32>
      %add3A_566 = arith.addf %add3A_524, %mul3A_565 : vector<16xf32>
      %get3A_567 = arith.constant 1 : i32
      %get3A_568 = arith.constant 193 : i32
      %get3A_569 = arith.index_cast %get3A_567 : i32 to index
      %get3A_570 = arith.index_cast %get3A_568 : i32 to index
      %get3A_571 = arith.constant 16 : index
      %get3A_572 = tpu.vector_load %arg7[%get3A_569, %get3A_570, %get3A_571] {strides = array<i32>} : memref<4x208x64xf32, #tpu.memory_space<vmem>>, vector<1x1x16xf32>,
      %get3A_573 = vector.shape_cast %get3A_572 : vector<1x1x16xf32> to vector<16xf32>
      %mul3A_574 = vector.broadcast %squeeze3A_556 : f32 to vector<16xf32>
      %mul3A_575 = arith.mulf %mul3A_574, %get3A_573 : vector<16xf32>
      %add3A_576 = arith.addf %add3A_534, %mul3A_575 : vector<16xf32>
      %get3A_577 = arith.constant 1 : i32
      %get3A_578 = arith.constant 193 : i32
      %get3A_579 = arith.index_cast %get3A_577 : i32 to index
      %get3A_580 = arith.index_cast %get3A_578 : i32 to index
      %get3A_581 = arith.constant 32 : index
      %get3A_582 = tpu.vector_load %arg7[%get3A_579, %get3A_580, %get3A_581] {strides = array<i32>} : memref<4x208x64xf32, #tpu.memory_space<vmem>>, vector<1x1x16xf32>,
      %get3A_583 = vector.shape_cast %get3A_582 : vector<1x1x16xf32> to vector<16xf32>
      %mul3A_584 = vector.broadcast %squeeze3A_556 : f32 to vector<16xf32>
      %mul3A_585 = arith.mulf %mul3A_584, %get3A_583 : vector<16xf32>
      %add3A_586 = arith.addf %add3A_544, %mul3A_585 : vector<16xf32>
      %get3A_587 = arith.constant 1 : i32
      %get3A_588 = arith.constant 193 : i32
      %get3A_589 = arith.index_cast %get3A_587 : i32 to index
      %get3A_590 = arith.index_cast %get3A_588 : i32 to index
      %get3A_591 = arith.constant 48 : index
      %get3A_592 = tpu.vector_load %arg7[%get3A_589, %get3A_590, %get3A_591] {strides = array<i32>} : memref<4x208x64xf32, #tpu.memory_space<vmem>>, vector<1x1x16xf32>,
      %get3A_593 = vector.shape_cast %get3A_592 : vector<1x1x16xf32> to vector<16xf32>
      %mul3A_594 = vector.broadcast %squeeze3A_556 : f32 to vector<16xf32>
      %mul3A_595 = arith.mulf %mul3A_594, %get3A_593 : vector<16xf32>
      %add3A_596 = arith.addf %add3A_554, %mul3A_595 : vector<16xf32>
      %slice3A_597 = vector.extract_strided_slice %select_n3A_512 {offsets = [2], sizes = [1], strides = [1]} : vector<16xf32> to vector<1xf32>
      %squeeze3A_598 = vector.extract %slice3A_597[0] : f32 from vector<1xf32>
      %get3A_599 = arith.constant 1 : i32
      %get3A_600 = arith.constant 194 : i32
      %get3A_601 = arith.index_cast %get3A_599 : i32 to index
      %get3A_602 = arith.index_cast %get3A_600 : i32 to index
      %get3A_603 = arith.constant 0 : index
      %get3A_604 = tpu.vector_load %arg7[%get3A_601, %get3A_602, %get3A_603] {strides = array<i32>} : memref<4x208x64xf32, #tpu.memory_space<vmem>>, vector<1x1x16xf32>,
      %get3A_605 = vector.shape_cast %get3A_604 : vector<1x1x16xf32> to vector<16xf32>
      %mul3A_606 = vector.broadcast %squeeze3A_598 : f32 to vector<16xf32>
      %mul3A_607 = arith.mulf %mul3A_606, %get3A_605 : vector<16xf32>
      %add3A_608 = arith.addf %add3A_566, %mul3A_607 : vector<16xf32>
      %get3A_609 = arith.constant 1 : i32
      %get3A_610 = arith.constant 194 : i32
      %get3A_611 = arith.index_cast %get3A_609 : i32 to index
      %get3A_612 = arith.index_cast %get3A_610 : i32 to index
      %get3A_613 = arith.constant 16 : index
      %get3A_614 = tpu.vector_load %arg7[%get3A_611, %get3A_612, %get3A_613] {strides = array<i32>} : memref<4x208x64xf32, #tpu.memory_space<vmem>>, vector<1x1x16xf32>,
      %get3A_615 = vector.shape_cast %get3A_614 : vector<1x1x16xf32> to vector<16xf32>
      %mul3A_616 = vector.broadcast %squeeze3A_598 : f32 to vector<16xf32>
      %mul3A_617 = arith.mulf %mul3A_616, %get3A_615 : vector<16xf32>
      %add3A_618 = arith.addf %add3A_576, %mul3A_617 : vector<16xf32>
      %get3A_619 = arith.constant 1 : i32
      %get3A_620 = arith.constant 194 : i32
      %get3A_621 = arith.index_cast %get3A_619 : i32 to index
      %get3A_622 = arith.index_cast %get3A_620 : i32 to index
      %get3A_623 = arith.constant 32 : index
      %get3A_624 = tpu.vector_load %arg7[%get3A_621, %get3A_622, %get3A_623] {strides = array<i32>} : memref<4x208x64xf32, #tpu.memory_space<vmem>>, vector<1x1x16xf32>,
      %get3A_625 = vector.shape_cast %get3A_624 : vector<1x1x16xf32> to vector<16xf32>
      %mul3A_626 = vector.broadcast %squeeze3A_598 : f32 to vector<16xf32>
      %mul3A_627 = arith.mulf %mul3A_626, %get3A_625 : vector<16xf32>
      %add3A_628 = arith.addf %add3A_586, %mul3A_627 : vector<16xf32>
      %get3A_629 = arith.constant 1 : i32
      %get3A_630 = arith.constant 194 : i32
      %get3A_631 = arith.index_cast %get3A_629 : i32 to index
      %get3A_632 = arith.index_cast %get3A_630 : i32 to index
      %get3A_633 = arith.constant 48 : index
      %get3A_634 = tpu.vector_load %arg7[%get3A_631, %get3A_632, %get3A_633] {strides = array<i32>} : memref<4x208x64xf32, #tpu.memory_space<vmem>>, vector<1x1x16xf32>,
      %get3A_635 = vector.shape_cast %get3A_634 : vector<1x1x16xf32> to vector<16xf32>
      %mul3A_636 = vector.broadcast %squeeze3A_598 : f32 to vector<16xf32>
      %mul3A_637 = arith.mulf %mul3A_636, %get3A_635 : vector<16xf32>
      %add3A_638 = arith.addf %add3A_596, %mul3A_637 : vector<16xf32>
      %slice3A_639 = vector.extract_strided_slice %select_n3A_512 {offsets = [3], sizes = [1], strides = [1]} : vector<16xf32> to vector<1xf32>
      %squeeze3A_640 = vector.extract %slice3A_639[0] : f32 from vector<1xf32>
      %get3A_641 = arith.constant 1 : i32
      %get3A_642 = arith.constant 195 : i32
      %get3A_643 = arith.index_cast %get3A_641 : i32 to index
      %get3A_644 = arith.index_cast %get3A_642 : i32 to index
      %get3A_645 = arith.constant 0 : index
      %get3A_646 = tpu.vector_load %arg7[%get3A_643, %get3A_644, %get3A_645] {strides = array<i32>} : memref<4x208x64xf32, #tpu.memory_space<vmem>>, vector<1x1x16xf32>,
      %get3A_647 = vector.shape_cast %get3A_646 : vector<1x1x16xf32> to vector<16xf32>
      %mul3A_648 = vector.broadcast %squeeze3A_640 : f32 to vector<16xf32>
      %mul3A_649 = arith.mulf %mul3A_648, %get3A_647 : vector<16xf32>
      %add3A_650 = arith.addf %add3A_608, %mul3A_649 : vector<16xf32>
      %get3A_651 = arith.constant 1 : i32
      %get3A_652 = arith.constant 195 : i32
      %get3A_653 = arith.index_cast %get3A_651 : i32 to index
      %get3A_654 = arith.index_cast %get3A_652 : i32 to index
      %get3A_655 = arith.constant 16 : index
      %get3A_656 = tpu.vector_load %arg7[%get3A_653, %get3A_654, %get3A_655] {strides = array<i32>} : memref<4x208x64xf32, #tpu.memory_space<vmem>>, vector<1x1x16xf32>,
      %get3A_657 = vector.shape_cast %get3A_656 : vector<1x1x16xf32> to vector<16xf32>
      %mul3A_658 = vector.broadcast %squeeze3A_640 : f32 to vector<16xf32>
      %mul3A_659 = arith.mulf %mul3A_658, %get3A_657 : vector<16xf32>
      %add3A_660 = arith.addf %add3A_618, %mul3A_659 : vector<16xf32>
      %get3A_661 = arith.constant 1 : i32
      %get3A_662 = arith.constant 195 : i32
      %get3A_663 = arith.index_cast %get3A_661 : i32 to index
      %get3A_664 = arith.index_cast %get3A_662 : i32 to index
      %get3A_665 = arith.constant 32 : index
      %get3A_666 = tpu.vector_load %arg7[%get3A_663, %get3A_664, %get3A_665] {strides = array<i32>} : memref<4x208x64xf32, #tpu.memory_space<vmem>>, vector<1x1x16xf32>,
      %get3A_667 = vector.shape_cast %get3A_666 : vector<1x1x16xf32> to vector<16xf32>
      %mul3A_668 = vector.broadcast %squeeze3A_640 : f32 to vector<16xf32>
      %mul3A_669 = arith.mulf %mul3A_668, %get3A_667 : vector<16xf32>
      %add3A_670 = arith.addf %add3A_628, %mul3A_669 : vector<16xf32>
      %get3A_671 = arith.constant 1 : i32
      %get3A_672 = arith.constant 195 : i32
      %get3A_673 = arith.index_cast %get3A_671 : i32 to index
      %get3A_674 = arith.index_cast %get3A_672 : i32 to index
      %get3A_675 = arith.constant 48 : index
      %get3A_676 = tpu.vector_load %arg7[%get3A_673, %get3A_674, %get3A_675] {strides = array<i32>} : memref<4x208x64xf32, #tpu.memory_space<vmem>>, vector<1x1x16xf32>,
      %get3A_677 = vector.shape_cast %get3A_676 : vector<1x1x16xf32> to vector<16xf32>
      %mul3A_678 = vector.broadcast %squeeze3A_640 : f32 to vector<16xf32>
      %mul3A_679 = arith.mulf %mul3A_678, %get3A_677 : vector<16xf32>
      %add3A_680 = arith.addf %add3A_638, %mul3A_679 : vector<16xf32>
      %slice3A_681 = vector.extract_strided_slice %select_n3A_512 {offsets = [4], sizes = [1], strides = [1]} : vector<16xf32> to vector<1xf32>
      %squeeze3A_682 = vector.extract %slice3A_681[0] : f32 from vector<1xf32>
      %get3A_683 = arith.constant 1 : i32
      %get3A_684 = arith.constant 196 : i32
      %get3A_685 = arith.index_cast %get3A_683 : i32 to index
      %get3A_686 = arith.index_cast %get3A_684 : i32 to index
      %get3A_687 = arith.constant 0 : index
      %get3A_688 = tpu.vector_load %arg7[%get3A_685, %get3A_686, %get3A_687] {strides = array<i32>} : memref<4x208x64xf32, #tpu.memory_space<vmem>>, vector<1x1x16xf32>,
      %get3A_689 = vector.shape_cast %get3A_688 : vector<1x1x16xf32> to vector<16xf32>
      %mul3A_690 = vector.broadcast %squeeze3A_682 : f32 to vector<16xf32>
      %mul3A_691 = arith.mulf %mul3A_690, %get3A_689 : vector<16xf32>
      %add3A_692 = arith.addf %add3A_650, %mul3A_691 : vector<16xf32>
      %get3A_693 = arith.constant 1 : i32
      %get3A_694 = arith.constant 196 : i32
      %get3A_695 = arith.index_cast %get3A_693 : i32 to index
      %get3A_696 = arith.index_cast %get3A_694 : i32 to index
      %get3A_697 = arith.constant 16 : index
      %get3A_698 = tpu.vector_load %arg7[%get3A_695, %get3A_696, %get3A_697] {strides = array<i32>} : memref<4x208x64xf32, #tpu.memory_space<vmem>>, vector<1x1x16xf32>,
      %get3A_699 = vector.shape_cast %get3A_698 : vector<1x1x16xf32> to vector<16xf32>
      %mul3A_700 = vector.broadcast %squeeze3A_682 : f32 to vector<16xf32>
      %mul3A_701 = arith.mulf %mul3A_700, %get3A_699 : vector<16xf32>
      %add3A_702 = arith.addf %add3A_660, %mul3A_701 : vector<16xf32>
      %get3A_703 = arith.constant 1 : i32
      %get3A_704 = arith.constant 196 : i32
      %get3A_705 = arith.index_cast %get3A_703 : i32 to index
      %get3A_706 = arith.index_cast %get3A_704 : i32 to index
      %get3A_707 = arith.constant 32 : index
      %get3A_708 = tpu.vector_load %arg7[%get3A_705, %get3A_706, %get3A_707] {strides = array<i32>} : memref<4x208x64xf32, #tpu.memory_space<vmem>>, vector<1x1x16xf32>,
      %get3A_709 = vector.shape_cast %get3A_708 : vector<1x1x16xf32> to vector<16xf32>
      %mul3A_710 = vector.broadcast %squeeze3A_682 : f32 to vector<16xf32>
      %mul3A_711 = arith.mulf %mul3A_710, %get3A_709 : vector<16xf32>
      %add3A_712 = arith.addf %add3A_670, %mul3A_711 : vector<16xf32>
      %get3A_713 = arith.constant 1 : i32
      %get3A_714 = arith.constant 196 : i32
      %get3A_715 = arith.index_cast %get3A_713 : i32 to index
      %get3A_716 = arith.index_cast %get3A_714 : i32 to index
      %get3A_717 = arith.constant 48 : index
      %get3A_718 = tpu.vector_load %arg7[%get3A_715, %get3A_716, %get3A_717] {strides = array<i32>} : memref<4x208x64xf32, #tpu.memory_space<vmem>>, vector<1x1x16xf32>,
      %get3A_719 = vector.shape_cast %get3A_718 : vector<1x1x16xf32> to vector<16xf32>
      %mul3A_720 = vector.broadcast %squeeze3A_682 : f32 to vector<16xf32>
      %mul3A_721 = arith.mulf %mul3A_720, %get3A_719 : vector<16xf32>
      %add3A_722 = arith.addf %add3A_680, %mul3A_721 : vector<16xf32>
      %slice3A_723 = vector.extract_strided_slice %select_n3A_512 {offsets = [5], sizes = [1], strides = [1]} : vector<16xf32> to vector<1xf32>
      %squeeze3A_724 = vector.extract %slice3A_723[0] : f32 from vector<1xf32>
      %get3A_725 = arith.constant 1 : i32
      %get3A_726 = arith.constant 197 : i32
      %get3A_727 = arith.index_cast %get3A_725 : i32 to index
      %get3A_728 = arith.index_cast %get3A_726 : i32 to index
      %get3A_729 = arith.constant 0 : index
      %get3A_730 = tpu.vector_load %arg7[%get3A_727, %get3A_728, %get3A_729] {strides = array<i32>} : memref<4x208x64xf32, #tpu.memory_space<vmem>>, vector<1x1x16xf32>,
      %get3A_731 = vector.shape_cast %get3A_730 : vector<1x1x16xf32> to vector<16xf32>
      %mul3A_732 = vector.broadcast %squeeze3A_724 : f32 to vector<16xf32>
      %mul3A_733 = arith.mulf %mul3A_732, %get3A_731 : vector<16xf32>
      %add3A_734 = arith.addf %add3A_692, %mul3A_733 : vector<16xf32>
      %get3A_735 = arith.constant 1 : i32
      %get3A_736 = arith.constant 197 : i32
      %get3A_737 = arith.index_cast %get3A_735 : i32 to index
      %get3A_738 = arith.index_cast %get3A_736 : i32 to index
      %get3A_739 = arith.constant 16 : index
      %get3A_740 = tpu.vector_load %arg7[%get3A_737, %get3A_738, %get3A_739] {strides = array<i32>} : memref<4x208x64xf32, #tpu.memory_space<vmem>>, vector<1x1x16xf32>,
      %get3A_741 = vector.shape_cast %get3A_740 : vector<1x1x16xf32> to vector<16xf32>
      %mul3A_742 = vector.broadcast %squeeze3A_724 : f32 to vector<16xf32>
      %mul3A_743 = arith.mulf %mul3A_742, %get3A_741 : vector<16xf32>
      %add3A_744 = arith.addf %add3A_702, %mul3A_743 : vector<16xf32>
      %get3A_745 = arith.constant 1 : i32
      %get3A_746 = arith.constant 197 : i32
      %get3A_747 = arith.index_cast %get3A_745 : i32 to index
      %get3A_748 = arith.index_cast %get3A_746 : i32 to index
      %get3A_749 = arith.constant 32 : index
      %get3A_750 = tpu.vector_load %arg7[%get3A_747, %get3A_748, %get3A_749] {strides = array<i32>} : memref<4x208x64xf32, #tpu.memory_space<vmem>>, vector<1x1x16xf32>,
      %get3A_751 = vector.shape_cast %get3A_750 : vector<1x1x16xf32> to vector<16xf32>
      %mul3A_752 = vector.broadcast %squeeze3A_724 : f32 to vector<16xf32>
      %mul3A_753 = arith.mulf %mul3A_752, %get3A_751 : vector<16xf32>
      %add3A_754 = arith.addf %add3A_712, %mul3A_753 : vector<16xf32>
      %get3A_755 = arith.constant 1 : i32
      %get3A_756 = arith.constant 197 : i32
      %get3A_757 = arith.index_cast %get3A_755 : i32 to index
      %get3A_758 = arith.index_cast %get3A_756 : i32 to index
      %get3A_759 = arith.constant 48 : index
      %get3A_760 = tpu.vector_load %arg7[%get3A_757, %get3A_758, %get3A_759] {strides = array<i32>} : memref<4x208x64xf32, #tpu.memory_space<vmem>>, vector<1x1x16xf32>,
      %get3A_761 = vector.shape_cast %get3A_760 : vector<1x1x16xf32> to vector<16xf32>
      %mul3A_762 = vector.broadcast %squeeze3A_724 : f32 to vector<16xf32>
      %mul3A_763 = arith.mulf %mul3A_762, %get3A_761 : vector<16xf32>
      %add3A_764 = arith.addf %add3A_722, %mul3A_763 : vector<16xf32>
      %slice3A_765 = vector.extract_strided_slice %select_n3A_512 {offsets = [6], sizes = [1], strides = [1]} : vector<16xf32> to vector<1xf32>
      %squeeze3A_766 = vector.extract %slice3A_765[0] : f32 from vector<1xf32>
      %get3A_767 = arith.constant 1 : i32
      %get3A_768 = arith.constant 198 : i32
      %get3A_769 = arith.index_cast %get3A_767 : i32 to index
      %get3A_770 = arith.index_cast %get3A_768 : i32 to index
      %get3A_771 = arith.constant 0 : index
      %get3A_772 = tpu.vector_load %arg7[%get3A_769, %get3A_770, %get3A_771] {strides = array<i32>} : memref<4x208x64xf32, #tpu.memory_space<vmem>>, vector<1x1x16xf32>,
      %get3A_773 = vector.shape_cast %get3A_772 : vector<1x1x16xf32> to vector<16xf32>
      %mul3A_774 = vector.broadcast %squeeze3A_766 : f32 to vector<16xf32>
      %mul3A_775 = arith.mulf %mul3A_774, %get3A_773 : vector<16xf32>
      %add3A_776 = arith.addf %add3A_734, %mul3A_775 : vector<16xf32>
      %get3A_777 = arith.constant 1 : i32
      %get3A_778 = arith.constant 198 : i32
      %get3A_779 = arith.index_cast %get3A_777 : i32 to index
      %get3A_780 = arith.index_cast %get3A_778 : i32 to index
      %get3A_781 = arith.constant 16 : index
      %get3A_782 = tpu.vector_load %arg7[%get3A_779, %get3A_780, %get3A_781] {strides = array<i32>} : memref<4x208x64xf32, #tpu.memory_space<vmem>>, vector<1x1x16xf32>,
      %get3A_783 = vector.shape_cast %get3A_782 : vector<1x1x16xf32> to vector<16xf32>
      %mul3A_784 = vector.broadcast %squeeze3A_766 : f32 to vector<16xf32>
      %mul3A_785 = arith.mulf %mul3A_784, %get3A_783 : vector<16xf32>
      %add3A_786 = arith.addf %add3A_744, %mul3A_785 : vector<16xf32>
      %get3A_787 = arith.constant 1 : i32
      %get3A_788 = arith.constant 198 : i32
      %get3A_789 = arith.index_cast %get3A_787 : i32 to index
      %get3A_790 = arith.index_cast %get3A_788 : i32 to index
      %get3A_791 = arith.constant 32 : index
      %get3A_792 = tpu.vector_load %arg7[%get3A_789, %get3A_790, %get3A_791] {strides = array<i32>} : memref<4x208x64xf32, #tpu.memory_space<vmem>>, vector<1x1x16xf32>,
      %get3A_793 = vector.shape_cast %get3A_792 : vector<1x1x16xf32> to vector<16xf32>
      %mul3A_794 = vector.broadcast %squeeze3A_766 : f32 to vector<16xf32>
      %mul3A_795 = arith.mulf %mul3A_794, %get3A_793 : vector<16xf32>
      %add3A_796 = arith.addf %add3A_754, %mul3A_795 : vector<16xf32>
      %get3A_797 = arith.constant 1 : i32
      %get3A_798 = arith.constant 198 : i32
      %get3A_799 = arith.index_cast %get3A_797 : i32 to index
      %get3A_800 = arith.index_cast %get3A_798 : i32 to index
      %get3A_801 = arith.constant 48 : index
      %get3A_802 = tpu.vector_load %arg7[%get3A_799, %get3A_800, %get3A_801] {strides = array<i32>} : memref<4x208x64xf32, #tpu.memory_space<vmem>>, vector<1x1x16xf32>,
      %get3A_803 = vector.shape_cast %get3A_802 : vector<1x1x16xf32> to vector<16xf32>
      %mul3A_804 = vector.broadcast %squeeze3A_766 : f32 to vector<16xf32>
      %mul3A_805 = arith.mulf %mul3A_804, %get3A_803 : vector<16xf32>
      %add3A_806 = arith.addf %add3A_764, %mul3A_805 : vector<16xf32>
      %slice3A_807 = vector.extract_strided_slice %select_n3A_512 {offsets = [7], sizes = [1], strides = [1]} : vector<16xf32> to vector<1xf32>
      %squeeze3A_808 = vector.extract %slice3A_807[0] : f32 from vector<1xf32>
      %get3A_809 = arith.constant 1 : i32
      %get3A_810 = arith.constant 199 : i32
      %get3A_811 = arith.index_cast %get3A_809 : i32 to index
      %get3A_812 = arith.index_cast %get3A_810 : i32 to index
      %get3A_813 = arith.constant 0 : index
      %get3A_814 = tpu.vector_load %arg7[%get3A_811, %get3A_812, %get3A_813] {strides = array<i32>} : memref<4x208x64xf32, #tpu.memory_space<vmem>>, vector<1x1x16xf32>,
      %get3A_815 = vector.shape_cast %get3A_814 : vector<1x1x16xf32> to vector<16xf32>
      %mul3A_816 = vector.broadcast %squeeze3A_808 : f32 to vector<16xf32>
      %mul3A_817 = arith.mulf %mul3A_816, %get3A_815 : vector<16xf32>
      %add3A_818 = arith.addf %add3A_776, %mul3A_817 : vector<16xf32>
      %get3A_819 = arith.constant 1 : i32
      %get3A_820 = arith.constant 199 : i32
      %get3A_821 = arith.index_cast %get3A_819 : i32 to index
      %get3A_822 = arith.index_cast %get3A_820 : i32 to index
      %get3A_823 = arith.constant 16 : index
      %get3A_824 = tpu.vector_load %arg7[%get3A_821, %get3A_822, %get3A_823] {strides = array<i32>} : memref<4x208x64xf32, #tpu.memory_space<vmem>>, vector<1x1x16xf32>,
      %get3A_825 = vector.shape_cast %get3A_824 : vector<1x1x16xf32> to vector<16xf32>
      %mul3A_826 = vector.broadcast %squeeze3A_808 : f32 to vector<16xf32>
      %mul3A_827 = arith.mulf %mul3A_826, %get3A_825 : vector<16xf32>
      %add3A_828 = arith.addf %add3A_786, %mul3A_827 : vector<16xf32>
      %get3A_829 = arith.constant 1 : i32
      %get3A_830 = arith.constant 199 : i32
      %get3A_831 = arith.index_cast %get3A_829 : i32 to index
      %get3A_832 = arith.index_cast %get3A_830 : i32 to index
      %get3A_833 = arith.constant 32 : index
      %get3A_834 = tpu.vector_load %arg7[%get3A_831, %get3A_832, %get3A_833] {strides = array<i32>} : memref<4x208x64xf32, #tpu.memory_space<vmem>>, vector<1x1x16xf32>,
      %get3A_835 = vector.shape_cast %get3A_834 : vector<1x1x16xf32> to vector<16xf32>
      %mul3A_836 = vector.broadcast %squeeze3A_808 : f32 to vector<16xf32>
      %mul3A_837 = arith.mulf %mul3A_836, %get3A_835 : vector<16xf32>
      %add3A_838 = arith.addf %add3A_796, %mul3A_837 : vector<16xf32>
      %get3A_839 = arith.constant 1 : i32
      %get3A_840 = arith.constant 199 : i32
      %get3A_841 = arith.index_cast %get3A_839 : i32 to index
      %get3A_842 = arith.index_cast %get3A_840 : i32 to index
      %get3A_843 = arith.constant 48 : index
      %get3A_844 = tpu.vector_load %arg7[%get3A_841, %get3A_842, %get3A_843] {strides = array<i32>} : memref<4x208x64xf32, #tpu.memory_space<vmem>>, vector<1x1x16xf32>,
      %get3A_845 = vector.shape_cast %get3A_844 : vector<1x1x16xf32> to vector<16xf32>
      %mul3A_846 = vector.broadcast %squeeze3A_808 : f32 to vector<16xf32>
      %mul3A_847 = arith.mulf %mul3A_846, %get3A_845 : vector<16xf32>
      %add3A_848 = arith.addf %add3A_806, %mul3A_847 : vector<16xf32>
      %swap3A_849 = arith.index_cast %add3A_454 : i32 to index
      %swap3A_850 = arith.constant 0 : index
      %swap3A_851 = tpu.vector_load %arg9[%swap3A_849, %swap3A_850] {strides = array<i32>} : memref<128x64xf32, #tpu.memory_space<vmem>>, vector<1x16xf32>,
      %swap3A_852 = vector.shape_cast %swap3A_851 : vector<1x16xf32> to vector<16xf32>
      %swap3A_853 = vector.shape_cast %add3A_818 : vector<16xf32> to vector<1x16xf32>
      tpu.vector_store %arg9[%swap3A_849, %swap3A_850], %swap3A_853 {strides = array<i32>} : memref<128x64xf32, #tpu.memory_space<vmem>>, vector<1x16xf32>,
      %swap3A_854 = arith.index_cast %add3A_454 : i32 to index
      %swap3A_855 = arith.constant 16 : index
      %swap3A_856 = tpu.vector_load %arg9[%swap3A_854, %swap3A_855] {strides = array<i32>} : memref<128x64xf32, #tpu.memory_space<vmem>>, vector<1x16xf32>,
      %swap3A_857 = vector.shape_cast %swap3A_856 : vector<1x16xf32> to vector<16xf32>
      %swap3A_858 = vector.shape_cast %add3A_828 : vector<16xf32> to vector<1x16xf32>
      tpu.vector_store %arg9[%swap3A_854, %swap3A_855], %swap3A_858 {strides = array<i32>} : memref<128x64xf32, #tpu.memory_space<vmem>>, vector<1x16xf32>,
      %swap3A_859 = arith.index_cast %add3A_454 : i32 to index
      %swap3A_860 = arith.constant 32 : index
      %swap3A_861 = tpu.vector_load %arg9[%swap3A_859, %swap3A_860] {strides = array<i32>} : memref<128x64xf32, #tpu.memory_space<vmem>>, vector<1x16xf32>,
      %swap3A_862 = vector.shape_cast %swap3A_861 : vector<1x16xf32> to vector<16xf32>
      %swap3A_863 = vector.shape_cast %add3A_838 : vector<16xf32> to vector<1x16xf32>
      tpu.vector_store %arg9[%swap3A_859, %swap3A_860], %swap3A_863 {strides = array<i32>} : memref<128x64xf32, #tpu.memory_space<vmem>>, vector<1x16xf32>,
      %swap3A_864 = arith.index_cast %add3A_454 : i32 to index
      %swap3A_865 = arith.constant 48 : index
      %swap3A_866 = tpu.vector_load %arg9[%swap3A_864, %swap3A_865] {strides = array<i32>} : memref<128x64xf32, #tpu.memory_space<vmem>>, vector<1x16xf32>,
      %swap3A_867 = vector.shape_cast %swap3A_866 : vector<1x16xf32> to vector<16xf32>
      %swap3A_868 = vector.shape_cast %add3A_848 : vector<16xf32> to vector<1x16xf32>
      tpu.vector_store %arg9[%swap3A_864, %swap3A_865], %swap3A_868 {strides = array<i32>} : memref<128x64xf32, #tpu.memory_space<vmem>>, vector<1x16xf32>,
      %mul3A_869 = arith.constant 4 : i32
      %mul3A_870 = arith.muli %scan3A_44, %mul3A_869 : i32
      %add3A_871 = arith.constant 2 : i32
      %add3A_872 = arith.addi %mul3A_870, %add3A_871 : i32
      %add3A_873 = arith.constant 4 : i32
      %add3A_874 = arith.addi %add3A_872, %add3A_873 : i32
      %sub3A_875 = arith.constant 1 : i32
      %sub3A_876 = arith.subi %add3A_874, %sub3A_875 : i32
      %lt3A_877 = arith.constant 128 : i32
      %lt3A_878 = arith.cmpi slt, %sub3A_876, %lt3A_877 : i32
      %convert_element_type3A_879 = arith.extui %lt3A_878 : i1 to i32
      %cond3A_880 = arith.constant 0 : i32
      %cond3A_881 = arith.cmpi ne, %convert_element_type3A_879, %cond3A_880 : i32
      scf.if %cond3A_881 {
        %add3A_1705 = arith.constant 4 : i32
        %add3A_1706 = arith.addi %add3A_872, %add3A_1705 : i32
        %sub3A_1707 = arith.constant 1 : i32
        %sub3A_1708 = arith.subi %add3A_1706, %sub3A_1707 : i32
        %mul3A_1709 = arith.constant 208 : i32
        %mul3A_1710 = arith.muli %sub3A_1708, %mul3A_1709 : i32
        %dma_start3A_1711 = arith.constant 1 : i32
        %dma_start3A_1712 = arith.constant 0 : i32
        %dma_start3A_1713 = arith.constant 0 : i32
        %dma_start3A_1714 = tpu.memref_slice %arg7[%dma_start3A_1711, %dma_start3A_1712, %dma_start3A_1713] : memref<4x208x64xf32, #tpu.memory_space<vmem>> -> memref<1x208x64xf32, #tpu.memory_space<vmem>>
        %dma_start3A_1715 = tpu.memref_squeeze %dma_start3A_1714 : memref<1x208x64xf32, #tpu.memory_space<vmem>> -> memref<208x64xf32, #tpu.memory_space<vmem>>
        %dma_start3A_1716 = tpu.memref_slice %arg6[%mul3A_1710] : memref<26624xi32, #tpu.memory_space<vmem>> -> memref<208xi32, #tpu.memory_space<vmem>>
        %dma_start3A_1717 = arith.constant 0 : i32
        %dma_start3A_1718 = arith.constant 0 : i32
        %dma_start3A_1719 = tpu.memref_slice %arg3[%dma_start3A_1717, %dma_start3A_1718] : memref<1000000x64xf32, #tpu.memory_space<hbm>> -> memref<1000000x64xf32, #tpu.memory_space<hbm>>
        tpu.enqueue_indirect_dma source(%dma_start3A_1719 : memref<1000000x64xf32, #tpu.memory_space<hbm>>) target(%dma_start3A_1715 : memref<208x64xf32, #tpu.memory_space<vmem>>) offsets(%dma_start3A_1716 : memref<208xi32, #tpu.memory_space<vmem>>) semaphore(%arg11 : memref<!tpu.dma_semaphore, #tpu.memory_space<semaphore_mem>>)
      } else {
      }
      %dma_wait3A_882 = arith.constant 2 : i32
      %dma_wait3A_883 = arith.constant 0 : i32
      %dma_wait3A_884 = arith.constant 0 : i32
      %dma_wait3A_885 = tpu.memref_slice %arg7[%dma_wait3A_882, %dma_wait3A_883, %dma_wait3A_884] : memref<4x208x64xf32, #tpu.memory_space<vmem>> -> memref<1x208x64xf32, #tpu.memory_space<vmem>>
      %dma_wait3A_886 = tpu.memref_squeeze %dma_wait3A_885 : memref<1x208x64xf32, #tpu.memory_space<vmem>> -> memref<208x64xf32, #tpu.memory_space<vmem>>
      %dma_wait3A_887 = arith.constant 0 : i32
      %dma_wait3A_888 = arith.constant 0 : i32
      %dma_wait3A_889 = tpu.memref_slice %arg3[%dma_wait3A_887, %dma_wait3A_888] : memref<1000000x64xf32, #tpu.memory_space<hbm>> -> memref<208x64xf32, #tpu.memory_space<hbm>>
      %dma_wait3A_890 = arith.constant 0 : i32
      %dma_wait3A_891 = arith.constant 0 : i32
      %dma_wait3A_892 = tpu.memref_slice %arg7[%dma_wait3A_882, %dma_wait3A_890, %dma_wait3A_891] : memref<4x208x64xf32, #tpu.memory_space<vmem>> -> memref<1x208x64xf32, #tpu.memory_space<vmem>>
      %dma_wait3A_893 = tpu.memref_squeeze %dma_wait3A_892 : memref<1x208x64xf32, #tpu.memory_space<vmem>> -> memref<208x64xf32, #tpu.memory_space<vmem>>
      %dma_wait3A_894 = arith.constant 0 : i32
      %dma_wait3A_895 = arith.constant 0 : i32
      %dma_wait3A_896 = tpu.memref_slice %arg3[%dma_wait3A_894, %dma_wait3A_895] : memref<1000000x64xf32, #tpu.memory_space<hbm>> -> memref<208x64xf32, #tpu.memory_space<hbm>>
      tpu.wait_dma2 semaphore(%arg12 : memref<!tpu.dma_semaphore, #tpu.memory_space<semaphore_mem>>) src(%dma_wait3A_896 : memref<208x64xf32, #tpu.memory_space<hbm>>) dst(%dma_wait3A_893 : memref<208x64xf32, #tpu.memory_space<vmem>>)
      %broadcast_in_dim3A_897 = arith.constant 0.000000e+00 : f32
      %broadcast_in_dim3A_898 = vector.broadcast %broadcast_in_dim3A_897 : f32 to vector<16xf32>
      %broadcast_in_dim3A_899 = arith.constant 0.000000e+00 : f32
      %broadcast_in_dim3A_900 = vector.broadcast %broadcast_in_dim3A_899 : f32 to vector<16xf32>
      %broadcast_in_dim3A_901 = arith.constant 0.000000e+00 : f32
      %broadcast_in_dim3A_902 = vector.broadcast %broadcast_in_dim3A_901 : f32 to vector<16xf32>
      %broadcast_in_dim3A_903 = arith.constant 0.000000e+00 : f32
      %broadcast_in_dim3A_904 = vector.broadcast %broadcast_in_dim3A_903 : f32 to vector<16xf32>
      %scan3A_905 = arith.constant 0 : i32
      %scan3A_906 = arith.constant 12 : i32
      %scan3A_907 = arith.addi %scan3A_905, %scan3A_906 : i32
      %scan3A_908 = arith.constant 1 : i32
      %scan3A_909:4 = scf.for %scan3A_1705 = %scan3A_905 to %scan3A_907 step %scan3A_908 iter_args(%scan3A_1706 = %broadcast_in_dim3A_898, %scan3A_1707 = %broadcast_in_dim3A_900, %scan3A_1708 = %broadcast_in_dim3A_902, %scan3A_1709 = %broadcast_in_dim3A_904) -> (vector<16xf32>, vector<16xf32>, vector<16xf32>, vector<16xf32>)  : i32 {
        %mul3A_1710 = arith.constant 16 : i32
        %mul3A_1711 = arith.muli %scan3A_1705, %mul3A_1710 : i32
        %mul3A_1712 = arith.constant 208 : i32
        %mul3A_1713 = arith.muli %add3A_872, %mul3A_1712 : i32
        %add3A_1714 = arith.addi %mul3A_1713, %mul3A_1711 : i32
        %get3A_1715 = arith.index_cast %add3A_1714 : i32 to index
        %get3A_1716 = tpu.vector_load %arg8[%get3A_1715] {strides = array<i32>} : memref<26624xf32, #tpu.memory_space<vmem>>, vector<16xf32>,
        %get3A_1717 = vector.shape_cast %get3A_1716 : vector<16xf32> to vector<16xf32>
        %mul3A_1718 = arith.constant 208 : i32
        %mul3A_1719 = arith.muli %add3A_872, %mul3A_1718 : i32
        %add3A_1720 = arith.addi %mul3A_1719, %mul3A_1711 : i32
        %get3A_1721 = arith.index_cast %add3A_1720 : i32 to index
        %get3A_1722 = tpu.vector_load %arg6[%get3A_1721] {strides = array<i32>} : memref<26624xi32, #tpu.memory_space<vmem>>, vector<16xi32>,
        %get3A_1723 = vector.shape_cast %get3A_1722 : vector<16xi32> to vector<16xi32>
        %eq3A_1724 = arith.constant 0 : i32
        %eq3A_1725 = vector.broadcast %eq3A_1724 : i32 to vector<16xi32>
        %eq3A_1726 = arith.cmpi eq, %get3A_1723, %eq3A_1725 : vector<16xi32>
        %jit3A_1727 = arith.constant 0.000000e+00 : f32
        %broadcast_in_dim3A_1728 = vector.broadcast %jit3A_1727 : f32 to vector<16xf32>
        %select_n3A_1729 = arith.select %eq3A_1726, %broadcast_in_dim3A_1728, %get3A_1717 : vector<16xi1>, vector<16xf32>
        %slice3A_1730 = vector.extract_strided_slice %select_n3A_1729 {offsets = [0], sizes = [1], strides = [1]} : vector<16xf32> to vector<1xf32>
        %squeeze3A_1731 = vector.extract %slice3A_1730[0] : f32 from vector<1xf32>
        %add3A_1732 = arith.constant 0 : i32
        %add3A_1733 = arith.addi %mul3A_1711, %add3A_1732 : i32
        %get3A_1734 = arith.constant 2 : i32
        %get3A_1735 = arith.index_cast %get3A_1734 : i32 to index
        %get3A_1736 = arith.index_cast %add3A_1733 : i32 to index
        %get3A_1737 = arith.constant 0 : index
        %get3A_1738 = tpu.vector_load %arg7[%get3A_1735, %get3A_1736, %get3A_1737] {strides = array<i32>} : memref<4x208x64xf32, #tpu.memory_space<vmem>>, vector<1x1x16xf32>,
        %get3A_1739 = vector.shape_cast %get3A_1738 : vector<1x1x16xf32> to vector<16xf32>
        %mul3A_1740 = vector.broadcast %squeeze3A_1731 : f32 to vector<16xf32>
        %mul3A_1741 = arith.mulf %mul3A_1740, %get3A_1739 : vector<16xf32>
        %add3A_1742 = arith.addf %scan3A_1706, %mul3A_1741 : vector<16xf32>
        %add3A_1743 = arith.constant 0 : i32
        %add3A_1744 = arith.addi %mul3A_1711, %add3A_1743 : i32
        %get3A_1745 = arith.constant 2 : i32
        %get3A_1746 = arith.index_cast %get3A_1745 : i32 to index
        %get3A_1747 = arith.index_cast %add3A_1744 : i32 to index
        %get3A_1748 = arith.constant 16 : index
        %get3A_1749 = tpu.vector_load %arg7[%get3A_1746, %get3A_1747, %get3A_1748] {strides = array<i32>} : memref<4x208x64xf32, #tpu.memory_space<vmem>>, vector<1x1x16xf32>,
        %get3A_1750 = vector.shape_cast %get3A_1749 : vector<1x1x16xf32> to vector<16xf32>
        %mul3A_1751 = vector.broadcast %squeeze3A_1731 : f32 to vector<16xf32>
        %mul3A_1752 = arith.mulf %mul3A_1751, %get3A_1750 : vector<16xf32>
        %add3A_1753 = arith.addf %scan3A_1707, %mul3A_1752 : vector<16xf32>
        %add3A_1754 = arith.constant 0 : i32
        %add3A_1755 = arith.addi %mul3A_1711, %add3A_1754 : i32
        %get3A_1756 = arith.constant 2 : i32
        %get3A_1757 = arith.index_cast %get3A_1756 : i32 to index
        %get3A_1758 = arith.index_cast %add3A_1755 : i32 to index
        %get3A_1759 = arith.constant 32 : index
        %get3A_1760 = tpu.vector_load %arg7[%get3A_1757, %get3A_1758, %get3A_1759] {strides = array<i32>} : memref<4x208x64xf32, #tpu.memory_space<vmem>>, vector<1x1x16xf32>,
        %get3A_1761 = vector.shape_cast %get3A_1760 : vector<1x1x16xf32> to vector<16xf32>
        %mul3A_1762 = vector.broadcast %squeeze3A_1731 : f32 to vector<16xf32>
        %mul3A_1763 = arith.mulf %mul3A_1762, %get3A_1761 : vector<16xf32>
        %add3A_1764 = arith.addf %scan3A_1708, %mul3A_1763 : vector<16xf32>
        %add3A_1765 = arith.constant 0 : i32
        %add3A_1766 = arith.addi %mul3A_1711, %add3A_1765 : i32
        %get3A_1767 = arith.constant 2 : i32
        %get3A_1768 = arith.index_cast %get3A_1767 : i32 to index
        %get3A_1769 = arith.index_cast %add3A_1766 : i32 to index
        %get3A_1770 = arith.constant 48 : index
        %get3A_1771 = tpu.vector_load %arg7[%get3A_1768, %get3A_1769, %get3A_1770] {strides = array<i32>} : memref<4x208x64xf32, #tpu.memory_space<vmem>>, vector<1x1x16xf32>,
        %get3A_1772 = vector.shape_cast %get3A_1771 : vector<1x1x16xf32> to vector<16xf32>
        %mul3A_1773 = vector.broadcast %squeeze3A_1731 : f32 to vector<16xf32>
        %mul3A_1774 = arith.mulf %mul3A_1773, %get3A_1772 : vector<16xf32>
        %add3A_1775 = arith.addf %scan3A_1709, %mul3A_1774 : vector<16xf32>
        %slice3A_1776 = vector.extract_strided_slice %select_n3A_1729 {offsets = [1], sizes = [1], strides = [1]} : vector<16xf32> to vector<1xf32>
        %squeeze3A_1777 = vector.extract %slice3A_1776[0] : f32 from vector<1xf32>
        %add3A_1778 = arith.constant 1 : i32
        %add3A_1779 = arith.addi %mul3A_1711, %add3A_1778 : i32
        %get3A_1780 = arith.constant 2 : i32
        %get3A_1781 = arith.index_cast %get3A_1780 : i32 to index
        %get3A_1782 = arith.index_cast %add3A_1779 : i32 to index
        %get3A_1783 = arith.constant 0 : index
        %get3A_1784 = tpu.vector_load %arg7[%get3A_1781, %get3A_1782, %get3A_1783] {strides = array<i32>} : memref<4x208x64xf32, #tpu.memory_space<vmem>>, vector<1x1x16xf32>,
        %get3A_1785 = vector.shape_cast %get3A_1784 : vector<1x1x16xf32> to vector<16xf32>
        %mul3A_1786 = vector.broadcast %squeeze3A_1777 : f32 to vector<16xf32>
        %mul3A_1787 = arith.mulf %mul3A_1786, %get3A_1785 : vector<16xf32>
        %add3A_1788 = arith.addf %add3A_1742, %mul3A_1787 : vector<16xf32>
        %add3A_1789 = arith.constant 1 : i32
        %add3A_1790 = arith.addi %mul3A_1711, %add3A_1789 : i32
        %get3A_1791 = arith.constant 2 : i32
        %get3A_1792 = arith.index_cast %get3A_1791 : i32 to index
        %get3A_1793 = arith.index_cast %add3A_1790 : i32 to index
        %get3A_1794 = arith.constant 16 : index
        %get3A_1795 = tpu.vector_load %arg7[%get3A_1792, %get3A_1793, %get3A_1794] {strides = array<i32>} : memref<4x208x64xf32, #tpu.memory_space<vmem>>, vector<1x1x16xf32>,
        %get3A_1796 = vector.shape_cast %get3A_1795 : vector<1x1x16xf32> to vector<16xf32>
        %mul3A_1797 = vector.broadcast %squeeze3A_1777 : f32 to vector<16xf32>
        %mul3A_1798 = arith.mulf %mul3A_1797, %get3A_1796 : vector<16xf32>
        %add3A_1799 = arith.addf %add3A_1753, %mul3A_1798 : vector<16xf32>
        %add3A_1800 = arith.constant 1 : i32
        %add3A_1801 = arith.addi %mul3A_1711, %add3A_1800 : i32
        %get3A_1802 = arith.constant 2 : i32
        %get3A_1803 = arith.index_cast %get3A_1802 : i32 to index
        %get3A_1804 = arith.index_cast %add3A_1801 : i32 to index
        %get3A_1805 = arith.constant 32 : index
        %get3A_1806 = tpu.vector_load %arg7[%get3A_1803, %get3A_1804, %get3A_1805] {strides = array<i32>} : memref<4x208x64xf32, #tpu.memory_space<vmem>>, vector<1x1x16xf32>,
        %get3A_1807 = vector.shape_cast %get3A_1806 : vector<1x1x16xf32> to vector<16xf32>
        %mul3A_1808 = vector.broadcast %squeeze3A_1777 : f32 to vector<16xf32>
        %mul3A_1809 = arith.mulf %mul3A_1808, %get3A_1807 : vector<16xf32>
        %add3A_1810 = arith.addf %add3A_1764, %mul3A_1809 : vector<16xf32>
        %add3A_1811 = arith.constant 1 : i32
        %add3A_1812 = arith.addi %mul3A_1711, %add3A_1811 : i32
        %get3A_1813 = arith.constant 2 : i32
        %get3A_1814 = arith.index_cast %get3A_1813 : i32 to index
        %get3A_1815 = arith.index_cast %add3A_1812 : i32 to index
        %get3A_1816 = arith.constant 48 : index
        %get3A_1817 = tpu.vector_load %arg7[%get3A_1814, %get3A_1815, %get3A_1816] {strides = array<i32>} : memref<4x208x64xf32, #tpu.memory_space<vmem>>, vector<1x1x16xf32>,
        %get3A_1818 = vector.shape_cast %get3A_1817 : vector<1x1x16xf32> to vector<16xf32>
        %mul3A_1819 = vector.broadcast %squeeze3A_1777 : f32 to vector<16xf32>
        %mul3A_1820 = arith.mulf %mul3A_1819, %get3A_1818 : vector<16xf32>
        %add3A_1821 = arith.addf %add3A_1775, %mul3A_1820 : vector<16xf32>
        %slice3A_1822 = vector.extract_strided_slice %select_n3A_1729 {offsets = [2], sizes = [1], strides = [1]} : vector<16xf32> to vector<1xf32>
        %squeeze3A_1823 = vector.extract %slice3A_1822[0] : f32 from vector<1xf32>
        %add3A_1824 = arith.constant 2 : i32
        %add3A_1825 = arith.addi %mul3A_1711, %add3A_1824 : i32
        %get3A_1826 = arith.constant 2 : i32
        %get3A_1827 = arith.index_cast %get3A_1826 : i32 to index
        %get3A_1828 = arith.index_cast %add3A_1825 : i32 to index
        %get3A_1829 = arith.constant 0 : index
        %get3A_1830 = tpu.vector_load %arg7[%get3A_1827, %get3A_1828, %get3A_1829] {strides = array<i32>} : memref<4x208x64xf32, #tpu.memory_space<vmem>>, vector<1x1x16xf32>,
        %get3A_1831 = vector.shape_cast %get3A_1830 : vector<1x1x16xf32> to vector<16xf32>
        %mul3A_1832 = vector.broadcast %squeeze3A_1823 : f32 to vector<16xf32>
        %mul3A_1833 = arith.mulf %mul3A_1832, %get3A_1831 : vector<16xf32>
        %add3A_1834 = arith.addf %add3A_1788, %mul3A_1833 : vector<16xf32>
        %add3A_1835 = arith.constant 2 : i32
        %add3A_1836 = arith.addi %mul3A_1711, %add3A_1835 : i32
        %get3A_1837 = arith.constant 2 : i32
        %get3A_1838 = arith.index_cast %get3A_1837 : i32 to index
        %get3A_1839 = arith.index_cast %add3A_1836 : i32 to index
        %get3A_1840 = arith.constant 16 : index
        %get3A_1841 = tpu.vector_load %arg7[%get3A_1838, %get3A_1839, %get3A_1840] {strides = array<i32>} : memref<4x208x64xf32, #tpu.memory_space<vmem>>, vector<1x1x16xf32>,
        %get3A_1842 = vector.shape_cast %get3A_1841 : vector<1x1x16xf32> to vector<16xf32>
        %mul3A_1843 = vector.broadcast %squeeze3A_1823 : f32 to vector<16xf32>
        %mul3A_1844 = arith.mulf %mul3A_1843, %get3A_1842 : vector<16xf32>
        %add3A_1845 = arith.addf %add3A_1799, %mul3A_1844 : vector<16xf32>
        %add3A_1846 = arith.constant 2 : i32
        %add3A_1847 = arith.addi %mul3A_1711, %add3A_1846 : i32
        %get3A_1848 = arith.constant 2 : i32
        %get3A_1849 = arith.index_cast %get3A_1848 : i32 to index
        %get3A_1850 = arith.index_cast %add3A_1847 : i32 to index
        %get3A_1851 = arith.constant 32 : index
        %get3A_1852 = tpu.vector_load %arg7[%get3A_1849, %get3A_1850, %get3A_1851] {strides = array<i32>} : memref<4x208x64xf32, #tpu.memory_space<vmem>>, vector<1x1x16xf32>,
        %get3A_1853 = vector.shape_cast %get3A_1852 : vector<1x1x16xf32> to vector<16xf32>
        %mul3A_1854 = vector.broadcast %squeeze3A_1823 : f32 to vector<16xf32>
        %mul3A_1855 = arith.mulf %mul3A_1854, %get3A_1853 : vector<16xf32>
        %add3A_1856 = arith.addf %add3A_1810, %mul3A_1855 : vector<16xf32>
        %add3A_1857 = arith.constant 2 : i32
        %add3A_1858 = arith.addi %mul3A_1711, %add3A_1857 : i32
        %get3A_1859 = arith.constant 2 : i32
        %get3A_1860 = arith.index_cast %get3A_1859 : i32 to index
        %get3A_1861 = arith.index_cast %add3A_1858 : i32 to index
        %get3A_1862 = arith.constant 48 : index
        %get3A_1863 = tpu.vector_load %arg7[%get3A_1860, %get3A_1861, %get3A_1862] {strides = array<i32>} : memref<4x208x64xf32, #tpu.memory_space<vmem>>, vector<1x1x16xf32>,
        %get3A_1864 = vector.shape_cast %get3A_1863 : vector<1x1x16xf32> to vector<16xf32>
        %mul3A_1865 = vector.broadcast %squeeze3A_1823 : f32 to vector<16xf32>
        %mul3A_1866 = arith.mulf %mul3A_1865, %get3A_1864 : vector<16xf32>
        %add3A_1867 = arith.addf %add3A_1821, %mul3A_1866 : vector<16xf32>
        %slice3A_1868 = vector.extract_strided_slice %select_n3A_1729 {offsets = [3], sizes = [1], strides = [1]} : vector<16xf32> to vector<1xf32>
        %squeeze3A_1869 = vector.extract %slice3A_1868[0] : f32 from vector<1xf32>
        %add3A_1870 = arith.constant 3 : i32
        %add3A_1871 = arith.addi %mul3A_1711, %add3A_1870 : i32
        %get3A_1872 = arith.constant 2 : i32
        %get3A_1873 = arith.index_cast %get3A_1872 : i32 to index
        %get3A_1874 = arith.index_cast %add3A_1871 : i32 to index
        %get3A_1875 = arith.constant 0 : index
        %get3A_1876 = tpu.vector_load %arg7[%get3A_1873, %get3A_1874, %get3A_1875] {strides = array<i32>} : memref<4x208x64xf32, #tpu.memory_space<vmem>>, vector<1x1x16xf32>,
        %get3A_1877 = vector.shape_cast %get3A_1876 : vector<1x1x16xf32> to vector<16xf32>
        %mul3A_1878 = vector.broadcast %squeeze3A_1869 : f32 to vector<16xf32>
        %mul3A_1879 = arith.mulf %mul3A_1878, %get3A_1877 : vector<16xf32>
        %add3A_1880 = arith.addf %add3A_1834, %mul3A_1879 : vector<16xf32>
        %add3A_1881 = arith.constant 3 : i32
        %add3A_1882 = arith.addi %mul3A_1711, %add3A_1881 : i32
        %get3A_1883 = arith.constant 2 : i32
        %get3A_1884 = arith.index_cast %get3A_1883 : i32 to index
        %get3A_1885 = arith.index_cast %add3A_1882 : i32 to index
        %get3A_1886 = arith.constant 16 : index
        %get3A_1887 = tpu.vector_load %arg7[%get3A_1884, %get3A_1885, %get3A_1886] {strides = array<i32>} : memref<4x208x64xf32, #tpu.memory_space<vmem>>, vector<1x1x16xf32>,
        %get3A_1888 = vector.shape_cast %get3A_1887 : vector<1x1x16xf32> to vector<16xf32>
        %mul3A_1889 = vector.broadcast %squeeze3A_1869 : f32 to vector<16xf32>
        %mul3A_1890 = arith.mulf %mul3A_1889, %get3A_1888 : vector<16xf32>
        %add3A_1891 = arith.addf %add3A_1845, %mul3A_1890 : vector<16xf32>
        %add3A_1892 = arith.constant 3 : i32
        %add3A_1893 = arith.addi %mul3A_1711, %add3A_1892 : i32
        %get3A_1894 = arith.constant 2 : i32
        %get3A_1895 = arith.index_cast %get3A_1894 : i32 to index
        %get3A_1896 = arith.index_cast %add3A_1893 : i32 to index
        %get3A_1897 = arith.constant 32 : index
        %get3A_1898 = tpu.vector_load %arg7[%get3A_1895, %get3A_1896, %get3A_1897] {strides = array<i32>} : memref<4x208x64xf32, #tpu.memory_space<vmem>>, vector<1x1x16xf32>,
        %get3A_1899 = vector.shape_cast %get3A_1898 : vector<1x1x16xf32> to vector<16xf32>
        %mul3A_1900 = vector.broadcast %squeeze3A_1869 : f32 to vector<16xf32>
        %mul3A_1901 = arith.mulf %mul3A_1900, %get3A_1899 : vector<16xf32>
        %add3A_1902 = arith.addf %add3A_1856, %mul3A_1901 : vector<16xf32>
        %add3A_1903 = arith.constant 3 : i32
        %add3A_1904 = arith.addi %mul3A_1711, %add3A_1903 : i32
        %get3A_1905 = arith.constant 2 : i32
        %get3A_1906 = arith.index_cast %get3A_1905 : i32 to index
        %get3A_1907 = arith.index_cast %add3A_1904 : i32 to index
        %get3A_1908 = arith.constant 48 : index
        %get3A_1909 = tpu.vector_load %arg7[%get3A_1906, %get3A_1907, %get3A_1908] {strides = array<i32>} : memref<4x208x64xf32, #tpu.memory_space<vmem>>, vector<1x1x16xf32>,
        %get3A_1910 = vector.shape_cast %get3A_1909 : vector<1x1x16xf32> to vector<16xf32>
        %mul3A_1911 = vector.broadcast %squeeze3A_1869 : f32 to vector<16xf32>
        %mul3A_1912 = arith.mulf %mul3A_1911, %get3A_1910 : vector<16xf32>
        %add3A_1913 = arith.addf %add3A_1867, %mul3A_1912 : vector<16xf32>
        %slice3A_1914 = vector.extract_strided_slice %select_n3A_1729 {offsets = [4], sizes = [1], strides = [1]} : vector<16xf32> to vector<1xf32>
        %squeeze3A_1915 = vector.extract %slice3A_1914[0] : f32 from vector<1xf32>
        %add3A_1916 = arith.constant 4 : i32
        %add3A_1917 = arith.addi %mul3A_1711, %add3A_1916 : i32
        %get3A_1918 = arith.constant 2 : i32
        %get3A_1919 = arith.index_cast %get3A_1918 : i32 to index
        %get3A_1920 = arith.index_cast %add3A_1917 : i32 to index
        %get3A_1921 = arith.constant 0 : index
        %get3A_1922 = tpu.vector_load %arg7[%get3A_1919, %get3A_1920, %get3A_1921] {strides = array<i32>} : memref<4x208x64xf32, #tpu.memory_space<vmem>>, vector<1x1x16xf32>,
        %get3A_1923 = vector.shape_cast %get3A_1922 : vector<1x1x16xf32> to vector<16xf32>
        %mul3A_1924 = vector.broadcast %squeeze3A_1915 : f32 to vector<16xf32>
        %mul3A_1925 = arith.mulf %mul3A_1924, %get3A_1923 : vector<16xf32>
        %add3A_1926 = arith.addf %add3A_1880, %mul3A_1925 : vector<16xf32>
        %add3A_1927 = arith.constant 4 : i32
        %add3A_1928 = arith.addi %mul3A_1711, %add3A_1927 : i32
        %get3A_1929 = arith.constant 2 : i32
        %get3A_1930 = arith.index_cast %get3A_1929 : i32 to index
        %get3A_1931 = arith.index_cast %add3A_1928 : i32 to index
        %get3A_1932 = arith.constant 16 : index
        %get3A_1933 = tpu.vector_load %arg7[%get3A_1930, %get3A_1931, %get3A_1932] {strides = array<i32>} : memref<4x208x64xf32, #tpu.memory_space<vmem>>, vector<1x1x16xf32>,
        %get3A_1934 = vector.shape_cast %get3A_1933 : vector<1x1x16xf32> to vector<16xf32>
        %mul3A_1935 = vector.broadcast %squeeze3A_1915 : f32 to vector<16xf32>
        %mul3A_1936 = arith.mulf %mul3A_1935, %get3A_1934 : vector<16xf32>
        %add3A_1937 = arith.addf %add3A_1891, %mul3A_1936 : vector<16xf32>
        %add3A_1938 = arith.constant 4 : i32
        %add3A_1939 = arith.addi %mul3A_1711, %add3A_1938 : i32
        %get3A_1940 = arith.constant 2 : i32
        %get3A_1941 = arith.index_cast %get3A_1940 : i32 to index
        %get3A_1942 = arith.index_cast %add3A_1939 : i32 to index
        %get3A_1943 = arith.constant 32 : index
        %get3A_1944 = tpu.vector_load %arg7[%get3A_1941, %get3A_1942, %get3A_1943] {strides = array<i32>} : memref<4x208x64xf32, #tpu.memory_space<vmem>>, vector<1x1x16xf32>,
        %get3A_1945 = vector.shape_cast %get3A_1944 : vector<1x1x16xf32> to vector<16xf32>
        %mul3A_1946 = vector.broadcast %squeeze3A_1915 : f32 to vector<16xf32>
        %mul3A_1947 = arith.mulf %mul3A_1946, %get3A_1945 : vector<16xf32>
        %add3A_1948 = arith.addf %add3A_1902, %mul3A_1947 : vector<16xf32>
        %add3A_1949 = arith.constant 4 : i32
        %add3A_1950 = arith.addi %mul3A_1711, %add3A_1949 : i32
        %get3A_1951 = arith.constant 2 : i32
        %get3A_1952 = arith.index_cast %get3A_1951 : i32 to index
        %get3A_1953 = arith.index_cast %add3A_1950 : i32 to index
        %get3A_1954 = arith.constant 48 : index
        %get3A_1955 = tpu.vector_load %arg7[%get3A_1952, %get3A_1953, %get3A_1954] {strides = array<i32>} : memref<4x208x64xf32, #tpu.memory_space<vmem>>, vector<1x1x16xf32>,
        %get3A_1956 = vector.shape_cast %get3A_1955 : vector<1x1x16xf32> to vector<16xf32>
        %mul3A_1957 = vector.broadcast %squeeze3A_1915 : f32 to vector<16xf32>
        %mul3A_1958 = arith.mulf %mul3A_1957, %get3A_1956 : vector<16xf32>
        %add3A_1959 = arith.addf %add3A_1913, %mul3A_1958 : vector<16xf32>
        %slice3A_1960 = vector.extract_strided_slice %select_n3A_1729 {offsets = [5], sizes = [1], strides = [1]} : vector<16xf32> to vector<1xf32>
        %squeeze3A_1961 = vector.extract %slice3A_1960[0] : f32 from vector<1xf32>
        %add3A_1962 = arith.constant 5 : i32
        %add3A_1963 = arith.addi %mul3A_1711, %add3A_1962 : i32
        %get3A_1964 = arith.constant 2 : i32
        %get3A_1965 = arith.index_cast %get3A_1964 : i32 to index
        %get3A_1966 = arith.index_cast %add3A_1963 : i32 to index
        %get3A_1967 = arith.constant 0 : index
        %get3A_1968 = tpu.vector_load %arg7[%get3A_1965, %get3A_1966, %get3A_1967] {strides = array<i32>} : memref<4x208x64xf32, #tpu.memory_space<vmem>>, vector<1x1x16xf32>,
        %get3A_1969 = vector.shape_cast %get3A_1968 : vector<1x1x16xf32> to vector<16xf32>
        %mul3A_1970 = vector.broadcast %squeeze3A_1961 : f32 to vector<16xf32>
        %mul3A_1971 = arith.mulf %mul3A_1970, %get3A_1969 : vector<16xf32>
        %add3A_1972 = arith.addf %add3A_1926, %mul3A_1971 : vector<16xf32>
        %add3A_1973 = arith.constant 5 : i32
        %add3A_1974 = arith.addi %mul3A_1711, %add3A_1973 : i32
        %get3A_1975 = arith.constant 2 : i32
        %get3A_1976 = arith.index_cast %get3A_1975 : i32 to index
        %get3A_1977 = arith.index_cast %add3A_1974 : i32 to index
        %get3A_1978 = arith.constant 16 : index
        %get3A_1979 = tpu.vector_load %arg7[%get3A_1976, %get3A_1977, %get3A_1978] {strides = array<i32>} : memref<4x208x64xf32, #tpu.memory_space<vmem>>, vector<1x1x16xf32>,
        %get3A_1980 = vector.shape_cast %get3A_1979 : vector<1x1x16xf32> to vector<16xf32>
        %mul3A_1981 = vector.broadcast %squeeze3A_1961 : f32 to vector<16xf32>
        %mul3A_1982 = arith.mulf %mul3A_1981, %get3A_1980 : vector<16xf32>
        %add3A_1983 = arith.addf %add3A_1937, %mul3A_1982 : vector<16xf32>
        %add3A_1984 = arith.constant 5 : i32
        %add3A_1985 = arith.addi %mul3A_1711, %add3A_1984 : i32
        %get3A_1986 = arith.constant 2 : i32
        %get3A_1987 = arith.index_cast %get3A_1986 : i32 to index
        %get3A_1988 = arith.index_cast %add3A_1985 : i32 to index
        %get3A_1989 = arith.constant 32 : index
        %get3A_1990 = tpu.vector_load %arg7[%get3A_1987, %get3A_1988, %get3A_1989] {strides = array<i32>} : memref<4x208x64xf32, #tpu.memory_space<vmem>>, vector<1x1x16xf32>,
        %get3A_1991 = vector.shape_cast %get3A_1990 : vector<1x1x16xf32> to vector<16xf32>
        %mul3A_1992 = vector.broadcast %squeeze3A_1961 : f32 to vector<16xf32>
        %mul3A_1993 = arith.mulf %mul3A_1992, %get3A_1991 : vector<16xf32>
        %add3A_1994 = arith.addf %add3A_1948, %mul3A_1993 : vector<16xf32>
        %add3A_1995 = arith.constant 5 : i32
        %add3A_1996 = arith.addi %mul3A_1711, %add3A_1995 : i32
        %get3A_1997 = arith.constant 2 : i32
        %get3A_1998 = arith.index_cast %get3A_1997 : i32 to index
        %get3A_1999 = arith.index_cast %add3A_1996 : i32 to index
        %get3A_2000 = arith.constant 48 : index
        %get3A_2001 = tpu.vector_load %arg7[%get3A_1998, %get3A_1999, %get3A_2000] {strides = array<i32>} : memref<4x208x64xf32, #tpu.memory_space<vmem>>, vector<1x1x16xf32>,
        %get3A_2002 = vector.shape_cast %get3A_2001 : vector<1x1x16xf32> to vector<16xf32>
        %mul3A_2003 = vector.broadcast %squeeze3A_1961 : f32 to vector<16xf32>
        %mul3A_2004 = arith.mulf %mul3A_2003, %get3A_2002 : vector<16xf32>
        %add3A_2005 = arith.addf %add3A_1959, %mul3A_2004 : vector<16xf32>
        %slice3A_2006 = vector.extract_strided_slice %select_n3A_1729 {offsets = [6], sizes = [1], strides = [1]} : vector<16xf32> to vector<1xf32>
        %squeeze3A_2007 = vector.extract %slice3A_2006[0] : f32 from vector<1xf32>
        %add3A_2008 = arith.constant 6 : i32
        %add3A_2009 = arith.addi %mul3A_1711, %add3A_2008 : i32
        %get3A_2010 = arith.constant 2 : i32
        %get3A_2011 = arith.index_cast %get3A_2010 : i32 to index
        %get3A_2012 = arith.index_cast %add3A_2009 : i32 to index
        %get3A_2013 = arith.constant 0 : index
        %get3A_2014 = tpu.vector_load %arg7[%get3A_2011, %get3A_2012, %get3A_2013] {strides = array<i32>} : memref<4x208x64xf32, #tpu.memory_space<vmem>>, vector<1x1x16xf32>,
        %get3A_2015 = vector.shape_cast %get3A_2014 : vector<1x1x16xf32> to vector<16xf32>
        %mul3A_2016 = vector.broadcast %squeeze3A_2007 : f32 to vector<16xf32>
        %mul3A_2017 = arith.mulf %mul3A_2016, %get3A_2015 : vector<16xf32>
        %add3A_2018 = arith.addf %add3A_1972, %mul3A_2017 : vector<16xf32>
        %add3A_2019 = arith.constant 6 : i32
        %add3A_2020 = arith.addi %mul3A_1711, %add3A_2019 : i32
        %get3A_2021 = arith.constant 2 : i32
        %get3A_2022 = arith.index_cast %get3A_2021 : i32 to index
        %get3A_2023 = arith.index_cast %add3A_2020 : i32 to index
        %get3A_2024 = arith.constant 16 : index
        %get3A_2025 = tpu.vector_load %arg7[%get3A_2022, %get3A_2023, %get3A_2024] {strides = array<i32>} : memref<4x208x64xf32, #tpu.memory_space<vmem>>, vector<1x1x16xf32>,
        %get3A_2026 = vector.shape_cast %get3A_2025 : vector<1x1x16xf32> to vector<16xf32>
        %mul3A_2027 = vector.broadcast %squeeze3A_2007 : f32 to vector<16xf32>
        %mul3A_2028 = arith.mulf %mul3A_2027, %get3A_2026 : vector<16xf32>
        %add3A_2029 = arith.addf %add3A_1983, %mul3A_2028 : vector<16xf32>
        %add3A_2030 = arith.constant 6 : i32
        %add3A_2031 = arith.addi %mul3A_1711, %add3A_2030 : i32
        %get3A_2032 = arith.constant 2 : i32
        %get3A_2033 = arith.index_cast %get3A_2032 : i32 to index
        %get3A_2034 = arith.index_cast %add3A_2031 : i32 to index
        %get3A_2035 = arith.constant 32 : index
        %get3A_2036 = tpu.vector_load %arg7[%get3A_2033, %get3A_2034, %get3A_2035] {strides = array<i32>} : memref<4x208x64xf32, #tpu.memory_space<vmem>>, vector<1x1x16xf32>,
        %get3A_2037 = vector.shape_cast %get3A_2036 : vector<1x1x16xf32> to vector<16xf32>
        %mul3A_2038 = vector.broadcast %squeeze3A_2007 : f32 to vector<16xf32>
        %mul3A_2039 = arith.mulf %mul3A_2038, %get3A_2037 : vector<16xf32>
        %add3A_2040 = arith.addf %add3A_1994, %mul3A_2039 : vector<16xf32>
        %add3A_2041 = arith.constant 6 : i32
        %add3A_2042 = arith.addi %mul3A_1711, %add3A_2041 : i32
        %get3A_2043 = arith.constant 2 : i32
        %get3A_2044 = arith.index_cast %get3A_2043 : i32 to index
        %get3A_2045 = arith.index_cast %add3A_2042 : i32 to index
        %get3A_2046 = arith.constant 48 : index
        %get3A_2047 = tpu.vector_load %arg7[%get3A_2044, %get3A_2045, %get3A_2046] {strides = array<i32>} : memref<4x208x64xf32, #tpu.memory_space<vmem>>, vector<1x1x16xf32>,
        %get3A_2048 = vector.shape_cast %get3A_2047 : vector<1x1x16xf32> to vector<16xf32>
        %mul3A_2049 = vector.broadcast %squeeze3A_2007 : f32 to vector<16xf32>
        %mul3A_2050 = arith.mulf %mul3A_2049, %get3A_2048 : vector<16xf32>
        %add3A_2051 = arith.addf %add3A_2005, %mul3A_2050 : vector<16xf32>
        %slice3A_2052 = vector.extract_strided_slice %select_n3A_1729 {offsets = [7], sizes = [1], strides = [1]} : vector<16xf32> to vector<1xf32>
        %squeeze3A_2053 = vector.extract %slice3A_2052[0] : f32 from vector<1xf32>
        %add3A_2054 = arith.constant 7 : i32
        %add3A_2055 = arith.addi %mul3A_1711, %add3A_2054 : i32
        %get3A_2056 = arith.constant 2 : i32
        %get3A_2057 = arith.index_cast %get3A_2056 : i32 to index
        %get3A_2058 = arith.index_cast %add3A_2055 : i32 to index
        %get3A_2059 = arith.constant 0 : index
        %get3A_2060 = tpu.vector_load %arg7[%get3A_2057, %get3A_2058, %get3A_2059] {strides = array<i32>} : memref<4x208x64xf32, #tpu.memory_space<vmem>>, vector<1x1x16xf32>,
        %get3A_2061 = vector.shape_cast %get3A_2060 : vector<1x1x16xf32> to vector<16xf32>
        %mul3A_2062 = vector.broadcast %squeeze3A_2053 : f32 to vector<16xf32>
        %mul3A_2063 = arith.mulf %mul3A_2062, %get3A_2061 : vector<16xf32>
        %add3A_2064 = arith.addf %add3A_2018, %mul3A_2063 : vector<16xf32>
        %add3A_2065 = arith.constant 7 : i32
        %add3A_2066 = arith.addi %mul3A_1711, %add3A_2065 : i32
        %get3A_2067 = arith.constant 2 : i32
        %get3A_2068 = arith.index_cast %get3A_2067 : i32 to index
        %get3A_2069 = arith.index_cast %add3A_2066 : i32 to index
        %get3A_2070 = arith.constant 16 : index
        %get3A_2071 = tpu.vector_load %arg7[%get3A_2068, %get3A_2069, %get3A_2070] {strides = array<i32>} : memref<4x208x64xf32, #tpu.memory_space<vmem>>, vector<1x1x16xf32>,
        %get3A_2072 = vector.shape_cast %get3A_2071 : vector<1x1x16xf32> to vector<16xf32>
        %mul3A_2073 = vector.broadcast %squeeze3A_2053 : f32 to vector<16xf32>
        %mul3A_2074 = arith.mulf %mul3A_2073, %get3A_2072 : vector<16xf32>
        %add3A_2075 = arith.addf %add3A_2029, %mul3A_2074 : vector<16xf32>
        %add3A_2076 = arith.constant 7 : i32
        %add3A_2077 = arith.addi %mul3A_1711, %add3A_2076 : i32
        %get3A_2078 = arith.constant 2 : i32
        %get3A_2079 = arith.index_cast %get3A_2078 : i32 to index
        %get3A_2080 = arith.index_cast %add3A_2077 : i32 to index
        %get3A_2081 = arith.constant 32 : index
        %get3A_2082 = tpu.vector_load %arg7[%get3A_2079, %get3A_2080, %get3A_2081] {strides = array<i32>} : memref<4x208x64xf32, #tpu.memory_space<vmem>>, vector<1x1x16xf32>,
        %get3A_2083 = vector.shape_cast %get3A_2082 : vector<1x1x16xf32> to vector<16xf32>
        %mul3A_2084 = vector.broadcast %squeeze3A_2053 : f32 to vector<16xf32>
        %mul3A_2085 = arith.mulf %mul3A_2084, %get3A_2083 : vector<16xf32>
        %add3A_2086 = arith.addf %add3A_2040, %mul3A_2085 : vector<16xf32>
        %add3A_2087 = arith.constant 7 : i32
        %add3A_2088 = arith.addi %mul3A_1711, %add3A_2087 : i32
        %get3A_2089 = arith.constant 2 : i32
        %get3A_2090 = arith.index_cast %get3A_2089 : i32 to index
        %get3A_2091 = arith.index_cast %add3A_2088 : i32 to index
        %get3A_2092 = arith.constant 48 : index
        %get3A_2093 = tpu.vector_load %arg7[%get3A_2090, %get3A_2091, %get3A_2092] {strides = array<i32>} : memref<4x208x64xf32, #tpu.memory_space<vmem>>, vector<1x1x16xf32>,
        %get3A_2094 = vector.shape_cast %get3A_2093 : vector<1x1x16xf32> to vector<16xf32>
        %mul3A_2095 = vector.broadcast %squeeze3A_2053 : f32 to vector<16xf32>
        %mul3A_2096 = arith.mulf %mul3A_2095, %get3A_2094 : vector<16xf32>
        %add3A_2097 = arith.addf %add3A_2051, %mul3A_2096 : vector<16xf32>
        %slice3A_2098 = vector.extract_strided_slice %select_n3A_1729 {offsets = [8], sizes = [1], strides = [1]} : vector<16xf32> to vector<1xf32>
        %squeeze3A_2099 = vector.extract %slice3A_2098[0] : f32 from vector<1xf32>
        %add3A_2100 = arith.constant 8 : i32
        %add3A_2101 = arith.addi %mul3A_1711, %add3A_2100 : i32
        %get3A_2102 = arith.constant 2 : i32
        %get3A_2103 = arith.index_cast %get3A_2102 : i32 to index
        %get3A_2104 = arith.index_cast %add3A_2101 : i32 to index
        %get3A_2105 = arith.constant 0 : index
        %get3A_2106 = tpu.vector_load %arg7[%get3A_2103, %get3A_2104, %get3A_2105] {strides = array<i32>} : memref<4x208x64xf32, #tpu.memory_space<vmem>>, vector<1x1x16xf32>,
        %get3A_2107 = vector.shape_cast %get3A_2106 : vector<1x1x16xf32> to vector<16xf32>
        %mul3A_2108 = vector.broadcast %squeeze3A_2099 : f32 to vector<16xf32>
        %mul3A_2109 = arith.mulf %mul3A_2108, %get3A_2107 : vector<16xf32>
        %add3A_2110 = arith.addf %add3A_2064, %mul3A_2109 : vector<16xf32>
        %add3A_2111 = arith.constant 8 : i32
        %add3A_2112 = arith.addi %mul3A_1711, %add3A_2111 : i32
        %get3A_2113 = arith.constant 2 : i32
        %get3A_2114 = arith.index_cast %get3A_2113 : i32 to index
        %get3A_2115 = arith.index_cast %add3A_2112 : i32 to index
        %get3A_2116 = arith.constant 16 : index
        %get3A_2117 = tpu.vector_load %arg7[%get3A_2114, %get3A_2115, %get3A_2116] {strides = array<i32>} : memref<4x208x64xf32, #tpu.memory_space<vmem>>, vector<1x1x16xf32>,
        %get3A_2118 = vector.shape_cast %get3A_2117 : vector<1x1x16xf32> to vector<16xf32>
        %mul3A_2119 = vector.broadcast %squeeze3A_2099 : f32 to vector<16xf32>
        %mul3A_2120 = arith.mulf %mul3A_2119, %get3A_2118 : vector<16xf32>
        %add3A_2121 = arith.addf %add3A_2075, %mul3A_2120 : vector<16xf32>
        %add3A_2122 = arith.constant 8 : i32
        %add3A_2123 = arith.addi %mul3A_1711, %add3A_2122 : i32
        %get3A_2124 = arith.constant 2 : i32
        %get3A_2125 = arith.index_cast %get3A_2124 : i32 to index
        %get3A_2126 = arith.index_cast %add3A_2123 : i32 to index
        %get3A_2127 = arith.constant 32 : index
        %get3A_2128 = tpu.vector_load %arg7[%get3A_2125, %get3A_2126, %get3A_2127] {strides = array<i32>} : memref<4x208x64xf32, #tpu.memory_space<vmem>>, vector<1x1x16xf32>,
        %get3A_2129 = vector.shape_cast %get3A_2128 : vector<1x1x16xf32> to vector<16xf32>
        %mul3A_2130 = vector.broadcast %squeeze3A_2099 : f32 to vector<16xf32>
        %mul3A_2131 = arith.mulf %mul3A_2130, %get3A_2129 : vector<16xf32>
        %add3A_2132 = arith.addf %add3A_2086, %mul3A_2131 : vector<16xf32>
        %add3A_2133 = arith.constant 8 : i32
        %add3A_2134 = arith.addi %mul3A_1711, %add3A_2133 : i32
        %get3A_2135 = arith.constant 2 : i32
        %get3A_2136 = arith.index_cast %get3A_2135 : i32 to index
        %get3A_2137 = arith.index_cast %add3A_2134 : i32 to index
        %get3A_2138 = arith.constant 48 : index
        %get3A_2139 = tpu.vector_load %arg7[%get3A_2136, %get3A_2137, %get3A_2138] {strides = array<i32>} : memref<4x208x64xf32, #tpu.memory_space<vmem>>, vector<1x1x16xf32>,
        %get3A_2140 = vector.shape_cast %get3A_2139 : vector<1x1x16xf32> to vector<16xf32>
        %mul3A_2141 = vector.broadcast %squeeze3A_2099 : f32 to vector<16xf32>
        %mul3A_2142 = arith.mulf %mul3A_2141, %get3A_2140 : vector<16xf32>
        %add3A_2143 = arith.addf %add3A_2097, %mul3A_2142 : vector<16xf32>
        %slice3A_2144 = vector.extract_strided_slice %select_n3A_1729 {offsets = [9], sizes = [1], strides = [1]} : vector<16xf32> to vector<1xf32>
        %squeeze3A_2145 = vector.extract %slice3A_2144[0] : f32 from vector<1xf32>
        %add3A_2146 = arith.constant 9 : i32
        %add3A_2147 = arith.addi %mul3A_1711, %add3A_2146 : i32
        %get3A_2148 = arith.constant 2 : i32
        %get3A_2149 = arith.index_cast %get3A_2148 : i32 to index
        %get3A_2150 = arith.index_cast %add3A_2147 : i32 to index
        %get3A_2151 = arith.constant 0 : index
        %get3A_2152 = tpu.vector_load %arg7[%get3A_2149, %get3A_2150, %get3A_2151] {strides = array<i32>} : memref<4x208x64xf32, #tpu.memory_space<vmem>>, vector<1x1x16xf32>,
        %get3A_2153 = vector.shape_cast %get3A_2152 : vector<1x1x16xf32> to vector<16xf32>
        %mul3A_2154 = vector.broadcast %squeeze3A_2145 : f32 to vector<16xf32>
        %mul3A_2155 = arith.mulf %mul3A_2154, %get3A_2153 : vector<16xf32>
        %add3A_2156 = arith.addf %add3A_2110, %mul3A_2155 : vector<16xf32>
        %add3A_2157 = arith.constant 9 : i32
        %add3A_2158 = arith.addi %mul3A_1711, %add3A_2157 : i32
        %get3A_2159 = arith.constant 2 : i32
        %get3A_2160 = arith.index_cast %get3A_2159 : i32 to index
        %get3A_2161 = arith.index_cast %add3A_2158 : i32 to index
        %get3A_2162 = arith.constant 16 : index
        %get3A_2163 = tpu.vector_load %arg7[%get3A_2160, %get3A_2161, %get3A_2162] {strides = array<i32>} : memref<4x208x64xf32, #tpu.memory_space<vmem>>, vector<1x1x16xf32>,
        %get3A_2164 = vector.shape_cast %get3A_2163 : vector<1x1x16xf32> to vector<16xf32>
        %mul3A_2165 = vector.broadcast %squeeze3A_2145 : f32 to vector<16xf32>
        %mul3A_2166 = arith.mulf %mul3A_2165, %get3A_2164 : vector<16xf32>
        %add3A_2167 = arith.addf %add3A_2121, %mul3A_2166 : vector<16xf32>
        %add3A_2168 = arith.constant 9 : i32
        %add3A_2169 = arith.addi %mul3A_1711, %add3A_2168 : i32
        %get3A_2170 = arith.constant 2 : i32
        %get3A_2171 = arith.index_cast %get3A_2170 : i32 to index
        %get3A_2172 = arith.index_cast %add3A_2169 : i32 to index
        %get3A_2173 = arith.constant 32 : index
        %get3A_2174 = tpu.vector_load %arg7[%get3A_2171, %get3A_2172, %get3A_2173] {strides = array<i32>} : memref<4x208x64xf32, #tpu.memory_space<vmem>>, vector<1x1x16xf32>,
        %get3A_2175 = vector.shape_cast %get3A_2174 : vector<1x1x16xf32> to vector<16xf32>
        %mul3A_2176 = vector.broadcast %squeeze3A_2145 : f32 to vector<16xf32>
        %mul3A_2177 = arith.mulf %mul3A_2176, %get3A_2175 : vector<16xf32>
        %add3A_2178 = arith.addf %add3A_2132, %mul3A_2177 : vector<16xf32>
        %add3A_2179 = arith.constant 9 : i32
        %add3A_2180 = arith.addi %mul3A_1711, %add3A_2179 : i32
        %get3A_2181 = arith.constant 2 : i32
        %get3A_2182 = arith.index_cast %get3A_2181 : i32 to index
        %get3A_2183 = arith.index_cast %add3A_2180 : i32 to index
        %get3A_2184 = arith.constant 48 : index
        %get3A_2185 = tpu.vector_load %arg7[%get3A_2182, %get3A_2183, %get3A_2184] {strides = array<i32>} : memref<4x208x64xf32, #tpu.memory_space<vmem>>, vector<1x1x16xf32>,
        %get3A_2186 = vector.shape_cast %get3A_2185 : vector<1x1x16xf32> to vector<16xf32>
        %mul3A_2187 = vector.broadcast %squeeze3A_2145 : f32 to vector<16xf32>
        %mul3A_2188 = arith.mulf %mul3A_2187, %get3A_2186 : vector<16xf32>
        %add3A_2189 = arith.addf %add3A_2143, %mul3A_2188 : vector<16xf32>
        %slice3A_2190 = vector.extract_strided_slice %select_n3A_1729 {offsets = [10], sizes = [1], strides = [1]} : vector<16xf32> to vector<1xf32>
        %squeeze3A_2191 = vector.extract %slice3A_2190[0] : f32 from vector<1xf32>
        %add3A_2192 = arith.constant 10 : i32
        %add3A_2193 = arith.addi %mul3A_1711, %add3A_2192 : i32
        %get3A_2194 = arith.constant 2 : i32
        %get3A_2195 = arith.index_cast %get3A_2194 : i32 to index
        %get3A_2196 = arith.index_cast %add3A_2193 : i32 to index
        %get3A_2197 = arith.constant 0 : index
        %get3A_2198 = tpu.vector_load %arg7[%get3A_2195, %get3A_2196, %get3A_2197] {strides = array<i32>} : memref<4x208x64xf32, #tpu.memory_space<vmem>>, vector<1x1x16xf32>,
        %get3A_2199 = vector.shape_cast %get3A_2198 : vector<1x1x16xf32> to vector<16xf32>
        %mul3A_2200 = vector.broadcast %squeeze3A_2191 : f32 to vector<16xf32>
        %mul3A_2201 = arith.mulf %mul3A_2200, %get3A_2199 : vector<16xf32>
        %add3A_2202 = arith.addf %add3A_2156, %mul3A_2201 : vector<16xf32>
        %add3A_2203 = arith.constant 10 : i32
        %add3A_2204 = arith.addi %mul3A_1711, %add3A_2203 : i32
        %get3A_2205 = arith.constant 2 : i32
        %get3A_2206 = arith.index_cast %get3A_2205 : i32 to index
        %get3A_2207 = arith.index_cast %add3A_2204 : i32 to index
        %get3A_2208 = arith.constant 16 : index
        %get3A_2209 = tpu.vector_load %arg7[%get3A_2206, %get3A_2207, %get3A_2208] {strides = array<i32>} : memref<4x208x64xf32, #tpu.memory_space<vmem>>, vector<1x1x16xf32>,
        %get3A_2210 = vector.shape_cast %get3A_2209 : vector<1x1x16xf32> to vector<16xf32>
        %mul3A_2211 = vector.broadcast %squeeze3A_2191 : f32 to vector<16xf32>
        %mul3A_2212 = arith.mulf %mul3A_2211, %get3A_2210 : vector<16xf32>
        %add3A_2213 = arith.addf %add3A_2167, %mul3A_2212 : vector<16xf32>
        %add3A_2214 = arith.constant 10 : i32
        %add3A_2215 = arith.addi %mul3A_1711, %add3A_2214 : i32
        %get3A_2216 = arith.constant 2 : i32
        %get3A_2217 = arith.index_cast %get3A_2216 : i32 to index
        %get3A_2218 = arith.index_cast %add3A_2215 : i32 to index
        %get3A_2219 = arith.constant 32 : index
        %get3A_2220 = tpu.vector_load %arg7[%get3A_2217, %get3A_2218, %get3A_2219] {strides = array<i32>} : memref<4x208x64xf32, #tpu.memory_space<vmem>>, vector<1x1x16xf32>,
        %get3A_2221 = vector.shape_cast %get3A_2220 : vector<1x1x16xf32> to vector<16xf32>
        %mul3A_2222 = vector.broadcast %squeeze3A_2191 : f32 to vector<16xf32>
        %mul3A_2223 = arith.mulf %mul3A_2222, %get3A_2221 : vector<16xf32>
        %add3A_2224 = arith.addf %add3A_2178, %mul3A_2223 : vector<16xf32>
        %add3A_2225 = arith.constant 10 : i32
        %add3A_2226 = arith.addi %mul3A_1711, %add3A_2225 : i32
        %get3A_2227 = arith.constant 2 : i32
        %get3A_2228 = arith.index_cast %get3A_2227 : i32 to index
        %get3A_2229 = arith.index_cast %add3A_2226 : i32 to index
        %get3A_2230 = arith.constant 48 : index
        %get3A_2231 = tpu.vector_load %arg7[%get3A_2228, %get3A_2229, %get3A_2230] {strides = array<i32>} : memref<4x208x64xf32, #tpu.memory_space<vmem>>, vector<1x1x16xf32>,
        %get3A_2232 = vector.shape_cast %get3A_2231 : vector<1x1x16xf32> to vector<16xf32>
        %mul3A_2233 = vector.broadcast %squeeze3A_2191 : f32 to vector<16xf32>
        %mul3A_2234 = arith.mulf %mul3A_2233, %get3A_2232 : vector<16xf32>
        %add3A_2235 = arith.addf %add3A_2189, %mul3A_2234 : vector<16xf32>
        %slice3A_2236 = vector.extract_strided_slice %select_n3A_1729 {offsets = [11], sizes = [1], strides = [1]} : vector<16xf32> to vector<1xf32>
        %squeeze3A_2237 = vector.extract %slice3A_2236[0] : f32 from vector<1xf32>
        %add3A_2238 = arith.constant 11 : i32
        %add3A_2239 = arith.addi %mul3A_1711, %add3A_2238 : i32
        %get3A_2240 = arith.constant 2 : i32
        %get3A_2241 = arith.index_cast %get3A_2240 : i32 to index
        %get3A_2242 = arith.index_cast %add3A_2239 : i32 to index
        %get3A_2243 = arith.constant 0 : index
        %get3A_2244 = tpu.vector_load %arg7[%get3A_2241, %get3A_2242, %get3A_2243] {strides = array<i32>} : memref<4x208x64xf32, #tpu.memory_space<vmem>>, vector<1x1x16xf32>,
        %get3A_2245 = vector.shape_cast %get3A_2244 : vector<1x1x16xf32> to vector<16xf32>
        %mul3A_2246 = vector.broadcast %squeeze3A_2237 : f32 to vector<16xf32>
        %mul3A_2247 = arith.mulf %mul3A_2246, %get3A_2245 : vector<16xf32>
        %add3A_2248 = arith.addf %add3A_2202, %mul3A_2247 : vector<16xf32>
        %add3A_2249 = arith.constant 11 : i32
        %add3A_2250 = arith.addi %mul3A_1711, %add3A_2249 : i32
        %get3A_2251 = arith.constant 2 : i32
        %get3A_2252 = arith.index_cast %get3A_2251 : i32 to index
        %get3A_2253 = arith.index_cast %add3A_2250 : i32 to index
        %get3A_2254 = arith.constant 16 : index
        %get3A_2255 = tpu.vector_load %arg7[%get3A_2252, %get3A_2253, %get3A_2254] {strides = array<i32>} : memref<4x208x64xf32, #tpu.memory_space<vmem>>, vector<1x1x16xf32>,
        %get3A_2256 = vector.shape_cast %get3A_2255 : vector<1x1x16xf32> to vector<16xf32>
        %mul3A_2257 = vector.broadcast %squeeze3A_2237 : f32 to vector<16xf32>
        %mul3A_2258 = arith.mulf %mul3A_2257, %get3A_2256 : vector<16xf32>
        %add3A_2259 = arith.addf %add3A_2213, %mul3A_2258 : vector<16xf32>
        %add3A_2260 = arith.constant 11 : i32
        %add3A_2261 = arith.addi %mul3A_1711, %add3A_2260 : i32
        %get3A_2262 = arith.constant 2 : i32
        %get3A_2263 = arith.index_cast %get3A_2262 : i32 to index
        %get3A_2264 = arith.index_cast %add3A_2261 : i32 to index
        %get3A_2265 = arith.constant 32 : index
        %get3A_2266 = tpu.vector_load %arg7[%get3A_2263, %get3A_2264, %get3A_2265] {strides = array<i32>} : memref<4x208x64xf32, #tpu.memory_space<vmem>>, vector<1x1x16xf32>,
        %get3A_2267 = vector.shape_cast %get3A_2266 : vector<1x1x16xf32> to vector<16xf32>
        %mul3A_2268 = vector.broadcast %squeeze3A_2237 : f32 to vector<16xf32>
        %mul3A_2269 = arith.mulf %mul3A_2268, %get3A_2267 : vector<16xf32>
        %add3A_2270 = arith.addf %add3A_2224, %mul3A_2269 : vector<16xf32>
        %add3A_2271 = arith.constant 11 : i32
        %add3A_2272 = arith.addi %mul3A_1711, %add3A_2271 : i32
        %get3A_2273 = arith.constant 2 : i32
        %get3A_2274 = arith.index_cast %get3A_2273 : i32 to index
        %get3A_2275 = arith.index_cast %add3A_2272 : i32 to index
        %get3A_2276 = arith.constant 48 : index
        %get3A_2277 = tpu.vector_load %arg7[%get3A_2274, %get3A_2275, %get3A_2276] {strides = array<i32>} : memref<4x208x64xf32, #tpu.memory_space<vmem>>, vector<1x1x16xf32>,
        %get3A_2278 = vector.shape_cast %get3A_2277 : vector<1x1x16xf32> to vector<16xf32>
        %mul3A_2279 = vector.broadcast %squeeze3A_2237 : f32 to vector<16xf32>
        %mul3A_2280 = arith.mulf %mul3A_2279, %get3A_2278 : vector<16xf32>
        %add3A_2281 = arith.addf %add3A_2235, %mul3A_2280 : vector<16xf32>
        %slice3A_2282 = vector.extract_strided_slice %select_n3A_1729 {offsets = [12], sizes = [1], strides = [1]} : vector<16xf32> to vector<1xf32>
        %squeeze3A_2283 = vector.extract %slice3A_2282[0] : f32 from vector<1xf32>
        %add3A_2284 = arith.constant 12 : i32
        %add3A_2285 = arith.addi %mul3A_1711, %add3A_2284 : i32
        %get3A_2286 = arith.constant 2 : i32
        %get3A_2287 = arith.index_cast %get3A_2286 : i32 to index
        %get3A_2288 = arith.index_cast %add3A_2285 : i32 to index
        %get3A_2289 = arith.constant 0 : index
        %get3A_2290 = tpu.vector_load %arg7[%get3A_2287, %get3A_2288, %get3A_2289] {strides = array<i32>} : memref<4x208x64xf32, #tpu.memory_space<vmem>>, vector<1x1x16xf32>,
        %get3A_2291 = vector.shape_cast %get3A_2290 : vector<1x1x16xf32> to vector<16xf32>
        %mul3A_2292 = vector.broadcast %squeeze3A_2283 : f32 to vector<16xf32>
        %mul3A_2293 = arith.mulf %mul3A_2292, %get3A_2291 : vector<16xf32>
        %add3A_2294 = arith.addf %add3A_2248, %mul3A_2293 : vector<16xf32>
        %add3A_2295 = arith.constant 12 : i32
        %add3A_2296 = arith.addi %mul3A_1711, %add3A_2295 : i32
        %get3A_2297 = arith.constant 2 : i32
        %get3A_2298 = arith.index_cast %get3A_2297 : i32 to index
        %get3A_2299 = arith.index_cast %add3A_2296 : i32 to index
        %get3A_2300 = arith.constant 16 : index
        %get3A_2301 = tpu.vector_load %arg7[%get3A_2298, %get3A_2299, %get3A_2300] {strides = array<i32>} : memref<4x208x64xf32, #tpu.memory_space<vmem>>, vector<1x1x16xf32>,
        %get3A_2302 = vector.shape_cast %get3A_2301 : vector<1x1x16xf32> to vector<16xf32>
        %mul3A_2303 = vector.broadcast %squeeze3A_2283 : f32 to vector<16xf32>
        %mul3A_2304 = arith.mulf %mul3A_2303, %get3A_2302 : vector<16xf32>
        %add3A_2305 = arith.addf %add3A_2259, %mul3A_2304 : vector<16xf32>
        %add3A_2306 = arith.constant 12 : i32
        %add3A_2307 = arith.addi %mul3A_1711, %add3A_2306 : i32
        %get3A_2308 = arith.constant 2 : i32
        %get3A_2309 = arith.index_cast %get3A_2308 : i32 to index
        %get3A_2310 = arith.index_cast %add3A_2307 : i32 to index
        %get3A_2311 = arith.constant 32 : index
        %get3A_2312 = tpu.vector_load %arg7[%get3A_2309, %get3A_2310, %get3A_2311] {strides = array<i32>} : memref<4x208x64xf32, #tpu.memory_space<vmem>>, vector<1x1x16xf32>,
        %get3A_2313 = vector.shape_cast %get3A_2312 : vector<1x1x16xf32> to vector<16xf32>
        %mul3A_2314 = vector.broadcast %squeeze3A_2283 : f32 to vector<16xf32>
        %mul3A_2315 = arith.mulf %mul3A_2314, %get3A_2313 : vector<16xf32>
        %add3A_2316 = arith.addf %add3A_2270, %mul3A_2315 : vector<16xf32>
        %add3A_2317 = arith.constant 12 : i32
        %add3A_2318 = arith.addi %mul3A_1711, %add3A_2317 : i32
        %get3A_2319 = arith.constant 2 : i32
        %get3A_2320 = arith.index_cast %get3A_2319 : i32 to index
        %get3A_2321 = arith.index_cast %add3A_2318 : i32 to index
        %get3A_2322 = arith.constant 48 : index
        %get3A_2323 = tpu.vector_load %arg7[%get3A_2320, %get3A_2321, %get3A_2322] {strides = array<i32>} : memref<4x208x64xf32, #tpu.memory_space<vmem>>, vector<1x1x16xf32>,
        %get3A_2324 = vector.shape_cast %get3A_2323 : vector<1x1x16xf32> to vector<16xf32>
        %mul3A_2325 = vector.broadcast %squeeze3A_2283 : f32 to vector<16xf32>
        %mul3A_2326 = arith.mulf %mul3A_2325, %get3A_2324 : vector<16xf32>
        %add3A_2327 = arith.addf %add3A_2281, %mul3A_2326 : vector<16xf32>
        %slice3A_2328 = vector.extract_strided_slice %select_n3A_1729 {offsets = [13], sizes = [1], strides = [1]} : vector<16xf32> to vector<1xf32>
        %squeeze3A_2329 = vector.extract %slice3A_2328[0] : f32 from vector<1xf32>
        %add3A_2330 = arith.constant 13 : i32
        %add3A_2331 = arith.addi %mul3A_1711, %add3A_2330 : i32
        %get3A_2332 = arith.constant 2 : i32
        %get3A_2333 = arith.index_cast %get3A_2332 : i32 to index
        %get3A_2334 = arith.index_cast %add3A_2331 : i32 to index
        %get3A_2335 = arith.constant 0 : index
        %get3A_2336 = tpu.vector_load %arg7[%get3A_2333, %get3A_2334, %get3A_2335] {strides = array<i32>} : memref<4x208x64xf32, #tpu.memory_space<vmem>>, vector<1x1x16xf32>,
        %get3A_2337 = vector.shape_cast %get3A_2336 : vector<1x1x16xf32> to vector<16xf32>
        %mul3A_2338 = vector.broadcast %squeeze3A_2329 : f32 to vector<16xf32>
        %mul3A_2339 = arith.mulf %mul3A_2338, %get3A_2337 : vector<16xf32>
        %add3A_2340 = arith.addf %add3A_2294, %mul3A_2339 : vector<16xf32>
        %add3A_2341 = arith.constant 13 : i32
        %add3A_2342 = arith.addi %mul3A_1711, %add3A_2341 : i32
        %get3A_2343 = arith.constant 2 : i32
        %get3A_2344 = arith.index_cast %get3A_2343 : i32 to index
        %get3A_2345 = arith.index_cast %add3A_2342 : i32 to index
        %get3A_2346 = arith.constant 16 : index
        %get3A_2347 = tpu.vector_load %arg7[%get3A_2344, %get3A_2345, %get3A_2346] {strides = array<i32>} : memref<4x208x64xf32, #tpu.memory_space<vmem>>, vector<1x1x16xf32>,
        %get3A_2348 = vector.shape_cast %get3A_2347 : vector<1x1x16xf32> to vector<16xf32>
        %mul3A_2349 = vector.broadcast %squeeze3A_2329 : f32 to vector<16xf32>
        %mul3A_2350 = arith.mulf %mul3A_2349, %get3A_2348 : vector<16xf32>
        %add3A_2351 = arith.addf %add3A_2305, %mul3A_2350 : vector<16xf32>
        %add3A_2352 = arith.constant 13 : i32
        %add3A_2353 = arith.addi %mul3A_1711, %add3A_2352 : i32
        %get3A_2354 = arith.constant 2 : i32
        %get3A_2355 = arith.index_cast %get3A_2354 : i32 to index
        %get3A_2356 = arith.index_cast %add3A_2353 : i32 to index
        %get3A_2357 = arith.constant 32 : index
        %get3A_2358 = tpu.vector_load %arg7[%get3A_2355, %get3A_2356, %get3A_2357] {strides = array<i32>} : memref<4x208x64xf32, #tpu.memory_space<vmem>>, vector<1x1x16xf32>,
        %get3A_2359 = vector.shape_cast %get3A_2358 : vector<1x1x16xf32> to vector<16xf32>
        %mul3A_2360 = vector.broadcast %squeeze3A_2329 : f32 to vector<16xf32>
        %mul3A_2361 = arith.mulf %mul3A_2360, %get3A_2359 : vector<16xf32>
        %add3A_2362 = arith.addf %add3A_2316, %mul3A_2361 : vector<16xf32>
        %add3A_2363 = arith.constant 13 : i32
        %add3A_2364 = arith.addi %mul3A_1711, %add3A_2363 : i32
        %get3A_2365 = arith.constant 2 : i32
        %get3A_2366 = arith.index_cast %get3A_2365 : i32 to index
        %get3A_2367 = arith.index_cast %add3A_2364 : i32 to index
        %get3A_2368 = arith.constant 48 : index
        %get3A_2369 = tpu.vector_load %arg7[%get3A_2366, %get3A_2367, %get3A_2368] {strides = array<i32>} : memref<4x208x64xf32, #tpu.memory_space<vmem>>, vector<1x1x16xf32>,
        %get3A_2370 = vector.shape_cast %get3A_2369 : vector<1x1x16xf32> to vector<16xf32>
        %mul3A_2371 = vector.broadcast %squeeze3A_2329 : f32 to vector<16xf32>
        %mul3A_2372 = arith.mulf %mul3A_2371, %get3A_2370 : vector<16xf32>
        %add3A_2373 = arith.addf %add3A_2327, %mul3A_2372 : vector<16xf32>
        %slice3A_2374 = vector.extract_strided_slice %select_n3A_1729 {offsets = [14], sizes = [1], strides = [1]} : vector<16xf32> to vector<1xf32>
        %squeeze3A_2375 = vector.extract %slice3A_2374[0] : f32 from vector<1xf32>
        %add3A_2376 = arith.constant 14 : i32
        %add3A_2377 = arith.addi %mul3A_1711, %add3A_2376 : i32
        %get3A_2378 = arith.constant 2 : i32
        %get3A_2379 = arith.index_cast %get3A_2378 : i32 to index
        %get3A_2380 = arith.index_cast %add3A_2377 : i32 to index
        %get3A_2381 = arith.constant 0 : index
        %get3A_2382 = tpu.vector_load %arg7[%get3A_2379, %get3A_2380, %get3A_2381] {strides = array<i32>} : memref<4x208x64xf32, #tpu.memory_space<vmem>>, vector<1x1x16xf32>,
        %get3A_2383 = vector.shape_cast %get3A_2382 : vector<1x1x16xf32> to vector<16xf32>
        %mul3A_2384 = vector.broadcast %squeeze3A_2375 : f32 to vector<16xf32>
        %mul3A_2385 = arith.mulf %mul3A_2384, %get3A_2383 : vector<16xf32>
        %add3A_2386 = arith.addf %add3A_2340, %mul3A_2385 : vector<16xf32>
        %add3A_2387 = arith.constant 14 : i32
        %add3A_2388 = arith.addi %mul3A_1711, %add3A_2387 : i32
        %get3A_2389 = arith.constant 2 : i32
        %get3A_2390 = arith.index_cast %get3A_2389 : i32 to index
        %get3A_2391 = arith.index_cast %add3A_2388 : i32 to index
        %get3A_2392 = arith.constant 16 : index
        %get3A_2393 = tpu.vector_load %arg7[%get3A_2390, %get3A_2391, %get3A_2392] {strides = array<i32>} : memref<4x208x64xf32, #tpu.memory_space<vmem>>, vector<1x1x16xf32>,
        %get3A_2394 = vector.shape_cast %get3A_2393 : vector<1x1x16xf32> to vector<16xf32>
        %mul3A_2395 = vector.broadcast %squeeze3A_2375 : f32 to vector<16xf32>
        %mul3A_2396 = arith.mulf %mul3A_2395, %get3A_2394 : vector<16xf32>
        %add3A_2397 = arith.addf %add3A_2351, %mul3A_2396 : vector<16xf32>
        %add3A_2398 = arith.constant 14 : i32
        %add3A_2399 = arith.addi %mul3A_1711, %add3A_2398 : i32
        %get3A_2400 = arith.constant 2 : i32
        %get3A_2401 = arith.index_cast %get3A_2400 : i32 to index
        %get3A_2402 = arith.index_cast %add3A_2399 : i32 to index
        %get3A_2403 = arith.constant 32 : index
        %get3A_2404 = tpu.vector_load %arg7[%get3A_2401, %get3A_2402, %get3A_2403] {strides = array<i32>} : memref<4x208x64xf32, #tpu.memory_space<vmem>>, vector<1x1x16xf32>,
        %get3A_2405 = vector.shape_cast %get3A_2404 : vector<1x1x16xf32> to vector<16xf32>
        %mul3A_2406 = vector.broadcast %squeeze3A_2375 : f32 to vector<16xf32>
        %mul3A_2407 = arith.mulf %mul3A_2406, %get3A_2405 : vector<16xf32>
        %add3A_2408 = arith.addf %add3A_2362, %mul3A_2407 : vector<16xf32>
        %add3A_2409 = arith.constant 14 : i32
        %add3A_2410 = arith.addi %mul3A_1711, %add3A_2409 : i32
        %get3A_2411 = arith.constant 2 : i32
        %get3A_2412 = arith.index_cast %get3A_2411 : i32 to index
        %get3A_2413 = arith.index_cast %add3A_2410 : i32 to index
        %get3A_2414 = arith.constant 48 : index
        %get3A_2415 = tpu.vector_load %arg7[%get3A_2412, %get3A_2413, %get3A_2414] {strides = array<i32>} : memref<4x208x64xf32, #tpu.memory_space<vmem>>, vector<1x1x16xf32>,
        %get3A_2416 = vector.shape_cast %get3A_2415 : vector<1x1x16xf32> to vector<16xf32>
        %mul3A_2417 = vector.broadcast %squeeze3A_2375 : f32 to vector<16xf32>
        %mul3A_2418 = arith.mulf %mul3A_2417, %get3A_2416 : vector<16xf32>
        %add3A_2419 = arith.addf %add3A_2373, %mul3A_2418 : vector<16xf32>
        %slice3A_2420 = vector.extract_strided_slice %select_n3A_1729 {offsets = [15], sizes = [1], strides = [1]} : vector<16xf32> to vector<1xf32>
        %squeeze3A_2421 = vector.extract %slice3A_2420[0] : f32 from vector<1xf32>
        %add3A_2422 = arith.constant 15 : i32
        %add3A_2423 = arith.addi %mul3A_1711, %add3A_2422 : i32
        %get3A_2424 = arith.constant 2 : i32
        %get3A_2425 = arith.index_cast %get3A_2424 : i32 to index
        %get3A_2426 = arith.index_cast %add3A_2423 : i32 to index
        %get3A_2427 = arith.constant 0 : index
        %get3A_2428 = tpu.vector_load %arg7[%get3A_2425, %get3A_2426, %get3A_2427] {strides = array<i32>} : memref<4x208x64xf32, #tpu.memory_space<vmem>>, vector<1x1x16xf32>,
        %get3A_2429 = vector.shape_cast %get3A_2428 : vector<1x1x16xf32> to vector<16xf32>
        %mul3A_2430 = vector.broadcast %squeeze3A_2421 : f32 to vector<16xf32>
        %mul3A_2431 = arith.mulf %mul3A_2430, %get3A_2429 : vector<16xf32>
        %add3A_2432 = arith.addf %add3A_2386, %mul3A_2431 : vector<16xf32>
        %add3A_2433 = arith.constant 15 : i32
        %add3A_2434 = arith.addi %mul3A_1711, %add3A_2433 : i32
        %get3A_2435 = arith.constant 2 : i32
        %get3A_2436 = arith.index_cast %get3A_2435 : i32 to index
        %get3A_2437 = arith.index_cast %add3A_2434 : i32 to index
        %get3A_2438 = arith.constant 16 : index
        %get3A_2439 = tpu.vector_load %arg7[%get3A_2436, %get3A_2437, %get3A_2438] {strides = array<i32>} : memref<4x208x64xf32, #tpu.memory_space<vmem>>, vector<1x1x16xf32>,
        %get3A_2440 = vector.shape_cast %get3A_2439 : vector<1x1x16xf32> to vector<16xf32>
        %mul3A_2441 = vector.broadcast %squeeze3A_2421 : f32 to vector<16xf32>
        %mul3A_2442 = arith.mulf %mul3A_2441, %get3A_2440 : vector<16xf32>
        %add3A_2443 = arith.addf %add3A_2397, %mul3A_2442 : vector<16xf32>
        %add3A_2444 = arith.constant 15 : i32
        %add3A_2445 = arith.addi %mul3A_1711, %add3A_2444 : i32
        %get3A_2446 = arith.constant 2 : i32
        %get3A_2447 = arith.index_cast %get3A_2446 : i32 to index
        %get3A_2448 = arith.index_cast %add3A_2445 : i32 to index
        %get3A_2449 = arith.constant 32 : index
        %get3A_2450 = tpu.vector_load %arg7[%get3A_2447, %get3A_2448, %get3A_2449] {strides = array<i32>} : memref<4x208x64xf32, #tpu.memory_space<vmem>>, vector<1x1x16xf32>,
        %get3A_2451 = vector.shape_cast %get3A_2450 : vector<1x1x16xf32> to vector<16xf32>
        %mul3A_2452 = vector.broadcast %squeeze3A_2421 : f32 to vector<16xf32>
        %mul3A_2453 = arith.mulf %mul3A_2452, %get3A_2451 : vector<16xf32>
        %add3A_2454 = arith.addf %add3A_2408, %mul3A_2453 : vector<16xf32>
        %add3A_2455 = arith.constant 15 : i32
        %add3A_2456 = arith.addi %mul3A_1711, %add3A_2455 : i32
        %get3A_2457 = arith.constant 2 : i32
        %get3A_2458 = arith.index_cast %get3A_2457 : i32 to index
        %get3A_2459 = arith.index_cast %add3A_2456 : i32 to index
        %get3A_2460 = arith.constant 48 : index
        %get3A_2461 = tpu.vector_load %arg7[%get3A_2458, %get3A_2459, %get3A_2460] {strides = array<i32>} : memref<4x208x64xf32, #tpu.memory_space<vmem>>, vector<1x1x16xf32>,
        %get3A_2462 = vector.shape_cast %get3A_2461 : vector<1x1x16xf32> to vector<16xf32>
        %mul3A_2463 = vector.broadcast %squeeze3A_2421 : f32 to vector<16xf32>
        %mul3A_2464 = arith.mulf %mul3A_2463, %get3A_2462 : vector<16xf32>
        %add3A_2465 = arith.addf %add3A_2419, %mul3A_2464 : vector<16xf32>
        scf.yield %add3A_2432, %add3A_2443, %add3A_2454, %add3A_2465 : vector<16xf32>, vector<16xf32>, vector<16xf32>, vector<16xf32>
      }
      %scan3A_910 = arith.constant 12 : i32
      %mul3A_911 = arith.constant 208 : i32
      %mul3A_912 = arith.muli %add3A_872, %mul3A_911 : i32
      %add3A_913 = arith.constant 192 : i32
      %add3A_914 = arith.addi %mul3A_912, %add3A_913 : i32
      %get3A_915 = arith.index_cast %add3A_914 : i32 to index
      %get3A_916 = tpu.vector_load %arg8[%get3A_915] {strides = array<i32>} : memref<26624xf32, #tpu.memory_space<vmem>>, vector<16xf32>,
      %get3A_917 = vector.shape_cast %get3A_916 : vector<16xf32> to vector<16xf32>
      %mul3A_918 = arith.constant 208 : i32
      %mul3A_919 = arith.muli %add3A_872, %mul3A_918 : i32
      %add3A_920 = arith.constant 192 : i32
      %add3A_921 = arith.addi %mul3A_919, %add3A_920 : i32
      %get3A_922 = arith.index_cast %add3A_921 : i32 to index
      %get3A_923 = tpu.vector_load %arg6[%get3A_922] {strides = array<i32>} : memref<26624xi32, #tpu.memory_space<vmem>>, vector<16xi32>,
      %get3A_924 = vector.shape_cast %get3A_923 : vector<16xi32> to vector<16xi32>
      %eq3A_925 = arith.constant 0 : i32
      %eq3A_926 = vector.broadcast %eq3A_925 : i32 to vector<16xi32>
      %eq3A_927 = arith.cmpi eq, %get3A_924, %eq3A_926 : vector<16xi32>
      %jit3A_928 = arith.constant 0.000000e+00 : f32
      %broadcast_in_dim3A_929 = vector.broadcast %jit3A_928 : f32 to vector<16xf32>
      %select_n3A_930 = arith.select %eq3A_927, %broadcast_in_dim3A_929, %get3A_917 : vector<16xi1>, vector<16xf32>
      %slice3A_931 = vector.extract_strided_slice %select_n3A_930 {offsets = [0], sizes = [1], strides = [1]} : vector<16xf32> to vector<1xf32>
      %squeeze3A_932 = vector.extract %slice3A_931[0] : f32 from vector<1xf32>
      %get3A_933 = arith.constant 2 : i32
      %get3A_934 = arith.constant 192 : i32
      %get3A_935 = arith.index_cast %get3A_933 : i32 to index
      %get3A_936 = arith.index_cast %get3A_934 : i32 to index
      %get3A_937 = arith.constant 0 : index
      %get3A_938 = tpu.vector_load %arg7[%get3A_935, %get3A_936, %get3A_937] {strides = array<i32>} : memref<4x208x64xf32, #tpu.memory_space<vmem>>, vector<1x1x16xf32>,
      %get3A_939 = vector.shape_cast %get3A_938 : vector<1x1x16xf32> to vector<16xf32>
      %mul3A_940 = vector.broadcast %squeeze3A_932 : f32 to vector<16xf32>
      %mul3A_941 = arith.mulf %mul3A_940, %get3A_939 : vector<16xf32>
      %add3A_942 = arith.addf %scan3A_909#0, %mul3A_941 : vector<16xf32>
      %get3A_943 = arith.constant 2 : i32
      %get3A_944 = arith.constant 192 : i32
      %get3A_945 = arith.index_cast %get3A_943 : i32 to index
      %get3A_946 = arith.index_cast %get3A_944 : i32 to index
      %get3A_947 = arith.constant 16 : index
      %get3A_948 = tpu.vector_load %arg7[%get3A_945, %get3A_946, %get3A_947] {strides = array<i32>} : memref<4x208x64xf32, #tpu.memory_space<vmem>>, vector<1x1x16xf32>,
      %get3A_949 = vector.shape_cast %get3A_948 : vector<1x1x16xf32> to vector<16xf32>
      %mul3A_950 = vector.broadcast %squeeze3A_932 : f32 to vector<16xf32>
      %mul3A_951 = arith.mulf %mul3A_950, %get3A_949 : vector<16xf32>
      %add3A_952 = arith.addf %scan3A_909#1, %mul3A_951 : vector<16xf32>
      %get3A_953 = arith.constant 2 : i32
      %get3A_954 = arith.constant 192 : i32
      %get3A_955 = arith.index_cast %get3A_953 : i32 to index
      %get3A_956 = arith.index_cast %get3A_954 : i32 to index
      %get3A_957 = arith.constant 32 : index
      %get3A_958 = tpu.vector_load %arg7[%get3A_955, %get3A_956, %get3A_957] {strides = array<i32>} : memref<4x208x64xf32, #tpu.memory_space<vmem>>, vector<1x1x16xf32>,
      %get3A_959 = vector.shape_cast %get3A_958 : vector<1x1x16xf32> to vector<16xf32>
      %mul3A_960 = vector.broadcast %squeeze3A_932 : f32 to vector<16xf32>
      %mul3A_961 = arith.mulf %mul3A_960, %get3A_959 : vector<16xf32>
      %add3A_962 = arith.addf %scan3A_909#2, %mul3A_961 : vector<16xf32>
      %get3A_963 = arith.constant 2 : i32
      %get3A_964 = arith.constant 192 : i32
      %get3A_965 = arith.index_cast %get3A_963 : i32 to index
      %get3A_966 = arith.index_cast %get3A_964 : i32 to index
      %get3A_967 = arith.constant 48 : index
      %get3A_968 = tpu.vector_load %arg7[%get3A_965, %get3A_966, %get3A_967] {strides = array<i32>} : memref<4x208x64xf32, #tpu.memory_space<vmem>>, vector<1x1x16xf32>,
      %get3A_969 = vector.shape_cast %get3A_968 : vector<1x1x16xf32> to vector<16xf32>
      %mul3A_970 = vector.broadcast %squeeze3A_932 : f32 to vector<16xf32>
      %mul3A_971 = arith.mulf %mul3A_970, %get3A_969 : vector<16xf32>
      %add3A_972 = arith.addf %scan3A_909#3, %mul3A_971 : vector<16xf32>
      %slice3A_973 = vector.extract_strided_slice %select_n3A_930 {offsets = [1], sizes = [1], strides = [1]} : vector<16xf32> to vector<1xf32>
      %squeeze3A_974 = vector.extract %slice3A_973[0] : f32 from vector<1xf32>
      %get3A_975 = arith.constant 2 : i32
      %get3A_976 = arith.constant 193 : i32
      %get3A_977 = arith.index_cast %get3A_975 : i32 to index
      %get3A_978 = arith.index_cast %get3A_976 : i32 to index
      %get3A_979 = arith.constant 0 : index
      %get3A_980 = tpu.vector_load %arg7[%get3A_977, %get3A_978, %get3A_979] {strides = array<i32>} : memref<4x208x64xf32, #tpu.memory_space<vmem>>, vector<1x1x16xf32>,
      %get3A_981 = vector.shape_cast %get3A_980 : vector<1x1x16xf32> to vector<16xf32>
      %mul3A_982 = vector.broadcast %squeeze3A_974 : f32 to vector<16xf32>
      %mul3A_983 = arith.mulf %mul3A_982, %get3A_981 : vector<16xf32>
      %add3A_984 = arith.addf %add3A_942, %mul3A_983 : vector<16xf32>
      %get3A_985 = arith.constant 2 : i32
      %get3A_986 = arith.constant 193 : i32
      %get3A_987 = arith.index_cast %get3A_985 : i32 to index
      %get3A_988 = arith.index_cast %get3A_986 : i32 to index
      %get3A_989 = arith.constant 16 : index
      %get3A_990 = tpu.vector_load %arg7[%get3A_987, %get3A_988, %get3A_989] {strides = array<i32>} : memref<4x208x64xf32, #tpu.memory_space<vmem>>, vector<1x1x16xf32>,
      %get3A_991 = vector.shape_cast %get3A_990 : vector<1x1x16xf32> to vector<16xf32>
      %mul3A_992 = vector.broadcast %squeeze3A_974 : f32 to vector<16xf32>
      %mul3A_993 = arith.mulf %mul3A_992, %get3A_991 : vector<16xf32>
      %add3A_994 = arith.addf %add3A_952, %mul3A_993 : vector<16xf32>
      %get3A_995 = arith.constant 2 : i32
      %get3A_996 = arith.constant 193 : i32
      %get3A_997 = arith.index_cast %get3A_995 : i32 to index
      %get3A_998 = arith.index_cast %get3A_996 : i32 to index
      %get3A_999 = arith.constant 32 : index
      %get3A_1000 = tpu.vector_load %arg7[%get3A_997, %get3A_998, %get3A_999] {strides = array<i32>} : memref<4x208x64xf32, #tpu.memory_space<vmem>>, vector<1x1x16xf32>,
      %get3A_1001 = vector.shape_cast %get3A_1000 : vector<1x1x16xf32> to vector<16xf32>
      %mul3A_1002 = vector.broadcast %squeeze3A_974 : f32 to vector<16xf32>
      %mul3A_1003 = arith.mulf %mul3A_1002, %get3A_1001 : vector<16xf32>
      %add3A_1004 = arith.addf %add3A_962, %mul3A_1003 : vector<16xf32>
      %get3A_1005 = arith.constant 2 : i32
      %get3A_1006 = arith.constant 193 : i32
      %get3A_1007 = arith.index_cast %get3A_1005 : i32 to index
      %get3A_1008 = arith.index_cast %get3A_1006 : i32 to index
      %get3A_1009 = arith.constant 48 : index
      %get3A_1010 = tpu.vector_load %arg7[%get3A_1007, %get3A_1008, %get3A_1009] {strides = array<i32>} : memref<4x208x64xf32, #tpu.memory_space<vmem>>, vector<1x1x16xf32>,
      %get3A_1011 = vector.shape_cast %get3A_1010 : vector<1x1x16xf32> to vector<16xf32>
      %mul3A_1012 = vector.broadcast %squeeze3A_974 : f32 to vector<16xf32>
      %mul3A_1013 = arith.mulf %mul3A_1012, %get3A_1011 : vector<16xf32>
      %add3A_1014 = arith.addf %add3A_972, %mul3A_1013 : vector<16xf32>
      %slice3A_1015 = vector.extract_strided_slice %select_n3A_930 {offsets = [2], sizes = [1], strides = [1]} : vector<16xf32> to vector<1xf32>
      %squeeze3A_1016 = vector.extract %slice3A_1015[0] : f32 from vector<1xf32>
      %get3A_1017 = arith.constant 2 : i32
      %get3A_1018 = arith.constant 194 : i32
      %get3A_1019 = arith.index_cast %get3A_1017 : i32 to index
      %get3A_1020 = arith.index_cast %get3A_1018 : i32 to index
      %get3A_1021 = arith.constant 0 : index
      %get3A_1022 = tpu.vector_load %arg7[%get3A_1019, %get3A_1020, %get3A_1021] {strides = array<i32>} : memref<4x208x64xf32, #tpu.memory_space<vmem>>, vector<1x1x16xf32>,
      %get3A_1023 = vector.shape_cast %get3A_1022 : vector<1x1x16xf32> to vector<16xf32>
      %mul3A_1024 = vector.broadcast %squeeze3A_1016 : f32 to vector<16xf32>
      %mul3A_1025 = arith.mulf %mul3A_1024, %get3A_1023 : vector<16xf32>
      %add3A_1026 = arith.addf %add3A_984, %mul3A_1025 : vector<16xf32>
      %get3A_1027 = arith.constant 2 : i32
      %get3A_1028 = arith.constant 194 : i32
      %get3A_1029 = arith.index_cast %get3A_1027 : i32 to index
      %get3A_1030 = arith.index_cast %get3A_1028 : i32 to index
      %get3A_1031 = arith.constant 16 : index
      %get3A_1032 = tpu.vector_load %arg7[%get3A_1029, %get3A_1030, %get3A_1031] {strides = array<i32>} : memref<4x208x64xf32, #tpu.memory_space<vmem>>, vector<1x1x16xf32>,
      %get3A_1033 = vector.shape_cast %get3A_1032 : vector<1x1x16xf32> to vector<16xf32>
      %mul3A_1034 = vector.broadcast %squeeze3A_1016 : f32 to vector<16xf32>
      %mul3A_1035 = arith.mulf %mul3A_1034, %get3A_1033 : vector<16xf32>
      %add3A_1036 = arith.addf %add3A_994, %mul3A_1035 : vector<16xf32>
      %get3A_1037 = arith.constant 2 : i32
      %get3A_1038 = arith.constant 194 : i32
      %get3A_1039 = arith.index_cast %get3A_1037 : i32 to index
      %get3A_1040 = arith.index_cast %get3A_1038 : i32 to index
      %get3A_1041 = arith.constant 32 : index
      %get3A_1042 = tpu.vector_load %arg7[%get3A_1039, %get3A_1040, %get3A_1041] {strides = array<i32>} : memref<4x208x64xf32, #tpu.memory_space<vmem>>, vector<1x1x16xf32>,
      %get3A_1043 = vector.shape_cast %get3A_1042 : vector<1x1x16xf32> to vector<16xf32>
      %mul3A_1044 = vector.broadcast %squeeze3A_1016 : f32 to vector<16xf32>
      %mul3A_1045 = arith.mulf %mul3A_1044, %get3A_1043 : vector<16xf32>
      %add3A_1046 = arith.addf %add3A_1004, %mul3A_1045 : vector<16xf32>
      %get3A_1047 = arith.constant 2 : i32
      %get3A_1048 = arith.constant 194 : i32
      %get3A_1049 = arith.index_cast %get3A_1047 : i32 to index
      %get3A_1050 = arith.index_cast %get3A_1048 : i32 to index
      %get3A_1051 = arith.constant 48 : index
      %get3A_1052 = tpu.vector_load %arg7[%get3A_1049, %get3A_1050, %get3A_1051] {strides = array<i32>} : memref<4x208x64xf32, #tpu.memory_space<vmem>>, vector<1x1x16xf32>,
      %get3A_1053 = vector.shape_cast %get3A_1052 : vector<1x1x16xf32> to vector<16xf32>
      %mul3A_1054 = vector.broadcast %squeeze3A_1016 : f32 to vector<16xf32>
      %mul3A_1055 = arith.mulf %mul3A_1054, %get3A_1053 : vector<16xf32>
      %add3A_1056 = arith.addf %add3A_1014, %mul3A_1055 : vector<16xf32>
      %slice3A_1057 = vector.extract_strided_slice %select_n3A_930 {offsets = [3], sizes = [1], strides = [1]} : vector<16xf32> to vector<1xf32>
      %squeeze3A_1058 = vector.extract %slice3A_1057[0] : f32 from vector<1xf32>
      %get3A_1059 = arith.constant 2 : i32
      %get3A_1060 = arith.constant 195 : i32
      %get3A_1061 = arith.index_cast %get3A_1059 : i32 to index
      %get3A_1062 = arith.index_cast %get3A_1060 : i32 to index
      %get3A_1063 = arith.constant 0 : index
      %get3A_1064 = tpu.vector_load %arg7[%get3A_1061, %get3A_1062, %get3A_1063] {strides = array<i32>} : memref<4x208x64xf32, #tpu.memory_space<vmem>>, vector<1x1x16xf32>,
      %get3A_1065 = vector.shape_cast %get3A_1064 : vector<1x1x16xf32> to vector<16xf32>
      %mul3A_1066 = vector.broadcast %squeeze3A_1058 : f32 to vector<16xf32>
      %mul3A_1067 = arith.mulf %mul3A_1066, %get3A_1065 : vector<16xf32>
      %add3A_1068 = arith.addf %add3A_1026, %mul3A_1067 : vector<16xf32>
      %get3A_1069 = arith.constant 2 : i32
      %get3A_1070 = arith.constant 195 : i32
      %get3A_1071 = arith.index_cast %get3A_1069 : i32 to index
      %get3A_1072 = arith.index_cast %get3A_1070 : i32 to index
      %get3A_1073 = arith.constant 16 : index
      %get3A_1074 = tpu.vector_load %arg7[%get3A_1071, %get3A_1072, %get3A_1073] {strides = array<i32>} : memref<4x208x64xf32, #tpu.memory_space<vmem>>, vector<1x1x16xf32>,
      %get3A_1075 = vector.shape_cast %get3A_1074 : vector<1x1x16xf32> to vector<16xf32>
      %mul3A_1076 = vector.broadcast %squeeze3A_1058 : f32 to vector<16xf32>
      %mul3A_1077 = arith.mulf %mul3A_1076, %get3A_1075 : vector<16xf32>
      %add3A_1078 = arith.addf %add3A_1036, %mul3A_1077 : vector<16xf32>
      %get3A_1079 = arith.constant 2 : i32
      %get3A_1080 = arith.constant 195 : i32
      %get3A_1081 = arith.index_cast %get3A_1079 : i32 to index
      %get3A_1082 = arith.index_cast %get3A_1080 : i32 to index
      %get3A_1083 = arith.constant 32 : index
      %get3A_1084 = tpu.vector_load %arg7[%get3A_1081, %get3A_1082, %get3A_1083] {strides = array<i32>} : memref<4x208x64xf32, #tpu.memory_space<vmem>>, vector<1x1x16xf32>,
      %get3A_1085 = vector.shape_cast %get3A_1084 : vector<1x1x16xf32> to vector<16xf32>
      %mul3A_1086 = vector.broadcast %squeeze3A_1058 : f32 to vector<16xf32>
      %mul3A_1087 = arith.mulf %mul3A_1086, %get3A_1085 : vector<16xf32>
      %add3A_1088 = arith.addf %add3A_1046, %mul3A_1087 : vector<16xf32>
      %get3A_1089 = arith.constant 2 : i32
      %get3A_1090 = arith.constant 195 : i32
      %get3A_1091 = arith.index_cast %get3A_1089 : i32 to index
      %get3A_1092 = arith.index_cast %get3A_1090 : i32 to index
      %get3A_1093 = arith.constant 48 : index
      %get3A_1094 = tpu.vector_load %arg7[%get3A_1091, %get3A_1092, %get3A_1093] {strides = array<i32>} : memref<4x208x64xf32, #tpu.memory_space<vmem>>, vector<1x1x16xf32>,
      %get3A_1095 = vector.shape_cast %get3A_1094 : vector<1x1x16xf32> to vector<16xf32>
      %mul3A_1096 = vector.broadcast %squeeze3A_1058 : f32 to vector<16xf32>
      %mul3A_1097 = arith.mulf %mul3A_1096, %get3A_1095 : vector<16xf32>
      %add3A_1098 = arith.addf %add3A_1056, %mul3A_1097 : vector<16xf32>
      %slice3A_1099 = vector.extract_strided_slice %select_n3A_930 {offsets = [4], sizes = [1], strides = [1]} : vector<16xf32> to vector<1xf32>
      %squeeze3A_1100 = vector.extract %slice3A_1099[0] : f32 from vector<1xf32>
      %get3A_1101 = arith.constant 2 : i32
      %get3A_1102 = arith.constant 196 : i32
      %get3A_1103 = arith.index_cast %get3A_1101 : i32 to index
      %get3A_1104 = arith.index_cast %get3A_1102 : i32 to index
      %get3A_1105 = arith.constant 0 : index
      %get3A_1106 = tpu.vector_load %arg7[%get3A_1103, %get3A_1104, %get3A_1105] {strides = array<i32>} : memref<4x208x64xf32, #tpu.memory_space<vmem>>, vector<1x1x16xf32>,
      %get3A_1107 = vector.shape_cast %get3A_1106 : vector<1x1x16xf32> to vector<16xf32>
      %mul3A_1108 = vector.broadcast %squeeze3A_1100 : f32 to vector<16xf32>
      %mul3A_1109 = arith.mulf %mul3A_1108, %get3A_1107 : vector<16xf32>
      %add3A_1110 = arith.addf %add3A_1068, %mul3A_1109 : vector<16xf32>
      %get3A_1111 = arith.constant 2 : i32
      %get3A_1112 = arith.constant 196 : i32
      %get3A_1113 = arith.index_cast %get3A_1111 : i32 to index
      %get3A_1114 = arith.index_cast %get3A_1112 : i32 to index
      %get3A_1115 = arith.constant 16 : index
      %get3A_1116 = tpu.vector_load %arg7[%get3A_1113, %get3A_1114, %get3A_1115] {strides = array<i32>} : memref<4x208x64xf32, #tpu.memory_space<vmem>>, vector<1x1x16xf32>,
      %get3A_1117 = vector.shape_cast %get3A_1116 : vector<1x1x16xf32> to vector<16xf32>
      %mul3A_1118 = vector.broadcast %squeeze3A_1100 : f32 to vector<16xf32>
      %mul3A_1119 = arith.mulf %mul3A_1118, %get3A_1117 : vector<16xf32>
      %add3A_1120 = arith.addf %add3A_1078, %mul3A_1119 : vector<16xf32>
      %get3A_1121 = arith.constant 2 : i32
      %get3A_1122 = arith.constant 196 : i32
      %get3A_1123 = arith.index_cast %get3A_1121 : i32 to index
      %get3A_1124 = arith.index_cast %get3A_1122 : i32 to index
      %get3A_1125 = arith.constant 32 : index
      %get3A_1126 = tpu.vector_load %arg7[%get3A_1123, %get3A_1124, %get3A_1125] {strides = array<i32>} : memref<4x208x64xf32, #tpu.memory_space<vmem>>, vector<1x1x16xf32>,
      %get3A_1127 = vector.shape_cast %get3A_1126 : vector<1x1x16xf32> to vector<16xf32>
      %mul3A_1128 = vector.broadcast %squeeze3A_1100 : f32 to vector<16xf32>
      %mul3A_1129 = arith.mulf %mul3A_1128, %get3A_1127 : vector<16xf32>
      %add3A_1130 = arith.addf %add3A_1088, %mul3A_1129 : vector<16xf32>
      %get3A_1131 = arith.constant 2 : i32
      %get3A_1132 = arith.constant 196 : i32
      %get3A_1133 = arith.index_cast %get3A_1131 : i32 to index
      %get3A_1134 = arith.index_cast %get3A_1132 : i32 to index
      %get3A_1135 = arith.constant 48 : index
      %get3A_1136 = tpu.vector_load %arg7[%get3A_1133, %get3A_1134, %get3A_1135] {strides = array<i32>} : memref<4x208x64xf32, #tpu.memory_space<vmem>>, vector<1x1x16xf32>,
      %get3A_1137 = vector.shape_cast %get3A_1136 : vector<1x1x16xf32> to vector<16xf32>
      %mul3A_1138 = vector.broadcast %squeeze3A_1100 : f32 to vector<16xf32>
      %mul3A_1139 = arith.mulf %mul3A_1138, %get3A_1137 : vector<16xf32>
      %add3A_1140 = arith.addf %add3A_1098, %mul3A_1139 : vector<16xf32>
      %slice3A_1141 = vector.extract_strided_slice %select_n3A_930 {offsets = [5], sizes = [1], strides = [1]} : vector<16xf32> to vector<1xf32>
      %squeeze3A_1142 = vector.extract %slice3A_1141[0] : f32 from vector<1xf32>
      %get3A_1143 = arith.constant 2 : i32
      %get3A_1144 = arith.constant 197 : i32
      %get3A_1145 = arith.index_cast %get3A_1143 : i32 to index
      %get3A_1146 = arith.index_cast %get3A_1144 : i32 to index
      %get3A_1147 = arith.constant 0 : index
      %get3A_1148 = tpu.vector_load %arg7[%get3A_1145, %get3A_1146, %get3A_1147] {strides = array<i32>} : memref<4x208x64xf32, #tpu.memory_space<vmem>>, vector<1x1x16xf32>,
      %get3A_1149 = vector.shape_cast %get3A_1148 : vector<1x1x16xf32> to vector<16xf32>
      %mul3A_1150 = vector.broadcast %squeeze3A_1142 : f32 to vector<16xf32>
      %mul3A_1151 = arith.mulf %mul3A_1150, %get3A_1149 : vector<16xf32>
      %add3A_1152 = arith.addf %add3A_1110, %mul3A_1151 : vector<16xf32>
      %get3A_1153 = arith.constant 2 : i32
      %get3A_1154 = arith.constant 197 : i32
      %get3A_1155 = arith.index_cast %get3A_1153 : i32 to index
      %get3A_1156 = arith.index_cast %get3A_1154 : i32 to index
      %get3A_1157 = arith.constant 16 : index
      %get3A_1158 = tpu.vector_load %arg7[%get3A_1155, %get3A_1156, %get3A_1157] {strides = array<i32>} : memref<4x208x64xf32, #tpu.memory_space<vmem>>, vector<1x1x16xf32>,
      %get3A_1159 = vector.shape_cast %get3A_1158 : vector<1x1x16xf32> to vector<16xf32>
      %mul3A_1160 = vector.broadcast %squeeze3A_1142 : f32 to vector<16xf32>
      %mul3A_1161 = arith.mulf %mul3A_1160, %get3A_1159 : vector<16xf32>
      %add3A_1162 = arith.addf %add3A_1120, %mul3A_1161 : vector<16xf32>
      %get3A_1163 = arith.constant 2 : i32
      %get3A_1164 = arith.constant 197 : i32
      %get3A_1165 = arith.index_cast %get3A_1163 : i32 to index
      %get3A_1166 = arith.index_cast %get3A_1164 : i32 to index
      %get3A_1167 = arith.constant 32 : index
      %get3A_1168 = tpu.vector_load %arg7[%get3A_1165, %get3A_1166, %get3A_1167] {strides = array<i32>} : memref<4x208x64xf32, #tpu.memory_space<vmem>>, vector<1x1x16xf32>,
      %get3A_1169 = vector.shape_cast %get3A_1168 : vector<1x1x16xf32> to vector<16xf32>
      %mul3A_1170 = vector.broadcast %squeeze3A_1142 : f32 to vector<16xf32>
      %mul3A_1171 = arith.mulf %mul3A_1170, %get3A_1169 : vector<16xf32>
      %add3A_1172 = arith.addf %add3A_1130, %mul3A_1171 : vector<16xf32>
      %get3A_1173 = arith.constant 2 : i32
      %get3A_1174 = arith.constant 197 : i32
      %get3A_1175 = arith.index_cast %get3A_1173 : i32 to index
      %get3A_1176 = arith.index_cast %get3A_1174 : i32 to index
      %get3A_1177 = arith.constant 48 : index
      %get3A_1178 = tpu.vector_load %arg7[%get3A_1175, %get3A_1176, %get3A_1177] {strides = array<i32>} : memref<4x208x64xf32, #tpu.memory_space<vmem>>, vector<1x1x16xf32>,
      %get3A_1179 = vector.shape_cast %get3A_1178 : vector<1x1x16xf32> to vector<16xf32>
      %mul3A_1180 = vector.broadcast %squeeze3A_1142 : f32 to vector<16xf32>
      %mul3A_1181 = arith.mulf %mul3A_1180, %get3A_1179 : vector<16xf32>
      %add3A_1182 = arith.addf %add3A_1140, %mul3A_1181 : vector<16xf32>
      %slice3A_1183 = vector.extract_strided_slice %select_n3A_930 {offsets = [6], sizes = [1], strides = [1]} : vector<16xf32> to vector<1xf32>
      %squeeze3A_1184 = vector.extract %slice3A_1183[0] : f32 from vector<1xf32>
      %get3A_1185 = arith.constant 2 : i32
      %get3A_1186 = arith.constant 198 : i32
      %get3A_1187 = arith.index_cast %get3A_1185 : i32 to index
      %get3A_1188 = arith.index_cast %get3A_1186 : i32 to index
      %get3A_1189 = arith.constant 0 : index
      %get3A_1190 = tpu.vector_load %arg7[%get3A_1187, %get3A_1188, %get3A_1189] {strides = array<i32>} : memref<4x208x64xf32, #tpu.memory_space<vmem>>, vector<1x1x16xf32>,
      %get3A_1191 = vector.shape_cast %get3A_1190 : vector<1x1x16xf32> to vector<16xf32>
      %mul3A_1192 = vector.broadcast %squeeze3A_1184 : f32 to vector<16xf32>
      %mul3A_1193 = arith.mulf %mul3A_1192, %get3A_1191 : vector<16xf32>
      %add3A_1194 = arith.addf %add3A_1152, %mul3A_1193 : vector<16xf32>
      %get3A_1195 = arith.constant 2 : i32
      %get3A_1196 = arith.constant 198 : i32
      %get3A_1197 = arith.index_cast %get3A_1195 : i32 to index
      %get3A_1198 = arith.index_cast %get3A_1196 : i32 to index
      %get3A_1199 = arith.constant 16 : index
      %get3A_1200 = tpu.vector_load %arg7[%get3A_1197, %get3A_1198, %get3A_1199] {strides = array<i32>} : memref<4x208x64xf32, #tpu.memory_space<vmem>>, vector<1x1x16xf32>,
      %get3A_1201 = vector.shape_cast %get3A_1200 : vector<1x1x16xf32> to vector<16xf32>
      %mul3A_1202 = vector.broadcast %squeeze3A_1184 : f32 to vector<16xf32>
      %mul3A_1203 = arith.mulf %mul3A_1202, %get3A_1201 : vector<16xf32>
      %add3A_1204 = arith.addf %add3A_1162, %mul3A_1203 : vector<16xf32>
      %get3A_1205 = arith.constant 2 : i32
      %get3A_1206 = arith.constant 198 : i32
      %get3A_1207 = arith.index_cast %get3A_1205 : i32 to index
      %get3A_1208 = arith.index_cast %get3A_1206 : i32 to index
      %get3A_1209 = arith.constant 32 : index
      %get3A_1210 = tpu.vector_load %arg7[%get3A_1207, %get3A_1208, %get3A_1209] {strides = array<i32>} : memref<4x208x64xf32, #tpu.memory_space<vmem>>, vector<1x1x16xf32>,
      %get3A_1211 = vector.shape_cast %get3A_1210 : vector<1x1x16xf32> to vector<16xf32>
      %mul3A_1212 = vector.broadcast %squeeze3A_1184 : f32 to vector<16xf32>
      %mul3A_1213 = arith.mulf %mul3A_1212, %get3A_1211 : vector<16xf32>
      %add3A_1214 = arith.addf %add3A_1172, %mul3A_1213 : vector<16xf32>
      %get3A_1215 = arith.constant 2 : i32
      %get3A_1216 = arith.constant 198 : i32
      %get3A_1217 = arith.index_cast %get3A_1215 : i32 to index
      %get3A_1218 = arith.index_cast %get3A_1216 : i32 to index
      %get3A_1219 = arith.constant 48 : index
      %get3A_1220 = tpu.vector_load %arg7[%get3A_1217, %get3A_1218, %get3A_1219] {strides = array<i32>} : memref<4x208x64xf32, #tpu.memory_space<vmem>>, vector<1x1x16xf32>,
      %get3A_1221 = vector.shape_cast %get3A_1220 : vector<1x1x16xf32> to vector<16xf32>
      %mul3A_1222 = vector.broadcast %squeeze3A_1184 : f32 to vector<16xf32>
      %mul3A_1223 = arith.mulf %mul3A_1222, %get3A_1221 : vector<16xf32>
      %add3A_1224 = arith.addf %add3A_1182, %mul3A_1223 : vector<16xf32>
      %slice3A_1225 = vector.extract_strided_slice %select_n3A_930 {offsets = [7], sizes = [1], strides = [1]} : vector<16xf32> to vector<1xf32>
      %squeeze3A_1226 = vector.extract %slice3A_1225[0] : f32 from vector<1xf32>
      %get3A_1227 = arith.constant 2 : i32
      %get3A_1228 = arith.constant 199 : i32
      %get3A_1229 = arith.index_cast %get3A_1227 : i32 to index
      %get3A_1230 = arith.index_cast %get3A_1228 : i32 to index
      %get3A_1231 = arith.constant 0 : index
      %get3A_1232 = tpu.vector_load %arg7[%get3A_1229, %get3A_1230, %get3A_1231] {strides = array<i32>} : memref<4x208x64xf32, #tpu.memory_space<vmem>>, vector<1x1x16xf32>,
      %get3A_1233 = vector.shape_cast %get3A_1232 : vector<1x1x16xf32> to vector<16xf32>
      %mul3A_1234 = vector.broadcast %squeeze3A_1226 : f32 to vector<16xf32>
      %mul3A_1235 = arith.mulf %mul3A_1234, %get3A_1233 : vector<16xf32>
      %add3A_1236 = arith.addf %add3A_1194, %mul3A_1235 : vector<16xf32>
      %get3A_1237 = arith.constant 2 : i32
      %get3A_1238 = arith.constant 199 : i32
      %get3A_1239 = arith.index_cast %get3A_1237 : i32 to index
      %get3A_1240 = arith.index_cast %get3A_1238 : i32 to index
      %get3A_1241 = arith.constant 16 : index
      %get3A_1242 = tpu.vector_load %arg7[%get3A_1239, %get3A_1240, %get3A_1241] {strides = array<i32>} : memref<4x208x64xf32, #tpu.memory_space<vmem>>, vector<1x1x16xf32>,
      %get3A_1243 = vector.shape_cast %get3A_1242 : vector<1x1x16xf32> to vector<16xf32>
      %mul3A_1244 = vector.broadcast %squeeze3A_1226 : f32 to vector<16xf32>
      %mul3A_1245 = arith.mulf %mul3A_1244, %get3A_1243 : vector<16xf32>
      %add3A_1246 = arith.addf %add3A_1204, %mul3A_1245 : vector<16xf32>
      %get3A_1247 = arith.constant 2 : i32
      %get3A_1248 = arith.constant 199 : i32
      %get3A_1249 = arith.index_cast %get3A_1247 : i32 to index
      %get3A_1250 = arith.index_cast %get3A_1248 : i32 to index
      %get3A_1251 = arith.constant 32 : index
      %get3A_1252 = tpu.vector_load %arg7[%get3A_1249, %get3A_1250, %get3A_1251] {strides = array<i32>} : memref<4x208x64xf32, #tpu.memory_space<vmem>>, vector<1x1x16xf32>,
      %get3A_1253 = vector.shape_cast %get3A_1252 : vector<1x1x16xf32> to vector<16xf32>
      %mul3A_1254 = vector.broadcast %squeeze3A_1226 : f32 to vector<16xf32>
      %mul3A_1255 = arith.mulf %mul3A_1254, %get3A_1253 : vector<16xf32>
      %add3A_1256 = arith.addf %add3A_1214, %mul3A_1255 : vector<16xf32>
      %get3A_1257 = arith.constant 2 : i32
      %get3A_1258 = arith.constant 199 : i32
      %get3A_1259 = arith.index_cast %get3A_1257 : i32 to index
      %get3A_1260 = arith.index_cast %get3A_1258 : i32 to index
      %get3A_1261 = arith.constant 48 : index
      %get3A_1262 = tpu.vector_load %arg7[%get3A_1259, %get3A_1260, %get3A_1261] {strides = array<i32>} : memref<4x208x64xf32, #tpu.memory_space<vmem>>, vector<1x1x16xf32>,
      %get3A_1263 = vector.shape_cast %get3A_1262 : vector<1x1x16xf32> to vector<16xf32>
      %mul3A_1264 = vector.broadcast %squeeze3A_1226 : f32 to vector<16xf32>
      %mul3A_1265 = arith.mulf %mul3A_1264, %get3A_1263 : vector<16xf32>
      %add3A_1266 = arith.addf %add3A_1224, %mul3A_1265 : vector<16xf32>
      %swap3A_1267 = arith.index_cast %add3A_872 : i32 to index
      %swap3A_1268 = arith.constant 0 : index
      %swap3A_1269 = tpu.vector_load %arg9[%swap3A_1267, %swap3A_1268] {strides = array<i32>} : memref<128x64xf32, #tpu.memory_space<vmem>>, vector<1x16xf32>,
      %swap3A_1270 = vector.shape_cast %swap3A_1269 : vector<1x16xf32> to vector<16xf32>
      %swap3A_1271 = vector.shape_cast %add3A_1236 : vector<16xf32> to vector<1x16xf32>
      tpu.vector_store %arg9[%swap3A_1267, %swap3A_1268], %swap3A_1271 {strides = array<i32>} : memref<128x64xf32, #tpu.memory_space<vmem>>, vector<1x16xf32>,
      %swap3A_1272 = arith.index_cast %add3A_872 : i32 to index
      %swap3A_1273 = arith.constant 16 : index
      %swap3A_1274 = tpu.vector_load %arg9[%swap3A_1272, %swap3A_1273] {strides = array<i32>} : memref<128x64xf32, #tpu.memory_space<vmem>>, vector<1x16xf32>,
      %swap3A_1275 = vector.shape_cast %swap3A_1274 : vector<1x16xf32> to vector<16xf32>
      %swap3A_1276 = vector.shape_cast %add3A_1246 : vector<16xf32> to vector<1x16xf32>
      tpu.vector_store %arg9[%swap3A_1272, %swap3A_1273], %swap3A_1276 {strides = array<i32>} : memref<128x64xf32, #tpu.memory_space<vmem>>, vector<1x16xf32>,
      %swap3A_1277 = arith.index_cast %add3A_872 : i32 to index
      %swap3A_1278 = arith.constant 32 : index
      %swap3A_1279 = tpu.vector_load %arg9[%swap3A_1277, %swap3A_1278] {strides = array<i32>} : memref<128x64xf32, #tpu.memory_space<vmem>>, vector<1x16xf32>,
      %swap3A_1280 = vector.shape_cast %swap3A_1279 : vector<1x16xf32> to vector<16xf32>
      %swap3A_1281 = vector.shape_cast %add3A_1256 : vector<16xf32> to vector<1x16xf32>
      tpu.vector_store %arg9[%swap3A_1277, %swap3A_1278], %swap3A_1281 {strides = array<i32>} : memref<128x64xf32, #tpu.memory_space<vmem>>, vector<1x16xf32>,
      %swap3A_1282 = arith.index_cast %add3A_872 : i32 to index
      %swap3A_1283 = arith.constant 48 : index
      %swap3A_1284 = tpu.vector_load %arg9[%swap3A_1282, %swap3A_1283] {strides = array<i32>} : memref<128x64xf32, #tpu.memory_space<vmem>>, vector<1x16xf32>,
      %swap3A_1285 = vector.shape_cast %swap3A_1284 : vector<1x16xf32> to vector<16xf32>
      %swap3A_1286 = vector.shape_cast %add3A_1266 : vector<16xf32> to vector<1x16xf32>
      tpu.vector_store %arg9[%swap3A_1282, %swap3A_1283], %swap3A_1286 {strides = array<i32>} : memref<128x64xf32, #tpu.memory_space<vmem>>, vector<1x16xf32>,
      %mul3A_1287 = arith.constant 4 : i32
      %mul3A_1288 = arith.muli %scan3A_44, %mul3A_1287 : i32
      %add3A_1289 = arith.constant 3 : i32
      %add3A_1290 = arith.addi %mul3A_1288, %add3A_1289 : i32
      %add3A_1291 = arith.constant 4 : i32
      %add3A_1292 = arith.addi %add3A_1290, %add3A_1291 : i32
      %sub3A_1293 = arith.constant 1 : i32
      %sub3A_1294 = arith.subi %add3A_1292, %sub3A_1293 : i32
      %lt3A_1295 = arith.constant 128 : i32
      %lt3A_1296 = arith.cmpi slt, %sub3A_1294, %lt3A_1295 : i32
      %convert_element_type3A_1297 = arith.extui %lt3A_1296 : i1 to i32
      %cond3A_1298 = arith.constant 0 : i32
      %cond3A_1299 = arith.cmpi ne, %convert_element_type3A_1297, %cond3A_1298 : i32
      scf.if %cond3A_1299 {
        %add3A_1705 = arith.constant 4 : i32
        %add3A_1706 = arith.addi %add3A_1290, %add3A_1705 : i32
        %sub3A_1707 = arith.constant 1 : i32
        %sub3A_1708 = arith.subi %add3A_1706, %sub3A_1707 : i32
        %mul3A_1709 = arith.constant 208 : i32
        %mul3A_1710 = arith.muli %sub3A_1708, %mul3A_1709 : i32
        %dma_start3A_1711 = arith.constant 2 : i32
        %dma_start3A_1712 = arith.constant 0 : i32
        %dma_start3A_1713 = arith.constant 0 : i32
        %dma_start3A_1714 = tpu.memref_slice %arg7[%dma_start3A_1711, %dma_start3A_1712, %dma_start3A_1713] : memref<4x208x64xf32, #tpu.memory_space<vmem>> -> memref<1x208x64xf32, #tpu.memory_space<vmem>>
        %dma_start3A_1715 = tpu.memref_squeeze %dma_start3A_1714 : memref<1x208x64xf32, #tpu.memory_space<vmem>> -> memref<208x64xf32, #tpu.memory_space<vmem>>
        %dma_start3A_1716 = tpu.memref_slice %arg6[%mul3A_1710] : memref<26624xi32, #tpu.memory_space<vmem>> -> memref<208xi32, #tpu.memory_space<vmem>>
        %dma_start3A_1717 = arith.constant 0 : i32
        %dma_start3A_1718 = arith.constant 0 : i32
        %dma_start3A_1719 = tpu.memref_slice %arg3[%dma_start3A_1717, %dma_start3A_1718] : memref<1000000x64xf32, #tpu.memory_space<hbm>> -> memref<1000000x64xf32, #tpu.memory_space<hbm>>
        tpu.enqueue_indirect_dma source(%dma_start3A_1719 : memref<1000000x64xf32, #tpu.memory_space<hbm>>) target(%dma_start3A_1715 : memref<208x64xf32, #tpu.memory_space<vmem>>) offsets(%dma_start3A_1716 : memref<208xi32, #tpu.memory_space<vmem>>) semaphore(%arg12 : memref<!tpu.dma_semaphore, #tpu.memory_space<semaphore_mem>>)
      } else {
      }
      %dma_wait3A_1300 = arith.constant 3 : i32
      %dma_wait3A_1301 = arith.constant 0 : i32
      %dma_wait3A_1302 = arith.constant 0 : i32
      %dma_wait3A_1303 = tpu.memref_slice %arg7[%dma_wait3A_1300, %dma_wait3A_1301, %dma_wait3A_1302] : memref<4x208x64xf32, #tpu.memory_space<vmem>> -> memref<1x208x64xf32, #tpu.memory_space<vmem>>
      %dma_wait3A_1304 = tpu.memref_squeeze %dma_wait3A_1303 : memref<1x208x64xf32, #tpu.memory_space<vmem>> -> memref<208x64xf32, #tpu.memory_space<vmem>>
      %dma_wait3A_1305 = arith.constant 0 : i32
      %dma_wait3A_1306 = arith.constant 0 : i32
      %dma_wait3A_1307 = tpu.memref_slice %arg3[%dma_wait3A_1305, %dma_wait3A_1306] : memref<1000000x64xf32, #tpu.memory_space<hbm>> -> memref<208x64xf32, #tpu.memory_space<hbm>>
      %dma_wait3A_1308 = arith.constant 0 : i32
      %dma_wait3A_1309 = arith.constant 0 : i32
      %dma_wait3A_1310 = tpu.memref_slice %arg7[%dma_wait3A_1300, %dma_wait3A_1308, %dma_wait3A_1309] : memref<4x208x64xf32, #tpu.memory_space<vmem>> -> memref<1x208x64xf32, #tpu.memory_space<vmem>>
      %dma_wait3A_1311 = tpu.memref_squeeze %dma_wait3A_1310 : memref<1x208x64xf32, #tpu.memory_space<vmem>> -> memref<208x64xf32, #tpu.memory_space<vmem>>
      %dma_wait3A_1312 = arith.constant 0 : i32
      %dma_wait3A_1313 = arith.constant 0 : i32
      %dma_wait3A_1314 = tpu.memref_slice %arg3[%dma_wait3A_1312, %dma_wait3A_1313] : memref<1000000x64xf32, #tpu.memory_space<hbm>> -> memref<208x64xf32, #tpu.memory_space<hbm>>
      tpu.wait_dma2 semaphore(%arg13 : memref<!tpu.dma_semaphore, #tpu.memory_space<semaphore_mem>>) src(%dma_wait3A_1314 : memref<208x64xf32, #tpu.memory_space<hbm>>) dst(%dma_wait3A_1311 : memref<208x64xf32, #tpu.memory_space<vmem>>)
      %broadcast_in_dim3A_1315 = arith.constant 0.000000e+00 : f32
      %broadcast_in_dim3A_1316 = vector.broadcast %broadcast_in_dim3A_1315 : f32 to vector<16xf32>
      %broadcast_in_dim3A_1317 = arith.constant 0.000000e+00 : f32
      %broadcast_in_dim3A_1318 = vector.broadcast %broadcast_in_dim3A_1317 : f32 to vector<16xf32>
      %broadcast_in_dim3A_1319 = arith.constant 0.000000e+00 : f32
      %broadcast_in_dim3A_1320 = vector.broadcast %broadcast_in_dim3A_1319 : f32 to vector<16xf32>
      %broadcast_in_dim3A_1321 = arith.constant 0.000000e+00 : f32
      %broadcast_in_dim3A_1322 = vector.broadcast %broadcast_in_dim3A_1321 : f32 to vector<16xf32>
      %scan3A_1323 = arith.constant 0 : i32
      %scan3A_1324 = arith.constant 12 : i32
      %scan3A_1325 = arith.addi %scan3A_1323, %scan3A_1324 : i32
      %scan3A_1326 = arith.constant 1 : i32
      %scan3A_1327:4 = scf.for %scan3A_1705 = %scan3A_1323 to %scan3A_1325 step %scan3A_1326 iter_args(%scan3A_1706 = %broadcast_in_dim3A_1316, %scan3A_1707 = %broadcast_in_dim3A_1318, %scan3A_1708 = %broadcast_in_dim3A_1320, %scan3A_1709 = %broadcast_in_dim3A_1322) -> (vector<16xf32>, vector<16xf32>, vector<16xf32>, vector<16xf32>)  : i32 {
        %mul3A_1710 = arith.constant 16 : i32
        %mul3A_1711 = arith.muli %scan3A_1705, %mul3A_1710 : i32
        %mul3A_1712 = arith.constant 208 : i32
        %mul3A_1713 = arith.muli %add3A_1290, %mul3A_1712 : i32
        %add3A_1714 = arith.addi %mul3A_1713, %mul3A_1711 : i32
        %get3A_1715 = arith.index_cast %add3A_1714 : i32 to index
        %get3A_1716 = tpu.vector_load %arg8[%get3A_1715] {strides = array<i32>} : memref<26624xf32, #tpu.memory_space<vmem>>, vector<16xf32>,
        %get3A_1717 = vector.shape_cast %get3A_1716 : vector<16xf32> to vector<16xf32>
        %mul3A_1718 = arith.constant 208 : i32
        %mul3A_1719 = arith.muli %add3A_1290, %mul3A_1718 : i32
        %add3A_1720 = arith.addi %mul3A_1719, %mul3A_1711 : i32
        %get3A_1721 = arith.index_cast %add3A_1720 : i32 to index
        %get3A_1722 = tpu.vector_load %arg6[%get3A_1721] {strides = array<i32>} : memref<26624xi32, #tpu.memory_space<vmem>>, vector<16xi32>,
        %get3A_1723 = vector.shape_cast %get3A_1722 : vector<16xi32> to vector<16xi32>
        %eq3A_1724 = arith.constant 0 : i32
        %eq3A_1725 = vector.broadcast %eq3A_1724 : i32 to vector<16xi32>
        %eq3A_1726 = arith.cmpi eq, %get3A_1723, %eq3A_1725 : vector<16xi32>
        %jit3A_1727 = arith.constant 0.000000e+00 : f32
        %broadcast_in_dim3A_1728 = vector.broadcast %jit3A_1727 : f32 to vector<16xf32>
        %select_n3A_1729 = arith.select %eq3A_1726, %broadcast_in_dim3A_1728, %get3A_1717 : vector<16xi1>, vector<16xf32>
        %slice3A_1730 = vector.extract_strided_slice %select_n3A_1729 {offsets = [0], sizes = [1], strides = [1]} : vector<16xf32> to vector<1xf32>
        %squeeze3A_1731 = vector.extract %slice3A_1730[0] : f32 from vector<1xf32>
        %add3A_1732 = arith.constant 0 : i32
        %add3A_1733 = arith.addi %mul3A_1711, %add3A_1732 : i32
        %get3A_1734 = arith.constant 3 : i32
        %get3A_1735 = arith.index_cast %get3A_1734 : i32 to index
        %get3A_1736 = arith.index_cast %add3A_1733 : i32 to index
        %get3A_1737 = arith.constant 0 : index
        %get3A_1738 = tpu.vector_load %arg7[%get3A_1735, %get3A_1736, %get3A_1737] {strides = array<i32>} : memref<4x208x64xf32, #tpu.memory_space<vmem>>, vector<1x1x16xf32>,
        %get3A_1739 = vector.shape_cast %get3A_1738 : vector<1x1x16xf32> to vector<16xf32>
        %mul3A_1740 = vector.broadcast %squeeze3A_1731 : f32 to vector<16xf32>
        %mul3A_1741 = arith.mulf %mul3A_1740, %get3A_1739 : vector<16xf32>
        %add3A_1742 = arith.addf %scan3A_1706, %mul3A_1741 : vector<16xf32>
        %add3A_1743 = arith.constant 0 : i32
        %add3A_1744 = arith.addi %mul3A_1711, %add3A_1743 : i32
        %get3A_1745 = arith.constant 3 : i32
        %get3A_1746 = arith.index_cast %get3A_1745 : i32 to index
        %get3A_1747 = arith.index_cast %add3A_1744 : i32 to index
        %get3A_1748 = arith.constant 16 : index
        %get3A_1749 = tpu.vector_load %arg7[%get3A_1746, %get3A_1747, %get3A_1748] {strides = array<i32>} : memref<4x208x64xf32, #tpu.memory_space<vmem>>, vector<1x1x16xf32>,
        %get3A_1750 = vector.shape_cast %get3A_1749 : vector<1x1x16xf32> to vector<16xf32>
        %mul3A_1751 = vector.broadcast %squeeze3A_1731 : f32 to vector<16xf32>
        %mul3A_1752 = arith.mulf %mul3A_1751, %get3A_1750 : vector<16xf32>
        %add3A_1753 = arith.addf %scan3A_1707, %mul3A_1752 : vector<16xf32>
        %add3A_1754 = arith.constant 0 : i32
        %add3A_1755 = arith.addi %mul3A_1711, %add3A_1754 : i32
        %get3A_1756 = arith.constant 3 : i32
        %get3A_1757 = arith.index_cast %get3A_1756 : i32 to index
        %get3A_1758 = arith.index_cast %add3A_1755 : i32 to index
        %get3A_1759 = arith.constant 32 : index
        %get3A_1760 = tpu.vector_load %arg7[%get3A_1757, %get3A_1758, %get3A_1759] {strides = array<i32>} : memref<4x208x64xf32, #tpu.memory_space<vmem>>, vector<1x1x16xf32>,
        %get3A_1761 = vector.shape_cast %get3A_1760 : vector<1x1x16xf32> to vector<16xf32>
        %mul3A_1762 = vector.broadcast %squeeze3A_1731 : f32 to vector<16xf32>
        %mul3A_1763 = arith.mulf %mul3A_1762, %get3A_1761 : vector<16xf32>
        %add3A_1764 = arith.addf %scan3A_1708, %mul3A_1763 : vector<16xf32>
        %add3A_1765 = arith.constant 0 : i32
        %add3A_1766 = arith.addi %mul3A_1711, %add3A_1765 : i32
        %get3A_1767 = arith.constant 3 : i32
        %get3A_1768 = arith.index_cast %get3A_1767 : i32 to index
        %get3A_1769 = arith.index_cast %add3A_1766 : i32 to index
        %get3A_1770 = arith.constant 48 : index
        %get3A_1771 = tpu.vector_load %arg7[%get3A_1768, %get3A_1769, %get3A_1770] {strides = array<i32>} : memref<4x208x64xf32, #tpu.memory_space<vmem>>, vector<1x1x16xf32>,
        %get3A_1772 = vector.shape_cast %get3A_1771 : vector<1x1x16xf32> to vector<16xf32>
        %mul3A_1773 = vector.broadcast %squeeze3A_1731 : f32 to vector<16xf32>
        %mul3A_1774 = arith.mulf %mul3A_1773, %get3A_1772 : vector<16xf32>
        %add3A_1775 = arith.addf %scan3A_1709, %mul3A_1774 : vector<16xf32>
        %slice3A_1776 = vector.extract_strided_slice %select_n3A_1729 {offsets = [1], sizes = [1], strides = [1]} : vector<16xf32> to vector<1xf32>
        %squeeze3A_1777 = vector.extract %slice3A_1776[0] : f32 from vector<1xf32>
        %add3A_1778 = arith.constant 1 : i32
        %add3A_1779 = arith.addi %mul3A_1711, %add3A_1778 : i32
        %get3A_1780 = arith.constant 3 : i32
        %get3A_1781 = arith.index_cast %get3A_1780 : i32 to index
        %get3A_1782 = arith.index_cast %add3A_1779 : i32 to index
        %get3A_1783 = arith.constant 0 : index
        %get3A_1784 = tpu.vector_load %arg7[%get3A_1781, %get3A_1782, %get3A_1783] {strides = array<i32>} : memref<4x208x64xf32, #tpu.memory_space<vmem>>, vector<1x1x16xf32>,
        %get3A_1785 = vector.shape_cast %get3A_1784 : vector<1x1x16xf32> to vector<16xf32>
        %mul3A_1786 = vector.broadcast %squeeze3A_1777 : f32 to vector<16xf32>
        %mul3A_1787 = arith.mulf %mul3A_1786, %get3A_1785 : vector<16xf32>
        %add3A_1788 = arith.addf %add3A_1742, %mul3A_1787 : vector<16xf32>
        %add3A_1789 = arith.constant 1 : i32
        %add3A_1790 = arith.addi %mul3A_1711, %add3A_1789 : i32
        %get3A_1791 = arith.constant 3 : i32
        %get3A_1792 = arith.index_cast %get3A_1791 : i32 to index
        %get3A_1793 = arith.index_cast %add3A_1790 : i32 to index
        %get3A_1794 = arith.constant 16 : index
        %get3A_1795 = tpu.vector_load %arg7[%get3A_1792, %get3A_1793, %get3A_1794] {strides = array<i32>} : memref<4x208x64xf32, #tpu.memory_space<vmem>>, vector<1x1x16xf32>,
        %get3A_1796 = vector.shape_cast %get3A_1795 : vector<1x1x16xf32> to vector<16xf32>
        %mul3A_1797 = vector.broadcast %squeeze3A_1777 : f32 to vector<16xf32>
        %mul3A_1798 = arith.mulf %mul3A_1797, %get3A_1796 : vector<16xf32>
        %add3A_1799 = arith.addf %add3A_1753, %mul3A_1798 : vector<16xf32>
        %add3A_1800 = arith.constant 1 : i32
        %add3A_1801 = arith.addi %mul3A_1711, %add3A_1800 : i32
        %get3A_1802 = arith.constant 3 : i32
        %get3A_1803 = arith.index_cast %get3A_1802 : i32 to index
        %get3A_1804 = arith.index_cast %add3A_1801 : i32 to index
        %get3A_1805 = arith.constant 32 : index
        %get3A_1806 = tpu.vector_load %arg7[%get3A_1803, %get3A_1804, %get3A_1805] {strides = array<i32>} : memref<4x208x64xf32, #tpu.memory_space<vmem>>, vector<1x1x16xf32>,
        %get3A_1807 = vector.shape_cast %get3A_1806 : vector<1x1x16xf32> to vector<16xf32>
        %mul3A_1808 = vector.broadcast %squeeze3A_1777 : f32 to vector<16xf32>
        %mul3A_1809 = arith.mulf %mul3A_1808, %get3A_1807 : vector<16xf32>
        %add3A_1810 = arith.addf %add3A_1764, %mul3A_1809 : vector<16xf32>
        %add3A_1811 = arith.constant 1 : i32
        %add3A_1812 = arith.addi %mul3A_1711, %add3A_1811 : i32
        %get3A_1813 = arith.constant 3 : i32
        %get3A_1814 = arith.index_cast %get3A_1813 : i32 to index
        %get3A_1815 = arith.index_cast %add3A_1812 : i32 to index
        %get3A_1816 = arith.constant 48 : index
        %get3A_1817 = tpu.vector_load %arg7[%get3A_1814, %get3A_1815, %get3A_1816] {strides = array<i32>} : memref<4x208x64xf32, #tpu.memory_space<vmem>>, vector<1x1x16xf32>,
        %get3A_1818 = vector.shape_cast %get3A_1817 : vector<1x1x16xf32> to vector<16xf32>
        %mul3A_1819 = vector.broadcast %squeeze3A_1777 : f32 to vector<16xf32>
        %mul3A_1820 = arith.mulf %mul3A_1819, %get3A_1818 : vector<16xf32>
        %add3A_1821 = arith.addf %add3A_1775, %mul3A_1820 : vector<16xf32>
        %slice3A_1822 = vector.extract_strided_slice %select_n3A_1729 {offsets = [2], sizes = [1], strides = [1]} : vector<16xf32> to vector<1xf32>
        %squeeze3A_1823 = vector.extract %slice3A_1822[0] : f32 from vector<1xf32>
        %add3A_1824 = arith.constant 2 : i32
        %add3A_1825 = arith.addi %mul3A_1711, %add3A_1824 : i32
        %get3A_1826 = arith.constant 3 : i32
        %get3A_1827 = arith.index_cast %get3A_1826 : i32 to index
        %get3A_1828 = arith.index_cast %add3A_1825 : i32 to index
        %get3A_1829 = arith.constant 0 : index
        %get3A_1830 = tpu.vector_load %arg7[%get3A_1827, %get3A_1828, %get3A_1829] {strides = array<i32>} : memref<4x208x64xf32, #tpu.memory_space<vmem>>, vector<1x1x16xf32>,
        %get3A_1831 = vector.shape_cast %get3A_1830 : vector<1x1x16xf32> to vector<16xf32>
        %mul3A_1832 = vector.broadcast %squeeze3A_1823 : f32 to vector<16xf32>
        %mul3A_1833 = arith.mulf %mul3A_1832, %get3A_1831 : vector<16xf32>
        %add3A_1834 = arith.addf %add3A_1788, %mul3A_1833 : vector<16xf32>
        %add3A_1835 = arith.constant 2 : i32
        %add3A_1836 = arith.addi %mul3A_1711, %add3A_1835 : i32
        %get3A_1837 = arith.constant 3 : i32
        %get3A_1838 = arith.index_cast %get3A_1837 : i32 to index
        %get3A_1839 = arith.index_cast %add3A_1836 : i32 to index
        %get3A_1840 = arith.constant 16 : index
        %get3A_1841 = tpu.vector_load %arg7[%get3A_1838, %get3A_1839, %get3A_1840] {strides = array<i32>} : memref<4x208x64xf32, #tpu.memory_space<vmem>>, vector<1x1x16xf32>,
        %get3A_1842 = vector.shape_cast %get3A_1841 : vector<1x1x16xf32> to vector<16xf32>
        %mul3A_1843 = vector.broadcast %squeeze3A_1823 : f32 to vector<16xf32>
        %mul3A_1844 = arith.mulf %mul3A_1843, %get3A_1842 : vector<16xf32>
        %add3A_1845 = arith.addf %add3A_1799, %mul3A_1844 : vector<16xf32>
        %add3A_1846 = arith.constant 2 : i32
        %add3A_1847 = arith.addi %mul3A_1711, %add3A_1846 : i32
        %get3A_1848 = arith.constant 3 : i32
        %get3A_1849 = arith.index_cast %get3A_1848 : i32 to index
        %get3A_1850 = arith.index_cast %add3A_1847 : i32 to index
        %get3A_1851 = arith.constant 32 : index
        %get3A_1852 = tpu.vector_load %arg7[%get3A_1849, %get3A_1850, %get3A_1851] {strides = array<i32>} : memref<4x208x64xf32, #tpu.memory_space<vmem>>, vector<1x1x16xf32>,
        %get3A_1853 = vector.shape_cast %get3A_1852 : vector<1x1x16xf32> to vector<16xf32>
        %mul3A_1854 = vector.broadcast %squeeze3A_1823 : f32 to vector<16xf32>
        %mul3A_1855 = arith.mulf %mul3A_1854, %get3A_1853 : vector<16xf32>
        %add3A_1856 = arith.addf %add3A_1810, %mul3A_1855 : vector<16xf32>
        %add3A_1857 = arith.constant 2 : i32
        %add3A_1858 = arith.addi %mul3A_1711, %add3A_1857 : i32
        %get3A_1859 = arith.constant 3 : i32
        %get3A_1860 = arith.index_cast %get3A_1859 : i32 to index
        %get3A_1861 = arith.index_cast %add3A_1858 : i32 to index
        %get3A_1862 = arith.constant 48 : index
        %get3A_1863 = tpu.vector_load %arg7[%get3A_1860, %get3A_1861, %get3A_1862] {strides = array<i32>} : memref<4x208x64xf32, #tpu.memory_space<vmem>>, vector<1x1x16xf32>,
        %get3A_1864 = vector.shape_cast %get3A_1863 : vector<1x1x16xf32> to vector<16xf32>
        %mul3A_1865 = vector.broadcast %squeeze3A_1823 : f32 to vector<16xf32>
        %mul3A_1866 = arith.mulf %mul3A_1865, %get3A_1864 : vector<16xf32>
        %add3A_1867 = arith.addf %add3A_1821, %mul3A_1866 : vector<16xf32>
        %slice3A_1868 = vector.extract_strided_slice %select_n3A_1729 {offsets = [3], sizes = [1], strides = [1]} : vector<16xf32> to vector<1xf32>
        %squeeze3A_1869 = vector.extract %slice3A_1868[0] : f32 from vector<1xf32>
        %add3A_1870 = arith.constant 3 : i32
        %add3A_1871 = arith.addi %mul3A_1711, %add3A_1870 : i32
        %get3A_1872 = arith.constant 3 : i32
        %get3A_1873 = arith.index_cast %get3A_1872 : i32 to index
        %get3A_1874 = arith.index_cast %add3A_1871 : i32 to index
        %get3A_1875 = arith.constant 0 : index
        %get3A_1876 = tpu.vector_load %arg7[%get3A_1873, %get3A_1874, %get3A_1875] {strides = array<i32>} : memref<4x208x64xf32, #tpu.memory_space<vmem>>, vector<1x1x16xf32>,
        %get3A_1877 = vector.shape_cast %get3A_1876 : vector<1x1x16xf32> to vector<16xf32>
        %mul3A_1878 = vector.broadcast %squeeze3A_1869 : f32 to vector<16xf32>
        %mul3A_1879 = arith.mulf %mul3A_1878, %get3A_1877 : vector<16xf32>
        %add3A_1880 = arith.addf %add3A_1834, %mul3A_1879 : vector<16xf32>
        %add3A_1881 = arith.constant 3 : i32
        %add3A_1882 = arith.addi %mul3A_1711, %add3A_1881 : i32
        %get3A_1883 = arith.constant 3 : i32
        %get3A_1884 = arith.index_cast %get3A_1883 : i32 to index
        %get3A_1885 = arith.index_cast %add3A_1882 : i32 to index
        %get3A_1886 = arith.constant 16 : index
        %get3A_1887 = tpu.vector_load %arg7[%get3A_1884, %get3A_1885, %get3A_1886] {strides = array<i32>} : memref<4x208x64xf32, #tpu.memory_space<vmem>>, vector<1x1x16xf32>,
        %get3A_1888 = vector.shape_cast %get3A_1887 : vector<1x1x16xf32> to vector<16xf32>
        %mul3A_1889 = vector.broadcast %squeeze3A_1869 : f32 to vector<16xf32>
        %mul3A_1890 = arith.mulf %mul3A_1889, %get3A_1888 : vector<16xf32>
        %add3A_1891 = arith.addf %add3A_1845, %mul3A_1890 : vector<16xf32>
        %add3A_1892 = arith.constant 3 : i32
        %add3A_1893 = arith.addi %mul3A_1711, %add3A_1892 : i32
        %get3A_1894 = arith.constant 3 : i32
        %get3A_1895 = arith.index_cast %get3A_1894 : i32 to index
        %get3A_1896 = arith.index_cast %add3A_1893 : i32 to index
        %get3A_1897 = arith.constant 32 : index
        %get3A_1898 = tpu.vector_load %arg7[%get3A_1895, %get3A_1896, %get3A_1897] {strides = array<i32>} : memref<4x208x64xf32, #tpu.memory_space<vmem>>, vector<1x1x16xf32>,
        %get3A_1899 = vector.shape_cast %get3A_1898 : vector<1x1x16xf32> to vector<16xf32>
        %mul3A_1900 = vector.broadcast %squeeze3A_1869 : f32 to vector<16xf32>
        %mul3A_1901 = arith.mulf %mul3A_1900, %get3A_1899 : vector<16xf32>
        %add3A_1902 = arith.addf %add3A_1856, %mul3A_1901 : vector<16xf32>
        %add3A_1903 = arith.constant 3 : i32
        %add3A_1904 = arith.addi %mul3A_1711, %add3A_1903 : i32
        %get3A_1905 = arith.constant 3 : i32
        %get3A_1906 = arith.index_cast %get3A_1905 : i32 to index
        %get3A_1907 = arith.index_cast %add3A_1904 : i32 to index
        %get3A_1908 = arith.constant 48 : index
        %get3A_1909 = tpu.vector_load %arg7[%get3A_1906, %get3A_1907, %get3A_1908] {strides = array<i32>} : memref<4x208x64xf32, #tpu.memory_space<vmem>>, vector<1x1x16xf32>,
        %get3A_1910 = vector.shape_cast %get3A_1909 : vector<1x1x16xf32> to vector<16xf32>
        %mul3A_1911 = vector.broadcast %squeeze3A_1869 : f32 to vector<16xf32>
        %mul3A_1912 = arith.mulf %mul3A_1911, %get3A_1910 : vector<16xf32>
        %add3A_1913 = arith.addf %add3A_1867, %mul3A_1912 : vector<16xf32>
        %slice3A_1914 = vector.extract_strided_slice %select_n3A_1729 {offsets = [4], sizes = [1], strides = [1]} : vector<16xf32> to vector<1xf32>
        %squeeze3A_1915 = vector.extract %slice3A_1914[0] : f32 from vector<1xf32>
        %add3A_1916 = arith.constant 4 : i32
        %add3A_1917 = arith.addi %mul3A_1711, %add3A_1916 : i32
        %get3A_1918 = arith.constant 3 : i32
        %get3A_1919 = arith.index_cast %get3A_1918 : i32 to index
        %get3A_1920 = arith.index_cast %add3A_1917 : i32 to index
        %get3A_1921 = arith.constant 0 : index
        %get3A_1922 = tpu.vector_load %arg7[%get3A_1919, %get3A_1920, %get3A_1921] {strides = array<i32>} : memref<4x208x64xf32, #tpu.memory_space<vmem>>, vector<1x1x16xf32>,
        %get3A_1923 = vector.shape_cast %get3A_1922 : vector<1x1x16xf32> to vector<16xf32>
        %mul3A_1924 = vector.broadcast %squeeze3A_1915 : f32 to vector<16xf32>
        %mul3A_1925 = arith.mulf %mul3A_1924, %get3A_1923 : vector<16xf32>
        %add3A_1926 = arith.addf %add3A_1880, %mul3A_1925 : vector<16xf32>
        %add3A_1927 = arith.constant 4 : i32
        %add3A_1928 = arith.addi %mul3A_1711, %add3A_1927 : i32
        %get3A_1929 = arith.constant 3 : i32
        %get3A_1930 = arith.index_cast %get3A_1929 : i32 to index
        %get3A_1931 = arith.index_cast %add3A_1928 : i32 to index
        %get3A_1932 = arith.constant 16 : index
        %get3A_1933 = tpu.vector_load %arg7[%get3A_1930, %get3A_1931, %get3A_1932] {strides = array<i32>} : memref<4x208x64xf32, #tpu.memory_space<vmem>>, vector<1x1x16xf32>,
        %get3A_1934 = vector.shape_cast %get3A_1933 : vector<1x1x16xf32> to vector<16xf32>
        %mul3A_1935 = vector.broadcast %squeeze3A_1915 : f32 to vector<16xf32>
        %mul3A_1936 = arith.mulf %mul3A_1935, %get3A_1934 : vector<16xf32>
        %add3A_1937 = arith.addf %add3A_1891, %mul3A_1936 : vector<16xf32>
        %add3A_1938 = arith.constant 4 : i32
        %add3A_1939 = arith.addi %mul3A_1711, %add3A_1938 : i32
        %get3A_1940 = arith.constant 3 : i32
        %get3A_1941 = arith.index_cast %get3A_1940 : i32 to index
        %get3A_1942 = arith.index_cast %add3A_1939 : i32 to index
        %get3A_1943 = arith.constant 32 : index
        %get3A_1944 = tpu.vector_load %arg7[%get3A_1941, %get3A_1942, %get3A_1943] {strides = array<i32>} : memref<4x208x64xf32, #tpu.memory_space<vmem>>, vector<1x1x16xf32>,
        %get3A_1945 = vector.shape_cast %get3A_1944 : vector<1x1x16xf32> to vector<16xf32>
        %mul3A_1946 = vector.broadcast %squeeze3A_1915 : f32 to vector<16xf32>
        %mul3A_1947 = arith.mulf %mul3A_1946, %get3A_1945 : vector<16xf32>
        %add3A_1948 = arith.addf %add3A_1902, %mul3A_1947 : vector<16xf32>
        %add3A_1949 = arith.constant 4 : i32
        %add3A_1950 = arith.addi %mul3A_1711, %add3A_1949 : i32
        %get3A_1951 = arith.constant 3 : i32
        %get3A_1952 = arith.index_cast %get3A_1951 : i32 to index
        %get3A_1953 = arith.index_cast %add3A_1950 : i32 to index
        %get3A_1954 = arith.constant 48 : index
        %get3A_1955 = tpu.vector_load %arg7[%get3A_1952, %get3A_1953, %get3A_1954] {strides = array<i32>} : memref<4x208x64xf32, #tpu.memory_space<vmem>>, vector<1x1x16xf32>,
        %get3A_1956 = vector.shape_cast %get3A_1955 : vector<1x1x16xf32> to vector<16xf32>
        %mul3A_1957 = vector.broadcast %squeeze3A_1915 : f32 to vector<16xf32>
        %mul3A_1958 = arith.mulf %mul3A_1957, %get3A_1956 : vector<16xf32>
        %add3A_1959 = arith.addf %add3A_1913, %mul3A_1958 : vector<16xf32>
        %slice3A_1960 = vector.extract_strided_slice %select_n3A_1729 {offsets = [5], sizes = [1], strides = [1]} : vector<16xf32> to vector<1xf32>
        %squeeze3A_1961 = vector.extract %slice3A_1960[0] : f32 from vector<1xf32>
        %add3A_1962 = arith.constant 5 : i32
        %add3A_1963 = arith.addi %mul3A_1711, %add3A_1962 : i32
        %get3A_1964 = arith.constant 3 : i32
        %get3A_1965 = arith.index_cast %get3A_1964 : i32 to index
        %get3A_1966 = arith.index_cast %add3A_1963 : i32 to index
        %get3A_1967 = arith.constant 0 : index
        %get3A_1968 = tpu.vector_load %arg7[%get3A_1965, %get3A_1966, %get3A_1967] {strides = array<i32>} : memref<4x208x64xf32, #tpu.memory_space<vmem>>, vector<1x1x16xf32>,
        %get3A_1969 = vector.shape_cast %get3A_1968 : vector<1x1x16xf32> to vector<16xf32>
        %mul3A_1970 = vector.broadcast %squeeze3A_1961 : f32 to vector<16xf32>
        %mul3A_1971 = arith.mulf %mul3A_1970, %get3A_1969 : vector<16xf32>
        %add3A_1972 = arith.addf %add3A_1926, %mul3A_1971 : vector<16xf32>
        %add3A_1973 = arith.constant 5 : i32
        %add3A_1974 = arith.addi %mul3A_1711, %add3A_1973 : i32
        %get3A_1975 = arith.constant 3 : i32
        %get3A_1976 = arith.index_cast %get3A_1975 : i32 to index
        %get3A_1977 = arith.index_cast %add3A_1974 : i32 to index
        %get3A_1978 = arith.constant 16 : index
        %get3A_1979 = tpu.vector_load %arg7[%get3A_1976, %get3A_1977, %get3A_1978] {strides = array<i32>} : memref<4x208x64xf32, #tpu.memory_space<vmem>>, vector<1x1x16xf32>,
        %get3A_1980 = vector.shape_cast %get3A_1979 : vector<1x1x16xf32> to vector<16xf32>
        %mul3A_1981 = vector.broadcast %squeeze3A_1961 : f32 to vector<16xf32>
        %mul3A_1982 = arith.mulf %mul3A_1981, %get3A_1980 : vector<16xf32>
        %add3A_1983 = arith.addf %add3A_1937, %mul3A_1982 : vector<16xf32>
        %add3A_1984 = arith.constant 5 : i32
        %add3A_1985 = arith.addi %mul3A_1711, %add3A_1984 : i32
        %get3A_1986 = arith.constant 3 : i32
        %get3A_1987 = arith.index_cast %get3A_1986 : i32 to index
        %get3A_1988 = arith.index_cast %add3A_1985 : i32 to index
        %get3A_1989 = arith.constant 32 : index
        %get3A_1990 = tpu.vector_load %arg7[%get3A_1987, %get3A_1988, %get3A_1989] {strides = array<i32>} : memref<4x208x64xf32, #tpu.memory_space<vmem>>, vector<1x1x16xf32>,
        %get3A_1991 = vector.shape_cast %get3A_1990 : vector<1x1x16xf32> to vector<16xf32>
        %mul3A_1992 = vector.broadcast %squeeze3A_1961 : f32 to vector<16xf32>
        %mul3A_1993 = arith.mulf %mul3A_1992, %get3A_1991 : vector<16xf32>
        %add3A_1994 = arith.addf %add3A_1948, %mul3A_1993 : vector<16xf32>
        %add3A_1995 = arith.constant 5 : i32
        %add3A_1996 = arith.addi %mul3A_1711, %add3A_1995 : i32
        %get3A_1997 = arith.constant 3 : i32
        %get3A_1998 = arith.index_cast %get3A_1997 : i32 to index
        %get3A_1999 = arith.index_cast %add3A_1996 : i32 to index
        %get3A_2000 = arith.constant 48 : index
        %get3A_2001 = tpu.vector_load %arg7[%get3A_1998, %get3A_1999, %get3A_2000] {strides = array<i32>} : memref<4x208x64xf32, #tpu.memory_space<vmem>>, vector<1x1x16xf32>,
        %get3A_2002 = vector.shape_cast %get3A_2001 : vector<1x1x16xf32> to vector<16xf32>
        %mul3A_2003 = vector.broadcast %squeeze3A_1961 : f32 to vector<16xf32>
        %mul3A_2004 = arith.mulf %mul3A_2003, %get3A_2002 : vector<16xf32>
        %add3A_2005 = arith.addf %add3A_1959, %mul3A_2004 : vector<16xf32>
        %slice3A_2006 = vector.extract_strided_slice %select_n3A_1729 {offsets = [6], sizes = [1], strides = [1]} : vector<16xf32> to vector<1xf32>
        %squeeze3A_2007 = vector.extract %slice3A_2006[0] : f32 from vector<1xf32>
        %add3A_2008 = arith.constant 6 : i32
        %add3A_2009 = arith.addi %mul3A_1711, %add3A_2008 : i32
        %get3A_2010 = arith.constant 3 : i32
        %get3A_2011 = arith.index_cast %get3A_2010 : i32 to index
        %get3A_2012 = arith.index_cast %add3A_2009 : i32 to index
        %get3A_2013 = arith.constant 0 : index
        %get3A_2014 = tpu.vector_load %arg7[%get3A_2011, %get3A_2012, %get3A_2013] {strides = array<i32>} : memref<4x208x64xf32, #tpu.memory_space<vmem>>, vector<1x1x16xf32>,
        %get3A_2015 = vector.shape_cast %get3A_2014 : vector<1x1x16xf32> to vector<16xf32>
        %mul3A_2016 = vector.broadcast %squeeze3A_2007 : f32 to vector<16xf32>
        %mul3A_2017 = arith.mulf %mul3A_2016, %get3A_2015 : vector<16xf32>
        %add3A_2018 = arith.addf %add3A_1972, %mul3A_2017 : vector<16xf32>
        %add3A_2019 = arith.constant 6 : i32
        %add3A_2020 = arith.addi %mul3A_1711, %add3A_2019 : i32
        %get3A_2021 = arith.constant 3 : i32
        %get3A_2022 = arith.index_cast %get3A_2021 : i32 to index
        %get3A_2023 = arith.index_cast %add3A_2020 : i32 to index
        %get3A_2024 = arith.constant 16 : index
        %get3A_2025 = tpu.vector_load %arg7[%get3A_2022, %get3A_2023, %get3A_2024] {strides = array<i32>} : memref<4x208x64xf32, #tpu.memory_space<vmem>>, vector<1x1x16xf32>,
        %get3A_2026 = vector.shape_cast %get3A_2025 : vector<1x1x16xf32> to vector<16xf32>
        %mul3A_2027 = vector.broadcast %squeeze3A_2007 : f32 to vector<16xf32>
        %mul3A_2028 = arith.mulf %mul3A_2027, %get3A_2026 : vector<16xf32>
        %add3A_2029 = arith.addf %add3A_1983, %mul3A_2028 : vector<16xf32>
        %add3A_2030 = arith.constant 6 : i32
        %add3A_2031 = arith.addi %mul3A_1711, %add3A_2030 : i32
        %get3A_2032 = arith.constant 3 : i32
        %get3A_2033 = arith.index_cast %get3A_2032 : i32 to index
        %get3A_2034 = arith.index_cast %add3A_2031 : i32 to index
        %get3A_2035 = arith.constant 32 : index
        %get3A_2036 = tpu.vector_load %arg7[%get3A_2033, %get3A_2034, %get3A_2035] {strides = array<i32>} : memref<4x208x64xf32, #tpu.memory_space<vmem>>, vector<1x1x16xf32>,
        %get3A_2037 = vector.shape_cast %get3A_2036 : vector<1x1x16xf32> to vector<16xf32>
        %mul3A_2038 = vector.broadcast %squeeze3A_2007 : f32 to vector<16xf32>
        %mul3A_2039 = arith.mulf %mul3A_2038, %get3A_2037 : vector<16xf32>
        %add3A_2040 = arith.addf %add3A_1994, %mul3A_2039 : vector<16xf32>
        %add3A_2041 = arith.constant 6 : i32
        %add3A_2042 = arith.addi %mul3A_1711, %add3A_2041 : i32
        %get3A_2043 = arith.constant 3 : i32
        %get3A_2044 = arith.index_cast %get3A_2043 : i32 to index
        %get3A_2045 = arith.index_cast %add3A_2042 : i32 to index
        %get3A_2046 = arith.constant 48 : index
        %get3A_2047 = tpu.vector_load %arg7[%get3A_2044, %get3A_2045, %get3A_2046] {strides = array<i32>} : memref<4x208x64xf32, #tpu.memory_space<vmem>>, vector<1x1x16xf32>,
        %get3A_2048 = vector.shape_cast %get3A_2047 : vector<1x1x16xf32> to vector<16xf32>
        %mul3A_2049 = vector.broadcast %squeeze3A_2007 : f32 to vector<16xf32>
        %mul3A_2050 = arith.mulf %mul3A_2049, %get3A_2048 : vector<16xf32>
        %add3A_2051 = arith.addf %add3A_2005, %mul3A_2050 : vector<16xf32>
        %slice3A_2052 = vector.extract_strided_slice %select_n3A_1729 {offsets = [7], sizes = [1], strides = [1]} : vector<16xf32> to vector<1xf32>
        %squeeze3A_2053 = vector.extract %slice3A_2052[0] : f32 from vector<1xf32>
        %add3A_2054 = arith.constant 7 : i32
        %add3A_2055 = arith.addi %mul3A_1711, %add3A_2054 : i32
        %get3A_2056 = arith.constant 3 : i32
        %get3A_2057 = arith.index_cast %get3A_2056 : i32 to index
        %get3A_2058 = arith.index_cast %add3A_2055 : i32 to index
        %get3A_2059 = arith.constant 0 : index
        %get3A_2060 = tpu.vector_load %arg7[%get3A_2057, %get3A_2058, %get3A_2059] {strides = array<i32>} : memref<4x208x64xf32, #tpu.memory_space<vmem>>, vector<1x1x16xf32>,
        %get3A_2061 = vector.shape_cast %get3A_2060 : vector<1x1x16xf32> to vector<16xf32>
        %mul3A_2062 = vector.broadcast %squeeze3A_2053 : f32 to vector<16xf32>
        %mul3A_2063 = arith.mulf %mul3A_2062, %get3A_2061 : vector<16xf32>
        %add3A_2064 = arith.addf %add3A_2018, %mul3A_2063 : vector<16xf32>
        %add3A_2065 = arith.constant 7 : i32
        %add3A_2066 = arith.addi %mul3A_1711, %add3A_2065 : i32
        %get3A_2067 = arith.constant 3 : i32
        %get3A_2068 = arith.index_cast %get3A_2067 : i32 to index
        %get3A_2069 = arith.index_cast %add3A_2066 : i32 to index
        %get3A_2070 = arith.constant 16 : index
        %get3A_2071 = tpu.vector_load %arg7[%get3A_2068, %get3A_2069, %get3A_2070] {strides = array<i32>} : memref<4x208x64xf32, #tpu.memory_space<vmem>>, vector<1x1x16xf32>,
        %get3A_2072 = vector.shape_cast %get3A_2071 : vector<1x1x16xf32> to vector<16xf32>
        %mul3A_2073 = vector.broadcast %squeeze3A_2053 : f32 to vector<16xf32>
        %mul3A_2074 = arith.mulf %mul3A_2073, %get3A_2072 : vector<16xf32>
        %add3A_2075 = arith.addf %add3A_2029, %mul3A_2074 : vector<16xf32>
        %add3A_2076 = arith.constant 7 : i32
        %add3A_2077 = arith.addi %mul3A_1711, %add3A_2076 : i32
        %get3A_2078 = arith.constant 3 : i32
        %get3A_2079 = arith.index_cast %get3A_2078 : i32 to index
        %get3A_2080 = arith.index_cast %add3A_2077 : i32 to index
        %get3A_2081 = arith.constant 32 : index
        %get3A_2082 = tpu.vector_load %arg7[%get3A_2079, %get3A_2080, %get3A_2081] {strides = array<i32>} : memref<4x208x64xf32, #tpu.memory_space<vmem>>, vector<1x1x16xf32>,
        %get3A_2083 = vector.shape_cast %get3A_2082 : vector<1x1x16xf32> to vector<16xf32>
        %mul3A_2084 = vector.broadcast %squeeze3A_2053 : f32 to vector<16xf32>
        %mul3A_2085 = arith.mulf %mul3A_2084, %get3A_2083 : vector<16xf32>
        %add3A_2086 = arith.addf %add3A_2040, %mul3A_2085 : vector<16xf32>
        %add3A_2087 = arith.constant 7 : i32
        %add3A_2088 = arith.addi %mul3A_1711, %add3A_2087 : i32
        %get3A_2089 = arith.constant 3 : i32
        %get3A_2090 = arith.index_cast %get3A_2089 : i32 to index
        %get3A_2091 = arith.index_cast %add3A_2088 : i32 to index
        %get3A_2092 = arith.constant 48 : index
        %get3A_2093 = tpu.vector_load %arg7[%get3A_2090, %get3A_2091, %get3A_2092] {strides = array<i32>} : memref<4x208x64xf32, #tpu.memory_space<vmem>>, vector<1x1x16xf32>,
        %get3A_2094 = vector.shape_cast %get3A_2093 : vector<1x1x16xf32> to vector<16xf32>
        %mul3A_2095 = vector.broadcast %squeeze3A_2053 : f32 to vector<16xf32>
        %mul3A_2096 = arith.mulf %mul3A_2095, %get3A_2094 : vector<16xf32>
        %add3A_2097 = arith.addf %add3A_2051, %mul3A_2096 : vector<16xf32>
        %slice3A_2098 = vector.extract_strided_slice %select_n3A_1729 {offsets = [8], sizes = [1], strides = [1]} : vector<16xf32> to vector<1xf32>
        %squeeze3A_2099 = vector.extract %slice3A_2098[0] : f32 from vector<1xf32>
        %add3A_2100 = arith.constant 8 : i32
        %add3A_2101 = arith.addi %mul3A_1711, %add3A_2100 : i32
        %get3A_2102 = arith.constant 3 : i32
        %get3A_2103 = arith.index_cast %get3A_2102 : i32 to index
        %get3A_2104 = arith.index_cast %add3A_2101 : i32 to index
        %get3A_2105 = arith.constant 0 : index
        %get3A_2106 = tpu.vector_load %arg7[%get3A_2103, %get3A_2104, %get3A_2105] {strides = array<i32>} : memref<4x208x64xf32, #tpu.memory_space<vmem>>, vector<1x1x16xf32>,
        %get3A_2107 = vector.shape_cast %get3A_2106 : vector<1x1x16xf32> to vector<16xf32>
        %mul3A_2108 = vector.broadcast %squeeze3A_2099 : f32 to vector<16xf32>
        %mul3A_2109 = arith.mulf %mul3A_2108, %get3A_2107 : vector<16xf32>
        %add3A_2110 = arith.addf %add3A_2064, %mul3A_2109 : vector<16xf32>
        %add3A_2111 = arith.constant 8 : i32
        %add3A_2112 = arith.addi %mul3A_1711, %add3A_2111 : i32
        %get3A_2113 = arith.constant 3 : i32
        %get3A_2114 = arith.index_cast %get3A_2113 : i32 to index
        %get3A_2115 = arith.index_cast %add3A_2112 : i32 to index
        %get3A_2116 = arith.constant 16 : index
        %get3A_2117 = tpu.vector_load %arg7[%get3A_2114, %get3A_2115, %get3A_2116] {strides = array<i32>} : memref<4x208x64xf32, #tpu.memory_space<vmem>>, vector<1x1x16xf32>,
        %get3A_2118 = vector.shape_cast %get3A_2117 : vector<1x1x16xf32> to vector<16xf32>
        %mul3A_2119 = vector.broadcast %squeeze3A_2099 : f32 to vector<16xf32>
        %mul3A_2120 = arith.mulf %mul3A_2119, %get3A_2118 : vector<16xf32>
        %add3A_2121 = arith.addf %add3A_2075, %mul3A_2120 : vector<16xf32>
        %add3A_2122 = arith.constant 8 : i32
        %add3A_2123 = arith.addi %mul3A_1711, %add3A_2122 : i32
        %get3A_2124 = arith.constant 3 : i32
        %get3A_2125 = arith.index_cast %get3A_2124 : i32 to index
        %get3A_2126 = arith.index_cast %add3A_2123 : i32 to index
        %get3A_2127 = arith.constant 32 : index
        %get3A_2128 = tpu.vector_load %arg7[%get3A_2125, %get3A_2126, %get3A_2127] {strides = array<i32>} : memref<4x208x64xf32, #tpu.memory_space<vmem>>, vector<1x1x16xf32>,
        %get3A_2129 = vector.shape_cast %get3A_2128 : vector<1x1x16xf32> to vector<16xf32>
        %mul3A_2130 = vector.broadcast %squeeze3A_2099 : f32 to vector<16xf32>
        %mul3A_2131 = arith.mulf %mul3A_2130, %get3A_2129 : vector<16xf32>
        %add3A_2132 = arith.addf %add3A_2086, %mul3A_2131 : vector<16xf32>
        %add3A_2133 = arith.constant 8 : i32
        %add3A_2134 = arith.addi %mul3A_1711, %add3A_2133 : i32
        %get3A_2135 = arith.constant 3 : i32
        %get3A_2136 = arith.index_cast %get3A_2135 : i32 to index
        %get3A_2137 = arith.index_cast %add3A_2134 : i32 to index
        %get3A_2138 = arith.constant 48 : index
        %get3A_2139 = tpu.vector_load %arg7[%get3A_2136, %get3A_2137, %get3A_2138] {strides = array<i32>} : memref<4x208x64xf32, #tpu.memory_space<vmem>>, vector<1x1x16xf32>,
        %get3A_2140 = vector.shape_cast %get3A_2139 : vector<1x1x16xf32> to vector<16xf32>
        %mul3A_2141 = vector.broadcast %squeeze3A_2099 : f32 to vector<16xf32>
        %mul3A_2142 = arith.mulf %mul3A_2141, %get3A_2140 : vector<16xf32>
        %add3A_2143 = arith.addf %add3A_2097, %mul3A_2142 : vector<16xf32>
        %slice3A_2144 = vector.extract_strided_slice %select_n3A_1729 {offsets = [9], sizes = [1], strides = [1]} : vector<16xf32> to vector<1xf32>
        %squeeze3A_2145 = vector.extract %slice3A_2144[0] : f32 from vector<1xf32>
        %add3A_2146 = arith.constant 9 : i32
        %add3A_2147 = arith.addi %mul3A_1711, %add3A_2146 : i32
        %get3A_2148 = arith.constant 3 : i32
        %get3A_2149 = arith.index_cast %get3A_2148 : i32 to index
        %get3A_2150 = arith.index_cast %add3A_2147 : i32 to index
        %get3A_2151 = arith.constant 0 : index
        %get3A_2152 = tpu.vector_load %arg7[%get3A_2149, %get3A_2150, %get3A_2151] {strides = array<i32>} : memref<4x208x64xf32, #tpu.memory_space<vmem>>, vector<1x1x16xf32>,
        %get3A_2153 = vector.shape_cast %get3A_2152 : vector<1x1x16xf32> to vector<16xf32>
        %mul3A_2154 = vector.broadcast %squeeze3A_2145 : f32 to vector<16xf32>
        %mul3A_2155 = arith.mulf %mul3A_2154, %get3A_2153 : vector<16xf32>
        %add3A_2156 = arith.addf %add3A_2110, %mul3A_2155 : vector<16xf32>
        %add3A_2157 = arith.constant 9 : i32
        %add3A_2158 = arith.addi %mul3A_1711, %add3A_2157 : i32
        %get3A_2159 = arith.constant 3 : i32
        %get3A_2160 = arith.index_cast %get3A_2159 : i32 to index
        %get3A_2161 = arith.index_cast %add3A_2158 : i32 to index
        %get3A_2162 = arith.constant 16 : index
        %get3A_2163 = tpu.vector_load %arg7[%get3A_2160, %get3A_2161, %get3A_2162] {strides = array<i32>} : memref<4x208x64xf32, #tpu.memory_space<vmem>>, vector<1x1x16xf32>,
        %get3A_2164 = vector.shape_cast %get3A_2163 : vector<1x1x16xf32> to vector<16xf32>
        %mul3A_2165 = vector.broadcast %squeeze3A_2145 : f32 to vector<16xf32>
        %mul3A_2166 = arith.mulf %mul3A_2165, %get3A_2164 : vector<16xf32>
        %add3A_2167 = arith.addf %add3A_2121, %mul3A_2166 : vector<16xf32>
        %add3A_2168 = arith.constant 9 : i32
        %add3A_2169 = arith.addi %mul3A_1711, %add3A_2168 : i32
        %get3A_2170 = arith.constant 3 : i32
        %get3A_2171 = arith.index_cast %get3A_2170 : i32 to index
        %get3A_2172 = arith.index_cast %add3A_2169 : i32 to index
        %get3A_2173 = arith.constant 32 : index
        %get3A_2174 = tpu.vector_load %arg7[%get3A_2171, %get3A_2172, %get3A_2173] {strides = array<i32>} : memref<4x208x64xf32, #tpu.memory_space<vmem>>, vector<1x1x16xf32>,
        %get3A_2175 = vector.shape_cast %get3A_2174 : vector<1x1x16xf32> to vector<16xf32>
        %mul3A_2176 = vector.broadcast %squeeze3A_2145 : f32 to vector<16xf32>
        %mul3A_2177 = arith.mulf %mul3A_2176, %get3A_2175 : vector<16xf32>
        %add3A_2178 = arith.addf %add3A_2132, %mul3A_2177 : vector<16xf32>
        %add3A_2179 = arith.constant 9 : i32
        %add3A_2180 = arith.addi %mul3A_1711, %add3A_2179 : i32
        %get3A_2181 = arith.constant 3 : i32
        %get3A_2182 = arith.index_cast %get3A_2181 : i32 to index
        %get3A_2183 = arith.index_cast %add3A_2180 : i32 to index
        %get3A_2184 = arith.constant 48 : index
        %get3A_2185 = tpu.vector_load %arg7[%get3A_2182, %get3A_2183, %get3A_2184] {strides = array<i32>} : memref<4x208x64xf32, #tpu.memory_space<vmem>>, vector<1x1x16xf32>,
        %get3A_2186 = vector.shape_cast %get3A_2185 : vector<1x1x16xf32> to vector<16xf32>
        %mul3A_2187 = vector.broadcast %squeeze3A_2145 : f32 to vector<16xf32>
        %mul3A_2188 = arith.mulf %mul3A_2187, %get3A_2186 : vector<16xf32>
        %add3A_2189 = arith.addf %add3A_2143, %mul3A_2188 : vector<16xf32>
        %slice3A_2190 = vector.extract_strided_slice %select_n3A_1729 {offsets = [10], sizes = [1], strides = [1]} : vector<16xf32> to vector<1xf32>
        %squeeze3A_2191 = vector.extract %slice3A_2190[0] : f32 from vector<1xf32>
        %add3A_2192 = arith.constant 10 : i32
        %add3A_2193 = arith.addi %mul3A_1711, %add3A_2192 : i32
        %get3A_2194 = arith.constant 3 : i32
        %get3A_2195 = arith.index_cast %get3A_2194 : i32 to index
        %get3A_2196 = arith.index_cast %add3A_2193 : i32 to index
        %get3A_2197 = arith.constant 0 : index
        %get3A_2198 = tpu.vector_load %arg7[%get3A_2195, %get3A_2196, %get3A_2197] {strides = array<i32>} : memref<4x208x64xf32, #tpu.memory_space<vmem>>, vector<1x1x16xf32>,
        %get3A_2199 = vector.shape_cast %get3A_2198 : vector<1x1x16xf32> to vector<16xf32>
        %mul3A_2200 = vector.broadcast %squeeze3A_2191 : f32 to vector<16xf32>
        %mul3A_2201 = arith.mulf %mul3A_2200, %get3A_2199 : vector<16xf32>
        %add3A_2202 = arith.addf %add3A_2156, %mul3A_2201 : vector<16xf32>
        %add3A_2203 = arith.constant 10 : i32
        %add3A_2204 = arith.addi %mul3A_1711, %add3A_2203 : i32
        %get3A_2205 = arith.constant 3 : i32
        %get3A_2206 = arith.index_cast %get3A_2205 : i32 to index
        %get3A_2207 = arith.index_cast %add3A_2204 : i32 to index
        %get3A_2208 = arith.constant 16 : index
        %get3A_2209 = tpu.vector_load %arg7[%get3A_2206, %get3A_2207, %get3A_2208] {strides = array<i32>} : memref<4x208x64xf32, #tpu.memory_space<vmem>>, vector<1x1x16xf32>,
        %get3A_2210 = vector.shape_cast %get3A_2209 : vector<1x1x16xf32> to vector<16xf32>
        %mul3A_2211 = vector.broadcast %squeeze3A_2191 : f32 to vector<16xf32>
        %mul3A_2212 = arith.mulf %mul3A_2211, %get3A_2210 : vector<16xf32>
        %add3A_2213 = arith.addf %add3A_2167, %mul3A_2212 : vector<16xf32>
        %add3A_2214 = arith.constant 10 : i32
        %add3A_2215 = arith.addi %mul3A_1711, %add3A_2214 : i32
        %get3A_2216 = arith.constant 3 : i32
        %get3A_2217 = arith.index_cast %get3A_2216 : i32 to index
        %get3A_2218 = arith.index_cast %add3A_2215 : i32 to index
        %get3A_2219 = arith.constant 32 : index
        %get3A_2220 = tpu.vector_load %arg7[%get3A_2217, %get3A_2218, %get3A_2219] {strides = array<i32>} : memref<4x208x64xf32, #tpu.memory_space<vmem>>, vector<1x1x16xf32>,
        %get3A_2221 = vector.shape_cast %get3A_2220 : vector<1x1x16xf32> to vector<16xf32>
        %mul3A_2222 = vector.broadcast %squeeze3A_2191 : f32 to vector<16xf32>
        %mul3A_2223 = arith.mulf %mul3A_2222, %get3A_2221 : vector<16xf32>
        %add3A_2224 = arith.addf %add3A_2178, %mul3A_2223 : vector<16xf32>
        %add3A_2225 = arith.constant 10 : i32
        %add3A_2226 = arith.addi %mul3A_1711, %add3A_2225 : i32
        %get3A_2227 = arith.constant 3 : i32
        %get3A_2228 = arith.index_cast %get3A_2227 : i32 to index
        %get3A_2229 = arith.index_cast %add3A_2226 : i32 to index
        %get3A_2230 = arith.constant 48 : index
        %get3A_2231 = tpu.vector_load %arg7[%get3A_2228, %get3A_2229, %get3A_2230] {strides = array<i32>} : memref<4x208x64xf32, #tpu.memory_space<vmem>>, vector<1x1x16xf32>,
        %get3A_2232 = vector.shape_cast %get3A_2231 : vector<1x1x16xf32> to vector<16xf32>
        %mul3A_2233 = vector.broadcast %squeeze3A_2191 : f32 to vector<16xf32>
        %mul3A_2234 = arith.mulf %mul3A_2233, %get3A_2232 : vector<16xf32>
        %add3A_2235 = arith.addf %add3A_2189, %mul3A_2234 : vector<16xf32>
        %slice3A_2236 = vector.extract_strided_slice %select_n3A_1729 {offsets = [11], sizes = [1], strides = [1]} : vector<16xf32> to vector<1xf32>
        %squeeze3A_2237 = vector.extract %slice3A_2236[0] : f32 from vector<1xf32>
        %add3A_2238 = arith.constant 11 : i32
        %add3A_2239 = arith.addi %mul3A_1711, %add3A_2238 : i32
        %get3A_2240 = arith.constant 3 : i32
        %get3A_2241 = arith.index_cast %get3A_2240 : i32 to index
        %get3A_2242 = arith.index_cast %add3A_2239 : i32 to index
        %get3A_2243 = arith.constant 0 : index
        %get3A_2244 = tpu.vector_load %arg7[%get3A_2241, %get3A_2242, %get3A_2243] {strides = array<i32>} : memref<4x208x64xf32, #tpu.memory_space<vmem>>, vector<1x1x16xf32>,
        %get3A_2245 = vector.shape_cast %get3A_2244 : vector<1x1x16xf32> to vector<16xf32>
        %mul3A_2246 = vector.broadcast %squeeze3A_2237 : f32 to vector<16xf32>
        %mul3A_2247 = arith.mulf %mul3A_2246, %get3A_2245 : vector<16xf32>
        %add3A_2248 = arith.addf %add3A_2202, %mul3A_2247 : vector<16xf32>
        %add3A_2249 = arith.constant 11 : i32
        %add3A_2250 = arith.addi %mul3A_1711, %add3A_2249 : i32
        %get3A_2251 = arith.constant 3 : i32
        %get3A_2252 = arith.index_cast %get3A_2251 : i32 to index
        %get3A_2253 = arith.index_cast %add3A_2250 : i32 to index
        %get3A_2254 = arith.constant 16 : index
        %get3A_2255 = tpu.vector_load %arg7[%get3A_2252, %get3A_2253, %get3A_2254] {strides = array<i32>} : memref<4x208x64xf32, #tpu.memory_space<vmem>>, vector<1x1x16xf32>,
        %get3A_2256 = vector.shape_cast %get3A_2255 : vector<1x1x16xf32> to vector<16xf32>
        %mul3A_2257 = vector.broadcast %squeeze3A_2237 : f32 to vector<16xf32>
        %mul3A_2258 = arith.mulf %mul3A_2257, %get3A_2256 : vector<16xf32>
        %add3A_2259 = arith.addf %add3A_2213, %mul3A_2258 : vector<16xf32>
        %add3A_2260 = arith.constant 11 : i32
        %add3A_2261 = arith.addi %mul3A_1711, %add3A_2260 : i32
        %get3A_2262 = arith.constant 3 : i32
        %get3A_2263 = arith.index_cast %get3A_2262 : i32 to index
        %get3A_2264 = arith.index_cast %add3A_2261 : i32 to index
        %get3A_2265 = arith.constant 32 : index
        %get3A_2266 = tpu.vector_load %arg7[%get3A_2263, %get3A_2264, %get3A_2265] {strides = array<i32>} : memref<4x208x64xf32, #tpu.memory_space<vmem>>, vector<1x1x16xf32>,
        %get3A_2267 = vector.shape_cast %get3A_2266 : vector<1x1x16xf32> to vector<16xf32>
        %mul3A_2268 = vector.broadcast %squeeze3A_2237 : f32 to vector<16xf32>
        %mul3A_2269 = arith.mulf %mul3A_2268, %get3A_2267 : vector<16xf32>
        %add3A_2270 = arith.addf %add3A_2224, %mul3A_2269 : vector<16xf32>
        %add3A_2271 = arith.constant 11 : i32
        %add3A_2272 = arith.addi %mul3A_1711, %add3A_2271 : i32
        %get3A_2273 = arith.constant 3 : i32
        %get3A_2274 = arith.index_cast %get3A_2273 : i32 to index
        %get3A_2275 = arith.index_cast %add3A_2272 : i32 to index
        %get3A_2276 = arith.constant 48 : index
        %get3A_2277 = tpu.vector_load %arg7[%get3A_2274, %get3A_2275, %get3A_2276] {strides = array<i32>} : memref<4x208x64xf32, #tpu.memory_space<vmem>>, vector<1x1x16xf32>,
        %get3A_2278 = vector.shape_cast %get3A_2277 : vector<1x1x16xf32> to vector<16xf32>
        %mul3A_2279 = vector.broadcast %squeeze3A_2237 : f32 to vector<16xf32>
        %mul3A_2280 = arith.mulf %mul3A_2279, %get3A_2278 : vector<16xf32>
        %add3A_2281 = arith.addf %add3A_2235, %mul3A_2280 : vector<16xf32>
        %slice3A_2282 = vector.extract_strided_slice %select_n3A_1729 {offsets = [12], sizes = [1], strides = [1]} : vector<16xf32> to vector<1xf32>
        %squeeze3A_2283 = vector.extract %slice3A_2282[0] : f32 from vector<1xf32>
        %add3A_2284 = arith.constant 12 : i32
        %add3A_2285 = arith.addi %mul3A_1711, %add3A_2284 : i32
        %get3A_2286 = arith.constant 3 : i32
        %get3A_2287 = arith.index_cast %get3A_2286 : i32 to index
        %get3A_2288 = arith.index_cast %add3A_2285 : i32 to index
        %get3A_2289 = arith.constant 0 : index
        %get3A_2290 = tpu.vector_load %arg7[%get3A_2287, %get3A_2288, %get3A_2289] {strides = array<i32>} : memref<4x208x64xf32, #tpu.memory_space<vmem>>, vector<1x1x16xf32>,
        %get3A_2291 = vector.shape_cast %get3A_2290 : vector<1x1x16xf32> to vector<16xf32>
        %mul3A_2292 = vector.broadcast %squeeze3A_2283 : f32 to vector<16xf32>
        %mul3A_2293 = arith.mulf %mul3A_2292, %get3A_2291 : vector<16xf32>
        %add3A_2294 = arith.addf %add3A_2248, %mul3A_2293 : vector<16xf32>
        %add3A_2295 = arith.constant 12 : i32
        %add3A_2296 = arith.addi %mul3A_1711, %add3A_2295 : i32
        %get3A_2297 = arith.constant 3 : i32
        %get3A_2298 = arith.index_cast %get3A_2297 : i32 to index
        %get3A_2299 = arith.index_cast %add3A_2296 : i32 to index
        %get3A_2300 = arith.constant 16 : index
        %get3A_2301 = tpu.vector_load %arg7[%get3A_2298, %get3A_2299, %get3A_2300] {strides = array<i32>} : memref<4x208x64xf32, #tpu.memory_space<vmem>>, vector<1x1x16xf32>,
        %get3A_2302 = vector.shape_cast %get3A_2301 : vector<1x1x16xf32> to vector<16xf32>
        %mul3A_2303 = vector.broadcast %squeeze3A_2283 : f32 to vector<16xf32>
        %mul3A_2304 = arith.mulf %mul3A_2303, %get3A_2302 : vector<16xf32>
        %add3A_2305 = arith.addf %add3A_2259, %mul3A_2304 : vector<16xf32>
        %add3A_2306 = arith.constant 12 : i32
        %add3A_2307 = arith.addi %mul3A_1711, %add3A_2306 : i32
        %get3A_2308 = arith.constant 3 : i32
        %get3A_2309 = arith.index_cast %get3A_2308 : i32 to index
        %get3A_2310 = arith.index_cast %add3A_2307 : i32 to index
        %get3A_2311 = arith.constant 32 : index
        %get3A_2312 = tpu.vector_load %arg7[%get3A_2309, %get3A_2310, %get3A_2311] {strides = array<i32>} : memref<4x208x64xf32, #tpu.memory_space<vmem>>, vector<1x1x16xf32>,
        %get3A_2313 = vector.shape_cast %get3A_2312 : vector<1x1x16xf32> to vector<16xf32>
        %mul3A_2314 = vector.broadcast %squeeze3A_2283 : f32 to vector<16xf32>
        %mul3A_2315 = arith.mulf %mul3A_2314, %get3A_2313 : vector<16xf32>
        %add3A_2316 = arith.addf %add3A_2270, %mul3A_2315 : vector<16xf32>
        %add3A_2317 = arith.constant 12 : i32
        %add3A_2318 = arith.addi %mul3A_1711, %add3A_2317 : i32
        %get3A_2319 = arith.constant 3 : i32
        %get3A_2320 = arith.index_cast %get3A_2319 : i32 to index
        %get3A_2321 = arith.index_cast %add3A_2318 : i32 to index
        %get3A_2322 = arith.constant 48 : index
        %get3A_2323 = tpu.vector_load %arg7[%get3A_2320, %get3A_2321, %get3A_2322] {strides = array<i32>} : memref<4x208x64xf32, #tpu.memory_space<vmem>>, vector<1x1x16xf32>,
        %get3A_2324 = vector.shape_cast %get3A_2323 : vector<1x1x16xf32> to vector<16xf32>
        %mul3A_2325 = vector.broadcast %squeeze3A_2283 : f32 to vector<16xf32>
        %mul3A_2326 = arith.mulf %mul3A_2325, %get3A_2324 : vector<16xf32>
        %add3A_2327 = arith.addf %add3A_2281, %mul3A_2326 : vector<16xf32>
        %slice3A_2328 = vector.extract_strided_slice %select_n3A_1729 {offsets = [13], sizes = [1], strides = [1]} : vector<16xf32> to vector<1xf32>
        %squeeze3A_2329 = vector.extract %slice3A_2328[0] : f32 from vector<1xf32>
        %add3A_2330 = arith.constant 13 : i32
        %add3A_2331 = arith.addi %mul3A_1711, %add3A_2330 : i32
        %get3A_2332 = arith.constant 3 : i32
        %get3A_2333 = arith.index_cast %get3A_2332 : i32 to index
        %get3A_2334 = arith.index_cast %add3A_2331 : i32 to index
        %get3A_2335 = arith.constant 0 : index
        %get3A_2336 = tpu.vector_load %arg7[%get3A_2333, %get3A_2334, %get3A_2335] {strides = array<i32>} : memref<4x208x64xf32, #tpu.memory_space<vmem>>, vector<1x1x16xf32>,
        %get3A_2337 = vector.shape_cast %get3A_2336 : vector<1x1x16xf32> to vector<16xf32>
        %mul3A_2338 = vector.broadcast %squeeze3A_2329 : f32 to vector<16xf32>
        %mul3A_2339 = arith.mulf %mul3A_2338, %get3A_2337 : vector<16xf32>
        %add3A_2340 = arith.addf %add3A_2294, %mul3A_2339 : vector<16xf32>
        %add3A_2341 = arith.constant 13 : i32
        %add3A_2342 = arith.addi %mul3A_1711, %add3A_2341 : i32
        %get3A_2343 = arith.constant 3 : i32
        %get3A_2344 = arith.index_cast %get3A_2343 : i32 to index
        %get3A_2345 = arith.index_cast %add3A_2342 : i32 to index
        %get3A_2346 = arith.constant 16 : index
        %get3A_2347 = tpu.vector_load %arg7[%get3A_2344, %get3A_2345, %get3A_2346] {strides = array<i32>} : memref<4x208x64xf32, #tpu.memory_space<vmem>>, vector<1x1x16xf32>,
        %get3A_2348 = vector.shape_cast %get3A_2347 : vector<1x1x16xf32> to vector<16xf32>
        %mul3A_2349 = vector.broadcast %squeeze3A_2329 : f32 to vector<16xf32>
        %mul3A_2350 = arith.mulf %mul3A_2349, %get3A_2348 : vector<16xf32>
        %add3A_2351 = arith.addf %add3A_2305, %mul3A_2350 : vector<16xf32>
        %add3A_2352 = arith.constant 13 : i32
        %add3A_2353 = arith.addi %mul3A_1711, %add3A_2352 : i32
        %get3A_2354 = arith.constant 3 : i32
        %get3A_2355 = arith.index_cast %get3A_2354 : i32 to index
        %get3A_2356 = arith.index_cast %add3A_2353 : i32 to index
        %get3A_2357 = arith.constant 32 : index
        %get3A_2358 = tpu.vector_load %arg7[%get3A_2355, %get3A_2356, %get3A_2357] {strides = array<i32>} : memref<4x208x64xf32, #tpu.memory_space<vmem>>, vector<1x1x16xf32>,
        %get3A_2359 = vector.shape_cast %get3A_2358 : vector<1x1x16xf32> to vector<16xf32>
        %mul3A_2360 = vector.broadcast %squeeze3A_2329 : f32 to vector<16xf32>
        %mul3A_2361 = arith.mulf %mul3A_2360, %get3A_2359 : vector<16xf32>
        %add3A_2362 = arith.addf %add3A_2316, %mul3A_2361 : vector<16xf32>
        %add3A_2363 = arith.constant 13 : i32
        %add3A_2364 = arith.addi %mul3A_1711, %add3A_2363 : i32
        %get3A_2365 = arith.constant 3 : i32
        %get3A_2366 = arith.index_cast %get3A_2365 : i32 to index
        %get3A_2367 = arith.index_cast %add3A_2364 : i32 to index
        %get3A_2368 = arith.constant 48 : index
        %get3A_2369 = tpu.vector_load %arg7[%get3A_2366, %get3A_2367, %get3A_2368] {strides = array<i32>} : memref<4x208x64xf32, #tpu.memory_space<vmem>>, vector<1x1x16xf32>,
        %get3A_2370 = vector.shape_cast %get3A_2369 : vector<1x1x16xf32> to vector<16xf32>
        %mul3A_2371 = vector.broadcast %squeeze3A_2329 : f32 to vector<16xf32>
        %mul3A_2372 = arith.mulf %mul3A_2371, %get3A_2370 : vector<16xf32>
        %add3A_2373 = arith.addf %add3A_2327, %mul3A_2372 : vector<16xf32>
        %slice3A_2374 = vector.extract_strided_slice %select_n3A_1729 {offsets = [14], sizes = [1], strides = [1]} : vector<16xf32> to vector<1xf32>
        %squeeze3A_2375 = vector.extract %slice3A_2374[0] : f32 from vector<1xf32>
        %add3A_2376 = arith.constant 14 : i32
        %add3A_2377 = arith.addi %mul3A_1711, %add3A_2376 : i32
        %get3A_2378 = arith.constant 3 : i32
        %get3A_2379 = arith.index_cast %get3A_2378 : i32 to index
        %get3A_2380 = arith.index_cast %add3A_2377 : i32 to index
        %get3A_2381 = arith.constant 0 : index
        %get3A_2382 = tpu.vector_load %arg7[%get3A_2379, %get3A_2380, %get3A_2381] {strides = array<i32>} : memref<4x208x64xf32, #tpu.memory_space<vmem>>, vector<1x1x16xf32>,
        %get3A_2383 = vector.shape_cast %get3A_2382 : vector<1x1x16xf32> to vector<16xf32>
        %mul3A_2384 = vector.broadcast %squeeze3A_2375 : f32 to vector<16xf32>
        %mul3A_2385 = arith.mulf %mul3A_2384, %get3A_2383 : vector<16xf32>
        %add3A_2386 = arith.addf %add3A_2340, %mul3A_2385 : vector<16xf32>
        %add3A_2387 = arith.constant 14 : i32
        %add3A_2388 = arith.addi %mul3A_1711, %add3A_2387 : i32
        %get3A_2389 = arith.constant 3 : i32
        %get3A_2390 = arith.index_cast %get3A_2389 : i32 to index
        %get3A_2391 = arith.index_cast %add3A_2388 : i32 to index
        %get3A_2392 = arith.constant 16 : index
        %get3A_2393 = tpu.vector_load %arg7[%get3A_2390, %get3A_2391, %get3A_2392] {strides = array<i32>} : memref<4x208x64xf32, #tpu.memory_space<vmem>>, vector<1x1x16xf32>,
        %get3A_2394 = vector.shape_cast %get3A_2393 : vector<1x1x16xf32> to vector<16xf32>
        %mul3A_2395 = vector.broadcast %squeeze3A_2375 : f32 to vector<16xf32>
        %mul3A_2396 = arith.mulf %mul3A_2395, %get3A_2394 : vector<16xf32>
        %add3A_2397 = arith.addf %add3A_2351, %mul3A_2396 : vector<16xf32>
        %add3A_2398 = arith.constant 14 : i32
        %add3A_2399 = arith.addi %mul3A_1711, %add3A_2398 : i32
        %get3A_2400 = arith.constant 3 : i32
        %get3A_2401 = arith.index_cast %get3A_2400 : i32 to index
        %get3A_2402 = arith.index_cast %add3A_2399 : i32 to index
        %get3A_2403 = arith.constant 32 : index
        %get3A_2404 = tpu.vector_load %arg7[%get3A_2401, %get3A_2402, %get3A_2403] {strides = array<i32>} : memref<4x208x64xf32, #tpu.memory_space<vmem>>, vector<1x1x16xf32>,
        %get3A_2405 = vector.shape_cast %get3A_2404 : vector<1x1x16xf32> to vector<16xf32>
        %mul3A_2406 = vector.broadcast %squeeze3A_2375 : f32 to vector<16xf32>
        %mul3A_2407 = arith.mulf %mul3A_2406, %get3A_2405 : vector<16xf32>
        %add3A_2408 = arith.addf %add3A_2362, %mul3A_2407 : vector<16xf32>
        %add3A_2409 = arith.constant 14 : i32
        %add3A_2410 = arith.addi %mul3A_1711, %add3A_2409 : i32
        %get3A_2411 = arith.constant 3 : i32
        %get3A_2412 = arith.index_cast %get3A_2411 : i32 to index
        %get3A_2413 = arith.index_cast %add3A_2410 : i32 to index
        %get3A_2414 = arith.constant 48 : index
        %get3A_2415 = tpu.vector_load %arg7[%get3A_2412, %get3A_2413, %get3A_2414] {strides = array<i32>} : memref<4x208x64xf32, #tpu.memory_space<vmem>>, vector<1x1x16xf32>,
        %get3A_2416 = vector.shape_cast %get3A_2415 : vector<1x1x16xf32> to vector<16xf32>
        %mul3A_2417 = vector.broadcast %squeeze3A_2375 : f32 to vector<16xf32>
        %mul3A_2418 = arith.mulf %mul3A_2417, %get3A_2416 : vector<16xf32>
        %add3A_2419 = arith.addf %add3A_2373, %mul3A_2418 : vector<16xf32>
        %slice3A_2420 = vector.extract_strided_slice %select_n3A_1729 {offsets = [15], sizes = [1], strides = [1]} : vector<16xf32> to vector<1xf32>
        %squeeze3A_2421 = vector.extract %slice3A_2420[0] : f32 from vector<1xf32>
        %add3A_2422 = arith.constant 15 : i32
        %add3A_2423 = arith.addi %mul3A_1711, %add3A_2422 : i32
        %get3A_2424 = arith.constant 3 : i32
        %get3A_2425 = arith.index_cast %get3A_2424 : i32 to index
        %get3A_2426 = arith.index_cast %add3A_2423 : i32 to index
        %get3A_2427 = arith.constant 0 : index
        %get3A_2428 = tpu.vector_load %arg7[%get3A_2425, %get3A_2426, %get3A_2427] {strides = array<i32>} : memref<4x208x64xf32, #tpu.memory_space<vmem>>, vector<1x1x16xf32>,
        %get3A_2429 = vector.shape_cast %get3A_2428 : vector<1x1x16xf32> to vector<16xf32>
        %mul3A_2430 = vector.broadcast %squeeze3A_2421 : f32 to vector<16xf32>
        %mul3A_2431 = arith.mulf %mul3A_2430, %get3A_2429 : vector<16xf32>
        %add3A_2432 = arith.addf %add3A_2386, %mul3A_2431 : vector<16xf32>
        %add3A_2433 = arith.constant 15 : i32
        %add3A_2434 = arith.addi %mul3A_1711, %add3A_2433 : i32
        %get3A_2435 = arith.constant 3 : i32
        %get3A_2436 = arith.index_cast %get3A_2435 : i32 to index
        %get3A_2437 = arith.index_cast %add3A_2434 : i32 to index
        %get3A_2438 = arith.constant 16 : index
        %get3A_2439 = tpu.vector_load %arg7[%get3A_2436, %get3A_2437, %get3A_2438] {strides = array<i32>} : memref<4x208x64xf32, #tpu.memory_space<vmem>>, vector<1x1x16xf32>,
        %get3A_2440 = vector.shape_cast %get3A_2439 : vector<1x1x16xf32> to vector<16xf32>
        %mul3A_2441 = vector.broadcast %squeeze3A_2421 : f32 to vector<16xf32>
        %mul3A_2442 = arith.mulf %mul3A_2441, %get3A_2440 : vector<16xf32>
        %add3A_2443 = arith.addf %add3A_2397, %mul3A_2442 : vector<16xf32>
        %add3A_2444 = arith.constant 15 : i32
        %add3A_2445 = arith.addi %mul3A_1711, %add3A_2444 : i32
        %get3A_2446 = arith.constant 3 : i32
        %get3A_2447 = arith.index_cast %get3A_2446 : i32 to index
        %get3A_2448 = arith.index_cast %add3A_2445 : i32 to index
        %get3A_2449 = arith.constant 32 : index
        %get3A_2450 = tpu.vector_load %arg7[%get3A_2447, %get3A_2448, %get3A_2449] {strides = array<i32>} : memref<4x208x64xf32, #tpu.memory_space<vmem>>, vector<1x1x16xf32>,
        %get3A_2451 = vector.shape_cast %get3A_2450 : vector<1x1x16xf32> to vector<16xf32>
        %mul3A_2452 = vector.broadcast %squeeze3A_2421 : f32 to vector<16xf32>
        %mul3A_2453 = arith.mulf %mul3A_2452, %get3A_2451 : vector<16xf32>
        %add3A_2454 = arith.addf %add3A_2408, %mul3A_2453 : vector<16xf32>
        %add3A_2455 = arith.constant 15 : i32
        %add3A_2456 = arith.addi %mul3A_1711, %add3A_2455 : i32
        %get3A_2457 = arith.constant 3 : i32
        %get3A_2458 = arith.index_cast %get3A_2457 : i32 to index
        %get3A_2459 = arith.index_cast %add3A_2456 : i32 to index
        %get3A_2460 = arith.constant 48 : index
        %get3A_2461 = tpu.vector_load %arg7[%get3A_2458, %get3A_2459, %get3A_2460] {strides = array<i32>} : memref<4x208x64xf32, #tpu.memory_space<vmem>>, vector<1x1x16xf32>,
        %get3A_2462 = vector.shape_cast %get3A_2461 : vector<1x1x16xf32> to vector<16xf32>
        %mul3A_2463 = vector.broadcast %squeeze3A_2421 : f32 to vector<16xf32>
        %mul3A_2464 = arith.mulf %mul3A_2463, %get3A_2462 : vector<16xf32>
        %add3A_2465 = arith.addf %add3A_2419, %mul3A_2464 : vector<16xf32>
        scf.yield %add3A_2432, %add3A_2443, %add3A_2454, %add3A_2465 : vector<16xf32>, vector<16xf32>, vector<16xf32>, vector<16xf32>
      }
      %scan3A_1328 = arith.constant 12 : i32
      %mul3A_1329 = arith.constant 208 : i32
      %mul3A_1330 = arith.muli %add3A_1290, %mul3A_1329 : i32
      %add3A_1331 = arith.constant 192 : i32
      %add3A_1332 = arith.addi %mul3A_1330, %add3A_1331 : i32
      %get3A_1333 = arith.index_cast %add3A_1332 : i32 to index
      %get3A_1334 = tpu.vector_load %arg8[%get3A_1333] {strides = array<i32>} : memref<26624xf32, #tpu.memory_space<vmem>>, vector<16xf32>,
      %get3A_1335 = vector.shape_cast %get3A_1334 : vector<16xf32> to vector<16xf32>
      %mul3A_1336 = arith.constant 208 : i32
      %mul3A_1337 = arith.muli %add3A_1290, %mul3A_1336 : i32
      %add3A_1338 = arith.constant 192 : i32
      %add3A_1339 = arith.addi %mul3A_1337, %add3A_1338 : i32
      %get3A_1340 = arith.index_cast %add3A_1339 : i32 to index
      %get3A_1341 = tpu.vector_load %arg6[%get3A_1340] {strides = array<i32>} : memref<26624xi32, #tpu.memory_space<vmem>>, vector<16xi32>,
      %get3A_1342 = vector.shape_cast %get3A_1341 : vector<16xi32> to vector<16xi32>
      %eq3A_1343 = arith.constant 0 : i32
      %eq3A_1344 = vector.broadcast %eq3A_1343 : i32 to vector<16xi32>
      %eq3A_1345 = arith.cmpi eq, %get3A_1342, %eq3A_1344 : vector<16xi32>
      %jit3A_1346 = arith.constant 0.000000e+00 : f32
      %broadcast_in_dim3A_1347 = vector.broadcast %jit3A_1346 : f32 to vector<16xf32>
      %select_n3A_1348 = arith.select %eq3A_1345, %broadcast_in_dim3A_1347, %get3A_1335 : vector<16xi1>, vector<16xf32>
      %slice3A_1349 = vector.extract_strided_slice %select_n3A_1348 {offsets = [0], sizes = [1], strides = [1]} : vector<16xf32> to vector<1xf32>
      %squeeze3A_1350 = vector.extract %slice3A_1349[0] : f32 from vector<1xf32>
      %get3A_1351 = arith.constant 3 : i32
      %get3A_1352 = arith.constant 192 : i32
      %get3A_1353 = arith.index_cast %get3A_1351 : i32 to index
      %get3A_1354 = arith.index_cast %get3A_1352 : i32 to index
      %get3A_1355 = arith.constant 0 : index
      %get3A_1356 = tpu.vector_load %arg7[%get3A_1353, %get3A_1354, %get3A_1355] {strides = array<i32>} : memref<4x208x64xf32, #tpu.memory_space<vmem>>, vector<1x1x16xf32>,
      %get3A_1357 = vector.shape_cast %get3A_1356 : vector<1x1x16xf32> to vector<16xf32>
      %mul3A_1358 = vector.broadcast %squeeze3A_1350 : f32 to vector<16xf32>
      %mul3A_1359 = arith.mulf %mul3A_1358, %get3A_1357 : vector<16xf32>
      %add3A_1360 = arith.addf %scan3A_1327#0, %mul3A_1359 : vector<16xf32>
      %get3A_1361 = arith.constant 3 : i32
      %get3A_1362 = arith.constant 192 : i32
      %get3A_1363 = arith.index_cast %get3A_1361 : i32 to index
      %get3A_1364 = arith.index_cast %get3A_1362 : i32 to index
      %get3A_1365 = arith.constant 16 : index
      %get3A_1366 = tpu.vector_load %arg7[%get3A_1363, %get3A_1364, %get3A_1365] {strides = array<i32>} : memref<4x208x64xf32, #tpu.memory_space<vmem>>, vector<1x1x16xf32>,
      %get3A_1367 = vector.shape_cast %get3A_1366 : vector<1x1x16xf32> to vector<16xf32>
      %mul3A_1368 = vector.broadcast %squeeze3A_1350 : f32 to vector<16xf32>
      %mul3A_1369 = arith.mulf %mul3A_1368, %get3A_1367 : vector<16xf32>
      %add3A_1370 = arith.addf %scan3A_1327#1, %mul3A_1369 : vector<16xf32>
      %get3A_1371 = arith.constant 3 : i32
      %get3A_1372 = arith.constant 192 : i32
      %get3A_1373 = arith.index_cast %get3A_1371 : i32 to index
      %get3A_1374 = arith.index_cast %get3A_1372 : i32 to index
      %get3A_1375 = arith.constant 32 : index
      %get3A_1376 = tpu.vector_load %arg7[%get3A_1373, %get3A_1374, %get3A_1375] {strides = array<i32>} : memref<4x208x64xf32, #tpu.memory_space<vmem>>, vector<1x1x16xf32>,
      %get3A_1377 = vector.shape_cast %get3A_1376 : vector<1x1x16xf32> to vector<16xf32>
      %mul3A_1378 = vector.broadcast %squeeze3A_1350 : f32 to vector<16xf32>
      %mul3A_1379 = arith.mulf %mul3A_1378, %get3A_1377 : vector<16xf32>
      %add3A_1380 = arith.addf %scan3A_1327#2, %mul3A_1379 : vector<16xf32>
      %get3A_1381 = arith.constant 3 : i32
      %get3A_1382 = arith.constant 192 : i32
      %get3A_1383 = arith.index_cast %get3A_1381 : i32 to index
      %get3A_1384 = arith.index_cast %get3A_1382 : i32 to index
      %get3A_1385 = arith.constant 48 : index
      %get3A_1386 = tpu.vector_load %arg7[%get3A_1383, %get3A_1384, %get3A_1385] {strides = array<i32>} : memref<4x208x64xf32, #tpu.memory_space<vmem>>, vector<1x1x16xf32>,
      %get3A_1387 = vector.shape_cast %get3A_1386 : vector<1x1x16xf32> to vector<16xf32>
      %mul3A_1388 = vector.broadcast %squeeze3A_1350 : f32 to vector<16xf32>
      %mul3A_1389 = arith.mulf %mul3A_1388, %get3A_1387 : vector<16xf32>
      %add3A_1390 = arith.addf %scan3A_1327#3, %mul3A_1389 : vector<16xf32>
      %slice3A_1391 = vector.extract_strided_slice %select_n3A_1348 {offsets = [1], sizes = [1], strides = [1]} : vector<16xf32> to vector<1xf32>
      %squeeze3A_1392 = vector.extract %slice3A_1391[0] : f32 from vector<1xf32>
      %get3A_1393 = arith.constant 3 : i32
      %get3A_1394 = arith.constant 193 : i32
      %get3A_1395 = arith.index_cast %get3A_1393 : i32 to index
      %get3A_1396 = arith.index_cast %get3A_1394 : i32 to index
      %get3A_1397 = arith.constant 0 : index
      %get3A_1398 = tpu.vector_load %arg7[%get3A_1395, %get3A_1396, %get3A_1397] {strides = array<i32>} : memref<4x208x64xf32, #tpu.memory_space<vmem>>, vector<1x1x16xf32>,
      %get3A_1399 = vector.shape_cast %get3A_1398 : vector<1x1x16xf32> to vector<16xf32>
      %mul3A_1400 = vector.broadcast %squeeze3A_1392 : f32 to vector<16xf32>
      %mul3A_1401 = arith.mulf %mul3A_1400, %get3A_1399 : vector<16xf32>
      %add3A_1402 = arith.addf %add3A_1360, %mul3A_1401 : vector<16xf32>
      %get3A_1403 = arith.constant 3 : i32
      %get3A_1404 = arith.constant 193 : i32
      %get3A_1405 = arith.index_cast %get3A_1403 : i32 to index
      %get3A_1406 = arith.index_cast %get3A_1404 : i32 to index
      %get3A_1407 = arith.constant 16 : index
      %get3A_1408 = tpu.vector_load %arg7[%get3A_1405, %get3A_1406, %get3A_1407] {strides = array<i32>} : memref<4x208x64xf32, #tpu.memory_space<vmem>>, vector<1x1x16xf32>,
      %get3A_1409 = vector.shape_cast %get3A_1408 : vector<1x1x16xf32> to vector<16xf32>
      %mul3A_1410 = vector.broadcast %squeeze3A_1392 : f32 to vector<16xf32>
      %mul3A_1411 = arith.mulf %mul3A_1410, %get3A_1409 : vector<16xf32>
      %add3A_1412 = arith.addf %add3A_1370, %mul3A_1411 : vector<16xf32>
      %get3A_1413 = arith.constant 3 : i32
      %get3A_1414 = arith.constant 193 : i32
      %get3A_1415 = arith.index_cast %get3A_1413 : i32 to index
      %get3A_1416 = arith.index_cast %get3A_1414 : i32 to index
      %get3A_1417 = arith.constant 32 : index
      %get3A_1418 = tpu.vector_load %arg7[%get3A_1415, %get3A_1416, %get3A_1417] {strides = array<i32>} : memref<4x208x64xf32, #tpu.memory_space<vmem>>, vector<1x1x16xf32>,
      %get3A_1419 = vector.shape_cast %get3A_1418 : vector<1x1x16xf32> to vector<16xf32>
      %mul3A_1420 = vector.broadcast %squeeze3A_1392 : f32 to vector<16xf32>
      %mul3A_1421 = arith.mulf %mul3A_1420, %get3A_1419 : vector<16xf32>
      %add3A_1422 = arith.addf %add3A_1380, %mul3A_1421 : vector<16xf32>
      %get3A_1423 = arith.constant 3 : i32
      %get3A_1424 = arith.constant 193 : i32
      %get3A_1425 = arith.index_cast %get3A_1423 : i32 to index
      %get3A_1426 = arith.index_cast %get3A_1424 : i32 to index
      %get3A_1427 = arith.constant 48 : index
      %get3A_1428 = tpu.vector_load %arg7[%get3A_1425, %get3A_1426, %get3A_1427] {strides = array<i32>} : memref<4x208x64xf32, #tpu.memory_space<vmem>>, vector<1x1x16xf32>,
      %get3A_1429 = vector.shape_cast %get3A_1428 : vector<1x1x16xf32> to vector<16xf32>
      %mul3A_1430 = vector.broadcast %squeeze3A_1392 : f32 to vector<16xf32>
      %mul3A_1431 = arith.mulf %mul3A_1430, %get3A_1429 : vector<16xf32>
      %add3A_1432 = arith.addf %add3A_1390, %mul3A_1431 : vector<16xf32>
      %slice3A_1433 = vector.extract_strided_slice %select_n3A_1348 {offsets = [2], sizes = [1], strides = [1]} : vector<16xf32> to vector<1xf32>
      %squeeze3A_1434 = vector.extract %slice3A_1433[0] : f32 from vector<1xf32>
      %get3A_1435 = arith.constant 3 : i32
      %get3A_1436 = arith.constant 194 : i32
      %get3A_1437 = arith.index_cast %get3A_1435 : i32 to index
      %get3A_1438 = arith.index_cast %get3A_1436 : i32 to index
      %get3A_1439 = arith.constant 0 : index
      %get3A_1440 = tpu.vector_load %arg7[%get3A_1437, %get3A_1438, %get3A_1439] {strides = array<i32>} : memref<4x208x64xf32, #tpu.memory_space<vmem>>, vector<1x1x16xf32>,
      %get3A_1441 = vector.shape_cast %get3A_1440 : vector<1x1x16xf32> to vector<16xf32>
      %mul3A_1442 = vector.broadcast %squeeze3A_1434 : f32 to vector<16xf32>
      %mul3A_1443 = arith.mulf %mul3A_1442, %get3A_1441 : vector<16xf32>
      %add3A_1444 = arith.addf %add3A_1402, %mul3A_1443 : vector<16xf32>
      %get3A_1445 = arith.constant 3 : i32
      %get3A_1446 = arith.constant 194 : i32
      %get3A_1447 = arith.index_cast %get3A_1445 : i32 to index
      %get3A_1448 = arith.index_cast %get3A_1446 : i32 to index
      %get3A_1449 = arith.constant 16 : index
      %get3A_1450 = tpu.vector_load %arg7[%get3A_1447, %get3A_1448, %get3A_1449] {strides = array<i32>} : memref<4x208x64xf32, #tpu.memory_space<vmem>>, vector<1x1x16xf32>,
      %get3A_1451 = vector.shape_cast %get3A_1450 : vector<1x1x16xf32> to vector<16xf32>
      %mul3A_1452 = vector.broadcast %squeeze3A_1434 : f32 to vector<16xf32>
      %mul3A_1453 = arith.mulf %mul3A_1452, %get3A_1451 : vector<16xf32>
      %add3A_1454 = arith.addf %add3A_1412, %mul3A_1453 : vector<16xf32>
      %get3A_1455 = arith.constant 3 : i32
      %get3A_1456 = arith.constant 194 : i32
      %get3A_1457 = arith.index_cast %get3A_1455 : i32 to index
      %get3A_1458 = arith.index_cast %get3A_1456 : i32 to index
      %get3A_1459 = arith.constant 32 : index
      %get3A_1460 = tpu.vector_load %arg7[%get3A_1457, %get3A_1458, %get3A_1459] {strides = array<i32>} : memref<4x208x64xf32, #tpu.memory_space<vmem>>, vector<1x1x16xf32>,
      %get3A_1461 = vector.shape_cast %get3A_1460 : vector<1x1x16xf32> to vector<16xf32>
      %mul3A_1462 = vector.broadcast %squeeze3A_1434 : f32 to vector<16xf32>
      %mul3A_1463 = arith.mulf %mul3A_1462, %get3A_1461 : vector<16xf32>
      %add3A_1464 = arith.addf %add3A_1422, %mul3A_1463 : vector<16xf32>
      %get3A_1465 = arith.constant 3 : i32
      %get3A_1466 = arith.constant 194 : i32
      %get3A_1467 = arith.index_cast %get3A_1465 : i32 to index
      %get3A_1468 = arith.index_cast %get3A_1466 : i32 to index
      %get3A_1469 = arith.constant 48 : index
      %get3A_1470 = tpu.vector_load %arg7[%get3A_1467, %get3A_1468, %get3A_1469] {strides = array<i32>} : memref<4x208x64xf32, #tpu.memory_space<vmem>>, vector<1x1x16xf32>,
      %get3A_1471 = vector.shape_cast %get3A_1470 : vector<1x1x16xf32> to vector<16xf32>
      %mul3A_1472 = vector.broadcast %squeeze3A_1434 : f32 to vector<16xf32>
      %mul3A_1473 = arith.mulf %mul3A_1472, %get3A_1471 : vector<16xf32>
      %add3A_1474 = arith.addf %add3A_1432, %mul3A_1473 : vector<16xf32>
      %slice3A_1475 = vector.extract_strided_slice %select_n3A_1348 {offsets = [3], sizes = [1], strides = [1]} : vector<16xf32> to vector<1xf32>
      %squeeze3A_1476 = vector.extract %slice3A_1475[0] : f32 from vector<1xf32>
      %get3A_1477 = arith.constant 3 : i32
      %get3A_1478 = arith.constant 195 : i32
      %get3A_1479 = arith.index_cast %get3A_1477 : i32 to index
      %get3A_1480 = arith.index_cast %get3A_1478 : i32 to index
      %get3A_1481 = arith.constant 0 : index
      %get3A_1482 = tpu.vector_load %arg7[%get3A_1479, %get3A_1480, %get3A_1481] {strides = array<i32>} : memref<4x208x64xf32, #tpu.memory_space<vmem>>, vector<1x1x16xf32>,
      %get3A_1483 = vector.shape_cast %get3A_1482 : vector<1x1x16xf32> to vector<16xf32>
      %mul3A_1484 = vector.broadcast %squeeze3A_1476 : f32 to vector<16xf32>
      %mul3A_1485 = arith.mulf %mul3A_1484, %get3A_1483 : vector<16xf32>
      %add3A_1486 = arith.addf %add3A_1444, %mul3A_1485 : vector<16xf32>
      %get3A_1487 = arith.constant 3 : i32
      %get3A_1488 = arith.constant 195 : i32
      %get3A_1489 = arith.index_cast %get3A_1487 : i32 to index
      %get3A_1490 = arith.index_cast %get3A_1488 : i32 to index
      %get3A_1491 = arith.constant 16 : index
      %get3A_1492 = tpu.vector_load %arg7[%get3A_1489, %get3A_1490, %get3A_1491] {strides = array<i32>} : memref<4x208x64xf32, #tpu.memory_space<vmem>>, vector<1x1x16xf32>,
      %get3A_1493 = vector.shape_cast %get3A_1492 : vector<1x1x16xf32> to vector<16xf32>
      %mul3A_1494 = vector.broadcast %squeeze3A_1476 : f32 to vector<16xf32>
      %mul3A_1495 = arith.mulf %mul3A_1494, %get3A_1493 : vector<16xf32>
      %add3A_1496 = arith.addf %add3A_1454, %mul3A_1495 : vector<16xf32>
      %get3A_1497 = arith.constant 3 : i32
      %get3A_1498 = arith.constant 195 : i32
      %get3A_1499 = arith.index_cast %get3A_1497 : i32 to index
      %get3A_1500 = arith.index_cast %get3A_1498 : i32 to index
      %get3A_1501 = arith.constant 32 : index
      %get3A_1502 = tpu.vector_load %arg7[%get3A_1499, %get3A_1500, %get3A_1501] {strides = array<i32>} : memref<4x208x64xf32, #tpu.memory_space<vmem>>, vector<1x1x16xf32>,
      %get3A_1503 = vector.shape_cast %get3A_1502 : vector<1x1x16xf32> to vector<16xf32>
      %mul3A_1504 = vector.broadcast %squeeze3A_1476 : f32 to vector<16xf32>
      %mul3A_1505 = arith.mulf %mul3A_1504, %get3A_1503 : vector<16xf32>
      %add3A_1506 = arith.addf %add3A_1464, %mul3A_1505 : vector<16xf32>
      %get3A_1507 = arith.constant 3 : i32
      %get3A_1508 = arith.constant 195 : i32
      %get3A_1509 = arith.index_cast %get3A_1507 : i32 to index
      %get3A_1510 = arith.index_cast %get3A_1508 : i32 to index
      %get3A_1511 = arith.constant 48 : index
      %get3A_1512 = tpu.vector_load %arg7[%get3A_1509, %get3A_1510, %get3A_1511] {strides = array<i32>} : memref<4x208x64xf32, #tpu.memory_space<vmem>>, vector<1x1x16xf32>,
      %get3A_1513 = vector.shape_cast %get3A_1512 : vector<1x1x16xf32> to vector<16xf32>
      %mul3A_1514 = vector.broadcast %squeeze3A_1476 : f32 to vector<16xf32>
      %mul3A_1515 = arith.mulf %mul3A_1514, %get3A_1513 : vector<16xf32>
      %add3A_1516 = arith.addf %add3A_1474, %mul3A_1515 : vector<16xf32>
      %slice3A_1517 = vector.extract_strided_slice %select_n3A_1348 {offsets = [4], sizes = [1], strides = [1]} : vector<16xf32> to vector<1xf32>
      %squeeze3A_1518 = vector.extract %slice3A_1517[0] : f32 from vector<1xf32>
      %get3A_1519 = arith.constant 3 : i32
      %get3A_1520 = arith.constant 196 : i32
      %get3A_1521 = arith.index_cast %get3A_1519 : i32 to index
      %get3A_1522 = arith.index_cast %get3A_1520 : i32 to index
      %get3A_1523 = arith.constant 0 : index
      %get3A_1524 = tpu.vector_load %arg7[%get3A_1521, %get3A_1522, %get3A_1523] {strides = array<i32>} : memref<4x208x64xf32, #tpu.memory_space<vmem>>, vector<1x1x16xf32>,
      %get3A_1525 = vector.shape_cast %get3A_1524 : vector<1x1x16xf32> to vector<16xf32>
      %mul3A_1526 = vector.broadcast %squeeze3A_1518 : f32 to vector<16xf32>
      %mul3A_1527 = arith.mulf %mul3A_1526, %get3A_1525 : vector<16xf32>
      %add3A_1528 = arith.addf %add3A_1486, %mul3A_1527 : vector<16xf32>
      %get3A_1529 = arith.constant 3 : i32
      %get3A_1530 = arith.constant 196 : i32
      %get3A_1531 = arith.index_cast %get3A_1529 : i32 to index
      %get3A_1532 = arith.index_cast %get3A_1530 : i32 to index
      %get3A_1533 = arith.constant 16 : index
      %get3A_1534 = tpu.vector_load %arg7[%get3A_1531, %get3A_1532, %get3A_1533] {strides = array<i32>} : memref<4x208x64xf32, #tpu.memory_space<vmem>>, vector<1x1x16xf32>,
      %get3A_1535 = vector.shape_cast %get3A_1534 : vector<1x1x16xf32> to vector<16xf32>
      %mul3A_1536 = vector.broadcast %squeeze3A_1518 : f32 to vector<16xf32>
      %mul3A_1537 = arith.mulf %mul3A_1536, %get3A_1535 : vector<16xf32>
      %add3A_1538 = arith.addf %add3A_1496, %mul3A_1537 : vector<16xf32>
      %get3A_1539 = arith.constant 3 : i32
      %get3A_1540 = arith.constant 196 : i32
      %get3A_1541 = arith.index_cast %get3A_1539 : i32 to index
      %get3A_1542 = arith.index_cast %get3A_1540 : i32 to index
      %get3A_1543 = arith.constant 32 : index
      %get3A_1544 = tpu.vector_load %arg7[%get3A_1541, %get3A_1542, %get3A_1543] {strides = array<i32>} : memref<4x208x64xf32, #tpu.memory_space<vmem>>, vector<1x1x16xf32>,
      %get3A_1545 = vector.shape_cast %get3A_1544 : vector<1x1x16xf32> to vector<16xf32>
      %mul3A_1546 = vector.broadcast %squeeze3A_1518 : f32 to vector<16xf32>
      %mul3A_1547 = arith.mulf %mul3A_1546, %get3A_1545 : vector<16xf32>
      %add3A_1548 = arith.addf %add3A_1506, %mul3A_1547 : vector<16xf32>
      %get3A_1549 = arith.constant 3 : i32
      %get3A_1550 = arith.constant 196 : i32
      %get3A_1551 = arith.index_cast %get3A_1549 : i32 to index
      %get3A_1552 = arith.index_cast %get3A_1550 : i32 to index
      %get3A_1553 = arith.constant 48 : index
      %get3A_1554 = tpu.vector_load %arg7[%get3A_1551, %get3A_1552, %get3A_1553] {strides = array<i32>} : memref<4x208x64xf32, #tpu.memory_space<vmem>>, vector<1x1x16xf32>,
      %get3A_1555 = vector.shape_cast %get3A_1554 : vector<1x1x16xf32> to vector<16xf32>
      %mul3A_1556 = vector.broadcast %squeeze3A_1518 : f32 to vector<16xf32>
      %mul3A_1557 = arith.mulf %mul3A_1556, %get3A_1555 : vector<16xf32>
      %add3A_1558 = arith.addf %add3A_1516, %mul3A_1557 : vector<16xf32>
      %slice3A_1559 = vector.extract_strided_slice %select_n3A_1348 {offsets = [5], sizes = [1], strides = [1]} : vector<16xf32> to vector<1xf32>
      %squeeze3A_1560 = vector.extract %slice3A_1559[0] : f32 from vector<1xf32>
      %get3A_1561 = arith.constant 3 : i32
      %get3A_1562 = arith.constant 197 : i32
      %get3A_1563 = arith.index_cast %get3A_1561 : i32 to index
      %get3A_1564 = arith.index_cast %get3A_1562 : i32 to index
      %get3A_1565 = arith.constant 0 : index
      %get3A_1566 = tpu.vector_load %arg7[%get3A_1563, %get3A_1564, %get3A_1565] {strides = array<i32>} : memref<4x208x64xf32, #tpu.memory_space<vmem>>, vector<1x1x16xf32>,
      %get3A_1567 = vector.shape_cast %get3A_1566 : vector<1x1x16xf32> to vector<16xf32>
      %mul3A_1568 = vector.broadcast %squeeze3A_1560 : f32 to vector<16xf32>
      %mul3A_1569 = arith.mulf %mul3A_1568, %get3A_1567 : vector<16xf32>
      %add3A_1570 = arith.addf %add3A_1528, %mul3A_1569 : vector<16xf32>
      %get3A_1571 = arith.constant 3 : i32
      %get3A_1572 = arith.constant 197 : i32
      %get3A_1573 = arith.index_cast %get3A_1571 : i32 to index
      %get3A_1574 = arith.index_cast %get3A_1572 : i32 to index
      %get3A_1575 = arith.constant 16 : index
      %get3A_1576 = tpu.vector_load %arg7[%get3A_1573, %get3A_1574, %get3A_1575] {strides = array<i32>} : memref<4x208x64xf32, #tpu.memory_space<vmem>>, vector<1x1x16xf32>,
      %get3A_1577 = vector.shape_cast %get3A_1576 : vector<1x1x16xf32> to vector<16xf32>
      %mul3A_1578 = vector.broadcast %squeeze3A_1560 : f32 to vector<16xf32>
      %mul3A_1579 = arith.mulf %mul3A_1578, %get3A_1577 : vector<16xf32>
      %add3A_1580 = arith.addf %add3A_1538, %mul3A_1579 : vector<16xf32>
      %get3A_1581 = arith.constant 3 : i32
      %get3A_1582 = arith.constant 197 : i32
      %get3A_1583 = arith.index_cast %get3A_1581 : i32 to index
      %get3A_1584 = arith.index_cast %get3A_1582 : i32 to index
      %get3A_1585 = arith.constant 32 : index
      %get3A_1586 = tpu.vector_load %arg7[%get3A_1583, %get3A_1584, %get3A_1585] {strides = array<i32>} : memref<4x208x64xf32, #tpu.memory_space<vmem>>, vector<1x1x16xf32>,
      %get3A_1587 = vector.shape_cast %get3A_1586 : vector<1x1x16xf32> to vector<16xf32>
      %mul3A_1588 = vector.broadcast %squeeze3A_1560 : f32 to vector<16xf32>
      %mul3A_1589 = arith.mulf %mul3A_1588, %get3A_1587 : vector<16xf32>
      %add3A_1590 = arith.addf %add3A_1548, %mul3A_1589 : vector<16xf32>
      %get3A_1591 = arith.constant 3 : i32
      %get3A_1592 = arith.constant 197 : i32
      %get3A_1593 = arith.index_cast %get3A_1591 : i32 to index
      %get3A_1594 = arith.index_cast %get3A_1592 : i32 to index
      %get3A_1595 = arith.constant 48 : index
      %get3A_1596 = tpu.vector_load %arg7[%get3A_1593, %get3A_1594, %get3A_1595] {strides = array<i32>} : memref<4x208x64xf32, #tpu.memory_space<vmem>>, vector<1x1x16xf32>,
      %get3A_1597 = vector.shape_cast %get3A_1596 : vector<1x1x16xf32> to vector<16xf32>
      %mul3A_1598 = vector.broadcast %squeeze3A_1560 : f32 to vector<16xf32>
      %mul3A_1599 = arith.mulf %mul3A_1598, %get3A_1597 : vector<16xf32>
      %add3A_1600 = arith.addf %add3A_1558, %mul3A_1599 : vector<16xf32>
      %slice3A_1601 = vector.extract_strided_slice %select_n3A_1348 {offsets = [6], sizes = [1], strides = [1]} : vector<16xf32> to vector<1xf32>
      %squeeze3A_1602 = vector.extract %slice3A_1601[0] : f32 from vector<1xf32>
      %get3A_1603 = arith.constant 3 : i32
      %get3A_1604 = arith.constant 198 : i32
      %get3A_1605 = arith.index_cast %get3A_1603 : i32 to index
      %get3A_1606 = arith.index_cast %get3A_1604 : i32 to index
      %get3A_1607 = arith.constant 0 : index
      %get3A_1608 = tpu.vector_load %arg7[%get3A_1605, %get3A_1606, %get3A_1607] {strides = array<i32>} : memref<4x208x64xf32, #tpu.memory_space<vmem>>, vector<1x1x16xf32>,
      %get3A_1609 = vector.shape_cast %get3A_1608 : vector<1x1x16xf32> to vector<16xf32>
      %mul3A_1610 = vector.broadcast %squeeze3A_1602 : f32 to vector<16xf32>
      %mul3A_1611 = arith.mulf %mul3A_1610, %get3A_1609 : vector<16xf32>
      %add3A_1612 = arith.addf %add3A_1570, %mul3A_1611 : vector<16xf32>
      %get3A_1613 = arith.constant 3 : i32
      %get3A_1614 = arith.constant 198 : i32
      %get3A_1615 = arith.index_cast %get3A_1613 : i32 to index
      %get3A_1616 = arith.index_cast %get3A_1614 : i32 to index
      %get3A_1617 = arith.constant 16 : index
      %get3A_1618 = tpu.vector_load %arg7[%get3A_1615, %get3A_1616, %get3A_1617] {strides = array<i32>} : memref<4x208x64xf32, #tpu.memory_space<vmem>>, vector<1x1x16xf32>,
      %get3A_1619 = vector.shape_cast %get3A_1618 : vector<1x1x16xf32> to vector<16xf32>
      %mul3A_1620 = vector.broadcast %squeeze3A_1602 : f32 to vector<16xf32>
      %mul3A_1621 = arith.mulf %mul3A_1620, %get3A_1619 : vector<16xf32>
      %add3A_1622 = arith.addf %add3A_1580, %mul3A_1621 : vector<16xf32>
      %get3A_1623 = arith.constant 3 : i32
      %get3A_1624 = arith.constant 198 : i32
      %get3A_1625 = arith.index_cast %get3A_1623 : i32 to index
      %get3A_1626 = arith.index_cast %get3A_1624 : i32 to index
      %get3A_1627 = arith.constant 32 : index
      %get3A_1628 = tpu.vector_load %arg7[%get3A_1625, %get3A_1626, %get3A_1627] {strides = array<i32>} : memref<4x208x64xf32, #tpu.memory_space<vmem>>, vector<1x1x16xf32>,
      %get3A_1629 = vector.shape_cast %get3A_1628 : vector<1x1x16xf32> to vector<16xf32>
      %mul3A_1630 = vector.broadcast %squeeze3A_1602 : f32 to vector<16xf32>
      %mul3A_1631 = arith.mulf %mul3A_1630, %get3A_1629 : vector<16xf32>
      %add3A_1632 = arith.addf %add3A_1590, %mul3A_1631 : vector<16xf32>
      %get3A_1633 = arith.constant 3 : i32
      %get3A_1634 = arith.constant 198 : i32
      %get3A_1635 = arith.index_cast %get3A_1633 : i32 to index
      %get3A_1636 = arith.index_cast %get3A_1634 : i32 to index
      %get3A_1637 = arith.constant 48 : index
      %get3A_1638 = tpu.vector_load %arg7[%get3A_1635, %get3A_1636, %get3A_1637] {strides = array<i32>} : memref<4x208x64xf32, #tpu.memory_space<vmem>>, vector<1x1x16xf32>,
      %get3A_1639 = vector.shape_cast %get3A_1638 : vector<1x1x16xf32> to vector<16xf32>
      %mul3A_1640 = vector.broadcast %squeeze3A_1602 : f32 to vector<16xf32>
      %mul3A_1641 = arith.mulf %mul3A_1640, %get3A_1639 : vector<16xf32>
      %add3A_1642 = arith.addf %add3A_1600, %mul3A_1641 : vector<16xf32>
      %slice3A_1643 = vector.extract_strided_slice %select_n3A_1348 {offsets = [7], sizes = [1], strides = [1]} : vector<16xf32> to vector<1xf32>
      %squeeze3A_1644 = vector.extract %slice3A_1643[0] : f32 from vector<1xf32>
      %get3A_1645 = arith.constant 3 : i32
      %get3A_1646 = arith.constant 199 : i32
      %get3A_1647 = arith.index_cast %get3A_1645 : i32 to index
      %get3A_1648 = arith.index_cast %get3A_1646 : i32 to index
      %get3A_1649 = arith.constant 0 : index
      %get3A_1650 = tpu.vector_load %arg7[%get3A_1647, %get3A_1648, %get3A_1649] {strides = array<i32>} : memref<4x208x64xf32, #tpu.memory_space<vmem>>, vector<1x1x16xf32>,
      %get3A_1651 = vector.shape_cast %get3A_1650 : vector<1x1x16xf32> to vector<16xf32>
      %mul3A_1652 = vector.broadcast %squeeze3A_1644 : f32 to vector<16xf32>
      %mul3A_1653 = arith.mulf %mul3A_1652, %get3A_1651 : vector<16xf32>
      %add3A_1654 = arith.addf %add3A_1612, %mul3A_1653 : vector<16xf32>
      %get3A_1655 = arith.constant 3 : i32
      %get3A_1656 = arith.constant 199 : i32
      %get3A_1657 = arith.index_cast %get3A_1655 : i32 to index
      %get3A_1658 = arith.index_cast %get3A_1656 : i32 to index
      %get3A_1659 = arith.constant 16 : index
      %get3A_1660 = tpu.vector_load %arg7[%get3A_1657, %get3A_1658, %get3A_1659] {strides = array<i32>} : memref<4x208x64xf32, #tpu.memory_space<vmem>>, vector<1x1x16xf32>,
      %get3A_1661 = vector.shape_cast %get3A_1660 : vector<1x1x16xf32> to vector<16xf32>
      %mul3A_1662 = vector.broadcast %squeeze3A_1644 : f32 to vector<16xf32>
      %mul3A_1663 = arith.mulf %mul3A_1662, %get3A_1661 : vector<16xf32>
      %add3A_1664 = arith.addf %add3A_1622, %mul3A_1663 : vector<16xf32>
      %get3A_1665 = arith.constant 3 : i32
      %get3A_1666 = arith.constant 199 : i32
      %get3A_1667 = arith.index_cast %get3A_1665 : i32 to index
      %get3A_1668 = arith.index_cast %get3A_1666 : i32 to index
      %get3A_1669 = arith.constant 32 : index
      %get3A_1670 = tpu.vector_load %arg7[%get3A_1667, %get3A_1668, %get3A_1669] {strides = array<i32>} : memref<4x208x64xf32, #tpu.memory_space<vmem>>, vector<1x1x16xf32>,
      %get3A_1671 = vector.shape_cast %get3A_1670 : vector<1x1x16xf32> to vector<16xf32>
      %mul3A_1672 = vector.broadcast %squeeze3A_1644 : f32 to vector<16xf32>
      %mul3A_1673 = arith.mulf %mul3A_1672, %get3A_1671 : vector<16xf32>
      %add3A_1674 = arith.addf %add3A_1632, %mul3A_1673 : vector<16xf32>
      %get3A_1675 = arith.constant 3 : i32
      %get3A_1676 = arith.constant 199 : i32
      %get3A_1677 = arith.index_cast %get3A_1675 : i32 to index
      %get3A_1678 = arith.index_cast %get3A_1676 : i32 to index
      %get3A_1679 = arith.constant 48 : index
      %get3A_1680 = tpu.vector_load %arg7[%get3A_1677, %get3A_1678, %get3A_1679] {strides = array<i32>} : memref<4x208x64xf32, #tpu.memory_space<vmem>>, vector<1x1x16xf32>,
      %get3A_1681 = vector.shape_cast %get3A_1680 : vector<1x1x16xf32> to vector<16xf32>
      %mul3A_1682 = vector.broadcast %squeeze3A_1644 : f32 to vector<16xf32>
      %mul3A_1683 = arith.mulf %mul3A_1682, %get3A_1681 : vector<16xf32>
      %add3A_1684 = arith.addf %add3A_1642, %mul3A_1683 : vector<16xf32>
      %swap3A_1685 = arith.index_cast %add3A_1290 : i32 to index
      %swap3A_1686 = arith.constant 0 : index
      %swap3A_1687 = tpu.vector_load %arg9[%swap3A_1685, %swap3A_1686] {strides = array<i32>} : memref<128x64xf32, #tpu.memory_space<vmem>>, vector<1x16xf32>,
      %swap3A_1688 = vector.shape_cast %swap3A_1687 : vector<1x16xf32> to vector<16xf32>
      %swap3A_1689 = vector.shape_cast %add3A_1654 : vector<16xf32> to vector<1x16xf32>
      tpu.vector_store %arg9[%swap3A_1685, %swap3A_1686], %swap3A_1689 {strides = array<i32>} : memref<128x64xf32, #tpu.memory_space<vmem>>, vector<1x16xf32>,
      %swap3A_1690 = arith.index_cast %add3A_1290 : i32 to index
      %swap3A_1691 = arith.constant 16 : index
      %swap3A_1692 = tpu.vector_load %arg9[%swap3A_1690, %swap3A_1691] {strides = array<i32>} : memref<128x64xf32, #tpu.memory_space<vmem>>, vector<1x16xf32>,
      %swap3A_1693 = vector.shape_cast %swap3A_1692 : vector<1x16xf32> to vector<16xf32>
      %swap3A_1694 = vector.shape_cast %add3A_1664 : vector<16xf32> to vector<1x16xf32>
      tpu.vector_store %arg9[%swap3A_1690, %swap3A_1691], %swap3A_1694 {strides = array<i32>} : memref<128x64xf32, #tpu.memory_space<vmem>>, vector<1x16xf32>,
      %swap3A_1695 = arith.index_cast %add3A_1290 : i32 to index
      %swap3A_1696 = arith.constant 32 : index
      %swap3A_1697 = tpu.vector_load %arg9[%swap3A_1695, %swap3A_1696] {strides = array<i32>} : memref<128x64xf32, #tpu.memory_space<vmem>>, vector<1x16xf32>,
      %swap3A_1698 = vector.shape_cast %swap3A_1697 : vector<1x16xf32> to vector<16xf32>
      %swap3A_1699 = vector.shape_cast %add3A_1674 : vector<16xf32> to vector<1x16xf32>
      tpu.vector_store %arg9[%swap3A_1695, %swap3A_1696], %swap3A_1699 {strides = array<i32>} : memref<128x64xf32, #tpu.memory_space<vmem>>, vector<1x16xf32>,
      %swap3A_1700 = arith.index_cast %add3A_1290 : i32 to index
      %swap3A_1701 = arith.constant 48 : index
      %swap3A_1702 = tpu.vector_load %arg9[%swap3A_1700, %swap3A_1701] {strides = array<i32>} : memref<128x64xf32, #tpu.memory_space<vmem>>, vector<1x16xf32>,
      %swap3A_1703 = vector.shape_cast %swap3A_1702 : vector<1x16xf32> to vector<16xf32>
      %swap3A_1704 = vector.shape_cast %add3A_1684 : vector<16xf32> to vector<1x16xf32>
      tpu.vector_store %arg9[%swap3A_1700, %swap3A_1701], %swap3A_1704 {strides = array<i32>} : memref<128x64xf32, #tpu.memory_space<vmem>>, vector<1x16xf32>,
    }
    %scan3A_41 = arith.constant 32 : i32
    %mul3A_42 = arith.constant 128 : i32
    %mul3A_43 = arith.muli %add3A, %mul3A_42 : i32
    "tpu.region"() ({
      %run_scoped3A = tpu.sem_alloc : memref<!tpu.dma_semaphore, #tpu.memory_space<semaphore_mem>>
      %dma_start3A_44 = arith.constant 0 : i32
      %dma_start3A_45 = tpu.memref_slice %arg5[%mul3A_43, %dma_start3A_44] : memref<4096x64xf32, #tpu.memory_space<hbm>> -> memref<128x64xf32, #tpu.memory_space<hbm>>
      %dma_start3A_46 = arith.constant 0 : i32
      %dma_start3A_47 = tpu.memref_slice %arg5[%mul3A_43, %dma_start3A_46] : memref<4096x64xf32, #tpu.memory_space<hbm>> -> memref<128x64xf32, #tpu.memory_space<hbm>>
      tpu.enqueue_dma source(%arg9 : memref<128x64xf32, #tpu.memory_space<vmem>>) target(%dma_start3A_47 : memref<128x64xf32, #tpu.memory_space<hbm>>) target_semaphore(%run_scoped3A : memref<!tpu.dma_semaphore, #tpu.memory_space<semaphore_mem>>)
      %dma_wait3A_48 = arith.constant 0 : i32
      %dma_wait3A_49 = tpu.memref_slice %arg5[%mul3A_43, %dma_wait3A_48] : memref<4096x64xf32, #tpu.memory_space<hbm>> -> memref<128x64xf32, #tpu.memory_space<hbm>>
      %dma_wait3A_50 = arith.constant 0 : i32
      %dma_wait3A_51 = tpu.memref_slice %arg5[%mul3A_43, %dma_wait3A_50] : memref<4096x64xf32, #tpu.memory_space<hbm>> -> memref<128x64xf32, #tpu.memory_space<hbm>>
      tpu.wait_dma2 semaphore(%run_scoped3A : memref<!tpu.dma_semaphore, #tpu.memory_space<semaphore_mem>>) src(%arg9 : memref<128x64xf32, #tpu.memory_space<vmem>>) dst(%dma_wait3A_51 : memref<128x64xf32, #tpu.memory_space<hbm>>)
      tpu.yield
    }) : () -> ()
    return
  }
}

</mosaic_0001>

<sc_bundles>
// kernel: kernel.3.cloned.1.call-start
scs
__scs_entry_jumppad:
0x0: {  	(pc) =	sbr.rel $0x88, $3  }
0x1: {  	(tag) =	ssettag $0x0;
	lr =	simm.s32 $0x1  }
0x2: {  	[smem:$0x3F9E] =	sst lr;
	_ =	strace $0xD0000000  }
0x3: {  	_ = 	snop  }
0x4: {  	_ = 	snop  }
0x5: {  	_ = 	snop  }
0x6: {  	_ = 	snop  }
0x7: {  	_ = 	snop  }
__scs_overlays_trampoline_lowered:
0x8: {  	[smem:$0x3FAD] =	sst s0  }
0x9: {  	[smem:$0x3FAE] =	sst s1  }
0xa: {  	[smem:$0x3FAF] =	sst s2  }
0xb: {  	[smem:$0x3FB0] =	sst s3  }
0xc: {  	[smem:$0x3FB1] =	sst s4  }
0xd: {  	[smem:$0x3FB2] =	sst s5  }
0xe: {  	[smem:$0x3FB3] =	sst s6  }
0xf: {  	[smem:$0x3FB4] =	sst s7  }
0x10: {  	[smem:$0x3FB5] =	sst s8  }
0x11: {  	[smem:$0x3FB6] =	sst s9;
	s0 =	simm.s32 @!p0 $0x0  }
0x12: {  	s1 =	sld [smem:$0x3F9C];
	s0 =	simm.s32 @p0 $0x1  }
0x13: {  	[smem:$0x3FB7] =	sst s0;
	s0 =	simm.s32 @!p1 $0x0  }
0x14: {  	s2 =	sld [smem:$0x3F9B];
	s0 =	simm.s32 @p1 $0x1  }
0x15: {  	[smem:$0x3FB8] =	sst s0;
	s0 =	simm.s32 @!p2 $0x0  }
0x16: {  	s3 =	sld [smem:$0x3FDB];
	s0 =	simm.s32 @p2 $0x1  }
0x17: {  	s4 =	simm.s32 $0x1BF5;
	[smem:$0x3FBA] =	sst s0  }
0x18: {  	s0 =	sld [smem:$0x3F9D];
	_ =	swait.ge [sflag:s4], $0x0  }
0x19: {  	s7 =	sld [smem:$0x3F9E]  }
0x1a: {  	s8 =	sadd.s32 $0xFFFFE003, lr  }
0x1b: {  	s9 =	sadd.s32 $0xFFFFFEF7, lr;
	s5 =	simm.s32 $0xFFFFFFFF;
	p2 =	slt.u32 s8, $0xFFFFF086  }
0x1c: {  	p1 =	slt.u32 s9, $0xF7A;
	s5 =	simm.s32 @!p2 $0x0  }
0x1d: {  	s5 =	simm.s32 @p1 $0x1;
	p0 =	seq.s32 s7, s2  }
0x1e: {  	s7 =	smul.u32 @!p0 $0xF7A, s2;
	p2 =	seq.s32 @!p0 s5, $0x0  }
0x1f: {  	s9 =	smul.u32 $0xF7A, s1;
	s8 =	simm.s32 @!p0 $0x1BF5;
	p2 =	por !p2, p0  }
0x20: {  	[sflag:s8] =	ssyncset.s32 @!p0 $0xFFFFF086;
	s6 =	sadd.s32 @!p0 s3, s7;
	s7 =	simm.s32 @!p0 $0x108  }
0x21: {  	s3 =	sadd.s32 s3, s9;
	s6 =	sadd.s32 @!p0 $0x88, s6;
	s7 =	simm.s32 @p2 $0x1082  }
0x22: {  	[simem:s7], [sflag:s8] =	dma.local @!p0 [hbm:s6], $0xF7A  }
0x23: {  	s9 =	sor.u32 $0xD0000000, s2;
	s6 =	simm.s32 $0x108;
	_ =	swait.ge @!p0 [sflag:s8], $0x0  }
0x24: {  	s3 =	sadd.s32 $0x88, s3;
	s6 =	simm.s32 @!p1 $0x1082;
	[sflag:s4] =	ssyncset.s32 $0xFFFFF086  }
0x25: {  	[simem:s6], [sflag:s4] =	dma.local [hbm:s3], $0xF7A  }
0x26: {  	[smem:$0x3F9E] =	sst s1;
	(tag) =	ssettag s2;
	_ =	strace s9  }
0x27: {  	s1 =	sld [smem:$0x3FAE]  }
0x28: {  	s2 =	sld [smem:$0x3FAF]  }
0x29: {  	s4 =	sld [smem:$0x3FB1]  }
0x2a: {  	p0 =	seq.s32 s5, $0x0;
	s5 =	sld [smem:$0x3FB2]  }
0x2b: {  	s6 =	sld [smem:$0x3FB3]  }
0x2c: {  	s7 =	sld [smem:$0x3FB4]  }
0x2d: {  	s3 =	simm.s32 $0x108;
	s8 =	sld [smem:$0x3FB5]  }
0x2e: {  	s3 =	simm.s32 @!p0 $0x1082;
	s9 =	sld [smem:$0x3FB6]  }
0x2f: {  	lr =	sadd.s32 s0, s3;
	s0 =	sld [smem:$0x3FAD]  }
0x30: {  	s3 =	sld [smem:$0x3FB0]  }
0x31: {  	[smem:$0x3FB9] =	sst s10  }
0x32: {  	s10 =	sld [smem:$0x3FB7];
	_ =	sdelay $0x3  }
0x33: {  	p0 =	seq.s32 s10, $0x1;
	s10 =	sld [smem:$0x3FB9];
	_ =	sdelay $0x3  }
0x34: {  	[smem:$0x3FB9] =	sst s10  }
0x35: {  	s10 =	sld [smem:$0x3FB8];
	_ =	sdelay $0x3  }
0x36: {  	p1 =	seq.s32 s10, $0x1;
	s10 =	sld [smem:$0x3FB9];
	_ =	sdelay $0x3  }
0x37: {  	[smem:$0x3FB9] =	sst s10  }
0x38: {  	s10 =	sld [smem:$0x3FBA]  }
0x39: {  	_ = 	snop;
	(pc) =	sbr.ind lr, $3  }
0x3a: {  	_ = 	snop  }
0x3b: {  	_ = 	snop  }
0x3c: {  	p2 =	seq.s32 s10, $0x1;
	s10 =	sld [smem:$0x3FB9]  }
0x3d: {  	_ =	shalt  }
0x3e: {  	_ =	shalt  }
0x3f: {  	_ =	shalt  }
0x40: {  	_ =	shalt  }
0x41: {  	_ =	shalt  }
0x42: {  	_ =	shalt  }
0x43: {  	_ =	shalt  }
0x44: {  	_ =	shalt  }
0x45: {  	_ =	shalt  }
0x46: {  	_ =	shalt  }
0x47: {  	_ =	shalt  }
0x48: {  	_ =	shalt  }
0x49: {  	_ =	shalt  }
0x4a: {  	_ =	shalt  }
0x4b: {  	_ =	shalt  }
0x4c: {  	_ =	shalt  }
0x4d: {  	_ =	shalt  }
0x4e: {  	_ =	shalt  }
0x4f: {  	_ =	shalt  }
0x50: {  	_ =	shalt  }
0x51: {  	_ =	shalt  }
0x52: {  	_ =	shalt  }
0x53: {  	_ =	shalt  }
0x54: {  	_ =	shalt  }
0x55: {  	_ =	shalt  }
0x56: {  	_ =	shalt  }
0x57: {  	_ =	shalt  }
0x58: {  	_ =	shalt  }
0x59: {  	_ =	shalt  }
0x5a: {  	_ =	shalt  }
0x5b: {  	_ =	shalt  }
0x5c: {  	_ =	shalt  }
0x5d: {  	_ =	shalt  }
0x5e: {  	_ =	shalt  }
0x5f: {  	_ =	shalt  }
0x60: {  	_ =	shalt  }
0x61: {  	_ =	shalt  }
0x62: {  	_ =	shalt  }
0x63: {  	_ =	shalt  }
0x64: {  	_ =	shalt  }
0x65: {  	_ =	shalt  }
0x66: {  	_ =	shalt  }
0x67: {  	_ =	shalt  }
0x68: {  	_ =	shalt  }
0x69: {  	_ =	shalt  }
0x6a: {  	_ =	shalt  }
0x6b: {  	_ =	shalt  }
0x6c: {  	_ =	shalt  }
0x6d: {  	_ =	shalt  }
0x6e: {  	_ =	shalt  }
0x6f: {  	_ =	shalt  }
0x70: {  	_ =	shalt  }
0x71: {  	_ =	shalt  }
0x72: {  	_ =	shalt  }
0x73: {  	_ =	shalt  }
0x74: {  	_ =	shalt  }
0x75: {  	_ =	shalt  }
0x76: {  	_ =	shalt  }
0x77: {  	_ =	shalt  }
0x78: {  	_ =	shalt  }
0x79: {  	_ =	shalt  }
0x7a: {  	_ =	shalt  }
0x7b: {  	_ =	shalt  }
0x7c: {  	_ =	shalt  }
0x7d: {  	_ =	shalt  }
0x7e: {  	_ =	shalt  }
0x7f: {  	_ =	shalt  }
0x80: {  	_ =	shalt  }
0x81: {  	_ =	shalt  }
0x82: {  	_ =	shalt  }
0x83: {  	_ =	shalt  }
0x84: {  	_ =	shalt  }
0x85: {  	_ =	shalt  }
0x86: {  	_ =	shalt  }
0x87: {  	_ =	shalt  }
.Lfunc_end0:
.L_simem_size_0:
called_computation_lowered:
.L_overlay_start_0:
0x88: {  	s2 =	sld [smem:$0x3FD9]  }
0x89: {  	s3 =	sld [smem:$0x3FFE];
	_ =	sdelay $0x1  }
0x8a: {  	s1 =	srdreg.scid  }
0x8b: {  	s0 =	sand.u32 $0x1, s1  }
0x8c: {  	s17 =	sshll.u32 s0, $0xA;
	s2 =	sadd.s32 s3, s2  }
0x8d: {  	s2 =	sadd.s32 s2, s17  }
0x8e: {  	[smem:$0x3FC5] =	sst s2  }
0x8f: {  	_ = 	snop  }
0x90: {  	s2 =	sld [smem:$0x3FD0];
	(tm) =	ssettm $0x1  }
0x91: {  	s18 =	sld [smem:$0x3FFB];
	_ =	sdelay $0x3  }
0x92: {  	_ =	strace s18  }
0x93: {  	s3 =	sld [smem:$0x3FFC];
	_ =	sdelay $0x3  }
0x94: {  	_ =	strace s3  }
0x95: {  	s3 =	sld [smem:$0x3FFD];
	_ =	sdelay $0x3  }
0x96: {  	_ =	strace s3  }
0x97: {  	_ =	strace $0x8FFFFFFF  }
0x98: {  	s19 =	sld [smem:$0x3FDB];
	_ =	sdelay $0x1  }
0x99: {  	s4 =	simm.s32 $_scs_section_size  }
0x9a: {  	s5 =	simm.s32 $_size__tile_overlayer_lowered;
	s6 =	simm.s32 $_tile_overlayer_lowered  }
0x9b: {  	s22 =	simm.s32 $0x1BFF;
	s21 =	sshll.u32 s6, $0x1;
	s3 =	sadd.s32 s4, s19  }
0x9c: {  	s7 =	simm.s32 $0x0;
	s20 =	sshll.u32 s5, $0x1;
	s5 =	sadd.s32 s21, s3  }
0x9d: {  	[timem:s7], [sflag:s22] =	dma.local [hbm:s5], s20  }
0x9e: {  	_ =	swait.ge [sflag:s22], s20  }
0x9f: {  	s4 =	ssub.s32 $0x0, s20;
	[sflag:s22] =	ssyncset.done $0x0  }
0xa0: {  	[sflag:s22] =	ssyncadd.s32 s4;
	_ =	sdelay $0x1  }
0xa1: {  	s23 =	simm.s32 $0x1B8B  }
0xa2: {  	_ =	swait.ge [sflag:s23], $0x1  }
0xa3: {  	[sflag:s23] =	ssyncset.done $0x0  }
0xa4: {  	s25 =	simm.s32 $0x1B8E;
	s24 =	sld [smem:$0x3FFE];
	[sflag:s23] =	ssyncadd.s32 $0xFFFFFFFF  }
0xa5: {  	s26 =	simm.s32 $execute0_lowered;
	[smem:$0x3FD2] =	sst s25  }
0xa6: {  	s5 =	sshll.u32 s26, $0x1;
	_ =	strace $0x80000046;
	[dreg:$0x1] =	wrdreg $0xFFFFFFFF  }
0xa7: {  	s28 =	simm.s32 $_size_execute0_lowered;
	s3 =	sadd.s32 s3, s5;
	[dreg:$0x0] =	wrdreg $0x0  }
0xa8: {  	s5 =	sshll.u32 s28, $0x1;
	[dreg:$0x2] =	wrdreg s3  }
0xa9: {  	[dreg:$0x3] =	wrdreg s5  }
0xaa: {  	[dreg:$0x4] =	wrdreg $0xC0  }
0xab: {  	_ =	task [dreg:s7], $0x5FFFF  }
0xac: {  	[dreg:$0x1] =	wrdreg $0xFFFFFFFF  }
0xad: {  	[dreg:$0x0] =	wrdreg $0x60  }
0xae: {  	[dreg:$0x2] =	wrdreg s24  }
0xaf: {  	[dreg:$0x3] =	wrdreg s2  }
0xb0: {  	[dreg:$0x4] =	wrdreg $0x9  }
0xb1: {  	_ =	task.clear_ibuf [dreg:s7], $0x5FFFF;
	_ =	strace $0x90000046  }
0xb2: {  	s29 =	simm.s32 $0x9;
	_ =	strace $0x80000048  }
0xb3: {  	_ =	swait.ge [sflag:s29], $0x1  }
0xb4: {  	[sflag:s29] =	ssyncadd.s32 $0xFFFFFFFF  }
0xb5: {  	_ =	strace $0x90000048  }
0xb6: {  	_ =	sfence  }
0xb7: {  	s30 =	sld [smem:$0x0];
	_ =	sdelay $0x2  }
0xb8: {  	s31 =	sshll.u32 s1, $0xD;
	s1 =	sshrl.u32 s1, $0x2  }
0xb9: {  	s3 =	sand.u32 $0x4000, s31;
	s1 =	sadd.s32 s1, s30  }
0xba: {  	s0 =	sor.u32 s3, s0;
	s1 =	sshll.u32 s1, $0x11  }
0xbb: {  	s0 =	sor.u32 s1, s0  }
0xbc: {  	s0 =	sadd.s32 $0x8F2B, s0  }
0xbd: {  	[sflag:s0] =	ssyncadd.remote.s32 $0x1  }
0xbe: {  	_ =	sfence.sel $0xFFFF  }
0xbf: {  	[dreg:$0x0] =	wrdreg $0xFFFFFFFF;
	(pc) =	sbr.abs _section_cstart, $3  }
0xc0: {  	[dreg:$0x1] =	wrdreg $0xFFFFFFFF  }
0xc1: {  	_ =	task.clear_ibuf [dreg:s7], $0x2FFFF;
	_ =	strace $0x9FFFFFFF  }
0xc2: {  	(tm) =	ssettm $0x7FFFFFFF  }
0xc3: {  	_ =	shalt  }
tec
execute0_lowered:
.L_overlay_start_1:
0x0: {  	(tag) =	ssettag $0x1  }
0x1: {  	s0 =	srdreg.scid;
	s1 =	rddreg [dreg:$0x0]  }
0x2: {  	s2 =	stileid.u32;
	s4 =	rddreg [dreg:$0x1]  }
0x3: {  	s8 =	simm.s32 $0x6;
	s12 =	simm.s32 $0x5;
	s13 =	simm.s32 $0xD0  }
0x4: {  	s14 =	simm.s32 $0x10400;
	s15 =	simm.s32 $0x1;
	s16 =	simm.s32 $0x2  }
0x5: {  	s17 =	simm.s32 $0x3;
	s0 =	sand.u32 $0x1, s0;
	s2 =	sshll.u32 s2, $0x1  }
0x6: {  	s18 =	simm.s32 $0x4;
	s20 =	simm.s32 $0x0;
	s6 =	sor.u32 s0, s2  }
0x7: {  	s2 =	simm.s32 $0x0;
	s0 =	ssub.s32 $0x2, s0;
	s3 =	smul.u32 $0xD00, s6  }
0x8: {  	[smem:$0x7FF] =	sst s2;
	s30 =	sshrl.u32 s0, $0x1;
	s31 =	sshll.u32 s6, $0xA  }
0x9: {  	_ =	strace $0x80000047;
	s0 =	ssub.s32 s0, s30;
	s6 =	sadd.s32 s4, s31  }
0xa: {  	s5 =	sadd.s32 s3, s1;
	s3 =	sadd.s32 $0xF42A00, s1;
	s1 =	sadd.s32 $0x1A600, s1  }
0xb: {  	s7 =	smax.u32 s0, $0x1;
	[dreg:$0x3] =	wrdreg s1;
	s5 =	sadd.s32 $0x600, s5  }
.LBB2_1:
0xc: {  	[tilespmem:s2], [sflag:$0x6] =	stream.linear.gather [hbm4b:s5+s2], $0x6800, $0x38;
	[tilespmem:$0x1C000] =	vst v63  }
0xd: {  	_ =	swait.ge [sflag:s8], $0x6800  }
0xe: {  	s21 =	simm.s32 $0x13800;
	[sflag:s8] =	ssyncset.done $0x0  }
0xf: {  	s1 =	simm.s32 $0x6800;
	s0 =	rddreg [dreg:$0x3];
	[sflag:s8] =	ssyncadd.s32 $0xFFFF9800  }
0x10: {  	[tilespmem:s21], [sflag:$0x5] =	stream.indirect.gather [hbm4b:s0+s1], $0x1, s2, s1, $0xb8;
	[tilespmem:$0x1C000] =	vst v63  }
0x11: {  	_ = 	snop  }
0x12: {  	[tilespmem:s1], [sflag:$0x1] =	stream.indirect.gather [hbm4b:s3+s13], $0x40, s2, s13, $0xb8;
	[tilespmem:$0x1C000] =	vst v63  }
0x13: {  	s26 =	simm.s32 $0x9C00  }
0x14: {  	[tilespmem:s26], [sflag:$0x2] =	stream.indirect.gather [hbm4b:s3+s13], $0x40, s13, s13, $0xb8;
	[tilespmem:$0x1C000] =	vst v63  }
0x15: {  	s22 =	simm.s32 $0x1A0;
	s31 =	simm.s32 $0xD000;
	s23 =	simm.s32 $0x138D0  }
0x16: {  	[tilespmem:s31], [sflag:$0x3] =	stream.indirect.gather [hbm4b:s3+s13], $0x40, s22, s13, $0xb8;
	[tilespmem:$0x1C000] =	vst v63  }
0x17: {  	s4 =	simm.s32 $0x139A0;
	s25 =	simm.s32 $0x13A70;
	_ =	swait.ge [sflag:s12], $0x6800  }
0x18: {  	s28 =	simm.s32 $0xD0;
	s29 =	simm.s32 $0x0;
	[sflag:s12] =	ssyncset.done $0x0  }
0x19: {  	s30 =	simm.s32 $0x0;
	s26 =	simm.s32 $0x270;
	[sflag:s12] =	ssyncadd.s32 $0xFFFF9800  }
.LBB2_2:
0x1a: {  	s31 =	sshllo.u32 s30, $0x2  }
0x1b: {  	s0 =	smul.u32 $0x340, s31;
	_ =	sdelay $0x1  }
0x1c: {  	s0 =	sshra.s32 s0, $0x2  }
0x1d: {  	[tilespmem:s14], [sflag:$0x4] =	stream.indirect.gather [hbm4b:s3+s13], $0x40, s0, s13, $0xb8;
	[tilespmem:$0x1C000] =	vst v63  }
0x1e: {  	_ =	swait.ge [sflag:s15], $0x3400  }
0x1f: {  	[sflag:s15] =	ssyncset.done $0x0  }
0x20: {  	s0 =	simm.s32 $0x6A00;
	[sflag:s15] =	ssyncadd.s32 $0xFFFFCC00  }
0x21: {  	v3 =	vld [tilespmem:s0+$0x1C0]  }
0x22: {  	v6 =	vld [tilespmem:s0+$0x1D0]  }
0x23: {  	v7 =	vld [tilespmem:s0+$0x180]  }
0x24: {  	v12 =	vmov s29;
	v9 =	vld [tilespmem:s0+$0x190]  }
0x25: {  	v13 =	vmov s21;
	v10 =	vld [tilespmem:s0+$0x140]  }
0x26: {  	v14 =	vld [tilespmem:s0+$0x150]  }
0x27: {  	v15 =	vld [tilespmem:s0+$0x100]  }
0x28: {  	s1 =	simm.s32 $0x0;
	v18 =	vld [tilespmem:s0+$0x110]  }
0x29: {  	v0 =	vld.idx.msk [tilespmem:v12+s1+$0x0 ss:$0x1], $0xffff  }
0x2a: {  	v1 =	vld.idx.msk [tilespmem:v13+s1+$0x0 ss:$0x1], $0xffff  }
0x2b: {  	v19 =	vld [tilespmem:s0+$0xC0]  }
0x2c: {  	v21 =	vld [tilespmem:s0+$0xD0]  }
0x2d: {  	v22 =	vld [tilespmem:s0+$0x80]  }
0x2e: {  	v28 =	vld [tilespmem:s0+$0x90]  }
0x2f: {  	v36 =	vld [tilespmem:s0+$0x40];
	vm0 =	veq.s32 v0, $0x0  }
0x30: {  	v38 =	vld [tilespmem:s0+$0x50];
	v4 =	vsel vm0, $0x0, v1  }
0x31: {  	v32 =	vld [tilespmem:s0+$0x0];
	v1 =	vbroadcast v4, $0xE;
	v0 =	vbroadcast v4, $0xF  }
0x32: {  	v34 =	vld [tilespmem:s0+$0x10];
	v5 =	vbroadcast v4, $0xC;
	v2 =	vbroadcast v4, $0xD  }
0x33: {  	v37 =	vld [tilespmem:s0+$0xFFFFFFC0];
	v11 =	vbroadcast v4, $0xA;
	v8 =	vbroadcast v4, $0xB  }
0x34: {  	v39 =	vld [tilespmem:s0+$0xFFFFFFD0];
	v17 =	vbroadcast v4, $0x8;
	v16 =	vbroadcast v4, $0x9  }
0x35: {  	v33 =	vld [tilespmem:s0+$0xFFFFFF80];
	v23 =	vbroadcast v4, $0x6;
	v20 =	vbroadcast v4, $0x7  }
0x36: {  	v40 =	vld [tilespmem:s0+$0xFFFFFF90];
	v25 =	vbroadcast v4, $0x4;
	v24 =	vbroadcast v4, $0x5  }
0x37: {  	v41 =	vld [tilespmem:s0+$0xFFFFFF40];
	v27 =	vbroadcast v4, $0x2;
	v26 =	vbroadcast v4, $0x3  }
0x38: {  	v44 =	vld [tilespmem:s0+$0xFFFFFF50];
	v46 =	vbroadcast v4, $0x0;
	v35 =	vbroadcast v4, $0x1  }
0x39: {  	v43 =	vld [tilespmem:s0+$0xFFFFFF00];
	v4 =	vmul.f32 v3, v0;
	v3 =	vmul.f32 v6, v0  }
0x3a: {  	v42 =	vld [tilespmem:s0+$0xFFFFFF10];
	v6 =	vmul.f32 v7, v1;
	v7 =	vmul.f32 v9, v1  }
0x3b: {  	v29 =	vimm.f32 $0.0e+00;
	v45 =	vld [tilespmem:s0+$0xFFFFFEC0];
	v10 =	vmul.f32 v10, v2;
	v9 =	vmul.f32 v14, v2  }
0x3c: {  	v31 =	vimm.f32 $0.0e+00;
	v47 =	vld [tilespmem:s0+$0xFFFFFED0];
	v15 =	vmul.f32 v15, v5;
	v14 =	vmul.f32 v18, v5  }
0x3d: {  	v30 =	vimm.f32 $0.0e+00;
	v48 =	vld [tilespmem:s0+$0xFFFFFE80];
	v19 =	vmul.f32 v19, v8;
	v18 =	vmul.f32 v21, v8  }
0x3e: {  	s10 =	smul.u32 $0x340, s30;
	s11 =	simm.s32 $0x40;
	s1 =	sshll.u32 s30, $0x2;
	v49 =	vld [tilespmem:s0+$0xFFFFFE90];
	v22 =	vmul.f32 v22, v11;
	v21 =	vmul.f32 v28, v11;
	v28 =	vimm.f32 $0.0e+00  }
.LBB2_3:
0x3f: {  	p0 =	sne.s32 s11, $0x2C0;
	v50 =	vld [tilespmem:s0+$0xFFFFFE40];
	v36 =	vmul.f32 v36, v16;
	v38 =	vmul.f32 v38, v16  }
0x40: {  	v32 =	vmul.f32 v32, v17;
	v34 =	vmul.f32 v34, v17;
	v51 =	vld [tilespmem:s0+$0xFFFFFE50]  }
0x41: {  	v37 =	vmul.f32 v37, v20;
	v39 =	vmul.f32 v39, v20;
	v52 =	vld [tilespmem:s0+$0xFFFFFE00]  }
0x42: {  	v33 =	vmul.f32 v33, v23;
	v40 =	vmul.f32 v40, v23;
	v53 =	vld [tilespmem:s0+$0xFFFFFE10]  }
0x43: {  	v41 =	vmul.f32 v41, v24;
	v44 =	vmul.f32 v44, v24;
	v54 =	vld [tilespmem:s0+$0xFFFFFE20]  }
0x44: {  	v43 =	vmul.f32 v43, v25;
	v42 =	vmul.f32 v42, v25;
	v55 =	vld [tilespmem:s0+$0xFFFFFE30]  }
0x45: {  	v45 =	vmul.f32 v45, v26;
	v47 =	vmul.f32 v47, v26;
	v56 =	vld [tilespmem:s0+$0xFFFFFE60]  }
0x46: {  	v48 =	vmul.f32 v48, v27;
	v49 =	vmul.f32 v49, v27;
	v57 =	vld [tilespmem:s0+$0xFFFFFE70]  }
0x47: {  	v50 =	vmul.f32 v50, v35;
	v51 =	vmul.f32 v51, v35;
	v58 =	vld [tilespmem:s0+$0xFFFFFEA0]  }
0x48: {  	v52 =	vmul.f32 v46, v52;
	v53 =	vmul.f32 v46, v53;
	v59 =	vld [tilespmem:s0+$0xFFFFFEB0]  }
0x49: {  	v54 =	vmul.f32 v54, v46;
	v46 =	vmul.f32 v55, v46;
	v55 =	vld [tilespmem:s0+$0xFFFFFEE0]  }
0x4a: {  	v29 =	vadd.f32 v52, v29;
	v31 =	vadd.f32 v53, v31;
	v52 =	vmul.f32 v56, v35;
	v53 =	vld [tilespmem:s0+$0xFFFFFEF0]  }
0x4b: {  	v30 =	vadd.f32 v54, v30;
	v28 =	vadd.f32 v46, v28;
	v35 =	vmul.f32 v57, v35;
	v46 =	vld [tilespmem:s0+$0xFFFFFF20]  }
0x4c: {  	v29 =	vadd.f32 v50, v29;
	v31 =	vadd.f32 v51, v31;
	v50 =	vmul.f32 v58, v27;
	v51 =	vld [tilespmem:s0+$0xFFFFFF30]  }
0x4d: {  	v30 =	vadd.f32 v52, v30;
	v28 =	vadd.f32 v35, v28;
	v27 =	vmul.f32 v59, v27;
	v35 =	vld [tilespmem:s0+$0xFFFFFF60]  }
0x4e: {  	v29 =	vadd.f32 v48, v29;
	v31 =	vadd.f32 v49, v31;
	v48 =	vmul.f32 v55, v26;
	v49 =	vld [tilespmem:s0+$0xFFFFFF70]  }
0x4f: {  	v30 =	vadd.f32 v50, v30;
	v27 =	vadd.f32 v27, v28;
	v26 =	vmul.f32 v53, v26;
	v28 =	vld [tilespmem:s0+$0xFFFFFFA0]  }
0x50: {  	v29 =	vadd.f32 v45, v29;
	v31 =	vadd.f32 v47, v31;
	v45 =	vmul.f32 v46, v25;
	v46 =	vld [tilespmem:s0+$0xFFFFFFB0]  }
0x51: {  	v30 =	vadd.f32 v48, v30;
	v26 =	vadd.f32 v26, v27;
	v25 =	vmul.f32 v51, v25;
	v27 =	vld [tilespmem:s0+$0xFFFFFFE0]  }
0x52: {  	v29 =	vadd.f32 v43, v29;
	v31 =	vadd.f32 v42, v31;
	v35 =	vmul.f32 v35, v24;
	v42 =	vld [tilespmem:s0+$0xFFFFFFF0]  }
0x53: {  	v30 =	vadd.f32 v45, v30;
	v25 =	vadd.f32 v25, v26;
	v24 =	vmul.f32 v49, v24;
	v26 =	vld [tilespmem:s0+$0x20]  }
0x54: {  	v29 =	vadd.f32 v41, v29;
	v31 =	vadd.f32 v44, v31;
	v28 =	vmul.f32 v28, v23;
	v41 =	vld [tilespmem:s0+$0x30]  }
0x55: {  	v30 =	vadd.f32 v35, v30;
	v24 =	vadd.f32 v24, v25;
	v23 =	vmul.f32 v46, v23;
	v25 =	vld [tilespmem:s0+$0x60]  }
0x56: {  	v29 =	vadd.f32 v33, v29;
	v31 =	vadd.f32 v40, v31;
	v27 =	vmul.f32 v27, v20;
	v33 =	vld [tilespmem:s0+$0x70]  }
0x57: {  	v28 =	vadd.f32 v28, v30;
	v23 =	vadd.f32 v23, v24;
	v20 =	vmul.f32 v42, v20;
	v24 =	vld [tilespmem:s0+$0xA0]  }
0x58: {  	v29 =	vadd.f32 v37, v29;
	v30 =	vadd.f32 v39, v31;
	v26 =	vmul.f32 v26, v17;
	v31 =	vld [tilespmem:s0+$0xB0]  }
0x59: {  	v27 =	vadd.f32 v27, v28;
	v20 =	vadd.f32 v20, v23;
	v17 =	vmul.f32 v41, v17;
	v23 =	vld [tilespmem:s0+$0xE0]  }
0x5a: {  	v28 =	vadd.f32 v32, v29;
	v29 =	vadd.f32 v34, v30;
	v25 =	vmul.f32 v25, v16;
	v30 =	vld [tilespmem:s0+$0xF0]  }
0x5b: {  	v26 =	vadd.f32 v26, v27;
	v17 =	vadd.f32 v17, v20;
	v16 =	vmul.f32 v33, v16;
	v20 =	vld [tilespmem:s0+$0x120]  }
0x5c: {  	v27 =	vadd.f32 v36, v28;
	v28 =	vadd.f32 v38, v29;
	v24 =	vmul.f32 v24, v11;
	v29 =	vld [tilespmem:s0+$0x130]  }
0x5d: {  	v25 =	vadd.f32 v25, v26;
	v16 =	vadd.f32 v16, v17;
	v11 =	vmul.f32 v31, v11;
	v17 =	vld [tilespmem:s0+$0x160]  }
0x5e: {  	v22 =	vadd.f32 v22, v27;
	v21 =	vadd.f32 v21, v28;
	v23 =	vmul.f32 v23, v8;
	v26 =	vld [tilespmem:s0+$0x170]  }
0x5f: {  	v24 =	vadd.f32 v24, v25;
	v11 =	vadd.f32 v11, v16;
	v8 =	vmul.f32 v30, v8;
	v16 =	vld [tilespmem:s0+$0x1A0]  }
0x60: {  	v19 =	vadd.f32 v19, v22;
	v18 =	vadd.f32 v18, v21;
	v20 =	vmul.f32 v20, v5;
	v21 =	vld [tilespmem:s0+$0x1B0]  }
0x61: {  	v22 =	vadd.f32 v23, v24;
	v8 =	vadd.f32 v8, v11;
	v5 =	vmul.f32 v29, v5;
	v11 =	vld [tilespmem:s0+$0x1E0]  }
0x62: {  	v15 =	vadd.f32 v15, v19;
	v14 =	vadd.f32 v14, v18;
	v17 =	vmul.f32 v17, v2;
	v18 =	vld [tilespmem:s0+$0x1F0];
	s0 =	sadd.s32 $0x400, s0  }
0x63: {  	v20 =	vadd.f32 v20, v22;
	v19 =	vld [tilespmem:s0+$0x1C0];
	v5 =	vadd.f32 v5, v8;
	v2 =	vmul.f32 v26, v2  }
0x64: {  	v8 =	vadd.f32 v10, v15;
	v9 =	vadd.f32 v9, v14;
	v22 =	vld [tilespmem:s0+$0x1D0];
	v10 =	vmul.f32 v16, v1  }
0x65: {  	v15 =	vadd.f32 v17, v20;
	v14 =	vld [tilespmem:s0+$0x180];
	v2 =	vadd.f32 v2, v5;
	v1 =	vmul.f32 v21, v1  }
0x66: {  	v5 =	vadd.f32 v6, v8;
	v6 =	vadd.f32 v7, v9;
	v21 =	vld [tilespmem:s0+$0x190];
	v7 =	vmul.f32 v11, v0  }
0x67: {  	v8 =	vadd.f32 v10, v15;
	v9 =	vld [tilespmem:s0+$0x140];
	v1 =	vadd.f32 v1, v2;
	v0 =	vmul.f32 v18, v0  }
0x68: {  	v29 =	vadd.f32 v4, v5;
	v31 =	vadd.f32 v3, v6;
	v15 =	vld [tilespmem:s0+$0x150]  }
0x69: {  	v30 =	vadd.f32 v7, v8;
	v18 =	vld [tilespmem:s0+$0x100];
	v28 =	vadd.f32 v0, v1  }
0x6a: {  	s9 =	sshra.s32 s11, $0x2;
	v48 =	vld [tilespmem:s0+$0x110]  }
0x6b: {  	v0 =	vld.idx.msk [tilespmem:v12+s9+$0x0 ss:$0x1], $0xffff  }
0x6c: {  	v1 =	vld.idx.msk [tilespmem:v13+s9+$0x0 ss:$0x1], $0xffff  }
0x6d: {  	v49 =	vld [tilespmem:s0+$0xC0]  }
0x6e: {  	v50 =	vld [tilespmem:s0+$0xD0]  }
0x6f: {  	v51 =	vld [tilespmem:s0+$0x80]  }
0x70: {  	v52 =	vld [tilespmem:s0+$0x90]  }
0x71: {  	vm0 =	veq.s32 v0, $0x0;
	v36 =	vld [tilespmem:s0+$0x40]  }
0x72: {  	v3 =	vsel vm0, $0x0, v1;
	v38 =	vld [tilespmem:s0+$0x50]  }
0x73: {  	v1 =	vbroadcast v3, $0xE;
	v0 =	vbroadcast v3, $0xF;
	v32 =	vld [tilespmem:s0+$0x0]  }
0x74: {  	v5 =	vbroadcast v3, $0xC;
	v2 =	vbroadcast v3, $0xD;
	v34 =	vld [tilespmem:s0+$0x10]  }
0x75: {  	v11 =	vbroadcast v3, $0xA;
	v8 =	vbroadcast v3, $0xB;
	v37 =	vld [tilespmem:s0+$0xFFFFFFC0]  }
0x76: {  	v17 =	vbroadcast v3, $0x8;
	v16 =	vbroadcast v3, $0x9;
	v39 =	vld [tilespmem:s0+$0xFFFFFFD0]  }
0x77: {  	v23 =	vbroadcast v3, $0x6;
	v20 =	vbroadcast v3, $0x7;
	v33 =	vld [tilespmem:s0+$0xFFFFFF80]  }
0x78: {  	v25 =	vbroadcast v3, $0x4;
	v24 =	vbroadcast v3, $0x5;
	v40 =	vld [tilespmem:s0+$0xFFFFFF90]  }
0x79: {  	v27 =	vbroadcast v3, $0x2;
	v26 =	vbroadcast v3, $0x3;
	v41 =	vld [tilespmem:s0+$0xFFFFFF40]  }
0x7a: {  	v46 =	vbroadcast v3, $0x0;
	v35 =	vbroadcast v3, $0x1;
	v44 =	vld [tilespmem:s0+$0xFFFFFF50]  }
0x7b: {  	v4 =	vmul.f32 v19, v0;
	v3 =	vmul.f32 v22, v0;
	v43 =	vld [tilespmem:s0+$0xFFFFFF00]  }
.Ltmp0:
0x7c: {  	v6 =	vmul.f32 v14, v1;
	v7 =	vmul.f32 v21, v1;
	v42 =	vld [tilespmem:s0+$0xFFFFFF10];
	(pc) =	sbr.rel @p0 .LBB2_3-.Ltmp0, $4  }
0x7d: {  	v10 =	vmul.f32 v9, v2;
	v9 =	vmul.f32 v15, v2;
	v45 =	vld [tilespmem:s0+$0xFFFFFEC0]  }
0x7e: {  	v15 =	vmul.f32 v18, v5;
	v14 =	vmul.f32 v48, v5;
	v47 =	vld [tilespmem:s0+$0xFFFFFED0]  }
0x7f: {  	v19 =	vmul.f32 v49, v8;
	v18 =	vmul.f32 v50, v8;
	v48 =	vld [tilespmem:s0+$0xFFFFFE80]  }
0x80: {  	s11 =	sadd.s32 $0x40, s11;
	v22 =	vmul.f32 v51, v11;
	v21 =	vmul.f32 v52, v11;
	v49 =	vld [tilespmem:s0+$0xFFFFFE90]  }
0x81: {  	v12 =	vld [tilespmem:s0+$0xFFFFFE40]  }
0x82: {  	v13 =	vld [tilespmem:s0+$0xFFFFFE50]  }
0x83: {  	v50 =	vld [tilespmem:s0+$0xFFFFFE00]  }
0x84: {  	v51 =	vld [tilespmem:s0+$0xFFFFFE10]  }
0x85: {  	v52 =	vld [tilespmem:s0+$0xFFFFFE20]  }
0x86: {  	v53 =	vld [tilespmem:s0+$0xFFFFFE30]  }
0x87: {  	v54 =	vld [tilespmem:s0+$0xFFFFFE60]  }
0x88: {  	v55 =	vld [tilespmem:s0+$0xFFFFFE70]  }
0x89: {  	v56 =	vld [tilespmem:s0+$0xFFFFFEA0]  }
0x8a: {  	v57 =	vld [tilespmem:s0+$0xFFFFFEB0];
	v36 =	vmul.f32 v36, v16  }
0x8b: {  	v58 =	vld [tilespmem:s0+$0xFFFFFEE0];
	v38 =	vmul.f32 v38, v16;
	v32 =	vmul.f32 v32, v17  }
0x8c: {  	v59 =	vld [tilespmem:s0+$0xFFFFFEF0];
	v34 =	vmul.f32 v34, v17;
	v37 =	vmul.f32 v37, v20  }
0x8d: {  	v60 =	vld [tilespmem:s0+$0xFFFFFF20];
	v33 =	vmul.f32 v33, v23;
	v40 =	vmul.f32 v40, v23  }
0x8e: {  	v50 =	vmul.f32 v46, v50;
	v63 =	vmul.f32 v53, v46;
	v53 =	vld [tilespmem:s0+$0xFFFFFFA0]  }
0x8f: {  	v51 =	vmul.f32 v46, v51;
	v52 =	vmul.f32 v52, v46;
	v46 =	vld [tilespmem:s0+$0xFFFFFFF0]  }
0x90: {  	v12 =	vmul.f32 v12, v35;
	v61 =	vmul.f32 v54, v35;
	v54 =	vld [tilespmem:s0+$0x20]  }
0x91: {  	v13 =	vmul.f32 v13, v35;
	v62 =	vmul.f32 v55, v35;
	v35 =	vld [tilespmem:s0+$0x70]  }
0x92: {  	v41 =	vmul.f32 v41, v24;
	v44 =	vmul.f32 v44, v24;
	v55 =	vld [tilespmem:s0+$0xE0]  }
0x93: {  	v43 =	vmul.f32 v43, v25;
	v42 =	vmul.f32 v42, v25;
	v29 =	vadd.f32 v50, v29;
	v50 =	vld [tilespmem:s0+$0xFFFFFF30]  }
0x94: {  	v45 =	vmul.f32 v45, v26;
	v48 =	vmul.f32 v48, v27;
	v31 =	vadd.f32 v51, v31;
	v51 =	vld [tilespmem:s0+$0xFFFFFF60]  }
0x95: {  	v49 =	vmul.f32 v49, v27;
	v30 =	vadd.f32 v52, v30;
	v52 =	vld [tilespmem:s0+$0xFFFFFF70];
	v28 =	vadd.f32 v63, v28  }
0x96: {  	v63 =	vmul.f32 v56, v27;
	v27 =	vmul.f32 v57, v27;
	v57 =	vld [tilespmem:s0+$0x120];
	v12 =	vadd.f32 v12, v29  }
0x97: {  	v47 =	vmul.f32 v47, v26;
	v29 =	vld [tilespmem:s0+$0xFFFFFFB0];
	v13 =	vadd.f32 v13, v31;
	v30 =	vadd.f32 v61, v30  }
0x98: {  	v31 =	vld [tilespmem:s0+$0xFFFFFFE0];
	v28 =	vadd.f32 v62, v28;
	v62 =	vmul.f32 v58, v26;
	v12 =	vadd.f32 v48, v12  }
0x99: {  	v61 =	vld [tilespmem:s0+$0x60];
	v26 =	vmul.f32 v59, v26;
	v13 =	vadd.f32 v49, v13;
	v30 =	vadd.f32 v63, v30  }
0x9a: {  	v59 =	vld [tilespmem:s0+$0x160];
	v58 =	vmul.f32 v53, v23;
	v27 =	vadd.f32 v27, v28;
	v12 =	vadd.f32 v45, v12  }
0x9b: {  	v48 =	vld [tilespmem:s0+$0x30];
	v63 =	vmul.f32 v60, v25;
	v13 =	vadd.f32 v47, v13;
	v30 =	vadd.f32 v62, v30  }
0x9c: {  	v28 =	vld [tilespmem:s0+$0xA0];
	v25 =	vmul.f32 v50, v25;
	v26 =	vadd.f32 v26, v27;
	v12 =	vadd.f32 v43, v12  }
0x9d: {  	v56 =	vmul.f32 v51, v24;
	v45 =	vld [tilespmem:s0+$0xB0];
	v13 =	vadd.f32 v42, v13;
	v30 =	vadd.f32 v63, v30  }
0x9e: {  	v24 =	vmul.f32 v52, v24;
	v27 =	vld [tilespmem:s0+$0xF0];
	v25 =	vadd.f32 v25, v26;
	v12 =	vadd.f32 v41, v12  }
0x9f: {  	v62 =	vld [tilespmem:s10+$0x138C0];
	v23 =	vmul.f32 v29, v23;
	v13 =	vadd.f32 v44, v13;
	v30 =	vadd.f32 v56, v30  }
0xa0: {  	v29 =	vmul.f32 v31, v20;
	v31 =	vld [tilespmem:s0+$0x1A0];
	v24 =	vadd.f32 v24, v25;
	v12 =	vadd.f32 v33, v12  }
0xa1: {  	v39 =	vmul.f32 v39, v20;
	v26 =	vld [tilespmem:s0+$0x130];
	v13 =	vadd.f32 v40, v13;
	v30 =	vadd.f32 v58, v30  }
0xa2: {  	v20 =	vmul.f32 v46, v20;
	v63 =	vld [tilespmem:$0x9800];
	v23 =	vadd.f32 v23, v24;
	v12 =	vadd.f32 v37, v12  }
0xa3: {  	v60 =	vmul.f32 v54, v17;
	v25 =	vld [tilespmem:s0+$0x170];
	v13 =	vadd.f32 v39, v13;
	v29 =	vadd.f32 v29, v30  }
0xa4: {  	v17 =	vmul.f32 v48, v17;
	v24 =	vld [tilespmem:s0+$0x1B0];
	v20 =	vadd.f32 v20, v23;
	v12 =	vadd.f32 v32, v12  }
0xa5: {  	v61 =	vmul.f32 v61, v16;
	v30 =	vld [tilespmem:s0+$0x1E0];
	v13 =	vadd.f32 v34, v13;
	v29 =	vadd.f32 v60, v29  }
0xa6: {  	v16 =	vmul.f32 v35, v16;
	v17 =	vadd.f32 v17, v20;
	v20 =	vld [tilespmem:s10+$0xC0];
	v12 =	vadd.f32 v36, v12  }
0xa7: {  	v28 =	vmul.f32 v28, v11;
	v23 =	vld [tilespmem:s0+$0x1F0];
	v13 =	vadd.f32 v38, v13;
	v29 =	vadd.f32 v61, v29  }
0xa8: {  	v11 =	vmul.f32 v45, v11;
	v16 =	vadd.f32 v16, v17;
	v17 =	vld [tilespmem:$0x9810];
	v12 =	vadd.f32 v22, v12  }
0xa9: {  	v13 =	vadd.f32 v21, v13;
	v21 =	vmul.f32 v55, v8;
	v22 =	vadd.f32 v28, v29;
	v28 =	vld [tilespmem:$0x9820]  }
0xaa: {  	v11 =	vadd.f32 v11, v16;
	v8 =	vmul.f32 v27, v8;
	v16 =	vld [tilespmem:$0x9830];
	v12 =	vadd.f32 v19, v12  }
0xab: {  	vm0 =	veq.s32 v20, $0x0;
	v13 =	vadd.f32 v18, v13;
	v19 =	vadd.f32 v21, v22;
	v21 =	vld [tilespmem:$0x9840]  }
0xac: {  	v18 =	vmul.f32 v57, v5;
	v8 =	vadd.f32 v8, v11;
	v5 =	vmul.f32 v26, v5;
	v22 =	vld [tilespmem:$0x98E0]  }
0xad: {  	v11 =	vadd.f32 v15, v12;
	v12 =	vld [tilespmem:$0x9850];
	v13 =	vadd.f32 v14, v13;
	v14 =	vmul.f32 v59, v2  }
0xae: {  	v15 =	vadd.f32 v18, v19;
	v18 =	vld [tilespmem:$0x9860];
	v5 =	vadd.f32 v5, v8;
	v2 =	vmul.f32 v25, v2  }
0xaf: {  	v19 =	vld [tilespmem:$0x98B0];
	v8 =	vadd.f32 v10, v11;
	v9 =	vadd.f32 v9, v13;
	v11 =	vmul.f32 v31, v1  }
0xb0: {  	v10 =	vld [tilespmem:$0x9870];
	v13 =	vadd.f32 v14, v15;
	v2 =	vadd.f32 v2, v5;
	v1 =	vmul.f32 v24, v1  }
0xb1: {  	v14 =	vld [tilespmem:$0x9880];
	v15 =	vmul.f32 v30, v0;
	v6 =	vadd.f32 v6, v8;
	v8 =	vsel vm0, $0x0, v62  }
0xb2: {  	v5 =	vld [tilespmem:$0x9890];
	v7 =	vadd.f32 v7, v9;
	v11 =	vadd.f32 v11, v13;
	v13 =	vbroadcast v8, $0x0  }
0xb3: {  	v0 =	vmul.f32 v23, v0;
	v9 =	vld [tilespmem:$0x98A0];
	v1 =	vadd.f32 v1, v2;
	v20 =	vbroadcast v8, $0x1  }
0xb4: {  	v2 =	vadd.f32 v4, v6;
	v4 =	vld [tilespmem:$0x98C0];
	v3 =	vadd.f32 v3, v7;
	v6 =	vmul.f32 v13, v63  }
0xb5: {  	v11 =	vadd.f32 v15, v11;
	v7 =	vmul.f32 v13, v17;
	v17 =	vld [tilespmem:$0x98D0];
	v15 =	vmul.f32 v28, v13  }
0xb6: {  	v0 =	vadd.f32 v0, v1;
	v1 =	vadd.f32 v6, v2;
	v2 =	vmul.f32 v16, v13;
	v6 =	vld [tilespmem:$0x98F0]  }
0xb7: {  	v3 =	vadd.f32 v7, v3;
	v7 =	vadd.f32 v15, v11;
	v11 =	vmul.f32 v21, v20;
	v13 =	vld [tilespmem:$0x9900]  }
0xb8: {  	v15 =	vld [tilespmem:$0x9910];
	v0 =	vadd.f32 v2, v0;
	v2 =	vmul.f32 v12, v20;
	v12 =	vbroadcast v8, $0x2  }
0xb9: {  	v10 =	vmul.f32 v10, v20;
	v16 =	vld [tilespmem:$0x9920];
	v1 =	vadd.f32 v11, v1;
	v11 =	vmul.f32 v18, v20  }
0xba: {  	v18 =	vld [tilespmem:$0x9940];
	v2 =	vadd.f32 v2, v3;
	v3 =	vmul.f32 v14, v12;
	v5 =	vmul.f32 v5, v12  }
0xbb: {  	v14 =	vld [tilespmem:$0x9930];
	v7 =	vadd.f32 v11, v7;
	v9 =	vmul.f32 v9, v12;
	v11 =	vbroadcast v8, $0x3  }
0xbc: {  	v0 =	vadd.f32 v10, v0;
	v10 =	vld [tilespmem:$0x9950];
	v1 =	vadd.f32 v3, v1;
	v3 =	vmul.f32 v19, v12  }
0xbd: {  	v2 =	vadd.f32 v5, v2;
	v5 =	vadd.f32 v9, v7;
	v4 =	vmul.f32 v4, v11;
	v7 =	vld [tilespmem:$0x9960]  }
0xbe: {  	v9 =	vbroadcast v8, $0x4;
	v12 =	vld [tilespmem:$0x9970];
	v0 =	vadd.f32 v3, v0;
	v3 =	vmul.f32 v17, v11  }
0xbf: {  	v6 =	vmul.f32 v6, v11;
	v1 =	vadd.f32 v4, v1;
	v4 =	vmul.f32 v22, v11;
	v11 =	vld [tilespmem:$0x9980]  }
0xc0: {  	v17 =	vld [tilespmem:$0x99A0];
	v2 =	vadd.f32 v3, v2;
	v3 =	vmul.f32 v13, v9;
	v13 =	vmul.f32 v15, v9  }
0xc1: {  	v15 =	vld [tilespmem:$0x9990];
	v4 =	vadd.f32 v4, v5;
	v5 =	vmul.f32 v16, v9;
	v16 =	vbroadcast v8, $0x5  }
0xc2: {  	v0 =	vadd.f32 v6, v0;
	v6 =	vld [tilespmem:$0x99B0];
	v1 =	vadd.f32 v3, v1;
	v3 =	vmul.f32 v14, v9  }
0xc3: {  	v2 =	vadd.f32 v13, v2;
	v4 =	vadd.f32 v5, v4;
	v5 =	vmul.f32 v18, v16;
	v9 =	vld [tilespmem:$0x99C0]  }
0xc4: {  	v13 =	vld [tilespmem:$0x99D0];
	v0 =	vadd.f32 v3, v0;
	v3 =	vmul.f32 v10, v16;
	v10 =	vbroadcast v8, $0x6  }
0xc5: {  	v1 =	vadd.f32 v5, v1;
	v5 =	vmul.f32 v7, v16;
	v7 =	vmul.f32 v12, v16;
	v12 =	vld [tilespmem:$0x99E0]  }
0xc6: {  	v8 =	vbroadcast v8, $0x7;
	v2 =	vadd.f32 v3, v2;
	v3 =	vmul.f32 v11, v10;
	v11 =	vld [tilespmem:$0x99F0]  }
0xc7: {  	v4 =	vadd.f32 v5, v4;
	v0 =	vadd.f32 v7, v0;
	v5 =	vmul.f32 v15, v10  }
0xc8: {  	v7 =	vmul.f32 v9, v8;
	v1 =	vadd.f32 v3, v1;
	v3 =	vmul.f32 v17, v10  }
0xc9: {  	v2 =	vadd.f32 v5, v2;
	v5 =	vmul.f32 v6, v10;
	v6 =	vmul.f32 v13, v8  }
0xca: {  	s19 =	sshll.u32 s30, $0x8;
	v3 =	vadd.f32 v3, v4;
	v1 =	vadd.f32 v7, v1;
	v4 =	vmul.f32 v12, v8  }
0xcb: {  	p0 =	seq.s32 s30, $0x1F;
	s9 =	sand.u32 $0x3FFFFF00, s19;
	v0 =	vadd.f32 v5, v0;
	v2 =	vadd.f32 v6, v2;
	v5 =	vmul.f32 v11, v8  }
0xcc: {  	s0 =	smul.u32 @!p0 $0xD00, s30;
	v3 =	vadd.f32 v4, v3;
	[tilespmem:s9+$0x1A000] =	vst v1  }
0xcd: {  	[tilespmem:s9+$0x1A010] =	vst v2;
	v0 =	vadd.f32 v5, v0  }
0xce: {  	s0 =	sshra.s32 @!p0 s0, $0x2;
	[tilespmem:s9+$0x1A020] =	vst v3  }
0xcf: {  	s11 =	simm.s32 @!p0 $0x6800;
	s10 =	simm.s32 @!p0 $0xD0;
	[tilespmem:s9+$0x1A030] =	vst v0;
	s9 =	sadd.s32 @!p0 $0x340, s0  }
0xd0: {  	[tilespmem:s11], [sflag:$0x1] =	stream.indirect.gather @!p0 [hbm4b:s3+s10], $0x40, s9, s10, $0xb8;
	[tilespmem:$0x1C000] =	vst v63  }
0xd1: {  	_ =	swait.ge [sflag:s16], $0x3400  }
0xd2: {  	[sflag:s16] =	ssyncset.done $0x0  }
0xd3: {  	s11 =	simm.s32 $0x9FF0;
	[sflag:s16] =	ssyncadd.s32 $0xFFFFCC00  }
0xd4: {  	v3 =	vld [tilespmem:s11+$0xFFFFFFD0]  }
0xd5: {  	v6 =	vld [tilespmem:s11+$0xFFFFFFE0]  }
0xd6: {  	v7 =	vld [tilespmem:s11+$0xFFFFFF90]  }
0xd7: {  	v12 =	vmov s28;
	v9 =	vld [tilespmem:s11+$0xFFFFFFA0]  }
0xd8: {  	v13 =	vmov s23;
	v10 =	vld [tilespmem:s11+$0xFFFFFF50]  }
0xd9: {  	v14 =	vld [tilespmem:s11+$0xFFFFFF60]  }
0xda: {  	v15 =	vld [tilespmem:s11+$0xFFFFFF10]  }
0xdb: {  	s24 =	simm.s32 $0x0;
	v18 =	vld [tilespmem:s11+$0xFFFFFF20]  }
0xdc: {  	v0 =	vld.idx.msk [tilespmem:v12+s24+$0x0 ss:$0x1], $0xffff  }
0xdd: {  	v1 =	vld.idx.msk [tilespmem:v13+s24+$0x0 ss:$0x1], $0xffff  }
0xde: {  	v19 =	vld [tilespmem:s11+$0xFFFFFED0]  }
0xdf: {  	v21 =	vld [tilespmem:s11+$0xFFFFFEE0]  }
0xe0: {  	v22 =	vld [tilespmem:s11+$0xFFFFFE90]  }
0xe1: {  	v28 =	vld [tilespmem:s11+$0xFFFFFEA0]  }
0xe2: {  	v36 =	vld [tilespmem:s11+$0xFFFFFE50];
	vm15 =	veq.s32 v0, $0x0  }
0xe3: {  	v38 =	vld [tilespmem:s11+$0xFFFFFE60];
	v4 =	vsel vm15, $0x0, v1  }
0xe4: {  	v32 =	vld [tilespmem:s11+$0xFFFFFE10];
	v1 =	vbroadcast v4, $0xE;
	v0 =	vbroadcast v4, $0xF  }
0xe5: {  	v34 =	vld [tilespmem:s11+$0xFFFFFE20];
	v5 =	vbroadcast v4, $0xC;
	v2 =	vbroadcast v4, $0xD  }
0xe6: {  	v37 =	vld [tilespmem:s11+$0xFFFFFDD0];
	v11 =	vbroadcast v4, $0xA;
	v8 =	vbroadcast v4, $0xB  }
0xe7: {  	v39 =	vld [tilespmem:s11+$0xFFFFFDE0];
	v17 =	vbroadcast v4, $0x8;
	v16 =	vbroadcast v4, $0x9  }
0xe8: {  	v33 =	vld [tilespmem:s11+$0xFFFFFD90];
	v23 =	vbroadcast v4, $0x6;
	v20 =	vbroadcast v4, $0x7  }
0xe9: {  	v40 =	vld [tilespmem:s11+$0xFFFFFDA0];
	v25 =	vbroadcast v4, $0x4;
	v24 =	vbroadcast v4, $0x5  }
0xea: {  	v41 =	vld [tilespmem:s11+$0xFFFFFD50];
	v27 =	vbroadcast v4, $0x2;
	v26 =	vbroadcast v4, $0x3  }
0xeb: {  	v44 =	vld [tilespmem:s11+$0xFFFFFD60];
	v46 =	vbroadcast v4, $0x0;
	v35 =	vbroadcast v4, $0x1  }
0xec: {  	v43 =	vld [tilespmem:s11+$0xFFFFFD10];
	v4 =	vmul.f32 v3, v0;
	v3 =	vmul.f32 v6, v0  }
0xed: {  	v42 =	vld [tilespmem:s11+$0xFFFFFD20];
	v6 =	vmul.f32 v7, v1;
	v7 =	vmul.f32 v9, v1  }
0xee: {  	v29 =	vimm.f32 $0.0e+00;
	v45 =	vld [tilespmem:s11+$0xFFFFFCD0];
	v10 =	vmul.f32 v10, v2;
	v9 =	vmul.f32 v14, v2  }
0xef: {  	v30 =	vimm.f32 $0.0e+00;
	v47 =	vld [tilespmem:s11+$0xFFFFFCE0];
	v15 =	vmul.f32 v15, v5;
	v14 =	vmul.f32 v18, v5  }
0xf0: {  	v31 =	vimm.f32 $0.0e+00;
	s10 =	sor.u32 $0x1, s1;
	v48 =	vld [tilespmem:s11+$0xFFFFFC90];
	v19 =	vmul.f32 v19, v8;
	v18 =	vmul.f32 v21, v8  }
0xf1: {  	s9 =	simm.s32 $0x40;
	s19 =	smul.u32 $0xD0, s10;
	v49 =	vld [tilespmem:s11+$0xFFFFFCA0];
	v22 =	vmul.f32 v22, v11;
	v21 =	vmul.f32 v28, v11;
	v28 =	vimm.f32 $0.0e+00  }
.LBB2_5:
0xf2: {  	p1 =	sne.s32 s9, $0x2C0;
	v50 =	vld [tilespmem:s11+$0xFFFFFC50];
	v36 =	vmul.f32 v36, v16;
	v38 =	vmul.f32 v38, v16  }
0xf3: {  	v32 =	vmul.f32 v32, v17;
	v34 =	vmul.f32 v34, v17;
	v51 =	vld [tilespmem:s11+$0xFFFFFC60]  }
0xf4: {  	v37 =	vmul.f32 v37, v20;
	v39 =	vmul.f32 v39, v20;
	v52 =	vld [tilespmem:s11+$0xFFFFFC10]  }
0xf5: {  	v33 =	vmul.f32 v33, v23;
	v40 =	vmul.f32 v40, v23;
	v53 =	vld [tilespmem:s11+$0xFFFFFC20]  }
0xf6: {  	v41 =	vmul.f32 v41, v24;
	v44 =	vmul.f32 v44, v24;
	v54 =	vld [tilespmem:s11+$0xFFFFFC30]  }
0xf7: {  	v43 =	vmul.f32 v43, v25;
	v42 =	vmul.f32 v42, v25;
	v55 =	vld [tilespmem:s11+$0xFFFFFC40]  }
0xf8: {  	v45 =	vmul.f32 v45, v26;
	v47 =	vmul.f32 v47, v26;
	v56 =	vld [tilespmem:s11+$0xFFFFFC70]  }
0xf9: {  	v48 =	vmul.f32 v48, v27;
	v49 =	vmul.f32 v49, v27;
	v57 =	vld [tilespmem:s11+$0xFFFFFC80]  }
0xfa: {  	v50 =	vmul.f32 v50, v35;
	v51 =	vmul.f32 v51, v35;
	v58 =	vld [tilespmem:s11+$0xFFFFFCB0]  }
0xfb: {  	v52 =	vmul.f32 v46, v52;
	v53 =	vmul.f32 v46, v53;
	v59 =	vld [tilespmem:s11+$0xFFFFFCC0]  }
0xfc: {  	v54 =	vmul.f32 v54, v46;
	v46 =	vmul.f32 v55, v46;
	v55 =	vld [tilespmem:s11+$0xFFFFFCF0]  }
0xfd: {  	v30 =	vadd.f32 v52, v30;
	v31 =	vadd.f32 v53, v31;
	v52 =	vmul.f32 v56, v35;
	v53 =	vld [tilespmem:s11+$0xFFFFFD00]  }
0xfe: {  	v29 =	vadd.f32 v54, v29;
	v28 =	vadd.f32 v46, v28;
	v35 =	vmul.f32 v57, v35;
	v46 =	vld [tilespmem:s11+$0xFFFFFD30]  }
0xff: {  	v30 =	vadd.f32 v50, v30;
	v31 =	vadd.f32 v51, v31;
	v50 =	vmul.f32 v58, v27;
	v51 =	vld [tilespmem:s11+$0xFFFFFD40]  }
0x100: {  	v29 =	vadd.f32 v52, v29;
	v28 =	vadd.f32 v35, v28;
	v27 =	vmul.f32 v59, v27;
	v35 =	vld [tilespmem:s11+$0xFFFFFD70]  }
0x101: {  	v30 =	vadd.f32 v48, v30;
	v31 =	vadd.f32 v49, v31;
	v48 =	vmul.f32 v55, v26;
	v49 =	vld [tilespmem:s11+$0xFFFFFD80]  }
0x102: {  	v29 =	vadd.f32 v50, v29;
	v27 =	vadd.f32 v27, v28;
	v26 =	vmul.f32 v53, v26;
	v28 =	vld [tilespmem:s11+$0xFFFFFDB0]  }
0x103: {  	v30 =	vadd.f32 v45, v30;
	v31 =	vadd.f32 v47, v31;
	v45 =	vmul.f32 v46, v25;
	v46 =	vld [tilespmem:s11+$0xFFFFFDC0]  }
0x104: {  	v29 =	vadd.f32 v48, v29;
	v26 =	vadd.f32 v26, v27;
	v25 =	vmul.f32 v51, v25;
	v27 =	vld [tilespmem:s11+$0xFFFFFDF0]  }
0x105: {  	v30 =	vadd.f32 v43, v30;
	v31 =	vadd.f32 v42, v31;
	v35 =	vmul.f32 v35, v24;
	v42 =	vld [tilespmem:s11+$0xFFFFFE00]  }
0x106: {  	v29 =	vadd.f32 v45, v29;
	v25 =	vadd.f32 v25, v26;
	v24 =	vmul.f32 v49, v24;
	v26 =	vld [tilespmem:s11+$0xFFFFFE30]  }
0x107: {  	v30 =	vadd.f32 v41, v30;
	v31 =	vadd.f32 v44, v31;
	v28 =	vmul.f32 v28, v23;
	v41 =	vld [tilespmem:s11+$0xFFFFFE40]  }
0x108: {  	v29 =	vadd.f32 v35, v29;
	v24 =	vadd.f32 v24, v25;
	v23 =	vmul.f32 v46, v23;
	v25 =	vld [tilespmem:s11+$0xFFFFFE70]  }
0x109: {  	v30 =	vadd.f32 v33, v30;
	v31 =	vadd.f32 v40, v31;
	v27 =	vmul.f32 v27, v20;
	v33 =	vld [tilespmem:s11+$0xFFFFFE80]  }
0x10a: {  	v28 =	vadd.f32 v28, v29;
	v23 =	vadd.f32 v23, v24;
	v20 =	vmul.f32 v42, v20;
	v24 =	vld [tilespmem:s11+$0xFFFFFEB0]  }
0x10b: {  	v29 =	vadd.f32 v37, v30;
	v30 =	vadd.f32 v39, v31;
	v26 =	vmul.f32 v26, v17;
	v31 =	vld [tilespmem:s11+$0xFFFFFEC0]  }
0x10c: {  	v27 =	vadd.f32 v27, v28;
	v20 =	vadd.f32 v20, v23;
	v17 =	vmul.f32 v41, v17;
	v23 =	vld [tilespmem:s11+$0xFFFFFEF0]  }
0x10d: {  	v28 =	vadd.f32 v32, v29;
	v29 =	vadd.f32 v34, v30;
	v25 =	vmul.f32 v25, v16;
	v30 =	vld [tilespmem:s11+$0xFFFFFF00]  }
0x10e: {  	v26 =	vadd.f32 v26, v27;
	v17 =	vadd.f32 v17, v20;
	v16 =	vmul.f32 v33, v16;
	v20 =	vld [tilespmem:s11+$0xFFFFFF30]  }
0x10f: {  	v27 =	vadd.f32 v36, v28;
	v28 =	vadd.f32 v38, v29;
	v24 =	vmul.f32 v24, v11;
	v29 =	vld [tilespmem:s11+$0xFFFFFF40]  }
0x110: {  	v25 =	vadd.f32 v25, v26;
	v16 =	vadd.f32 v16, v17;
	v11 =	vmul.f32 v31, v11;
	v17 =	vld [tilespmem:s11+$0xFFFFFF70]  }
0x111: {  	v22 =	vadd.f32 v22, v27;
	v21 =	vadd.f32 v21, v28;
	v23 =	vmul.f32 v23, v8;
	v26 =	vld [tilespmem:s11+$0xFFFFFF80]  }
0x112: {  	v24 =	vadd.f32 v24, v25;
	v11 =	vadd.f32 v11, v16;
	v8 =	vmul.f32 v30, v8;
	v16 =	vld [tilespmem:s11+$0xFFFFFFB0]  }
0x113: {  	v19 =	vadd.f32 v19, v22;
	v18 =	vadd.f32 v18, v21;
	v20 =	vmul.f32 v20, v5;
	v21 =	vld [tilespmem:s11+$0xFFFFFFC0]  }
0x114: {  	v22 =	vadd.f32 v23, v24;
	v8 =	vadd.f32 v8, v11;
	v5 =	vmul.f32 v29, v5;
	v11 =	vld [tilespmem:s11+$0xFFFFFFF0]  }
0x115: {  	v15 =	vadd.f32 v15, v19;
	v14 =	vadd.f32 v14, v18;
	v17 =	vmul.f32 v17, v2;
	v18 =	vld [tilespmem:s11+$0x0];
	s11 =	sadd.s32 $0x400, s11  }
0x116: {  	v20 =	vadd.f32 v20, v22;
	v19 =	vld [tilespmem:s11+$0xFFFFFFD0];
	v5 =	vadd.f32 v5, v8;
	v2 =	vmul.f32 v26, v2  }
0x117: {  	v8 =	vadd.f32 v10, v15;
	v9 =	vadd.f32 v9, v14;
	v22 =	vld [tilespmem:s11+$0xFFFFFFE0];
	v10 =	vmul.f32 v16, v1  }
0x118: {  	v15 =	vadd.f32 v17, v20;
	v14 =	vld [tilespmem:s11+$0xFFFFFF90];
	v2 =	vadd.f32 v2, v5;
	v1 =	vmul.f32 v21, v1  }
0x119: {  	v5 =	vadd.f32 v6, v8;
	v6 =	vadd.f32 v7, v9;
	v21 =	vld [tilespmem:s11+$0xFFFFFFA0];
	v7 =	vmul.f32 v11, v0  }
0x11a: {  	v8 =	vadd.f32 v10, v15;
	v9 =	vld [tilespmem:s11+$0xFFFFFF50];
	v1 =	vadd.f32 v1, v2;
	v0 =	vmul.f32 v18, v0  }
0x11b: {  	v30 =	vadd.f32 v4, v5;
	v31 =	vadd.f32 v3, v6;
	v15 =	vld [tilespmem:s11+$0xFFFFFF60]  }
0x11c: {  	v29 =	vadd.f32 v7, v8;
	v18 =	vld [tilespmem:s11+$0xFFFFFF10];
	v28 =	vadd.f32 v0, v1  }
0x11d: {  	s24 =	sshra.s32 s9, $0x2;
	v48 =	vld [tilespmem:s11+$0xFFFFFF20]  }
0x11e: {  	v0 =	vld.idx.msk [tilespmem:v12+s24+$0x0 ss:$0x1], $0xffff  }
0x11f: {  	v1 =	vld.idx.msk [tilespmem:v13+s24+$0x0 ss:$0x1], $0xffff  }
0x120: {  	v49 =	vld [tilespmem:s11+$0xFFFFFED0]  }
0x121: {  	v50 =	vld [tilespmem:s11+$0xFFFFFEE0]  }
0x122: {  	v51 =	vld [tilespmem:s11+$0xFFFFFE90]  }
0x123: {  	v52 =	vld [tilespmem:s11+$0xFFFFFEA0]  }
0x124: {  	vm0 =	veq.s32 v0, $0x0;
	v36 =	vld [tilespmem:s11+$0xFFFFFE50]  }
0x125: {  	v3 =	vsel vm0, $0x0, v1;
	v38 =	vld [tilespmem:s11+$0xFFFFFE60]  }
0x126: {  	v1 =	vbroadcast v3, $0xE;
	v0 =	vbroadcast v3, $0xF;
	v32 =	vld [tilespmem:s11+$0xFFFFFE10]  }
0x127: {  	v5 =	vbroadcast v3, $0xC;
	v2 =	vbroadcast v3, $0xD;
	v34 =	vld [tilespmem:s11+$0xFFFFFE20]  }
0x128: {  	v11 =	vbroadcast v3, $0xA;
	v8 =	vbroadcast v3, $0xB;
	v37 =	vld [tilespmem:s11+$0xFFFFFDD0]  }
0x129: {  	v17 =	vbroadcast v3, $0x8;
	v16 =	vbroadcast v3, $0x9;
	v39 =	vld [tilespmem:s11+$0xFFFFFDE0]  }
0x12a: {  	v23 =	vbroadcast v3, $0x6;
	v20 =	vbroadcast v3, $0x7;
	v33 =	vld [tilespmem:s11+$0xFFFFFD90]  }
0x12b: {  	v25 =	vbroadcast v3, $0x4;
	v24 =	vbroadcast v3, $0x5;
	v40 =	vld [tilespmem:s11+$0xFFFFFDA0]  }
0x12c: {  	v27 =	vbroadcast v3, $0x2;
	v26 =	vbroadcast v3, $0x3;
	v41 =	vld [tilespmem:s11+$0xFFFFFD50]  }
0x12d: {  	v46 =	vbroadcast v3, $0x0;
	v35 =	vbroadcast v3, $0x1;
	v44 =	vld [tilespmem:s11+$0xFFFFFD60]  }
0x12e: {  	v4 =	vmul.f32 v19, v0;
	v3 =	vmul.f32 v22, v0;
	v43 =	vld [tilespmem:s11+$0xFFFFFD10]  }
.Ltmp1:
0x12f: {  	v6 =	vmul.f32 v14, v1;
	v7 =	vmul.f32 v21, v1;
	v42 =	vld [tilespmem:s11+$0xFFFFFD20];
	(pc) =	sbr.rel @p1 .LBB2_5-.Ltmp1, $4  }
0x130: {  	v10 =	vmul.f32 v9, v2;
	v9 =	vmul.f32 v15, v2;
	v45 =	vld [tilespmem:s11+$0xFFFFFCD0]  }
0x131: {  	v15 =	vmul.f32 v18, v5;
	v14 =	vmul.f32 v48, v5;
	v47 =	vld [tilespmem:s11+$0xFFFFFCE0]  }
0x132: {  	v19 =	vmul.f32 v49, v8;
	v18 =	vmul.f32 v50, v8;
	v48 =	vld [tilespmem:s11+$0xFFFFFC90]  }
0x133: {  	s9 =	sadd.s32 $0x40, s9;
	v22 =	vmul.f32 v51, v11;
	v21 =	vmul.f32 v52, v11;
	v49 =	vld [tilespmem:s11+$0xFFFFFCA0]  }
0x134: {  	v12 =	vld [tilespmem:s11+$0xFFFFFC50]  }
0x135: {  	v13 =	vld [tilespmem:s11+$0xFFFFFC60]  }
0x136: {  	v50 =	vld [tilespmem:s11+$0xFFFFFC10]  }
0x137: {  	v51 =	vld [tilespmem:s11+$0xFFFFFC20]  }
0x138: {  	v52 =	vld [tilespmem:s11+$0xFFFFFC30]  }
0x139: {  	v53 =	vld [tilespmem:s11+$0xFFFFFC40]  }
0x13a: {  	v54 =	vld [tilespmem:s11+$0xFFFFFC70]  }
0x13b: {  	v55 =	vld [tilespmem:s11+$0xFFFFFC80]  }
0x13c: {  	v56 =	vld [tilespmem:s11+$0xFFFFFCB0]  }
0x13d: {  	v57 =	vld [tilespmem:s11+$0xFFFFFCC0];
	v36 =	vmul.f32 v36, v16  }
0x13e: {  	v58 =	vld [tilespmem:s11+$0xFFFFFCF0];
	v38 =	vmul.f32 v38, v16;
	v32 =	vmul.f32 v32, v17  }
0x13f: {  	v59 =	vld [tilespmem:s11+$0xFFFFFD00];
	v34 =	vmul.f32 v34, v17;
	v37 =	vmul.f32 v37, v20  }
0x140: {  	v60 =	vld [tilespmem:s11+$0xFFFFFD30];
	v33 =	vmul.f32 v33, v23;
	v40 =	vmul.f32 v40, v23  }
0x141: {  	v50 =	vmul.f32 v46, v50;
	v63 =	vmul.f32 v53, v46;
	v53 =	vld [tilespmem:s11+$0xFFFFFDB0]  }
0x142: {  	v51 =	vmul.f32 v46, v51;
	v52 =	vmul.f32 v52, v46;
	v46 =	vld [tilespmem:s11+$0xFFFFFE00]  }
0x143: {  	v12 =	vmul.f32 v12, v35;
	v61 =	vmul.f32 v54, v35;
	v54 =	vld [tilespmem:s11+$0xFFFFFE30]  }
0x144: {  	v13 =	vmul.f32 v13, v35;
	v62 =	vmul.f32 v55, v35;
	v35 =	vld [tilespmem:s11+$0xFFFFFE80]  }
0x145: {  	v41 =	vmul.f32 v41, v24;
	v44 =	vmul.f32 v44, v24;
	v55 =	vld [tilespmem:s11+$0xFFFFFEF0]  }
0x146: {  	v43 =	vmul.f32 v43, v25;
	v42 =	vmul.f32 v42, v25;
	v30 =	vadd.f32 v50, v30;
	v50 =	vld [tilespmem:s11+$0xFFFFFD40]  }
0x147: {  	v45 =	vmul.f32 v45, v26;
	v48 =	vmul.f32 v48, v27;
	v31 =	vadd.f32 v51, v31;
	v51 =	vld [tilespmem:s11+$0xFFFFFD70]  }
0x148: {  	v49 =	vmul.f32 v49, v27;
	v29 =	vadd.f32 v52, v29;
	v52 =	vld [tilespmem:s11+$0xFFFFFD80];
	v28 =	vadd.f32 v63, v28  }
0x149: {  	v63 =	vmul.f32 v56, v27;
	v27 =	vmul.f32 v57, v27;
	v57 =	vld [tilespmem:s11+$0xFFFFFF30];
	v12 =	vadd.f32 v12, v30  }
0x14a: {  	v47 =	vmul.f32 v47, v26;
	v30 =	vld [tilespmem:s11+$0xFFFFFDC0];
	v13 =	vadd.f32 v13, v31;
	v29 =	vadd.f32 v61, v29  }
0x14b: {  	v31 =	vld [tilespmem:s11+$0xFFFFFDF0];
	v28 =	vadd.f32 v62, v28;
	v62 =	vmul.f32 v58, v26;
	v12 =	vadd.f32 v48, v12  }
0x14c: {  	v61 =	vld [tilespmem:s11+$0xFFFFFE70];
	v26 =	vmul.f32 v59, v26;
	v13 =	vadd.f32 v49, v13;
	v29 =	vadd.f32 v63, v29  }
0x14d: {  	v59 =	vld [tilespmem:s11+$0xFFFFFF70];
	v58 =	vmul.f32 v53, v23;
	v27 =	vadd.f32 v27, v28;
	v12 =	vadd.f32 v45, v12  }
0x14e: {  	v48 =	vld [tilespmem:s11+$0xFFFFFE40];
	v63 =	vmul.f32 v60, v25;
	v13 =	vadd.f32 v47, v13;
	v29 =	vadd.f32 v62, v29  }
0x14f: {  	v28 =	vld [tilespmem:s11+$0xFFFFFEB0];
	v25 =	vmul.f32 v50, v25;
	v26 =	vadd.f32 v26, v27;
	v12 =	vadd.f32 v43, v12  }
0x150: {  	v56 =	vmul.f32 v51, v24;
	v45 =	vld [tilespmem:s11+$0xFFFFFEC0];
	v13 =	vadd.f32 v42, v13;
	v29 =	vadd.f32 v63, v29  }
0x151: {  	v24 =	vmul.f32 v52, v24;
	v27 =	vld [tilespmem:s11+$0xFFFFFF00];
	v25 =	vadd.f32 v25, v26;
	v12 =	vadd.f32 v41, v12  }
0x152: {  	v62 =	vld [tilespmem:s19+$0x138C0];
	v23 =	vmul.f32 v30, v23;
	v13 =	vadd.f32 v44, v13;
	v29 =	vadd.f32 v56, v29  }
0x153: {  	v30 =	vmul.f32 v31, v20;
	v31 =	vld [tilespmem:s11+$0xFFFFFFB0];
	v24 =	vadd.f32 v24, v25;
	v12 =	vadd.f32 v33, v12  }
0x154: {  	v39 =	vmul.f32 v39, v20;
	v26 =	vld [tilespmem:s11+$0xFFFFFF40];
	v13 =	vadd.f32 v40, v13;
	v29 =	vadd.f32 v58, v29  }
0x155: {  	v20 =	vmul.f32 v46, v20;
	v63 =	vld [tilespmem:$0xCC00];
	v23 =	vadd.f32 v23, v24;
	v12 =	vadd.f32 v37, v12  }
0x156: {  	v60 =	vmul.f32 v54, v17;
	v25 =	vld [tilespmem:s11+$0xFFFFFF80];
	v13 =	vadd.f32 v39, v13;
	v29 =	vadd.f32 v30, v29  }
0x157: {  	v17 =	vmul.f32 v48, v17;
	v24 =	vld [tilespmem:s11+$0xFFFFFFC0];
	v20 =	vadd.f32 v20, v23;
	v12 =	vadd.f32 v32, v12  }
0x158: {  	v61 =	vmul.f32 v61, v16;
	v30 =	vld [tilespmem:s11+$0xFFFFFFF0];
	v13 =	vadd.f32 v34, v13;
	v29 =	vadd.f32 v60, v29  }
0x159: {  	v16 =	vmul.f32 v35, v16;
	v17 =	vadd.f32 v17, v20;
	v20 =	vld [tilespmem:s19+$0xC0];
	v12 =	vadd.f32 v36, v12  }
0x15a: {  	v28 =	vmul.f32 v28, v11;
	v23 =	vld [tilespmem:s11+$0x0];
	v13 =	vadd.f32 v38, v13;
	v29 =	vadd.f32 v61, v29  }
0x15b: {  	v11 =	vmul.f32 v45, v11;
	v16 =	vadd.f32 v16, v17;
	v17 =	vld [tilespmem:$0xCC10];
	v12 =	vadd.f32 v22, v12  }
0x15c: {  	v13 =	vadd.f32 v21, v13;
	v21 =	vmul.f32 v55, v8;
	v22 =	vadd.f32 v28, v29;
	v28 =	vld [tilespmem:$0xCC20]  }
0x15d: {  	v11 =	vadd.f32 v11, v16;
	v8 =	vmul.f32 v27, v8;
	v16 =	vld [tilespmem:$0xCC30];
	v12 =	vadd.f32 v19, v12  }
0x15e: {  	vm0 =	veq.s32 v20, $0x0;
	v13 =	vadd.f32 v18, v13;
	v19 =	vadd.f32 v21, v22;
	v21 =	vld [tilespmem:$0xCC40]  }
0x15f: {  	v18 =	vmul.f32 v57, v5;
	v8 =	vadd.f32 v8, v11;
	v5 =	vmul.f32 v26, v5;
	v22 =	vld [tilespmem:$0xCCE0]  }
0x160: {  	v11 =	vadd.f32 v15, v12;
	v12 =	vld [tilespmem:$0xCC50];
	v13 =	vadd.f32 v14, v13;
	v14 =	vmul.f32 v59, v2  }
0x161: {  	v15 =	vadd.f32 v18, v19;
	v18 =	vld [tilespmem:$0xCC60];
	v5 =	vadd.f32 v5, v8;
	v2 =	vmul.f32 v25, v2  }
0x162: {  	v19 =	vld [tilespmem:$0xCCB0];
	v8 =	vadd.f32 v10, v11;
	v9 =	vadd.f32 v9, v13;
	v11 =	vmul.f32 v31, v1  }
0x163: {  	v10 =	vld [tilespmem:$0xCC70];
	v13 =	vadd.f32 v14, v15;
	v2 =	vadd.f32 v2, v5;
	v1 =	vmul.f32 v24, v1  }
0x164: {  	v14 =	vld [tilespmem:$0xCC80];
	v15 =	vmul.f32 v30, v0;
	v6 =	vadd.f32 v6, v8;
	v8 =	vsel vm0, $0x0, v62  }
0x165: {  	v5 =	vld [tilespmem:$0xCC90];
	v7 =	vadd.f32 v7, v9;
	v11 =	vadd.f32 v11, v13;
	v13 =	vbroadcast v8, $0x0  }
0x166: {  	v0 =	vmul.f32 v23, v0;
	v9 =	vld [tilespmem:$0xCCA0];
	v1 =	vadd.f32 v1, v2;
	v20 =	vbroadcast v8, $0x1  }
0x167: {  	v2 =	vadd.f32 v4, v6;
	v4 =	vld [tilespmem:$0xCCC0];
	v3 =	vadd.f32 v3, v7;
	v6 =	vmul.f32 v13, v63  }
0x168: {  	v11 =	vadd.f32 v15, v11;
	v7 =	vmul.f32 v13, v17;
	v17 =	vld [tilespmem:$0xCCD0];
	v15 =	vmul.f32 v28, v13  }
0x169: {  	v0 =	vadd.f32 v0, v1;
	v1 =	vadd.f32 v6, v2;
	v2 =	vmul.f32 v16, v13;
	v6 =	vld [tilespmem:$0xCCF0]  }
0x16a: {  	v3 =	vadd.f32 v7, v3;
	v7 =	vadd.f32 v15, v11;
	v11 =	vmul.f32 v21, v20;
	v13 =	vld [tilespmem:$0xCD00]  }
0x16b: {  	v15 =	vld [tilespmem:$0xCD10];
	v0 =	vadd.f32 v2, v0;
	v2 =	vmul.f32 v12, v20;
	v12 =	vbroadcast v8, $0x2  }
0x16c: {  	v10 =	vmul.f32 v10, v20;
	v16 =	vld [tilespmem:$0xCD20];
	v1 =	vadd.f32 v11, v1;
	v11 =	vmul.f32 v18, v20  }
0x16d: {  	v18 =	vld [tilespmem:$0xCD40];
	v2 =	vadd.f32 v2, v3;
	v3 =	vmul.f32 v14, v12;
	v5 =	vmul.f32 v5, v12  }
0x16e: {  	v14 =	vld [tilespmem:$0xCD30];
	v7 =	vadd.f32 v11, v7;
	v9 =	vmul.f32 v9, v12;
	v11 =	vbroadcast v8, $0x3  }
0x16f: {  	v0 =	vadd.f32 v10, v0;
	v10 =	vld [tilespmem:$0xCD50];
	v1 =	vadd.f32 v3, v1;
	v3 =	vmul.f32 v19, v12  }
0x170: {  	v2 =	vadd.f32 v5, v2;
	v5 =	vadd.f32 v9, v7;
	v4 =	vmul.f32 v4, v11;
	v7 =	vld [tilespmem:$0xCD60]  }
0x171: {  	v9 =	vbroadcast v8, $0x4;
	v12 =	vld [tilespmem:$0xCD70];
	v0 =	vadd.f32 v3, v0;
	v3 =	vmul.f32 v17, v11  }
0x172: {  	v6 =	vmul.f32 v6, v11;
	v1 =	vadd.f32 v4, v1;
	v4 =	vmul.f32 v22, v11;
	v11 =	vld [tilespmem:$0xCD80]  }
0x173: {  	v17 =	vld [tilespmem:$0xCDA0];
	v2 =	vadd.f32 v3, v2;
	v3 =	vmul.f32 v13, v9;
	v13 =	vmul.f32 v15, v9  }
0x174: {  	v15 =	vld [tilespmem:$0xCD90];
	v4 =	vadd.f32 v4, v5;
	v5 =	vmul.f32 v16, v9;
	v16 =	vbroadcast v8, $0x5  }
0x175: {  	v0 =	vadd.f32 v6, v0;
	v6 =	vld [tilespmem:$0xCDB0];
	v1 =	vadd.f32 v3, v1;
	v3 =	vmul.f32 v14, v9  }
0x176: {  	v2 =	vadd.f32 v13, v2;
	v4 =	vadd.f32 v5, v4;
	v5 =	vmul.f32 v18, v16;
	v9 =	vld [tilespmem:$0xCDC0]  }
0x177: {  	v13 =	vld [tilespmem:$0xCDD0];
	v0 =	vadd.f32 v3, v0;
	v3 =	vmul.f32 v10, v16;
	v10 =	vbroadcast v8, $0x6  }
0x178: {  	v1 =	vadd.f32 v5, v1;
	v5 =	vmul.f32 v7, v16;
	v7 =	vmul.f32 v12, v16;
	v12 =	vld [tilespmem:$0xCDE0]  }
0x179: {  	v8 =	vbroadcast v8, $0x7;
	v2 =	vadd.f32 v3, v2;
	v3 =	vmul.f32 v11, v10;
	v11 =	vld [tilespmem:$0xCDF0]  }
0x17a: {  	v4 =	vadd.f32 v5, v4;
	v0 =	vadd.f32 v7, v0;
	v5 =	vmul.f32 v15, v10  }
0x17b: {  	v7 =	vmul.f32 v9, v8;
	v1 =	vadd.f32 v3, v1;
	v3 =	vmul.f32 v17, v10  }
0x17c: {  	v2 =	vadd.f32 v5, v2;
	v5 =	vmul.f32 v6, v10;
	v6 =	vmul.f32 v13, v8  }
0x17d: {  	s9 =	sshll.u32 s10, $0x6;
	v3 =	vadd.f32 v3, v4;
	v1 =	vadd.f32 v7, v1;
	v4 =	vmul.f32 v12, v8  }
0x17e: {  	s9 =	sand.u32 $0x3FFFFFC0, s9;
	v0 =	vadd.f32 v5, v0;
	v2 =	vadd.f32 v6, v2;
	v5 =	vmul.f32 v11, v8  }
0x17f: {  	v3 =	vadd.f32 v4, v3;
	[tilespmem:s9+$0x1A000] =	vst v1  }
0x180: {  	[tilespmem:s9+$0x1A010] =	vst v2;
	v0 =	vadd.f32 v5, v0  }
0x181: {  	[tilespmem:s9+$0x1A020] =	vst v3  }
0x182: {  	s10 =	simm.s32 @!p0 $0xD0;
	s11 =	simm.s32 @!p0 $0x9C00;
	[tilespmem:s9+$0x1A030] =	vst v0;
	s9 =	sadd.s32 @!p0 $0x410, s0  }
0x183: {  	[tilespmem:s11], [sflag:$0x2] =	stream.indirect.gather @!p0 [hbm4b:s3+s10], $0x40, s9, s10, $0xb8;
	[tilespmem:$0x1C000] =	vst v63  }
0x184: {  	_ =	swait.ge [sflag:s17], $0x3400  }
0x185: {  	[sflag:s17] =	ssyncset.done $0x0  }
0x186: {  	s10 =	simm.s32 $0x0;
	[sflag:s17] =	ssyncadd.s32 $0xFFFFCC00  }
0x187: {  	v3 =	vld [tilespmem:s10+$0xD3C0]  }
0x188: {  	v6 =	vld [tilespmem:s10+$0xD3D0]  }
0x189: {  	v7 =	vld [tilespmem:s10+$0xD380]  }
0x18a: {  	v9 =	vld [tilespmem:s10+$0xD390]  }
0x18b: {  	v10 =	vld [tilespmem:s10+$0xD340]  }
0x18c: {  	v12 =	vld [tilespmem:s10+$0xD350]  }
0x18d: {  	v13 =	vld [tilespmem:s10+$0xD300]  }
0x18e: {  	v16 =	vld [tilespmem:s10+$0xD310]  }
0x18f: {  	v0 =	vld [tilespmem:s22+$0x0]  }
0x190: {  	v1 =	vld [tilespmem:s4+$0x0]  }
0x191: {  	v17 =	vld [tilespmem:s10+$0xD2C0]  }
0x192: {  	v19 =	vld [tilespmem:s10+$0xD2D0]  }
0x193: {  	v20 =	vld [tilespmem:s10+$0xD280]  }
0x194: {  	v22 =	vld [tilespmem:s10+$0xD290]  }
0x195: {  	v23 =	vld [tilespmem:s10+$0xD240];
	vm15 =	veq.s32 v0, $0x0  }
0x196: {  	v25 =	vld [tilespmem:s10+$0xD250];
	v4 =	vsel vm15, $0x0, v1  }
0x197: {  	v26 =	vld [tilespmem:s10+$0xD200];
	v1 =	vbroadcast v4, $0xE;
	v0 =	vbroadcast v4, $0xF  }
0x198: {  	v31 =	vld [tilespmem:s10+$0xD210];
	v5 =	vbroadcast v4, $0xC;
	v2 =	vbroadcast v4, $0xD  }
0x199: {  	v36 =	vld [tilespmem:s10+$0xD1C0];
	v11 =	vbroadcast v4, $0xA;
	v8 =	vbroadcast v4, $0xB  }
0x19a: {  	v37 =	vld [tilespmem:s10+$0xD1D0];
	v15 =	vbroadcast v4, $0x8;
	v14 =	vbroadcast v4, $0x9  }
0x19b: {  	v35 =	vld [tilespmem:s10+$0xD180];
	v21 =	vbroadcast v4, $0x6;
	v18 =	vbroadcast v4, $0x7  }
0x19c: {  	v38 =	vld [tilespmem:s10+$0xD190];
	v27 =	vbroadcast v4, $0x4;
	v24 =	vbroadcast v4, $0x5  }
0x19d: {  	v39 =	vld [tilespmem:s10+$0xD140];
	v29 =	vbroadcast v4, $0x2;
	v28 =	vbroadcast v4, $0x3  }
0x19e: {  	v42 =	vld [tilespmem:s10+$0xD150];
	v43 =	vbroadcast v4, $0x0;
	v34 =	vbroadcast v4, $0x1  }
0x19f: {  	v41 =	vld [tilespmem:s10+$0xD100];
	v4 =	vmul.f32 v3, v0;
	v3 =	vmul.f32 v6, v0  }
0x1a0: {  	v40 =	vld [tilespmem:s10+$0xD110];
	v6 =	vmul.f32 v7, v1;
	v7 =	vmul.f32 v9, v1  }
0x1a1: {  	v44 =	vld [tilespmem:s10+$0xD0C0];
	v10 =	vmul.f32 v10, v2;
	v9 =	vmul.f32 v12, v2  }
0x1a2: {  	v45 =	vld [tilespmem:s10+$0xD0D0];
	v13 =	vmul.f32 v13, v5;
	v12 =	vmul.f32 v16, v5  }
0x1a3: {  	v33 =	vimm.f32 $0.0e+00;
	v46 =	vld [tilespmem:s10+$0xD080];
	v17 =	vmul.f32 v17, v8;
	v16 =	vmul.f32 v19, v8  }
0x1a4: {  	v32 =	vimm.f32 $0.0e+00;
	v47 =	vld [tilespmem:s10+$0xD090];
	v20 =	vmul.f32 v20, v11;
	v19 =	vmul.f32 v22, v11  }
0x1a5: {  	s1 =	sor.u32 $0x2, s1;
	s24 =	smov.u32 s4;
	v30 =	vimm.f32 $0.0e+00;
	v48 =	vld [tilespmem:s10+$0xD040];
	v23 =	vmul.f32 v23, v14;
	v22 =	vmul.f32 v25, v14  }
0x1a6: {  	s19 =	simm.s32 $0x1000;
	s11 =	smul.u32 $0xD0, s1;
	s9 =	smov.u32 s22;
	v49 =	vld [tilespmem:s10+$0xD050];
	v26 =	vmul.f32 v26, v15;
	v25 =	vmul.f32 v31, v15;
	v31 =	vimm.f32 $0.0e+00  }
.LBB2_7:
0x1a7: {  	p1 =	sne.s32 s19, $0xB000;
	v50 =	vld [tilespmem:s10+$0xD000];
	v36 =	vmul.f32 v36, v18;
	v37 =	vmul.f32 v37, v18  }
0x1a8: {  	v35 =	vmul.f32 v35, v21;
	v38 =	vmul.f32 v38, v21;
	v51 =	vld [tilespmem:s10+$0xD010]  }
0x1a9: {  	v39 =	vmul.f32 v39, v24;
	v42 =	vmul.f32 v42, v24;
	v52 =	vld [tilespmem:s10+$0xD020]  }
0x1aa: {  	v41 =	vmul.f32 v41, v27;
	v40 =	vmul.f32 v40, v27;
	v53 =	vld [tilespmem:s10+$0xD030]  }
0x1ab: {  	v44 =	vmul.f32 v44, v28;
	v45 =	vmul.f32 v45, v28;
	v54 =	vld [tilespmem:s10+$0xD060]  }
0x1ac: {  	v46 =	vmul.f32 v46, v29;
	v47 =	vmul.f32 v47, v29;
	v55 =	vld [tilespmem:s10+$0xD070]  }
0x1ad: {  	v48 =	vmul.f32 v48, v34;
	v49 =	vmul.f32 v49, v34;
	v56 =	vld [tilespmem:s10+$0xD0A0]  }
0x1ae: {  	v50 =	vmul.f32 v43, v50;
	v51 =	vmul.f32 v43, v51;
	v57 =	vld [tilespmem:s10+$0xD0B0]  }
0x1af: {  	v52 =	vmul.f32 v52, v43;
	v43 =	vmul.f32 v53, v43;
	v53 =	vld [tilespmem:s10+$0xD0E0]  }
0x1b0: {  	v30 =	vadd.f32 v50, v30;
	v33 =	vadd.f32 v51, v33;
	v50 =	vmul.f32 v54, v34;
	v51 =	vld [tilespmem:s10+$0xD0F0]  }
0x1b1: {  	v32 =	vadd.f32 v52, v32;
	v31 =	vadd.f32 v43, v31;
	v34 =	vmul.f32 v55, v34;
	v43 =	vld [tilespmem:s10+$0xD120]  }
0x1b2: {  	v30 =	vadd.f32 v48, v30;
	v33 =	vadd.f32 v49, v33;
	v48 =	vmul.f32 v56, v29;
	v49 =	vld [tilespmem:s10+$0xD130]  }
0x1b3: {  	v32 =	vadd.f32 v50, v32;
	v31 =	vadd.f32 v34, v31;
	v29 =	vmul.f32 v57, v29;
	v34 =	vld [tilespmem:s10+$0xD160]  }
0x1b4: {  	v30 =	vadd.f32 v46, v30;
	v33 =	vadd.f32 v47, v33;
	v46 =	vmul.f32 v53, v28;
	v47 =	vld [tilespmem:s10+$0xD170]  }
0x1b5: {  	v32 =	vadd.f32 v48, v32;
	v29 =	vadd.f32 v29, v31;
	v28 =	vmul.f32 v51, v28;
	v31 =	vld [tilespmem:s10+$0xD1A0]  }
0x1b6: {  	v30 =	vadd.f32 v44, v30;
	v33 =	vadd.f32 v45, v33;
	v43 =	vmul.f32 v43, v27;
	v44 =	vld [tilespmem:s10+$0xD1B0]  }
0x1b7: {  	v32 =	vadd.f32 v46, v32;
	v28 =	vadd.f32 v28, v29;
	v27 =	vmul.f32 v49, v27;
	v29 =	vld [tilespmem:s10+$0xD1E0]  }
0x1b8: {  	v30 =	vadd.f32 v41, v30;
	v33 =	vadd.f32 v40, v33;
	v34 =	vmul.f32 v34, v24;
	v40 =	vld [tilespmem:s10+$0xD1F0]  }
0x1b9: {  	v32 =	vadd.f32 v43, v32;
	v27 =	vadd.f32 v27, v28;
	v24 =	vmul.f32 v47, v24;
	v28 =	vld [tilespmem:s10+$0xD220]  }
0x1ba: {  	v30 =	vadd.f32 v39, v30;
	v33 =	vadd.f32 v42, v33;
	v31 =	vmul.f32 v31, v21;
	v39 =	vld [tilespmem:s10+$0xD230]  }
0x1bb: {  	v32 =	vadd.f32 v34, v32;
	v24 =	vadd.f32 v24, v27;
	v21 =	vmul.f32 v44, v21;
	v27 =	vld [tilespmem:s10+$0xD260]  }
0x1bc: {  	v30 =	vadd.f32 v35, v30;
	v33 =	vadd.f32 v38, v33;
	v29 =	vmul.f32 v29, v18;
	v34 =	vld [tilespmem:s10+$0xD270]  }
0x1bd: {  	v31 =	vadd.f32 v31, v32;
	v21 =	vadd.f32 v21, v24;
	v18 =	vmul.f32 v40, v18;
	v24 =	vld [tilespmem:s10+$0xD2A0]  }
0x1be: {  	v30 =	vadd.f32 v36, v30;
	v32 =	vadd.f32 v37, v33;
	v28 =	vmul.f32 v28, v15;
	v33 =	vld [tilespmem:s10+$0xD2B0]  }
0x1bf: {  	v29 =	vadd.f32 v29, v31;
	v18 =	vadd.f32 v18, v21;
	v15 =	vmul.f32 v39, v15;
	v21 =	vld [tilespmem:s10+$0xD2E0]  }
0x1c0: {  	v26 =	vadd.f32 v26, v30;
	v25 =	vadd.f32 v25, v32;
	v27 =	vmul.f32 v27, v14;
	v30 =	vld [tilespmem:s10+$0xD2F0]  }
0x1c1: {  	v28 =	vadd.f32 v28, v29;
	v15 =	vadd.f32 v15, v18;
	v14 =	vmul.f32 v34, v14;
	v18 =	vld [tilespmem:s10+$0xD320]  }
0x1c2: {  	v23 =	vadd.f32 v23, v26;
	v22 =	vadd.f32 v22, v25;
	v24 =	vmul.f32 v24, v11;
	v25 =	vld [tilespmem:s10+$0xD330]  }
0x1c3: {  	v26 =	vadd.f32 v27, v28;
	v14 =	vadd.f32 v14, v15;
	v11 =	vmul.f32 v33, v11;
	v15 =	vld [tilespmem:s10+$0xD360]  }
0x1c4: {  	v20 =	vadd.f32 v20, v23;
	v19 =	vadd.f32 v19, v22;
	v21 =	vmul.f32 v21, v8;
	v22 =	vld [tilespmem:s10+$0xD370]  }
0x1c5: {  	v23 =	vadd.f32 v24, v26;
	v11 =	vadd.f32 v11, v14;
	v8 =	vmul.f32 v30, v8;
	v14 =	vld [tilespmem:s10+$0xD3A0]  }
0x1c6: {  	v17 =	vadd.f32 v17, v20;
	v16 =	vadd.f32 v16, v19;
	v18 =	vmul.f32 v18, v5;
	v19 =	vld [tilespmem:s10+$0xD3B0]  }
0x1c7: {  	v20 =	vadd.f32 v21, v23;
	v8 =	vadd.f32 v8, v11;
	v5 =	vmul.f32 v25, v5;
	v11 =	vld [tilespmem:s10+$0xD3E0]  }
0x1c8: {  	v13 =	vadd.f32 v13, v17;
	v12 =	vadd.f32 v12, v16;
	v15 =	vmul.f32 v15, v2;
	v16 =	vld [tilespmem:s10+$0xD3F0];
	s10 =	sshra.s32 s19, $0x2  }
0x1c9: {  	v18 =	vadd.f32 v18, v20;
	v17 =	vld [tilespmem:s10+$0xD3C0];
	v5 =	vadd.f32 v5, v8;
	v2 =	vmul.f32 v22, v2  }
0x1ca: {  	v8 =	vadd.f32 v10, v13;
	v9 =	vadd.f32 v9, v12;
	v20 =	vld [tilespmem:s10+$0xD3D0];
	v10 =	vmul.f32 v14, v1  }
0x1cb: {  	v13 =	vadd.f32 v15, v18;
	v12 =	vld [tilespmem:s10+$0xD380];
	v2 =	vadd.f32 v2, v5;
	v1 =	vmul.f32 v19, v1  }
0x1cc: {  	v5 =	vadd.f32 v6, v8;
	v6 =	vadd.f32 v7, v9;
	v19 =	vld [tilespmem:s10+$0xD390];
	v7 =	vmul.f32 v11, v0  }
0x1cd: {  	v8 =	vadd.f32 v10, v13;
	v9 =	vld [tilespmem:s10+$0xD340];
	v1 =	vadd.f32 v1, v2;
	v0 =	vmul.f32 v16, v0  }
0x1ce: {  	v30 =	vadd.f32 v4, v5;
	v33 =	vadd.f32 v3, v6;
	v13 =	vld [tilespmem:s10+$0xD350]  }
0x1cf: {  	v32 =	vadd.f32 v7, v8;
	v16 =	vld [tilespmem:s10+$0xD300];
	v31 =	vadd.f32 v0, v1  }
0x1d0: {  	v22 =	vld [tilespmem:s10+$0xD310]  }
0x1d1: {  	s9 =	sadd.s32 $0x10, s9;
	v23 =	vld [tilespmem:s10+$0xD2C0]  }
0x1d2: {  	s24 =	sadd.s32 $0x10, s24;
	v0 =	vld [tilespmem:s9+$0x0]  }
0x1d3: {  	v1 =	vld [tilespmem:s24+$0x0]  }
0x1d4: {  	v25 =	vld [tilespmem:s10+$0xD2D0]  }
0x1d5: {  	v26 =	vld [tilespmem:s10+$0xD280]  }
0x1d6: {  	v48 =	vld [tilespmem:s10+$0xD290]  }
0x1d7: {  	vm0 =	veq.s32 v0, $0x0;
	v49 =	vld [tilespmem:s10+$0xD240]  }
0x1d8: {  	v3 =	vsel vm0, $0x0, v1;
	v50 =	vld [tilespmem:s10+$0xD250]  }
0x1d9: {  	v51 =	vld [tilespmem:s10+$0xD200];
	v1 =	vbroadcast v3, $0xE;
	v0 =	vbroadcast v3, $0xF  }
0x1da: {  	v5 =	vbroadcast v3, $0xC;
	v2 =	vbroadcast v3, $0xD;
	v52 =	vld [tilespmem:s10+$0xD210]  }
0x1db: {  	v11 =	vbroadcast v3, $0xA;
	v8 =	vbroadcast v3, $0xB;
	v36 =	vld [tilespmem:s10+$0xD1C0]  }
0x1dc: {  	v15 =	vbroadcast v3, $0x8;
	v14 =	vbroadcast v3, $0x9;
	v37 =	vld [tilespmem:s10+$0xD1D0]  }
0x1dd: {  	v21 =	vbroadcast v3, $0x6;
	v18 =	vbroadcast v3, $0x7;
	v35 =	vld [tilespmem:s10+$0xD180]  }
0x1de: {  	v27 =	vbroadcast v3, $0x4;
	v24 =	vbroadcast v3, $0x5;
	v38 =	vld [tilespmem:s10+$0xD190]  }
0x1df: {  	v29 =	vbroadcast v3, $0x2;
	v28 =	vbroadcast v3, $0x3;
	v39 =	vld [tilespmem:s10+$0xD140]  }
0x1e0: {  	v43 =	vbroadcast v3, $0x0;
	v34 =	vbroadcast v3, $0x1;
	v42 =	vld [tilespmem:s10+$0xD150]  }
0x1e1: {  	v4 =	vmul.f32 v17, v0;
	v3 =	vmul.f32 v20, v0;
	v41 =	vld [tilespmem:s10+$0xD100]  }
0x1e2: {  	v6 =	vmul.f32 v12, v1;
	v7 =	vmul.f32 v19, v1;
	v40 =	vld [tilespmem:s10+$0xD110]  }
0x1e3: {  	v10 =	vmul.f32 v9, v2;
	v9 =	vmul.f32 v13, v2;
	v44 =	vld [tilespmem:s10+$0xD0C0]  }
.Ltmp2:
0x1e4: {  	v13 =	vmul.f32 v16, v5;
	v12 =	vmul.f32 v22, v5;
	v45 =	vld [tilespmem:s10+$0xD0D0];
	(pc) =	sbr.rel @p1 .LBB2_7-.Ltmp2, $4  }
0x1e5: {  	v17 =	vmul.f32 v23, v8;
	v16 =	vmul.f32 v25, v8;
	v46 =	vld [tilespmem:s10+$0xD080]  }
0x1e6: {  	v20 =	vmul.f32 v26, v11;
	v19 =	vmul.f32 v48, v11;
	v47 =	vld [tilespmem:s10+$0xD090]  }
0x1e7: {  	v23 =	vmul.f32 v49, v14;
	v22 =	vmul.f32 v50, v14;
	v48 =	vld [tilespmem:s10+$0xD040]  }
0x1e8: {  	s19 =	sadd.s32 $0x1000, s19;
	v26 =	vmul.f32 v51, v15;
	v25 =	vmul.f32 v52, v15;
	v49 =	vld [tilespmem:s10+$0xD050]  }
0x1e9: {  	v50 =	vld [tilespmem:s10+$0xD000]  }
0x1ea: {  	v51 =	vld [tilespmem:s10+$0xD010]  }
0x1eb: {  	v52 =	vld [tilespmem:s10+$0xD020]  }
0x1ec: {  	v53 =	vld [tilespmem:s10+$0xD030]  }
0x1ed: {  	v54 =	vld [tilespmem:s10+$0xD060]  }
0x1ee: {  	v55 =	vld [tilespmem:s10+$0xD070]  }
0x1ef: {  	v56 =	vld [tilespmem:s10+$0xD0A0]  }
0x1f0: {  	v57 =	vld [tilespmem:s10+$0xD0B0]  }
0x1f1: {  	v58 =	vld [tilespmem:s10+$0xD0E0]  }
0x1f2: {  	v59 =	vld [tilespmem:s10+$0xD0F0];
	v36 =	vmul.f32 v36, v18  }
0x1f3: {  	v60 =	vld [tilespmem:s10+$0xD120];
	v37 =	vmul.f32 v37, v18;
	v35 =	vmul.f32 v35, v21  }
0x1f4: {  	v61 =	vld [tilespmem:s10+$0xD130];
	v48 =	vmul.f32 v48, v34;
	v49 =	vmul.f32 v49, v34  }
0x1f5: {  	v50 =	vmul.f32 v43, v50;
	v63 =	vmul.f32 v53, v43;
	v53 =	vld [tilespmem:s10+$0xD160]  }
0x1f6: {  	v51 =	vmul.f32 v43, v51;
	v52 =	vmul.f32 v52, v43;
	v43 =	vld [tilespmem:s10+$0xD1A0]  }
0x1f7: {  	v54 =	vmul.f32 v54, v34;
	v55 =	vmul.f32 v55, v34;
	v34 =	vld [tilespmem:s10+$0xD270]  }
0x1f8: {  	v38 =	vmul.f32 v38, v21;
	v62 =	vmul.f32 v58, v28;
	v58 =	vld [tilespmem:s10+$0xD360]  }
0x1f9: {  	v39 =	vmul.f32 v39, v24;
	v42 =	vmul.f32 v42, v24;
	v30 =	vadd.f32 v50, v30;
	v50 =	vld [tilespmem:s10+$0xD170]  }
0x1fa: {  	v41 =	vmul.f32 v41, v27;
	v44 =	vmul.f32 v44, v28;
	v33 =	vadd.f32 v51, v33;
	v51 =	vld [tilespmem:s10+$0xD1F0]  }
0x1fb: {  	v46 =	vmul.f32 v46, v29;
	v47 =	vmul.f32 v47, v29;
	v32 =	vadd.f32 v52, v32;
	v52 =	vld [tilespmem:s10+$0xD220]  }
0x1fc: {  	v31 =	vadd.f32 v63, v31;
	v63 =	vmul.f32 v60, v27;
	v60 =	vld [tilespmem:s10+$0xD3A0];
	v30 =	vadd.f32 v48, v30  }
0x1fd: {  	v56 =	vmul.f32 v56, v29;
	v48 =	vld [tilespmem:s10+$0xD1B0];
	v33 =	vadd.f32 v49, v33;
	v32 =	vadd.f32 v54, v32  }
0x1fe: {  	v29 =	vmul.f32 v57, v29;
	v49 =	vld [tilespmem:s10+$0xD1E0];
	v31 =	vadd.f32 v55, v31;
	v30 =	vadd.f32 v46, v30  }
0x1ff: {  	v45 =	vmul.f32 v45, v28;
	v54 =	vld [tilespmem:s10+$0xD2E0];
	v33 =	vadd.f32 v47, v33;
	v32 =	vadd.f32 v56, v32  }
0x200: {  	v28 =	vmul.f32 v59, v28;
	v46 =	vld [tilespmem:s10+$0xD230];
	v29 =	vadd.f32 v29, v31;
	v30 =	vadd.f32 v44, v30  }
0x201: {  	v40 =	vmul.f32 v40, v27;
	v47 =	vld [tilespmem:s10+$0xD260];
	v33 =	vadd.f32 v45, v33;
	v32 =	vadd.f32 v62, v32  }
0x202: {  	v27 =	vmul.f32 v61, v27;
	v31 =	vld [tilespmem:s10+$0xD2A0];
	v28 =	vadd.f32 v28, v29;
	v29 =	vadd.f32 v41, v30  }
0x203: {  	v55 =	vmul.f32 v53, v24;
	v56 =	vld [tilespmem:s10+$0xD320];
	v33 =	vadd.f32 v40, v33;
	v32 =	vadd.f32 v63, v32  }
0x204: {  	v24 =	vmul.f32 v50, v24;
	v44 =	vld [tilespmem:s10+$0xD2B0];
	v27 =	vadd.f32 v27, v28;
	v28 =	vadd.f32 v39, v29  }
0x205: {  	v57 =	vmul.f32 v43, v21;
	v62 =	vld [tilespmem:s10+$0xD3E0];
	v33 =	vadd.f32 v42, v33;
	v32 =	vadd.f32 v55, v32  }
0x206: {  	v21 =	vmul.f32 v48, v21;
	v30 =	vld [tilespmem:s10+$0xD2F0];
	v24 =	vadd.f32 v24, v27;
	v27 =	vadd.f32 v35, v28  }
0x207: {  	v59 =	vmul.f32 v49, v18;
	v63 =	vld [tilespmem:s11+$0x138C0];
	v33 =	vadd.f32 v38, v33;
	v32 =	vadd.f32 v57, v32  }
0x208: {  	v18 =	vmul.f32 v51, v18;
	v29 =	vld [tilespmem:s10+$0xD330];
	v21 =	vadd.f32 v21, v24;
	v24 =	vadd.f32 v36, v27  }
0x209: {  	v61 =	vmul.f32 v52, v15;
	v28 =	vld [tilespmem:s10+$0xD370];
	v33 =	vadd.f32 v37, v33;
	v32 =	vadd.f32 v59, v32  }
0x20a: {  	v15 =	vmul.f32 v46, v15;
	v27 =	vld [tilespmem:s10+$0xD3B0];
	v18 =	vadd.f32 v18, v21;
	v21 =	vadd.f32 v26, v24  }
0x20b: {  	v24 =	vld [tilespmem:s10+$0xD3F0];
	v25 =	vadd.f32 v25, v33;
	v26 =	vmul.f32 v47, v14;
	v32 =	vadd.f32 v61, v32  }
0x20c: {  	v15 =	vadd.f32 v15, v18;
	v14 =	vmul.f32 v34, v14;
	v18 =	vadd.f32 v23, v21;
	v21 =	vld [tilespmem:s11+$0xC0]  }
0x20d: {  	v22 =	vadd.f32 v22, v25;
	v23 =	vmul.f32 v31, v11;
	v25 =	vadd.f32 v26, v32;
	v26 =	vld [tilespmem:$0x10000]  }
0x20e: {  	v14 =	vadd.f32 v14, v15;
	v11 =	vmul.f32 v44, v11;
	v15 =	vadd.f32 v20, v18;
	v18 =	vld [tilespmem:$0x10010]  }
0x20f: {  	v19 =	vadd.f32 v19, v22;
	v20 =	vmul.f32 v54, v8;
	v22 =	vadd.f32 v23, v25;
	v23 =	vld [tilespmem:$0x10020]  }
0x210: {  	v11 =	vadd.f32 v11, v14;
	v8 =	vmul.f32 v30, v8;
	v14 =	vadd.f32 v17, v15;
	v15 =	vld [tilespmem:$0x10030]  }
0x211: {  	v16 =	vadd.f32 v16, v19;
	v17 =	vmul.f32 v56, v5;
	v19 =	vadd.f32 v20, v22;
	v20 =	vld [tilespmem:$0x10040]  }
0x212: {  	v8 =	vadd.f32 v8, v11;
	v5 =	vmul.f32 v29, v5;
	v22 =	vld [tilespmem:$0x100E0];
	vm0 =	veq.s32 v21, $0x0  }
0x213: {  	v11 =	vadd.f32 v13, v14;
	v13 =	vld [tilespmem:$0x10050];
	v12 =	vadd.f32 v12, v16;
	v14 =	vmul.f32 v58, v2  }
0x214: {  	v16 =	vadd.f32 v17, v19;
	v17 =	vld [tilespmem:$0x10060];
	v5 =	vadd.f32 v5, v8;
	v2 =	vmul.f32 v28, v2  }
0x215: {  	v19 =	vld [tilespmem:$0x100B0];
	v8 =	vadd.f32 v10, v11;
	v9 =	vadd.f32 v9, v12;
	v11 =	vmul.f32 v60, v1  }
0x216: {  	v10 =	vld [tilespmem:$0x10070];
	v12 =	vadd.f32 v14, v16;
	v2 =	vadd.f32 v2, v5;
	v1 =	vmul.f32 v27, v1  }
0x217: {  	v14 =	vld [tilespmem:$0x10080];
	v16 =	vmul.f32 v62, v0;
	v6 =	vadd.f32 v6, v8;
	v8 =	vsel vm0, $0x0, v63  }
0x218: {  	v5 =	vld [tilespmem:$0x10090];
	v7 =	vadd.f32 v7, v9;
	v11 =	vadd.f32 v11, v12;
	v12 =	vbroadcast v8, $0x0  }
0x219: {  	v0 =	vmul.f32 v24, v0;
	v9 =	vld [tilespmem:$0x100A0];
	v1 =	vadd.f32 v1, v2;
	v21 =	vbroadcast v8, $0x1  }
0x21a: {  	v2 =	vadd.f32 v4, v6;
	v4 =	vld [tilespmem:$0x100C0];
	v3 =	vadd.f32 v3, v7;
	v6 =	vmul.f32 v12, v26  }
0x21b: {  	v11 =	vadd.f32 v16, v11;
	v7 =	vmul.f32 v12, v18;
	v18 =	vld [tilespmem:$0x100D0];
	v16 =	vmul.f32 v23, v12  }
0x21c: {  	v0 =	vadd.f32 v0, v1;
	v1 =	vadd.f32 v6, v2;
	v2 =	vmul.f32 v15, v12;
	v6 =	vld [tilespmem:$0x100F0]  }
0x21d: {  	v3 =	vadd.f32 v7, v3;
	v7 =	vadd.f32 v16, v11;
	v11 =	vmul.f32 v20, v21;
	v12 =	vld [tilespmem:$0x10100]  }
0x21e: {  	v15 =	vld [tilespmem:$0x10110];
	v0 =	vadd.f32 v2, v0;
	v2 =	vmul.f32 v13, v21;
	v13 =	vbroadcast v8, $0x2  }
0x21f: {  	v10 =	vmul.f32 v10, v21;
	v16 =	vld [tilespmem:$0x10120];
	v1 =	vadd.f32 v11, v1;
	v11 =	vmul.f32 v17, v21  }
0x220: {  	v17 =	vld [tilespmem:$0x10140];
	v2 =	vadd.f32 v2, v3;
	v3 =	vmul.f32 v14, v13;
	v5 =	vmul.f32 v5, v13  }
0x221: {  	v14 =	vld [tilespmem:$0x10130];
	v7 =	vadd.f32 v11, v7;
	v9 =	vmul.f32 v9, v13;
	v11 =	vbroadcast v8, $0x3  }
0x222: {  	v0 =	vadd.f32 v10, v0;
	v10 =	vld [tilespmem:$0x10150];
	v1 =	vadd.f32 v3, v1;
	v3 =	vmul.f32 v19, v13  }
0x223: {  	v2 =	vadd.f32 v5, v2;
	v5 =	vadd.f32 v9, v7;
	v4 =	vmul.f32 v4, v11;
	v7 =	vld [tilespmem:$0x10160]  }
0x224: {  	v9 =	vbroadcast v8, $0x4;
	v13 =	vld [tilespmem:$0x10170];
	v0 =	vadd.f32 v3, v0;
	v3 =	vmul.f32 v18, v11  }
0x225: {  	v6 =	vmul.f32 v6, v11;
	v1 =	vadd.f32 v4, v1;
	v4 =	vmul.f32 v22, v11;
	v11 =	vld [tilespmem:$0x10180]  }
0x226: {  	v18 =	vld [tilespmem:$0x101A0];
	v2 =	vadd.f32 v3, v2;
	v3 =	vmul.f32 v12, v9;
	v12 =	vmul.f32 v15, v9  }
0x227: {  	v15 =	vld [tilespmem:$0x10190];
	v4 =	vadd.f32 v4, v5;
	v5 =	vmul.f32 v16, v9;
	v16 =	vbroadcast v8, $0x5  }
0x228: {  	v0 =	vadd.f32 v6, v0;
	v6 =	vld [tilespmem:$0x101B0];
	v1 =	vadd.f32 v3, v1;
	v3 =	vmul.f32 v14, v9  }
0x229: {  	v2 =	vadd.f32 v12, v2;
	v4 =	vadd.f32 v5, v4;
	v5 =	vmul.f32 v17, v16;
	v9 =	vld [tilespmem:$0x101C0]  }
0x22a: {  	v12 =	vld [tilespmem:$0x101D0];
	v0 =	vadd.f32 v3, v0;
	v3 =	vmul.f32 v10, v16;
	v10 =	vbroadcast v8, $0x6  }
0x22b: {  	v1 =	vadd.f32 v5, v1;
	v5 =	vmul.f32 v7, v16;
	v7 =	vmul.f32 v13, v16;
	v13 =	vld [tilespmem:$0x101E0]  }
0x22c: {  	v8 =	vbroadcast v8, $0x7;
	v2 =	vadd.f32 v3, v2;
	v3 =	vmul.f32 v11, v10;
	v11 =	vld [tilespmem:$0x101F0]  }
0x22d: {  	v4 =	vadd.f32 v5, v4;
	v0 =	vadd.f32 v7, v0;
	v5 =	vmul.f32 v15, v10  }
0x22e: {  	v7 =	vmul.f32 v9, v8;
	v1 =	vadd.f32 v3, v1;
	v3 =	vmul.f32 v18, v10  }
0x22f: {  	v2 =	vadd.f32 v5, v2;
	v5 =	vmul.f32 v6, v10;
	v6 =	vmul.f32 v12, v8  }
0x230: {  	s1 =	sshll.u32 s1, $0x6;
	v3 =	vadd.f32 v3, v4;
	v1 =	vadd.f32 v7, v1;
	v4 =	vmul.f32 v13, v8  }
0x231: {  	s1 =	sand.u32 $0x3FFFFFC0, s1;
	v0 =	vadd.f32 v5, v0;
	v2 =	vadd.f32 v6, v2;
	v5 =	vmul.f32 v11, v8  }
0x232: {  	v3 =	vadd.f32 v4, v3;
	[tilespmem:s1+$0x1A000] =	vst v1  }
0x233: {  	[tilespmem:s1+$0x1A010] =	vst v2;
	v0 =	vadd.f32 v5, v0  }
0x234: {  	[tilespmem:s1+$0x1A020] =	vst v3  }
0x235: {  	s0 =	sadd.s32 @!p0 $0x4E0, s0;
	s9 =	simm.s32 @!p0 $0xD000;
	[tilespmem:s1+$0x1A030] =	vst v0;
	s1 =	simm.s32 @!p0 $0xD0  }
0x236: {  	[tilespmem:s9], [sflag:$0x3] =	stream.indirect.gather @!p0 [hbm4b:s3+s1], $0x40, s0, s1, $0xb8;
	[tilespmem:$0x1C000] =	vst v63  }
0x237: {  	_ =	swait.ge [sflag:s18], $0x3400  }
0x238: {  	[sflag:s18] =	ssyncset.done $0x0  }
0x239: {  	s0 =	simm.s32 $0x0;
	[sflag:s18] =	ssyncadd.s32 $0xFFFFCC00  }
0x23a: {  	v3 =	vld [tilespmem:s0+$0x107C0]  }
0x23b: {  	v6 =	vld [tilespmem:s0+$0x107D0]  }
0x23c: {  	v7 =	vld [tilespmem:s0+$0x10780]  }
0x23d: {  	v9 =	vld [tilespmem:s0+$0x10790]  }
0x23e: {  	v10 =	vld [tilespmem:s0+$0x10740]  }
0x23f: {  	v12 =	vld [tilespmem:s0+$0x10750]  }
0x240: {  	v13 =	vld [tilespmem:s0+$0x10700]  }
0x241: {  	v16 =	vld [tilespmem:s0+$0x10710]  }
0x242: {  	v0 =	vld [tilespmem:s26+$0x0]  }
0x243: {  	v1 =	vld [tilespmem:s25+$0x0]  }
0x244: {  	v17 =	vld [tilespmem:s0+$0x106C0]  }
0x245: {  	v19 =	vld [tilespmem:s0+$0x106D0]  }
0x246: {  	v20 =	vld [tilespmem:s0+$0x10680]  }
0x247: {  	v22 =	vld [tilespmem:s0+$0x10690]  }
0x248: {  	v23 =	vld [tilespmem:s0+$0x10640];
	vm15 =	veq.s32 v0, $0x0  }
0x249: {  	v25 =	vld [tilespmem:s0+$0x10650];
	v4 =	vsel vm15, $0x0, v1  }
0x24a: {  	v26 =	vld [tilespmem:s0+$0x10600];
	v1 =	vbroadcast v4, $0xE;
	v0 =	vbroadcast v4, $0xF  }
0x24b: {  	v31 =	vld [tilespmem:s0+$0x10610];
	v5 =	vbroadcast v4, $0xC;
	v2 =	vbroadcast v4, $0xD  }
0x24c: {  	v36 =	vld [tilespmem:s0+$0x105C0];
	v11 =	vbroadcast v4, $0xA;
	v8 =	vbroadcast v4, $0xB  }
0x24d: {  	v37 =	vld [tilespmem:s0+$0x105D0];
	v15 =	vbroadcast v4, $0x8;
	v14 =	vbroadcast v4, $0x9  }
0x24e: {  	v35 =	vld [tilespmem:s0+$0x10580];
	v21 =	vbroadcast v4, $0x6;
	v18 =	vbroadcast v4, $0x7  }
0x24f: {  	v38 =	vld [tilespmem:s0+$0x10590];
	v27 =	vbroadcast v4, $0x4;
	v24 =	vbroadcast v4, $0x5  }
0x250: {  	v39 =	vld [tilespmem:s0+$0x10540];
	v29 =	vbroadcast v4, $0x2;
	v28 =	vbroadcast v4, $0x3  }
0x251: {  	v42 =	vld [tilespmem:s0+$0x10550];
	v43 =	vbroadcast v4, $0x0;
	v34 =	vbroadcast v4, $0x1  }
0x252: {  	v41 =	vld [tilespmem:s0+$0x10500];
	v4 =	vmul.f32 v3, v0;
	v3 =	vmul.f32 v6, v0  }
0x253: {  	v40 =	vld [tilespmem:s0+$0x10510];
	v6 =	vmul.f32 v7, v1;
	v7 =	vmul.f32 v9, v1  }
0x254: {  	v44 =	vld [tilespmem:s0+$0x104C0];
	v10 =	vmul.f32 v10, v2;
	v9 =	vmul.f32 v12, v2  }
0x255: {  	v45 =	vld [tilespmem:s0+$0x104D0];
	v13 =	vmul.f32 v13, v5;
	v12 =	vmul.f32 v16, v5  }
0x256: {  	v33 =	vimm.f32 $0.0e+00;
	v46 =	vld [tilespmem:s0+$0x10480];
	v17 =	vmul.f32 v17, v8;
	v16 =	vmul.f32 v19, v8  }
0x257: {  	v32 =	vimm.f32 $0.0e+00;
	v47 =	vld [tilespmem:s0+$0x10490];
	v20 =	vmul.f32 v20, v11;
	v19 =	vmul.f32 v22, v11  }
0x258: {  	s10 =	simm.s32 $0x1000;
	v30 =	vimm.f32 $0.0e+00;
	v48 =	vld [tilespmem:s0+$0x10440];
	v23 =	vmul.f32 v23, v14;
	v22 =	vmul.f32 v25, v14  }
0x259: {  	s11 =	smov.u32 s25;
	s1 =	smul.u32 $0xD0, s31;
	s9 =	smov.u32 s26;
	v49 =	vld [tilespmem:s0+$0x10450];
	v26 =	vmul.f32 v26, v15;
	v25 =	vmul.f32 v31, v15;
	v31 =	vimm.f32 $0.0e+00  }
.LBB2_9:
0x25a: {  	p0 =	sne.s32 s10, $0xB000;
	v50 =	vld [tilespmem:s0+$0x10400];
	v36 =	vmul.f32 v36, v18;
	v37 =	vmul.f32 v37, v18  }
0x25b: {  	v35 =	vmul.f32 v35, v21;
	v38 =	vmul.f32 v38, v21;
	v51 =	vld [tilespmem:s0+$0x10410]  }
0x25c: {  	v39 =	vmul.f32 v39, v24;
	v42 =	vmul.f32 v42, v24;
	v52 =	vld [tilespmem:s0+$0x10420]  }
0x25d: {  	v41 =	vmul.f32 v41, v27;
	v40 =	vmul.f32 v40, v27;
	v53 =	vld [tilespmem:s0+$0x10430]  }
0x25e: {  	v44 =	vmul.f32 v44, v28;
	v45 =	vmul.f32 v45, v28;
	v54 =	vld [tilespmem:s0+$0x10460]  }
0x25f: {  	v46 =	vmul.f32 v46, v29;
	v47 =	vmul.f32 v47, v29;
	v55 =	vld [tilespmem:s0+$0x10470]  }
0x260: {  	v48 =	vmul.f32 v48, v34;
	v49 =	vmul.f32 v49, v34;
	v56 =	vld [tilespmem:s0+$0x104A0]  }
0x261: {  	v50 =	vmul.f32 v43, v50;
	v51 =	vmul.f32 v43, v51;
	v57 =	vld [tilespmem:s0+$0x104B0]  }
0x262: {  	v52 =	vmul.f32 v52, v43;
	v43 =	vmul.f32 v53, v43;
	v53 =	vld [tilespmem:s0+$0x104E0]  }
0x263: {  	v30 =	vadd.f32 v50, v30;
	v33 =	vadd.f32 v51, v33;
	v50 =	vmul.f32 v54, v34;
	v51 =	vld [tilespmem:s0+$0x104F0]  }
0x264: {  	v32 =	vadd.f32 v52, v32;
	v31 =	vadd.f32 v43, v31;
	v34 =	vmul.f32 v55, v34;
	v43 =	vld [tilespmem:s0+$0x10520]  }
0x265: {  	v30 =	vadd.f32 v48, v30;
	v33 =	vadd.f32 v49, v33;
	v48 =	vmul.f32 v56, v29;
	v49 =	vld [tilespmem:s0+$0x10530]  }
0x266: {  	v32 =	vadd.f32 v50, v32;
	v31 =	vadd.f32 v34, v31;
	v29 =	vmul.f32 v57, v29;
	v34 =	vld [tilespmem:s0+$0x10560]  }
0x267: {  	v30 =	vadd.f32 v46, v30;
	v33 =	vadd.f32 v47, v33;
	v46 =	vmul.f32 v53, v28;
	v47 =	vld [tilespmem:s0+$0x10570]  }
0x268: {  	v32 =	vadd.f32 v48, v32;
	v29 =	vadd.f32 v29, v31;
	v28 =	vmul.f32 v51, v28;
	v31 =	vld [tilespmem:s0+$0x105A0]  }
0x269: {  	v30 =	vadd.f32 v44, v30;
	v33 =	vadd.f32 v45, v33;
	v43 =	vmul.f32 v43, v27;
	v44 =	vld [tilespmem:s0+$0x105B0]  }
0x26a: {  	v32 =	vadd.f32 v46, v32;
	v28 =	vadd.f32 v28, v29;
	v27 =	vmul.f32 v49, v27;
	v29 =	vld [tilespmem:s0+$0x105E0]  }
0x26b: {  	v30 =	vadd.f32 v41, v30;
	v33 =	vadd.f32 v40, v33;
	v34 =	vmul.f32 v34, v24;
	v40 =	vld [tilespmem:s0+$0x105F0]  }
0x26c: {  	v32 =	vadd.f32 v43, v32;
	v27 =	vadd.f32 v27, v28;
	v24 =	vmul.f32 v47, v24;
	v28 =	vld [tilespmem:s0+$0x10620]  }
0x26d: {  	v30 =	vadd.f32 v39, v30;
	v33 =	vadd.f32 v42, v33;
	v31 =	vmul.f32 v31, v21;
	v39 =	vld [tilespmem:s0+$0x10630]  }
0x26e: {  	v32 =	vadd.f32 v34, v32;
	v24 =	vadd.f32 v24, v27;
	v21 =	vmul.f32 v44, v21;
	v27 =	vld [tilespmem:s0+$0x10660]  }
0x26f: {  	v30 =	vadd.f32 v35, v30;
	v33 =	vadd.f32 v38, v33;
	v29 =	vmul.f32 v29, v18;
	v34 =	vld [tilespmem:s0+$0x10670]  }
0x270: {  	v31 =	vadd.f32 v31, v32;
	v21 =	vadd.f32 v21, v24;
	v18 =	vmul.f32 v40, v18;
	v24 =	vld [tilespmem:s0+$0x106A0]  }
0x271: {  	v30 =	vadd.f32 v36, v30;
	v32 =	vadd.f32 v37, v33;
	v28 =	vmul.f32 v28, v15;
	v33 =	vld [tilespmem:s0+$0x106B0]  }
0x272: {  	v29 =	vadd.f32 v29, v31;
	v18 =	vadd.f32 v18, v21;
	v15 =	vmul.f32 v39, v15;
	v21 =	vld [tilespmem:s0+$0x106E0]  }
0x273: {  	v26 =	vadd.f32 v26, v30;
	v25 =	vadd.f32 v25, v32;
	v27 =	vmul.f32 v27, v14;
	v30 =	vld [tilespmem:s0+$0x106F0]  }
0x274: {  	v28 =	vadd.f32 v28, v29;
	v15 =	vadd.f32 v15, v18;
	v14 =	vmul.f32 v34, v14;
	v18 =	vld [tilespmem:s0+$0x10720]  }
0x275: {  	v23 =	vadd.f32 v23, v26;
	v22 =	vadd.f32 v22, v25;
	v24 =	vmul.f32 v24, v11;
	v25 =	vld [tilespmem:s0+$0x10730]  }
0x276: {  	v26 =	vadd.f32 v27, v28;
	v14 =	vadd.f32 v14, v15;
	v11 =	vmul.f32 v33, v11;
	v15 =	vld [tilespmem:s0+$0x10760]  }
0x277: {  	v20 =	vadd.f32 v20, v23;
	v19 =	vadd.f32 v19, v22;
	v21 =	vmul.f32 v21, v8;
	v22 =	vld [tilespmem:s0+$0x10770]  }
0x278: {  	v23 =	vadd.f32 v24, v26;
	v11 =	vadd.f32 v11, v14;
	v8 =	vmul.f32 v30, v8;
	v14 =	vld [tilespmem:s0+$0x107A0]  }
0x279: {  	v17 =	vadd.f32 v17, v20;
	v16 =	vadd.f32 v16, v19;
	v18 =	vmul.f32 v18, v5;
	v19 =	vld [tilespmem:s0+$0x107B0]  }
0x27a: {  	v20 =	vadd.f32 v21, v23;
	v8 =	vadd.f32 v8, v11;
	v5 =	vmul.f32 v25, v5;
	v11 =	vld [tilespmem:s0+$0x107E0]  }
0x27b: {  	v13 =	vadd.f32 v13, v17;
	v12 =	vadd.f32 v12, v16;
	v15 =	vmul.f32 v15, v2;
	v16 =	vld [tilespmem:s0+$0x107F0];
	s0 =	sshra.s32 s10, $0x2  }
0x27c: {  	v18 =	vadd.f32 v18, v20;
	v17 =	vld [tilespmem:s0+$0x107C0];
	v5 =	vadd.f32 v5, v8;
	v2 =	vmul.f32 v22, v2  }
0x27d: {  	v8 =	vadd.f32 v10, v13;
	v9 =	vadd.f32 v9, v12;
	v20 =	vld [tilespmem:s0+$0x107D0];
	v10 =	vmul.f32 v14, v1  }
0x27e: {  	v13 =	vadd.f32 v15, v18;
	v12 =	vld [tilespmem:s0+$0x10780];
	v2 =	vadd.f32 v2, v5;
	v1 =	vmul.f32 v19, v1  }
0x27f: {  	v5 =	vadd.f32 v6, v8;
	v6 =	vadd.f32 v7, v9;
	v19 =	vld [tilespmem:s0+$0x10790];
	v7 =	vmul.f32 v11, v0  }
0x280: {  	v8 =	vadd.f32 v10, v13;
	v9 =	vld [tilespmem:s0+$0x10740];
	v1 =	vadd.f32 v1, v2;
	v0 =	vmul.f32 v16, v0  }
0x281: {  	v30 =	vadd.f32 v4, v5;
	v33 =	vadd.f32 v3, v6;
	v13 =	vld [tilespmem:s0+$0x10750]  }
0x282: {  	v32 =	vadd.f32 v7, v8;
	v16 =	vld [tilespmem:s0+$0x10700];
	v31 =	vadd.f32 v0, v1  }
0x283: {  	v22 =	vld [tilespmem:s0+$0x10710]  }
0x284: {  	s9 =	sadd.s32 $0x10, s9;
	v23 =	vld [tilespmem:s0+$0x106C0]  }
0x285: {  	s11 =	sadd.s32 $0x10, s11;
	v0 =	vld [tilespmem:s9+$0x0]  }
0x286: {  	v1 =	vld [tilespmem:s11+$0x0]  }
0x287: {  	v25 =	vld [tilespmem:s0+$0x106D0]  }
0x288: {  	v26 =	vld [tilespmem:s0+$0x10680]  }
0x289: {  	v48 =	vld [tilespmem:s0+$0x10690]  }
0x28a: {  	vm0 =	veq.s32 v0, $0x0;
	v49 =	vld [tilespmem:s0+$0x10640]  }
0x28b: {  	v3 =	vsel vm0, $0x0, v1;
	v50 =	vld [tilespmem:s0+$0x10650]  }
0x28c: {  	v51 =	vld [tilespmem:s0+$0x10600];
	v1 =	vbroadcast v3, $0xE;
	v0 =	vbroadcast v3, $0xF  }
0x28d: {  	v5 =	vbroadcast v3, $0xC;
	v2 =	vbroadcast v3, $0xD;
	v52 =	vld [tilespmem:s0+$0x10610]  }
0x28e: {  	v11 =	vbroadcast v3, $0xA;
	v8 =	vbroadcast v3, $0xB;
	v36 =	vld [tilespmem:s0+$0x105C0]  }
0x28f: {  	v15 =	vbroadcast v3, $0x8;
	v14 =	vbroadcast v3, $0x9;
	v37 =	vld [tilespmem:s0+$0x105D0]  }
0x290: {  	v21 =	vbroadcast v3, $0x6;
	v18 =	vbroadcast v3, $0x7;
	v35 =	vld [tilespmem:s0+$0x10580]  }
0x291: {  	v27 =	vbroadcast v3, $0x4;
	v24 =	vbroadcast v3, $0x5;
	v38 =	vld [tilespmem:s0+$0x10590]  }
0x292: {  	v29 =	vbroadcast v3, $0x2;
	v28 =	vbroadcast v3, $0x3;
	v39 =	vld [tilespmem:s0+$0x10540]  }
0x293: {  	v43 =	vbroadcast v3, $0x0;
	v34 =	vbroadcast v3, $0x1;
	v42 =	vld [tilespmem:s0+$0x10550]  }
0x294: {  	v4 =	vmul.f32 v17, v0;
	v3 =	vmul.f32 v20, v0;
	v41 =	vld [tilespmem:s0+$0x10500]  }
0x295: {  	v6 =	vmul.f32 v12, v1;
	v7 =	vmul.f32 v19, v1;
	v40 =	vld [tilespmem:s0+$0x10510]  }
0x296: {  	v10 =	vmul.f32 v9, v2;
	v9 =	vmul.f32 v13, v2;
	v44 =	vld [tilespmem:s0+$0x104C0]  }
.Ltmp3:
0x297: {  	v13 =	vmul.f32 v16, v5;
	v12 =	vmul.f32 v22, v5;
	v45 =	vld [tilespmem:s0+$0x104D0];
	(pc) =	sbr.rel @p0 .LBB2_9-.Ltmp3, $4  }
0x298: {  	v17 =	vmul.f32 v23, v8;
	v16 =	vmul.f32 v25, v8;
	v46 =	vld [tilespmem:s0+$0x10480]  }
0x299: {  	v20 =	vmul.f32 v26, v11;
	v19 =	vmul.f32 v48, v11;
	v47 =	vld [tilespmem:s0+$0x10490]  }
0x29a: {  	v23 =	vmul.f32 v49, v14;
	v22 =	vmul.f32 v50, v14;
	v48 =	vld [tilespmem:s0+$0x10440]  }
0x29b: {  	s10 =	sadd.s32 $0x1000, s10;
	v26 =	vmul.f32 v51, v15;
	v25 =	vmul.f32 v52, v15;
	v49 =	vld [tilespmem:s0+$0x10450]  }
0x29c: {  	v50 =	vld [tilespmem:s0+$0x10400]  }
0x29d: {  	v51 =	vld [tilespmem:s0+$0x10410]  }
0x29e: {  	v52 =	vld [tilespmem:s0+$0x10420]  }
0x29f: {  	v53 =	vld [tilespmem:s0+$0x10430]  }
0x2a0: {  	v54 =	vld [tilespmem:s0+$0x10460]  }
0x2a1: {  	v55 =	vld [tilespmem:s0+$0x10470]  }
0x2a2: {  	v56 =	vld [tilespmem:s0+$0x104A0]  }
0x2a3: {  	v57 =	vld [tilespmem:s0+$0x104B0]  }
0x2a4: {  	v58 =	vld [tilespmem:s0+$0x104E0]  }
0x2a5: {  	v59 =	vld [tilespmem:s0+$0x104F0]  }
0x2a6: {  	v60 =	vld [tilespmem:s0+$0x10520]  }
0x2a7: {  	v61 =	vld [tilespmem:s0+$0x10530];
	v48 =	vmul.f32 v48, v34;
	v49 =	vmul.f32 v49, v34  }
0x2a8: {  	v50 =	vmul.f32 v43, v50;
	v63 =	vmul.f32 v53, v43;
	v53 =	vld [tilespmem:s0+$0x10560]  }
0x2a9: {  	v51 =	vmul.f32 v43, v51;
	v52 =	vmul.f32 v52, v43;
	v43 =	vld [tilespmem:s0+$0x105A0]  }
0x2aa: {  	v54 =	vmul.f32 v54, v34;
	v55 =	vmul.f32 v55, v34;
	v34 =	vld [tilespmem:s0+$0x10670]  }
0x2ab: {  	v36 =	vmul.f32 v36, v18;
	v30 =	vadd.f32 v50, v30;
	v50 =	vld [tilespmem:s0+$0x10570]  }
0x2ac: {  	v37 =	vmul.f32 v37, v18;
	v35 =	vmul.f32 v35, v21;
	v33 =	vadd.f32 v51, v33;
	v51 =	vld [tilespmem:s0+$0x105F0]  }
0x2ad: {  	v38 =	vmul.f32 v38, v21;
	v39 =	vmul.f32 v39, v24;
	v32 =	vadd.f32 v52, v32;
	v52 =	vld [tilespmem:s0+$0x10620]  }
0x2ae: {  	v42 =	vmul.f32 v42, v24;
	v41 =	vmul.f32 v41, v27;
	v30 =	vadd.f32 v48, v30;
	v48 =	vld [tilespmem:s0+$0x105B0]  }
0x2af: {  	v46 =	vmul.f32 v46, v29;
	v31 =	vadd.f32 v63, v31;
	v33 =	vadd.f32 v49, v33;
	v49 =	vld [tilespmem:s0+$0x105E0]  }
0x2b0: {  	v44 =	vmul.f32 v44, v28;
	v47 =	vmul.f32 v47, v29;
	v32 =	vadd.f32 v54, v32;
	v54 =	vld [tilespmem:s0+$0x106E0]  }
0x2b1: {  	v57 =	vmul.f32 v57, v29;
	v31 =	vadd.f32 v55, v31;
	v30 =	vadd.f32 v46, v30;
	v46 =	vld [tilespmem:s0+$0x10630]  }
0x2b2: {  	v45 =	vmul.f32 v45, v28;
	v40 =	vmul.f32 v40, v27;
	v33 =	vadd.f32 v47, v33;
	v47 =	vld [tilespmem:s0+$0x10660]  }
0x2b3: {  	v56 =	vmul.f32 v56, v29;
	v59 =	vmul.f32 v59, v28;
	v29 =	vadd.f32 v57, v31;
	v31 =	vld [tilespmem:s0+$0x106A0]  }
0x2b4: {  	v58 =	vmul.f32 v58, v28;
	v60 =	vmul.f32 v60, v27;
	v30 =	vadd.f32 v44, v30;
	v44 =	vld [tilespmem:s0+$0x106B0]  }
0x2b5: {  	v62 =	vmul.f32 v61, v27;
	v32 =	vadd.f32 v56, v32;
	v28 =	vadd.f32 v59, v29;
	v29 =	vld [tilespmem:s0+$0x10730]  }
0x2b6: {  	v53 =	vmul.f32 v53, v24;
	v57 =	vmul.f32 v43, v21;
	v33 =	vadd.f32 v45, v33;
	v45 =	vld [tilespmem:s1+$0x138C0]  }
0x2b7: {  	v55 =	vmul.f32 v50, v24;
	v32 =	vadd.f32 v58, v32;
	v58 =	vmul.f32 v48, v21;
	v48 =	vld [tilespmem:s1+$0xC0]  }
0x2b8: {  	v61 =	vmul.f32 v51, v18;
	v63 =	vadd.f32 v41, v30;
	v30 =	vld [tilespmem:s0+$0x106F0];
	v27 =	vadd.f32 v62, v28  }
0x2b9: {  	v33 =	vadd.f32 v40, v33;
	v32 =	vadd.f32 v60, v32;
	v41 =	vld [tilespmem:s0+$0x10720];
	v60 =	vmul.f32 v49, v18  }
0x2ba: {  	v40 =	vld [tilespmem:s0+$0x10760];
	v43 =	vmul.f32 v47, v14;
	v56 =	vadd.f32 v39, v63;
	v24 =	vadd.f32 v55, v27  }
0x2bb: {  	v28 =	vld [tilespmem:s0+$0x10770];
	v49 =	vmul.f32 v31, v11;
	v33 =	vadd.f32 v42, v33;
	v32 =	vadd.f32 v53, v32  }
0x2bc: {  	v27 =	vld [tilespmem:s0+$0x107B0];
	v63 =	vmul.f32 v52, v15;
	v39 =	vmul.f32 v46, v15;
	v21 =	vadd.f32 v58, v24  }
0x2bd: {  	v46 =	vmul.f32 v34, v14;
	v53 =	vld [tilespmem:$0x13410];
	v55 =	vmul.f32 v54, v8;
	v59 =	vadd.f32 v35, v56  }
0x2be: {  	v51 =	vmul.f32 v44, v11;
	v44 =	vld [tilespmem:$0x134A0];
	v33 =	vadd.f32 v38, v33;
	v18 =	vadd.f32 v61, v21  }
0x2bf: {  	v32 =	vadd.f32 v57, v32;
	v38 =	vld [tilespmem:s0+$0x107A0];
	vm0 =	veq.s32 v48, $0x0;
	v62 =	vadd.f32 v36, v59  }
0x2c0: {  	v24 =	vld [tilespmem:s0+$0x107F0];
	v58 =	vmul.f32 v30, v8;
	v33 =	vadd.f32 v37, v33;
	v15 =	vadd.f32 v39, v18  }
0x2c1: {  	v35 =	vld [tilespmem:s0+$0x107E0];
	v30 =	vmul.f32 v40, v2;
	v32 =	vadd.f32 v60, v32;
	v42 =	vadd.f32 v26, v62  }
0x2c2: {  	v57 =	vld [tilespmem:$0x13420];
	v34 =	vmul.f32 v28, v2;
	v25 =	vadd.f32 v25, v33;
	v14 =	vadd.f32 v46, v15  }
0x2c3: {  	v60 =	vld [tilespmem:$0x13430];
	v61 =	vmul.f32 v41, v5;
	v32 =	vadd.f32 v63, v32;
	v47 =	vadd.f32 v23, v42  }
0x2c4: {  	v37 =	vld [tilespmem:$0x13470];
	v39 =	vmul.f32 v38, v1;
	v22 =	vadd.f32 v22, v25;
	v11 =	vadd.f32 v51, v14  }
0x2c5: {  	v41 =	vld [tilespmem:$0x13480];
	v48 =	vmul.f32 v24, v0;
	v50 =	vadd.f32 v43, v32;
	v52 =	vadd.f32 v20, v47  }
0x2c6: {  	v26 =	vld [tilespmem:$0x13400];
	v19 =	vadd.f32 v19, v22;
	v22 =	vmul.f32 v29, v5;
	v8 =	vadd.f32 v58, v11  }
0x2c7: {  	v63 =	vld [tilespmem:$0x13440];
	v42 =	vmul.f32 v27, v1;
	v56 =	vadd.f32 v49, v50;
	v59 =	vadd.f32 v17, v52  }
0x2c8: {  	v32 =	vld [tilespmem:$0x13460];
	v16 =	vadd.f32 v16, v19;
	v5 =	vadd.f32 v22, v8;
	v8 =	vsel vm0, $0x0, v45  }
0x2c9: {  	v29 =	vld [tilespmem:$0x13450];
	v62 =	vadd.f32 v55, v56;
	v45 =	vmul.f32 v35, v0;
	v46 =	vbroadcast v8, $0x0  }
0x2ca: {  	v43 =	vld [tilespmem:$0x13490];
	v25 =	vadd.f32 v13, v59;
	v55 =	vbroadcast v8, $0x1;
	v20 =	vbroadcast v8, $0x2  }
0x2cb: {  	v47 =	vld [tilespmem:$0x134B0];
	v12 =	vadd.f32 v12, v16;
	v28 =	vbroadcast v8, $0x3;
	v35 =	vbroadcast v8, $0x4  }
0x2cc: {  	v56 =	vld [tilespmem:$0x134E0];
	v31 =	vadd.f32 v61, v62;
	v51 =	vmul.f32 v46, v26;
	v52 =	vmul.f32 v46, v53  }
0x2cd: {  	v23 =	vld [tilespmem:$0x13510];
	v36 =	vadd.f32 v10, v25;
	v54 =	vmul.f32 v57, v46;
	v58 =	vmul.f32 v60, v46  }
0x2ce: {  	v27 =	vld [tilespmem:$0x13530];
	v9 =	vadd.f32 v9, v12;
	v61 =	vmul.f32 v63, v55;
	v63 =	vmul.f32 v29, v55  }
0x2cf: {  	v62 =	vld [tilespmem:$0x13500];
	v40 =	vadd.f32 v30, v31;
	v24 =	vmul.f32 v32, v55;
	v10 =	vmul.f32 v37, v55  }
0x2d0: {  	v50 =	vld [tilespmem:$0x134C0];
	v2 =	vadd.f32 v34, v5;
	v26 =	vmul.f32 v41, v20;
	v5 =	vmul.f32 v43, v20  }
0x2d1: {  	v59 =	vld [tilespmem:$0x134F0];
	v30 =	vmul.f32 v47, v20;
	v37 =	vmul.f32 v56, v28;
	v6 =	vadd.f32 v6, v36  }
0x2d2: {  	v43 =	vbroadcast v8, $0x5;
	v7 =	vadd.f32 v7, v9;
	v11 =	vadd.f32 v39, v40  }
0x2d3: {  	v25 =	vld [tilespmem:$0x13520];
	v1 =	vadd.f32 v42, v2;
	v9 =	vmul.f32 v44, v20;
	v40 =	vmul.f32 v23, v35  }
0x2d4: {  	v53 =	vld [tilespmem:$0x134D0];
	v39 =	vmul.f32 v62, v35;
	v49 =	vadd.f32 v4, v6;
	v3 =	vadd.f32 v3, v7  }
0x2d5: {  	v29 =	vld [tilespmem:$0x13540];
	v11 =	vadd.f32 v45, v11;
	v0 =	vadd.f32 v48, v1;
	v4 =	vmul.f32 v50, v28  }
0x2d6: {  	v31 =	vld [tilespmem:$0x13550];
	v6 =	vmul.f32 v59, v28;
	v45 =	vmul.f32 v27, v35;
	v57 =	vadd.f32 v51, v49  }
0x2d7: {  	v33 =	vld [tilespmem:$0x13560];
	v50 =	vbroadcast v8, $0x6;
	v8 =	vbroadcast v8, $0x7;
	v3 =	vadd.f32 v52, v3  }
0x2d8: {  	v38 =	vld [tilespmem:$0x13580];
	v42 =	vmul.f32 v25, v35;
	v60 =	vadd.f32 v54, v11;
	v1 =	vadd.f32 v61, v57  }
0x2d9: {  	v36 =	vld [tilespmem:$0x13570];
	v0 =	vadd.f32 v58, v0;
	v34 =	vmul.f32 v53, v28;
	v2 =	vadd.f32 v63, v3  }
0x2da: {  	v44 =	vld [tilespmem:$0x135A0];
	v47 =	vmul.f32 v29, v43;
	v7 =	vadd.f32 v24, v60;
	v1 =	vadd.f32 v26, v1  }
0x2db: {  	v41 =	vld [tilespmem:$0x13590];
	v49 =	vmul.f32 v31, v43;
	v0 =	vadd.f32 v10, v0;
	v2 =	vadd.f32 v5, v2  }
0x2dc: {  	v46 =	vld [tilespmem:$0x135B0];
	v52 =	vmul.f32 v33, v43;
	v32 =	vadd.f32 v9, v7;
	v1 =	vadd.f32 v4, v1  }
0x2dd: {  	v48 =	vld [tilespmem:$0x135C0];
	v55 =	vmul.f32 v38, v50;
	v0 =	vadd.f32 v30, v0;
	v2 =	vadd.f32 v34, v2  }
0x2de: {  	v51 =	vld [tilespmem:$0x135D0];
	v53 =	vmul.f32 v36, v43;
	v4 =	vadd.f32 v37, v32;
	v1 =	vadd.f32 v39, v1  }
0x2df: {  	v54 =	vld [tilespmem:$0x135E0];
	v58 =	vmul.f32 v44, v50;
	v0 =	vadd.f32 v6, v0;
	v2 =	vadd.f32 v40, v2  }
0x2e0: {  	v56 =	vld [tilespmem:$0x135F0];
	v57 =	vmul.f32 v41, v50;
	v4 =	vadd.f32 v42, v4;
	v1 =	vadd.f32 v47, v1  }
0x2e1: {  	v60 =	vmul.f32 v46, v50;
	v0 =	vadd.f32 v45, v0;
	v2 =	vadd.f32 v49, v2  }
0x2e2: {  	v59 =	vmul.f32 v48, v8;
	v4 =	vadd.f32 v52, v4;
	v1 =	vadd.f32 v55, v1  }
0x2e3: {  	s30 =	sadd.s32 $0x1, s30;
	v61 =	vmul.f32 v51, v8;
	v0 =	vadd.f32 v53, v0;
	v2 =	vadd.f32 v57, v2  }
0x2e4: {  	s31 =	sshll.u32 s31, $0x6;
	p0 =	sne.s32 s30, $0x20;
	v62 =	vmul.f32 v54, v8;
	v3 =	vadd.f32 v58, v4;
	v1 =	vadd.f32 v59, v1  }
.Ltmp4:
0x2e5: {  	s0 =	sand.u32 $0x3FFFFFC0, s31;
	v63 =	vmul.f32 v56, v8;
	v0 =	vadd.f32 v60, v0;
	v2 =	vadd.f32 v61, v2;
	(pc) =	sbr.rel @p0 .LBB2_2-.Ltmp4, $4  }
0x2e6: {  	v3 =	vadd.f32 v62, v3;
	[tilespmem:s0+$0x1A000] =	vst v1  }
0x2e7: {  	s21 =	sadd.s32 $0x340, s21;
	s29 =	sadd.s32 $0x340, s29;
	v0 =	vadd.f32 v63, v0;
	[tilespmem:s0+$0x1A010] =	vst v2  }
0x2e8: {  	s23 =	sadd.s32 $0x340, s23;
	s28 =	sadd.s32 $0x340, s28;
	s4 =	sadd.s32 $0x340, s4;
	[tilespmem:s0+$0x1A020] =	vst v3  }
0x2e9: {  	s22 =	sadd.s32 $0x340, s22;
	s25 =	sadd.s32 $0x340, s25;
	s26 =	sadd.s32 $0x340, s26;
	[tilespmem:s0+$0x1A030] =	vst v0  }
0x2ea: {  	s20 =	sadd.s32 $0x1, s20  }
0x2eb: {  	p0 =	sne.s32 s20, s7  }
.Ltmp5:
0x2ec: {  	s0 =	simm.s32 $0x1A000;
	(pc) =	sbr.rel @p0 .LBB2_1-.Ltmp5, $4  }
0x2ed: {  	[hbm4b:s6+s2] =	stream.linear.scatter [tilespmem:s0], [sflag:$0x6], $0x2000, $0x38;
	[tilespmem:$0x1C000] =	vst v63  }
0x2ee: {  	_ =	swait.ge [sflag:s8], $0x2000  }
0x2ef: {  	[sflag:s8] =	ssyncset.done $0x0  }
0x2f0: {  	[sflag:s8] =	ssyncadd.s32 $0xFFFFE000  }
0x2f1: {  	_ =	sfence.sel $0x180000  }
0x2f2: {  	[bflag:$0x0] =	sbarrier.arrive $0xFFFF  }
0x2f3: {  	_ =	strace $0x90000047  }
0x2f4: {  	s0 =	stileid.u32;
	[bflag:$0x2] =	sbarrier.arrive $0xFFFF  }
0x2f5: {  	p0 =	sne.s32 s0, $0x0;
	s0 =	rddreg [dreg:$0x2]  }
0x2f6: {  	s0 =	sadd.s32 @!p0 $0x100000, s0  }
0x2f7: {  	[sflag:s0] =	ssyncadd.tile.s32 @!p0 $0x1;
	_ =	shalt  }
.Lfunc_end2:
_tile_overlayer_lowered:
.L_overlay_start_2:
0x2f8: {  	(tag) =	ssettag $0x2  }
0x2f9: {  	s0 =	rddreg [dreg:$0x0];
	s2 =	stileid.u32  }
0x2fa: {  	s1 =	rddreg [dreg:$0x1];
	p0 =	sne.s32 s2, $0x0  }
0x2fb: {  	s3 =	rddreg [dreg:$0x2];
	[bflag:$0x3] =	sbarrier.arrive $0xFFFF;
	s2 =	simm.s32 @!p0 $0x1C06  }
0x2fc: {  	[timem:s3], [sflag:s2] =	dma.local @!p0 [hbm:s0], s1  }
0x2fd: {  	s0 =	simm.s32 @!p0 $0x6  }
0x2fe: {  	_ =	swait.ge @!p0 [sflag:s0], s1  }
0x2ff: {  	s1 =	ssub.s32 @!p0 $0x0, s1;
	[sflag:s0] =	ssyncset.done @!p0 $0x0  }
0x300: {  	[sflag:s0] =	ssyncadd.s32 @!p0 s1  }
0x301: {  	[bflag:$0x3] =	sbarrier.arrive $0xFFFF  }
0x302: {  	_ =	shalt  }

</sc_bundles>
